<compile_context>
chip_gen: v7x
topology: tpu7x:2x2x1
jax: 0.10.2.dev20260603
libtpu: 0.0.44.dev20260713+nightly
codegen_flags: <defaults>
</compile_context>

<pallas_src>
import functools

import jax
import jax.numpy as jnp
from jax.experimental import pallas as pl
from jax.experimental.pallas import tpu as pltpu
from jax.experimental.pallas import tpu_sc as plsc

B, S, H = 2, 8192, 768
E = 8
A = 3
K = 2
INV_S = 1.0 / S

R_SC = 4096
R_TC = S - R_SC
QS = 1024
NQ = R_TC // QS

SB = 512
NC = S // SB

NSC_CORES = 2
NSC_SUB = 16
NW = NSC_CORES * NSC_SUB
ROWS_W = (B * R_SC) // NW
CH_ROWS = 32
NCH = ROWS_W // CH_ROWS
CHW = CH_ROWS * H
NSL = H // 16


def _sc_mean_kernel(q_hbm, out_hbm, buf0, buf1, accv, sem0, sem1):
    cid = jax.lax.axis_index("c")
    sid = jax.lax.axis_index("s")
    wid = sid * NSC_CORES + cid
    b = wid // NSC_SUB
    wi = wid % NSC_SUB
    row0 = S - R_SC + wi * ROWS_W

    bufs = (buf0, buf1)
    sems = (sem0, sem1)
    handles = [None] * NCH
    handles[0] = pltpu.async_copy(
        q_hbm.at[b, pl.ds(row0, CH_ROWS), :], buf0, sem0)

    acc = tuple(jnp.zeros((16,), jnp.float32) for _ in range(NSL))
    for g in range(NCH):
        if g + 1 < NCH:
            handles[g + 1] = pltpu.async_copy(
                q_hbm.at[b, pl.ds(row0 + (g + 1) * CH_ROWS, CH_ROWS), :],
                bufs[(g + 1) % 2], sems[(g + 1) % 2])
        handles[g].wait()
        buf = bufs[g % 2]

        def body(r, carry):
            return tuple(carry[c] + buf[r, pl.ds(c * 16, 16)]
                         for c in range(NSL))

        acc = jax.lax.fori_loop(0, CH_ROWS, body, acc)

    for c in range(NSL):
        accv[pl.ds(c * 16, 16)] = acc[c]
    pltpu.sync_copy(accv, out_hbm.at[b, wi, :])


_sc_mean = functools.partial(
    pl.kernel,
    _sc_mean_kernel,
    out_type=jax.ShapeDtypeStruct((B, NSC_SUB, H), jnp.float32),
    mesh=plsc.VectorSubcoreMesh(core_axis_name="c", subcore_axis_name="s"),
    scratch_types=[
        pltpu.VMEM((CH_ROWS, H), jnp.float32),
        pltpu.VMEM((CH_ROWS, H), jnp.float32),
        pltpu.VMEM((H,), jnp.float32),
        pltpu.SemaphoreType.DMA,
        pltpu.SemaphoreType.DMA,
    ],
)


def _tc_mean_kernel(q_ref, part_ref, acc_ref):
    i = pl.program_id(0)

    @pl.when(i == 0)
    def _init():
        acc_ref[...] = jnp.zeros_like(acc_ref)

    acc_ref[...] += jnp.sum(q_ref[...], axis=1)

    @pl.when(i == NQ - 1)
    def _emit():
        part_ref[...] = acc_ref[...]


def _combine_kernel(tcp_ref, scp_ref, w1_ref, b1_ref, w2_ref, b2_ref, ew_ref,
                    a0_ref, a1_ref, a2_ref,
                    out_ref, probs_ref, tki_ref, coef_ref):
    i = pl.program_id(0)

    @pl.when(i == 0)
    def _route():
        total = tcp_ref[...] + jnp.sum(scp_ref[...], axis=1)
        pooled = total * INV_S
        h = jnp.dot(pooled, w1_ref[...],
                    preferred_element_type=jnp.float32) + b1_ref[...]
        h = jnp.maximum(h, 0.0)
        logits = jnp.dot(h, w2_ref[...],
                         preferred_element_type=jnp.float32) + b2_ref[...]
        m = jnp.max(logits, axis=-1, keepdims=True)
        ex = jnp.exp(logits - m)
        probs = ex / jnp.sum(ex, axis=-1, keepdims=True)
        probs_ref[...] = probs

        lane = jax.lax.broadcasted_iota(jnp.int32, (B, E), 1)
        v0 = jnp.max(probs, axis=-1, keepdims=True)
        i0 = jnp.min(jnp.where(probs == v0, lane, E), axis=-1, keepdims=True)
        masked = jnp.where(lane == i0, -1.0, probs)
        v1 = jnp.max(masked, axis=-1, keepdims=True)
        i1 = jnp.min(jnp.where(masked == v1, lane, E), axis=-1, keepdims=True)

        col2 = jax.lax.broadcasted_iota(jnp.int32, (B, K), 1)
        tki_ref[...] = jnp.where(col2 == 0, i0, i1).astype(jnp.int32)

        tot = v0 + v1
        p0 = v0 / tot
        p1 = v1 / tot
        oh0 = (lane == i0).astype(jnp.float32)
        oh1 = (lane == i1).astype(jnp.float32)
        ew = ew_ref[...]
        sel0 = jnp.dot(oh0, ew, preferred_element_type=jnp.float32)
        sel1 = jnp.dot(oh1, ew, preferred_element_type=jnp.float32)

        m0 = jnp.max(sel0, axis=-1, keepdims=True)
        e0 = jnp.exp(sel0 - m0)
        sm0 = e0 / jnp.sum(e0, axis=-1, keepdims=True)
        m1 = jnp.max(sel1, axis=-1, keepdims=True)
        e1 = jnp.exp(sel1 - m1)
        sm1 = e1 / jnp.sum(e1, axis=-1, keepdims=True)

        coef_ref[...] = p0 * sm0 + p1 * sm1

    c = coef_ref[...]
    c0 = c[:, 0:1].reshape(B, 1, 1)
    c1 = c[:, 1:2].reshape(B, 1, 1)
    c2 = c[:, 2:3].reshape(B, 1, 1)
    out_ref[...] = c0 * a0_ref[...] + c1 * a1_ref[...] + c2 * a2_ref[...]


def kernel(query, adapter_output_0, adapter_output_1, adapter_output_2,
           W1, b1, W2, b2, expert_weights):
    b1_2d = b1.reshape(1, H // 2)
    b2_2d = b2.reshape(1, E)

    sc_part3 = _sc_mean()(query)

    tc_part = pl.pallas_call(
        _tc_mean_kernel,
        grid=(NQ,),
        in_specs=[pl.BlockSpec((B, QS, H), lambda i: (0, i, 0))],
        out_specs=pl.BlockSpec((B, H), lambda i: (0, 0)),
        out_shape=jax.ShapeDtypeStruct((B, H), jnp.float32),
        scratch_shapes=[pltpu.VMEM((B, H), jnp.float32)],
    )(query)

    out, probs, tki = pl.pallas_call(
        _combine_kernel,
        grid=(NC,),
        in_specs=[
            pl.BlockSpec((B, H), lambda i: (0, 0)),
            pl.BlockSpec((B, NSC_SUB, H), lambda i: (0, 0, 0)),
            pl.BlockSpec((H, H // 2), lambda i: (0, 0)),
            pl.BlockSpec((1, H // 2), lambda i: (0, 0)),
            pl.BlockSpec((H // 2, E), lambda i: (0, 0)),
            pl.BlockSpec((1, E), lambda i: (0, 0)),
            pl.BlockSpec((E, A), lambda i: (0, 0)),
            pl.BlockSpec((B, SB, H), lambda i: (0, i, 0)),
            pl.BlockSpec((B, SB, H), lambda i: (0, i, 0)),
            pl.BlockSpec((B, SB, H), lambda i: (0, i, 0)),
        ],
        out_specs=[
            pl.BlockSpec((B, SB, H), lambda i: (0, i, 0)),
            pl.BlockSpec((B, E), lambda i: (0, 0)),
            pl.BlockSpec((B, K), lambda i: (0, 0)),
        ],
        out_shape=[
            jax.ShapeDtypeStruct((B, S, H), jnp.float32),
            jax.ShapeDtypeStruct((B, E), jnp.float32),
            jax.ShapeDtypeStruct((B, K), jnp.int32),
        ],
        scratch_shapes=[pltpu.VMEM((B, A), jnp.float32)],
    )(tc_part, jnp.zeros((B, NSC_SUB, H), jnp.float32), W1, b1_2d, W2, b2_2d, expert_weights,
      adapter_output_0, adapter_output_1, adapter_output_2)

    return (out, probs, tki, sc_part3)

# --- scband reference (transcript-rebuilt; emitter-appended) ---
"""Pipeline reference for scband-mixture-of-experts-fusion-57097295233293 (READ-ONLY COPY).

The authoritative reference and input builder live on the scoring server;
editing this copy changes nothing except your own understanding.
"""

import jax, jax.numpy as jnp
import numpy as np

B, S, H = 2, 8192, 768
NUM_EXPERTS = 8
NUM_ADAPTERS = 3

def setup_inputs(seed: int = 0) -> dict:
    key = jax.random.key(seed)
    ks = jax.random.split(key, 10)
    query = jax.random.normal(ks[0], (B, S, H), dtype=jnp.float32)
    a0 = jax.random.normal(ks[1], (B, S, H), dtype=jnp.float32)
    a1 = jax.random.normal(ks[2], (B, S, H), dtype=jnp.float32)
    a2 = jax.random.normal(ks[3], (B, S, H), dtype=jnp.float32)
    # router: Linear(H, H//2) -> ReLU -> Linear(H//2, num_experts)
    W1 = jax.random.normal(ks[4], (H, H // 2), dtype=jnp.float32) * (1.0 / np.sqrt(H))
    b1 = jnp.zeros((H // 2,), dtype=jnp.float32)
    W2 = jax.random.normal(ks[5], (H // 2, NUM_EXPERTS), dtype=jnp.float32) * (1.0 / np.sqrt(H // 2))
    b2 = jnp.zeros((NUM_EXPERTS,), dtype=jnp.float32)
    # expert_weights: xavier_uniform on [num_experts, num_adapters]
    limit = np.sqrt(6.0 / (NUM_EXPERTS + NUM_ADAPTERS))
    expert_weights = jax.random.uniform(ks[6], (NUM_EXPERTS, NUM_ADAPTERS), dtype=jnp.float32, minval=-limit, maxval=limit)
    return {"query": query, "adapter_output_0": a0, "adapter_output_1": a1, "adapter_output_2": a2,
            "W1": W1, "b1": b1, "W2": W2, "b2": b2, "expert_weights": expert_weights}

def reference(query, adapter_output_0, adapter_output_1, adapter_output_2, W1, b1, W2, b2, expert_weights):
    adapter_outputs = [adapter_output_0, adapter_output_1, adapter_output_2]
    pooled = jnp.mean(query, axis=1)  # [B, H]
    h = jax.nn.relu(pooled @ W1 + b1)
    routing_logits = h @ W2 + b2  # [B, E]
    routing_probs = jax.nn.softmax(routing_logits, axis=-1)
    k = min(2, NUM_EXPERTS)
    top_k_probs, top_k_indices = jax.lax.top_k(routing_probs, k)
    top_k_probs = top_k_probs / jnp.sum(top_k_probs, axis=-1, keepdims=True)
    output = jnp.zeros_like(query)
    for i in range(k):
        expert_idx = top_k_indices[:, i]  # [B]
        expert_prob = top_k_probs[:, i:i + 1][:, None, :]  # [B,1,1]
        expert_adapter_weights = jax.nn.softmax(expert_weights[expert_idx], axis=-1)  # [B, num_adapters] (gather)
        expert_output = jnp.zeros_like(query)
        for j, adapter_output in enumerate(adapter_outputs):
            weight = expert_adapter_weights[:, j:j + 1][:, None, :]  # [B,1,1]
            expert_output = expert_output + weight * adapter_output
        output = output + expert_prob * expert_output
    return (output, routing_probs, top_k_indices)

if __name__ == "__main__":
    import jax
    _d = setup_inputs()
    print(jax.jit(kernel)(*tuple(_d.values())))

</pallas_src>

<mosaic_0001>
#map = affine_map<(d0, d1) -> (0, 0, 0)>
module attributes {stable_mosaic.version = 14 : i64} {
  func.func @_sc_mean_kernel(%arg0: i32, %arg1: i32, %arg2: memref<2x8192x768xf32, #tpu.memory_space<hbm>>, %arg3: memref<2x16x768xf32, #tpu.memory_space<hbm>>, %arg4: memref<32x768xf32, #tpu.memory_space<vmem>>, %arg5: memref<32x768xf32, #tpu.memory_space<vmem>>, %arg6: memref<768xf32, #tpu.memory_space<vmem>>, %arg7: memref<!tpu.dma_semaphore, #tpu.memory_space<semaphore_mem>>, %arg8: memref<!tpu.dma_semaphore, #tpu.memory_space<semaphore_mem>>) attributes {dimension_semantics = [#tpu.dimension_semantics<core_parallel>, #tpu.dimension_semantics<subcore_parallel>], iteration_bounds = array<i64: 2, 16>, scalar_prefetch = 0 : i64, scratch_operands = 5 : i64, tpu.core_type = #tpu.core_type<sc_vector_subcore>, window_params = [{transform_indices = #map}, {transform_indices = #map}]} {
    %mul3A = arith.constant 2 : i32
    %mul3A_0 = arith.muli %arg1, %mul3A : i32
    %add3A = arith.addi %mul3A_0, %arg0 : i32
    %jit3A = arith.constant 16 : i32
    %div3A = arith.divsi %add3A, %jit3A : i32
    %sign3A = arith.constant 0 : i32
    %sign3A_1 = arith.cmpi sgt, %add3A, %sign3A : i32
    %sign3A_2 = arith.extui %sign3A_1 : i1 to i32
    %sign3A_3 = arith.constant 0 : i32
    %sign3A_4 = arith.cmpi slt, %add3A, %sign3A_3 : i32
    %sign3A_5 = arith.extui %sign3A_4 : i1 to i32
    %sign3A_6 = arith.subi %sign3A_2, %sign3A_5 : i32
    %sign3A_7 = arith.constant 0 : i32
    %sign3A_8 = arith.cmpi sgt, %jit3A, %sign3A_7 : i32
    %sign3A_9 = arith.extui %sign3A_8 : i1 to i32
    %sign3A_10 = arith.constant 0 : i32
    %sign3A_11 = arith.cmpi slt, %jit3A, %sign3A_10 : i32
    %sign3A_12 = arith.extui %sign3A_11 : i1 to i32
    %sign3A_13 = arith.subi %sign3A_9, %sign3A_12 : i32
    %ne3A = arith.cmpi ne, %sign3A_6, %sign3A_13 : i32
    %rem3A = arith.remsi %add3A, %jit3A : i32
    %ne3A_14 = arith.constant 0 : i32
    %ne3A_15 = arith.cmpi ne, %rem3A, %ne3A_14 : i32
    %and3A = arith.andi %ne3A, %ne3A_15 : i1
    %sub3A = arith.constant 1 : i32
    %sub3A_16 = arith.subi %div3A, %sub3A : i32
    %select_n3A = arith.select %and3A, %sub3A_16, %div3A : i32
    %jit3A_17 = arith.constant 16 : i32
    %eq3A = arith.constant 0 : i32
    %eq3A_18 = arith.cmpi eq, %jit3A_17, %eq3A : i32
    %jit3A_19 = arith.constant 1 : i32
    %select_n3A_20 = arith.select %eq3A_18, %jit3A_19, %jit3A_17 : i32
    %rem3A_21 = arith.remsi %add3A, %select_n3A_20 : i32
    %ne3A_22 = arith.constant 0 : i32
    %ne3A_23 = arith.cmpi ne, %rem3A_21, %ne3A_22 : i32
    %lt3A = arith.constant 0 : i32
    %lt3A_24 = arith.cmpi slt, %rem3A_21, %lt3A : i32
    %lt3A_25 = arith.constant 0 : i32
    %lt3A_26 = arith.cmpi slt, %select_n3A_20, %lt3A_25 : i32
    %ne3A_27 = arith.xori %lt3A_24, %lt3A_26 : i1
    %and3A_28 = arith.andi %ne3A_27, %ne3A_23 : i1
    %add3A_29 = arith.addi %rem3A_21, %select_n3A_20 : i32
    %select_n3A_30 = arith.select %and3A_28, %add3A_29, %rem3A_21 : i32
    %mul3A_31 = arith.constant 256 : i32
    %mul3A_32 = arith.muli %select_n3A_30, %mul3A_31 : i32
    %add3A_33 = arith.constant 4096 : i32
    %add3A_34 = arith.addi %add3A_33, %mul3A_32 : i32
    %dma_start3A = arith.constant 0 : i32
    %dma_start3A_35 = tpu.memref_slice %arg2[%select_n3A, %add3A_34, %dma_start3A] : memref<2x8192x768xf32, #tpu.memory_space<hbm>> -> memref<1x32x768xf32, #tpu.memory_space<hbm>>
    %dma_start3A_36 = tpu.memref_squeeze %dma_start3A_35 : memref<1x32x768xf32, #tpu.memory_space<hbm>> -> memref<32x768xf32, #tpu.memory_space<hbm>>
    %dma_start3A_37 = arith.constant 0 : i32
    %dma_start3A_38 = tpu.memref_slice %arg2[%select_n3A, %add3A_34, %dma_start3A_37] : memref<2x8192x768xf32, #tpu.memory_space<hbm>> -> memref<1x32x768xf32, #tpu.memory_space<hbm>>
    %dma_start3A_39 = tpu.memref_squeeze %dma_start3A_38 : memref<1x32x768xf32, #tpu.memory_space<hbm>> -> memref<32x768xf32, #tpu.memory_space<hbm>>
    tpu.enqueue_dma source(%dma_start3A_39 : memref<32x768xf32, #tpu.memory_space<hbm>>) target(%arg4 : memref<32x768xf32, #tpu.memory_space<vmem>>) target_semaphore(%arg7 : memref<!tpu.dma_semaphore, #tpu.memory_space<semaphore_mem>>)
    %broadcast_in_dim3A = arith.constant 0.000000e+00 : f32
    %broadcast_in_dim3A_40 = vector.broadcast %broadcast_in_dim3A : f32 to vector<16xf32>
    %broadcast_in_dim3A_41 = arith.constant 0.000000e+00 : f32
    %broadcast_in_dim3A_42 = vector.broadcast %broadcast_in_dim3A_41 : f32 to vector<16xf32>
    %broadcast_in_dim3A_43 = arith.constant 0.000000e+00 : f32
    %broadcast_in_dim3A_44 = vector.broadcast %broadcast_in_dim3A_43 : f32 to vector<16xf32>
    %broadcast_in_dim3A_45 = arith.constant 0.000000e+00 : f32
    %broadcast_in_dim3A_46 = vector.broadcast %broadcast_in_dim3A_45 : f32 to vector<16xf32>
    %broadcast_in_dim3A_47 = arith.constant 0.000000e+00 : f32
    %broadcast_in_dim3A_48 = vector.broadcast %broadcast_in_dim3A_47 : f32 to vector<16xf32>
    %broadcast_in_dim3A_49 = arith.constant 0.000000e+00 : f32
    %broadcast_in_dim3A_50 = vector.broadcast %broadcast_in_dim3A_49 : f32 to vector<16xf32>
    %broadcast_in_dim3A_51 = arith.constant 0.000000e+00 : f32
    %broadcast_in_dim3A_52 = vector.broadcast %broadcast_in_dim3A_51 : f32 to vector<16xf32>
    %broadcast_in_dim3A_53 = arith.constant 0.000000e+00 : f32
    %broadcast_in_dim3A_54 = vector.broadcast %broadcast_in_dim3A_53 : f32 to vector<16xf32>
    %broadcast_in_dim3A_55 = arith.constant 0.000000e+00 : f32
    %broadcast_in_dim3A_56 = vector.broadcast %broadcast_in_dim3A_55 : f32 to vector<16xf32>
    %broadcast_in_dim3A_57 = arith.constant 0.000000e+00 : f32
    %broadcast_in_dim3A_58 = vector.broadcast %broadcast_in_dim3A_57 : f32 to vector<16xf32>
    %broadcast_in_dim3A_59 = arith.constant 0.000000e+00 : f32
    %broadcast_in_dim3A_60 = vector.broadcast %broadcast_in_dim3A_59 : f32 to vector<16xf32>
    %broadcast_in_dim3A_61 = arith.constant 0.000000e+00 : f32
    %broadcast_in_dim3A_62 = vector.broadcast %broadcast_in_dim3A_61 : f32 to vector<16xf32>
    %broadcast_in_dim3A_63 = arith.constant 0.000000e+00 : f32
    %broadcast_in_dim3A_64 = vector.broadcast %broadcast_in_dim3A_63 : f32 to vector<16xf32>
    %broadcast_in_dim3A_65 = arith.constant 0.000000e+00 : f32
    %broadcast_in_dim3A_66 = vector.broadcast %broadcast_in_dim3A_65 : f32 to vector<16xf32>
    %broadcast_in_dim3A_67 = arith.constant 0.000000e+00 : f32
    %broadcast_in_dim3A_68 = vector.broadcast %broadcast_in_dim3A_67 : f32 to vector<16xf32>
    %broadcast_in_dim3A_69 = arith.constant 0.000000e+00 : f32
    %broadcast_in_dim3A_70 = vector.broadcast %broadcast_in_dim3A_69 : f32 to vector<16xf32>
    %broadcast_in_dim3A_71 = arith.constant 0.000000e+00 : f32
    %broadcast_in_dim3A_72 = vector.broadcast %broadcast_in_dim3A_71 : f32 to vector<16xf32>
    %broadcast_in_dim3A_73 = arith.constant 0.000000e+00 : f32
    %broadcast_in_dim3A_74 = vector.broadcast %broadcast_in_dim3A_73 : f32 to vector<16xf32>
    %broadcast_in_dim3A_75 = arith.constant 0.000000e+00 : f32
    %broadcast_in_dim3A_76 = vector.broadcast %broadcast_in_dim3A_75 : f32 to vector<16xf32>
    %broadcast_in_dim3A_77 = arith.constant 0.000000e+00 : f32
    %broadcast_in_dim3A_78 = vector.broadcast %broadcast_in_dim3A_77 : f32 to vector<16xf32>
    %broadcast_in_dim3A_79 = arith.constant 0.000000e+00 : f32
    %broadcast_in_dim3A_80 = vector.broadcast %broadcast_in_dim3A_79 : f32 to vector<16xf32>
    %broadcast_in_dim3A_81 = arith.constant 0.000000e+00 : f32
    %broadcast_in_dim3A_82 = vector.broadcast %broadcast_in_dim3A_81 : f32 to vector<16xf32>
    %broadcast_in_dim3A_83 = arith.constant 0.000000e+00 : f32
    %broadcast_in_dim3A_84 = vector.broadcast %broadcast_in_dim3A_83 : f32 to vector<16xf32>
    %broadcast_in_dim3A_85 = arith.constant 0.000000e+00 : f32
    %broadcast_in_dim3A_86 = vector.broadcast %broadcast_in_dim3A_85 : f32 to vector<16xf32>
    %broadcast_in_dim3A_87 = arith.constant 0.000000e+00 : f32
    %broadcast_in_dim3A_88 = vector.broadcast %broadcast_in_dim3A_87 : f32 to vector<16xf32>
    %broadcast_in_dim3A_89 = arith.constant 0.000000e+00 : f32
    %broadcast_in_dim3A_90 = vector.broadcast %broadcast_in_dim3A_89 : f32 to vector<16xf32>
    %broadcast_in_dim3A_91 = arith.constant 0.000000e+00 : f32
    %broadcast_in_dim3A_92 = vector.broadcast %broadcast_in_dim3A_91 : f32 to vector<16xf32>
    %broadcast_in_dim3A_93 = arith.constant 0.000000e+00 : f32
    %broadcast_in_dim3A_94 = vector.broadcast %broadcast_in_dim3A_93 : f32 to vector<16xf32>
    %broadcast_in_dim3A_95 = arith.constant 0.000000e+00 : f32
    %broadcast_in_dim3A_96 = vector.broadcast %broadcast_in_dim3A_95 : f32 to vector<16xf32>
    %broadcast_in_dim3A_97 = arith.constant 0.000000e+00 : f32
    %broadcast_in_dim3A_98 = vector.broadcast %broadcast_in_dim3A_97 : f32 to vector<16xf32>
    %broadcast_in_dim3A_99 = arith.constant 0.000000e+00 : f32
    %broadcast_in_dim3A_100 = vector.broadcast %broadcast_in_dim3A_99 : f32 to vector<16xf32>
    %broadcast_in_dim3A_101 = arith.constant 0.000000e+00 : f32
    %broadcast_in_dim3A_102 = vector.broadcast %broadcast_in_dim3A_101 : f32 to vector<16xf32>
    %broadcast_in_dim3A_103 = arith.constant 0.000000e+00 : f32
    %broadcast_in_dim3A_104 = vector.broadcast %broadcast_in_dim3A_103 : f32 to vector<16xf32>
    %broadcast_in_dim3A_105 = arith.constant 0.000000e+00 : f32
    %broadcast_in_dim3A_106 = vector.broadcast %broadcast_in_dim3A_105 : f32 to vector<16xf32>
    %broadcast_in_dim3A_107 = arith.constant 0.000000e+00 : f32
    %broadcast_in_dim3A_108 = vector.broadcast %broadcast_in_dim3A_107 : f32 to vector<16xf32>
    %broadcast_in_dim3A_109 = arith.constant 0.000000e+00 : f32
    %broadcast_in_dim3A_110 = vector.broadcast %broadcast_in_dim3A_109 : f32 to vector<16xf32>
    %broadcast_in_dim3A_111 = arith.constant 0.000000e+00 : f32
    %broadcast_in_dim3A_112 = vector.broadcast %broadcast_in_dim3A_111 : f32 to vector<16xf32>
    %broadcast_in_dim3A_113 = arith.constant 0.000000e+00 : f32
    %broadcast_in_dim3A_114 = vector.broadcast %broadcast_in_dim3A_113 : f32 to vector<16xf32>
    %broadcast_in_dim3A_115 = arith.constant 0.000000e+00 : f32
    %broadcast_in_dim3A_116 = vector.broadcast %broadcast_in_dim3A_115 : f32 to vector<16xf32>
    %broadcast_in_dim3A_117 = arith.constant 0.000000e+00 : f32
    %broadcast_in_dim3A_118 = vector.broadcast %broadcast_in_dim3A_117 : f32 to vector<16xf32>
    %broadcast_in_dim3A_119 = arith.constant 0.000000e+00 : f32
    %broadcast_in_dim3A_120 = vector.broadcast %broadcast_in_dim3A_119 : f32 to vector<16xf32>
    %broadcast_in_dim3A_121 = arith.constant 0.000000e+00 : f32
    %broadcast_in_dim3A_122 = vector.broadcast %broadcast_in_dim3A_121 : f32 to vector<16xf32>
    %broadcast_in_dim3A_123 = arith.constant 0.000000e+00 : f32
    %broadcast_in_dim3A_124 = vector.broadcast %broadcast_in_dim3A_123 : f32 to vector<16xf32>
    %broadcast_in_dim3A_125 = arith.constant 0.000000e+00 : f32
    %broadcast_in_dim3A_126 = vector.broadcast %broadcast_in_dim3A_125 : f32 to vector<16xf32>
    %broadcast_in_dim3A_127 = arith.constant 0.000000e+00 : f32
    %broadcast_in_dim3A_128 = vector.broadcast %broadcast_in_dim3A_127 : f32 to vector<16xf32>
    %broadcast_in_dim3A_129 = arith.constant 0.000000e+00 : f32
    %broadcast_in_dim3A_130 = vector.broadcast %broadcast_in_dim3A_129 : f32 to vector<16xf32>
    %broadcast_in_dim3A_131 = arith.constant 0.000000e+00 : f32
    %broadcast_in_dim3A_132 = vector.broadcast %broadcast_in_dim3A_131 : f32 to vector<16xf32>
    %broadcast_in_dim3A_133 = arith.constant 0.000000e+00 : f32
    %broadcast_in_dim3A_134 = vector.broadcast %broadcast_in_dim3A_133 : f32 to vector<16xf32>
    %add3A_135 = arith.constant 32 : i32
    %add3A_136 = arith.addi %add3A_34, %add3A_135 : i32
    %dma_start3A_137 = arith.constant 0 : i32
    %dma_start3A_138 = tpu.memref_slice %arg2[%select_n3A, %add3A_136, %dma_start3A_137] : memref<2x8192x768xf32, #tpu.memory_space<hbm>> -> memref<1x32x768xf32, #tpu.memory_space<hbm>>
    %dma_start3A_139 = tpu.memref_squeeze %dma_start3A_138 : memref<1x32x768xf32, #tpu.memory_space<hbm>> -> memref<32x768xf32, #tpu.memory_space<hbm>>
    %dma_start3A_140 = arith.constant 0 : i32
    %dma_start3A_141 = tpu.memref_slice %arg2[%select_n3A, %add3A_136, %dma_start3A_140] : memref<2x8192x768xf32, #tpu.memory_space<hbm>> -> memref<1x32x768xf32, #tpu.memory_space<hbm>>
    %dma_start3A_142 = tpu.memref_squeeze %dma_start3A_141 : memref<1x32x768xf32, #tpu.memory_space<hbm>> -> memref<32x768xf32, #tpu.memory_space<hbm>>
    tpu.enqueue_dma source(%dma_start3A_142 : memref<32x768xf32, #tpu.memory_space<hbm>>) target(%arg5 : memref<32x768xf32, #tpu.memory_space<vmem>>) target_semaphore(%arg8 : memref<!tpu.dma_semaphore, #tpu.memory_space<semaphore_mem>>)
    %dma_wait3A = arith.constant 0 : i32
    %dma_wait3A_143 = tpu.memref_slice %arg2[%select_n3A, %add3A_34, %dma_wait3A] : memref<2x8192x768xf32, #tpu.memory_space<hbm>> -> memref<1x32x768xf32, #tpu.memory_space<hbm>>
    %dma_wait3A_144 = tpu.memref_squeeze %dma_wait3A_143 : memref<1x32x768xf32, #tpu.memory_space<hbm>> -> memref<32x768xf32, #tpu.memory_space<hbm>>
    %dma_wait3A_145 = arith.constant 0 : i32
    %dma_wait3A_146 = tpu.memref_slice %arg2[%select_n3A, %add3A_34, %dma_wait3A_145] : memref<2x8192x768xf32, #tpu.memory_space<hbm>> -> memref<1x32x768xf32, #tpu.memory_space<hbm>>
    %dma_wait3A_147 = tpu.memref_squeeze %dma_wait3A_146 : memref<1x32x768xf32, #tpu.memory_space<hbm>> -> memref<32x768xf32, #tpu.memory_space<hbm>>
    tpu.wait_dma2 semaphore(%arg7 : memref<!tpu.dma_semaphore, #tpu.memory_space<semaphore_mem>>) src(%dma_wait3A_147 : memref<32x768xf32, #tpu.memory_space<hbm>>) dst(%arg4 : memref<32x768xf32, #tpu.memory_space<vmem>>)
    %scan3A = arith.constant 0 : i32
    %scan3A_148 = arith.constant 32 : i32
    %scan3A_149 = arith.addi %scan3A, %scan3A_148 : i32
    %scan3A_150 = arith.constant 1 : i32
    %scan3A_151:48 = scf.for %scan3A_476 = %scan3A to %scan3A_149 step %scan3A_150 iter_args(%scan3A_477 = %broadcast_in_dim3A_40, %scan3A_478 = %broadcast_in_dim3A_42, %scan3A_479 = %broadcast_in_dim3A_44, %scan3A_480 = %broadcast_in_dim3A_46, %scan3A_481 = %broadcast_in_dim3A_48, %scan3A_482 = %broadcast_in_dim3A_50, %scan3A_483 = %broadcast_in_dim3A_52, %scan3A_484 = %broadcast_in_dim3A_54, %scan3A_485 = %broadcast_in_dim3A_56, %scan3A_486 = %broadcast_in_dim3A_58, %scan3A_487 = %broadcast_in_dim3A_60, %scan3A_488 = %broadcast_in_dim3A_62, %scan3A_489 = %broadcast_in_dim3A_64, %scan3A_490 = %broadcast_in_dim3A_66, %scan3A_491 = %broadcast_in_dim3A_68, %scan3A_492 = %broadcast_in_dim3A_70, %scan3A_493 = %broadcast_in_dim3A_72, %scan3A_494 = %broadcast_in_dim3A_74, %scan3A_495 = %broadcast_in_dim3A_76, %scan3A_496 = %broadcast_in_dim3A_78, %scan3A_497 = %broadcast_in_dim3A_80, %scan3A_498 = %broadcast_in_dim3A_82, %scan3A_499 = %broadcast_in_dim3A_84, %scan3A_500 = %broadcast_in_dim3A_86, %scan3A_501 = %broadcast_in_dim3A_88, %scan3A_502 = %broadcast_in_dim3A_90, %scan3A_503 = %broadcast_in_dim3A_92, %scan3A_504 = %broadcast_in_dim3A_94, %scan3A_505 = %broadcast_in_dim3A_96, %scan3A_506 = %broadcast_in_dim3A_98, %scan3A_507 = %broadcast_in_dim3A_100, %scan3A_508 = %broadcast_in_dim3A_102, %scan3A_509 = %broadcast_in_dim3A_104, %scan3A_510 = %broadcast_in_dim3A_106, %scan3A_511 = %broadcast_in_dim3A_108, %scan3A_512 = %broadcast_in_dim3A_110, %scan3A_513 = %broadcast_in_dim3A_112, %scan3A_514 = %broadcast_in_dim3A_114, %scan3A_515 = %broadcast_in_dim3A_116, %scan3A_516 = %broadcast_in_dim3A_118, %scan3A_517 = %broadcast_in_dim3A_120, %scan3A_518 = %broadcast_in_dim3A_122, %scan3A_519 = %broadcast_in_dim3A_124, %scan3A_520 = %broadcast_in_dim3A_126, %scan3A_521 = %broadcast_in_dim3A_128, %scan3A_522 = %broadcast_in_dim3A_130, %scan3A_523 = %broadcast_in_dim3A_132, %scan3A_524 = %broadcast_in_dim3A_134) -> (vector<16xf32>, vector<16xf32>, vector<16xf32>, vector<16xf32>, vector<16xf32>, vector<16xf32>, vector<16xf32>, vector<16xf32>, vector<16xf32>, vector<16xf32>, vector<16xf32>, vector<16xf32>, vector<16xf32>, vector<16xf32>, vector<16xf32>, vector<16xf32>, vector<16xf32>, vector<16xf32>, vector<16xf32>, vector<16xf32>, vector<16xf32>, vector<16xf32>, vector<16xf32>, vector<16xf32>, vector<16xf32>, vector<16xf32>, vector<16xf32>, vector<16xf32>, vector<16xf32>, vector<16xf32>, vector<16xf32>, vector<16xf32>, vector<16xf32>, vector<16xf32>, vector<16xf32>, vector<16xf32>, vector<16xf32>, vector<16xf32>, vector<16xf32>, vector<16xf32>, vector<16xf32>, vector<16xf32>, vector<16xf32>, vector<16xf32>, vector<16xf32>, vector<16xf32>, vector<16xf32>, vector<16xf32>)  : i32 {
      %get3A = arith.index_cast %scan3A_476 : i32 to index
      %get3A_525 = arith.constant 0 : index
      %get3A_526 = tpu.vector_load %arg4[%get3A, %get3A_525] {strides = array<i32>} : memref<32x768xf32, #tpu.memory_space<vmem>>, vector<1x16xf32>,
      %get3A_527 = vector.shape_cast %get3A_526 : vector<1x16xf32> to vector<16xf32>
      %add3A_528 = arith.addf %scan3A_477, %get3A_527 : vector<16xf32>
      %get3A_529 = arith.index_cast %scan3A_476 : i32 to index
      %get3A_530 = arith.constant 16 : index
      %get3A_531 = tpu.vector_load %arg4[%get3A_529, %get3A_530] {strides = array<i32>} : memref<32x768xf32, #tpu.memory_space<vmem>>, vector<1x16xf32>,
      %get3A_532 = vector.shape_cast %get3A_531 : vector<1x16xf32> to vector<16xf32>
      %add3A_533 = arith.addf %scan3A_478, %get3A_532 : vector<16xf32>
      %get3A_534 = arith.index_cast %scan3A_476 : i32 to index
      %get3A_535 = arith.constant 32 : index
      %get3A_536 = tpu.vector_load %arg4[%get3A_534, %get3A_535] {strides = array<i32>} : memref<32x768xf32, #tpu.memory_space<vmem>>, vector<1x16xf32>,
      %get3A_537 = vector.shape_cast %get3A_536 : vector<1x16xf32> to vector<16xf32>
      %add3A_538 = arith.addf %scan3A_479, %get3A_537 : vector<16xf32>
      %get3A_539 = arith.index_cast %scan3A_476 : i32 to index
      %get3A_540 = arith.constant 48 : index
      %get3A_541 = tpu.vector_load %arg4[%get3A_539, %get3A_540] {strides = array<i32>} : memref<32x768xf32, #tpu.memory_space<vmem>>, vector<1x16xf32>,
      %get3A_542 = vector.shape_cast %get3A_541 : vector<1x16xf32> to vector<16xf32>
      %add3A_543 = arith.addf %scan3A_480, %get3A_542 : vector<16xf32>
      %get3A_544 = arith.index_cast %scan3A_476 : i32 to index
      %get3A_545 = arith.constant 64 : index
      %get3A_546 = tpu.vector_load %arg4[%get3A_544, %get3A_545] {strides = array<i32>} : memref<32x768xf32, #tpu.memory_space<vmem>>, vector<1x16xf32>,
      %get3A_547 = vector.shape_cast %get3A_546 : vector<1x16xf32> to vector<16xf32>
      %add3A_548 = arith.addf %scan3A_481, %get3A_547 : vector<16xf32>
      %get3A_549 = arith.index_cast %scan3A_476 : i32 to index
      %get3A_550 = arith.constant 80 : index
      %get3A_551 = tpu.vector_load %arg4[%get3A_549, %get3A_550] {strides = array<i32>} : memref<32x768xf32, #tpu.memory_space<vmem>>, vector<1x16xf32>,
      %get3A_552 = vector.shape_cast %get3A_551 : vector<1x16xf32> to vector<16xf32>
      %add3A_553 = arith.addf %scan3A_482, %get3A_552 : vector<16xf32>
      %get3A_554 = arith.index_cast %scan3A_476 : i32 to index
      %get3A_555 = arith.constant 96 : index
      %get3A_556 = tpu.vector_load %arg4[%get3A_554, %get3A_555] {strides = array<i32>} : memref<32x768xf32, #tpu.memory_space<vmem>>, vector<1x16xf32>,
      %get3A_557 = vector.shape_cast %get3A_556 : vector<1x16xf32> to vector<16xf32>
      %add3A_558 = arith.addf %scan3A_483, %get3A_557 : vector<16xf32>
      %get3A_559 = arith.index_cast %scan3A_476 : i32 to index
      %get3A_560 = arith.constant 112 : index
      %get3A_561 = tpu.vector_load %arg4[%get3A_559, %get3A_560] {strides = array<i32>} : memref<32x768xf32, #tpu.memory_space<vmem>>, vector<1x16xf32>,
      %get3A_562 = vector.shape_cast %get3A_561 : vector<1x16xf32> to vector<16xf32>
      %add3A_563 = arith.addf %scan3A_484, %get3A_562 : vector<16xf32>
      %get3A_564 = arith.index_cast %scan3A_476 : i32 to index
      %get3A_565 = arith.constant 128 : index
      %get3A_566 = tpu.vector_load %arg4[%get3A_564, %get3A_565] {strides = array<i32>} : memref<32x768xf32, #tpu.memory_space<vmem>>, vector<1x16xf32>,
      %get3A_567 = vector.shape_cast %get3A_566 : vector<1x16xf32> to vector<16xf32>
      %add3A_568 = arith.addf %scan3A_485, %get3A_567 : vector<16xf32>
      %get3A_569 = arith.index_cast %scan3A_476 : i32 to index
      %get3A_570 = arith.constant 144 : index
      %get3A_571 = tpu.vector_load %arg4[%get3A_569, %get3A_570] {strides = array<i32>} : memref<32x768xf32, #tpu.memory_space<vmem>>, vector<1x16xf32>,
      %get3A_572 = vector.shape_cast %get3A_571 : vector<1x16xf32> to vector<16xf32>
      %add3A_573 = arith.addf %scan3A_486, %get3A_572 : vector<16xf32>
      %get3A_574 = arith.index_cast %scan3A_476 : i32 to index
      %get3A_575 = arith.constant 160 : index
      %get3A_576 = tpu.vector_load %arg4[%get3A_574, %get3A_575] {strides = array<i32>} : memref<32x768xf32, #tpu.memory_space<vmem>>, vector<1x16xf32>,
      %get3A_577 = vector.shape_cast %get3A_576 : vector<1x16xf32> to vector<16xf32>
      %add3A_578 = arith.addf %scan3A_487, %get3A_577 : vector<16xf32>
      %get3A_579 = arith.index_cast %scan3A_476 : i32 to index
      %get3A_580 = arith.constant 176 : index
      %get3A_581 = tpu.vector_load %arg4[%get3A_579, %get3A_580] {strides = array<i32>} : memref<32x768xf32, #tpu.memory_space<vmem>>, vector<1x16xf32>,
      %get3A_582 = vector.shape_cast %get3A_581 : vector<1x16xf32> to vector<16xf32>
      %add3A_583 = arith.addf %scan3A_488, %get3A_582 : vector<16xf32>
      %get3A_584 = arith.index_cast %scan3A_476 : i32 to index
      %get3A_585 = arith.constant 192 : index
      %get3A_586 = tpu.vector_load %arg4[%get3A_584, %get3A_585] {strides = array<i32>} : memref<32x768xf32, #tpu.memory_space<vmem>>, vector<1x16xf32>,
      %get3A_587 = vector.shape_cast %get3A_586 : vector<1x16xf32> to vector<16xf32>
      %add3A_588 = arith.addf %scan3A_489, %get3A_587 : vector<16xf32>
      %get3A_589 = arith.index_cast %scan3A_476 : i32 to index
      %get3A_590 = arith.constant 208 : index
      %get3A_591 = tpu.vector_load %arg4[%get3A_589, %get3A_590] {strides = array<i32>} : memref<32x768xf32, #tpu.memory_space<vmem>>, vector<1x16xf32>,
      %get3A_592 = vector.shape_cast %get3A_591 : vector<1x16xf32> to vector<16xf32>
      %add3A_593 = arith.addf %scan3A_490, %get3A_592 : vector<16xf32>
      %get3A_594 = arith.index_cast %scan3A_476 : i32 to index
      %get3A_595 = arith.constant 224 : index
      %get3A_596 = tpu.vector_load %arg4[%get3A_594, %get3A_595] {strides = array<i32>} : memref<32x768xf32, #tpu.memory_space<vmem>>, vector<1x16xf32>,
      %get3A_597 = vector.shape_cast %get3A_596 : vector<1x16xf32> to vector<16xf32>
      %add3A_598 = arith.addf %scan3A_491, %get3A_597 : vector<16xf32>
      %get3A_599 = arith.index_cast %scan3A_476 : i32 to index
      %get3A_600 = arith.constant 240 : index
      %get3A_601 = tpu.vector_load %arg4[%get3A_599, %get3A_600] {strides = array<i32>} : memref<32x768xf32, #tpu.memory_space<vmem>>, vector<1x16xf32>,
      %get3A_602 = vector.shape_cast %get3A_601 : vector<1x16xf32> to vector<16xf32>
      %add3A_603 = arith.addf %scan3A_492, %get3A_602 : vector<16xf32>
      %get3A_604 = arith.index_cast %scan3A_476 : i32 to index
      %get3A_605 = arith.constant 256 : index
      %get3A_606 = tpu.vector_load %arg4[%get3A_604, %get3A_605] {strides = array<i32>} : memref<32x768xf32, #tpu.memory_space<vmem>>, vector<1x16xf32>,
      %get3A_607 = vector.shape_cast %get3A_606 : vector<1x16xf32> to vector<16xf32>
      %add3A_608 = arith.addf %scan3A_493, %get3A_607 : vector<16xf32>
      %get3A_609 = arith.index_cast %scan3A_476 : i32 to index
      %get3A_610 = arith.constant 272 : index
      %get3A_611 = tpu.vector_load %arg4[%get3A_609, %get3A_610] {strides = array<i32>} : memref<32x768xf32, #tpu.memory_space<vmem>>, vector<1x16xf32>,
      %get3A_612 = vector.shape_cast %get3A_611 : vector<1x16xf32> to vector<16xf32>
      %add3A_613 = arith.addf %scan3A_494, %get3A_612 : vector<16xf32>
      %get3A_614 = arith.index_cast %scan3A_476 : i32 to index
      %get3A_615 = arith.constant 288 : index
      %get3A_616 = tpu.vector_load %arg4[%get3A_614, %get3A_615] {strides = array<i32>} : memref<32x768xf32, #tpu.memory_space<vmem>>, vector<1x16xf32>,
      %get3A_617 = vector.shape_cast %get3A_616 : vector<1x16xf32> to vector<16xf32>
      %add3A_618 = arith.addf %scan3A_495, %get3A_617 : vector<16xf32>
      %get3A_619 = arith.index_cast %scan3A_476 : i32 to index
      %get3A_620 = arith.constant 304 : index
      %get3A_621 = tpu.vector_load %arg4[%get3A_619, %get3A_620] {strides = array<i32>} : memref<32x768xf32, #tpu.memory_space<vmem>>, vector<1x16xf32>,
      %get3A_622 = vector.shape_cast %get3A_621 : vector<1x16xf32> to vector<16xf32>
      %add3A_623 = arith.addf %scan3A_496, %get3A_622 : vector<16xf32>
      %get3A_624 = arith.index_cast %scan3A_476 : i32 to index
      %get3A_625 = arith.constant 320 : index
      %get3A_626 = tpu.vector_load %arg4[%get3A_624, %get3A_625] {strides = array<i32>} : memref<32x768xf32, #tpu.memory_space<vmem>>, vector<1x16xf32>,
      %get3A_627 = vector.shape_cast %get3A_626 : vector<1x16xf32> to vector<16xf32>
      %add3A_628 = arith.addf %scan3A_497, %get3A_627 : vector<16xf32>
      %get3A_629 = arith.index_cast %scan3A_476 : i32 to index
      %get3A_630 = arith.constant 336 : index
      %get3A_631 = tpu.vector_load %arg4[%get3A_629, %get3A_630] {strides = array<i32>} : memref<32x768xf32, #tpu.memory_space<vmem>>, vector<1x16xf32>,
      %get3A_632 = vector.shape_cast %get3A_631 : vector<1x16xf32> to vector<16xf32>
      %add3A_633 = arith.addf %scan3A_498, %get3A_632 : vector<16xf32>
      %get3A_634 = arith.index_cast %scan3A_476 : i32 to index
      %get3A_635 = arith.constant 352 : index
      %get3A_636 = tpu.vector_load %arg4[%get3A_634, %get3A_635] {strides = array<i32>} : memref<32x768xf32, #tpu.memory_space<vmem>>, vector<1x16xf32>,
      %get3A_637 = vector.shape_cast %get3A_636 : vector<1x16xf32> to vector<16xf32>
      %add3A_638 = arith.addf %scan3A_499, %get3A_637 : vector<16xf32>
      %get3A_639 = arith.index_cast %scan3A_476 : i32 to index
      %get3A_640 = arith.constant 368 : index
      %get3A_641 = tpu.vector_load %arg4[%get3A_639, %get3A_640] {strides = array<i32>} : memref<32x768xf32, #tpu.memory_space<vmem>>, vector<1x16xf32>,
      %get3A_642 = vector.shape_cast %get3A_641 : vector<1x16xf32> to vector<16xf32>
      %add3A_643 = arith.addf %scan3A_500, %get3A_642 : vector<16xf32>
      %get3A_644 = arith.index_cast %scan3A_476 : i32 to index
      %get3A_645 = arith.constant 384 : index
      %get3A_646 = tpu.vector_load %arg4[%get3A_644, %get3A_645] {strides = array<i32>} : memref<32x768xf32, #tpu.memory_space<vmem>>, vector<1x16xf32>,
      %get3A_647 = vector.shape_cast %get3A_646 : vector<1x16xf32> to vector<16xf32>
      %add3A_648 = arith.addf %scan3A_501, %get3A_647 : vector<16xf32>
      %get3A_649 = arith.index_cast %scan3A_476 : i32 to index
      %get3A_650 = arith.constant 400 : index
      %get3A_651 = tpu.vector_load %arg4[%get3A_649, %get3A_650] {strides = array<i32>} : memref<32x768xf32, #tpu.memory_space<vmem>>, vector<1x16xf32>,
      %get3A_652 = vector.shape_cast %get3A_651 : vector<1x16xf32> to vector<16xf32>
      %add3A_653 = arith.addf %scan3A_502, %get3A_652 : vector<16xf32>
      %get3A_654 = arith.index_cast %scan3A_476 : i32 to index
      %get3A_655 = arith.constant 416 : index
      %get3A_656 = tpu.vector_load %arg4[%get3A_654, %get3A_655] {strides = array<i32>} : memref<32x768xf32, #tpu.memory_space<vmem>>, vector<1x16xf32>,
      %get3A_657 = vector.shape_cast %get3A_656 : vector<1x16xf32> to vector<16xf32>
      %add3A_658 = arith.addf %scan3A_503, %get3A_657 : vector<16xf32>
      %get3A_659 = arith.index_cast %scan3A_476 : i32 to index
      %get3A_660 = arith.constant 432 : index
      %get3A_661 = tpu.vector_load %arg4[%get3A_659, %get3A_660] {strides = array<i32>} : memref<32x768xf32, #tpu.memory_space<vmem>>, vector<1x16xf32>,
      %get3A_662 = vector.shape_cast %get3A_661 : vector<1x16xf32> to vector<16xf32>
      %add3A_663 = arith.addf %scan3A_504, %get3A_662 : vector<16xf32>
      %get3A_664 = arith.index_cast %scan3A_476 : i32 to index
      %get3A_665 = arith.constant 448 : index
      %get3A_666 = tpu.vector_load %arg4[%get3A_664, %get3A_665] {strides = array<i32>} : memref<32x768xf32, #tpu.memory_space<vmem>>, vector<1x16xf32>,
      %get3A_667 = vector.shape_cast %get3A_666 : vector<1x16xf32> to vector<16xf32>
      %add3A_668 = arith.addf %scan3A_505, %get3A_667 : vector<16xf32>
      %get3A_669 = arith.index_cast %scan3A_476 : i32 to index
      %get3A_670 = arith.constant 464 : index
      %get3A_671 = tpu.vector_load %arg4[%get3A_669, %get3A_670] {strides = array<i32>} : memref<32x768xf32, #tpu.memory_space<vmem>>, vector<1x16xf32>,
      %get3A_672 = vector.shape_cast %get3A_671 : vector<1x16xf32> to vector<16xf32>
      %add3A_673 = arith.addf %scan3A_506, %get3A_672 : vector<16xf32>
      %get3A_674 = arith.index_cast %scan3A_476 : i32 to index
      %get3A_675 = arith.constant 480 : index
      %get3A_676 = tpu.vector_load %arg4[%get3A_674, %get3A_675] {strides = array<i32>} : memref<32x768xf32, #tpu.memory_space<vmem>>, vector<1x16xf32>,
      %get3A_677 = vector.shape_cast %get3A_676 : vector<1x16xf32> to vector<16xf32>
      %add3A_678 = arith.addf %scan3A_507, %get3A_677 : vector<16xf32>
      %get3A_679 = arith.index_cast %scan3A_476 : i32 to index
      %get3A_680 = arith.constant 496 : index
      %get3A_681 = tpu.vector_load %arg4[%get3A_679, %get3A_680] {strides = array<i32>} : memref<32x768xf32, #tpu.memory_space<vmem>>, vector<1x16xf32>,
      %get3A_682 = vector.shape_cast %get3A_681 : vector<1x16xf32> to vector<16xf32>
      %add3A_683 = arith.addf %scan3A_508, %get3A_682 : vector<16xf32>
      %get3A_684 = arith.index_cast %scan3A_476 : i32 to index
      %get3A_685 = arith.constant 512 : index
      %get3A_686 = tpu.vector_load %arg4[%get3A_684, %get3A_685] {strides = array<i32>} : memref<32x768xf32, #tpu.memory_space<vmem>>, vector<1x16xf32>,
      %get3A_687 = vector.shape_cast %get3A_686 : vector<1x16xf32> to vector<16xf32>
      %add3A_688 = arith.addf %scan3A_509, %get3A_687 : vector<16xf32>
      %get3A_689 = arith.index_cast %scan3A_476 : i32 to index
      %get3A_690 = arith.constant 528 : index
      %get3A_691 = tpu.vector_load %arg4[%get3A_689, %get3A_690] {strides = array<i32>} : memref<32x768xf32, #tpu.memory_space<vmem>>, vector<1x16xf32>,
      %get3A_692 = vector.shape_cast %get3A_691 : vector<1x16xf32> to vector<16xf32>
      %add3A_693 = arith.addf %scan3A_510, %get3A_692 : vector<16xf32>
      %get3A_694 = arith.index_cast %scan3A_476 : i32 to index
      %get3A_695 = arith.constant 544 : index
      %get3A_696 = tpu.vector_load %arg4[%get3A_694, %get3A_695] {strides = array<i32>} : memref<32x768xf32, #tpu.memory_space<vmem>>, vector<1x16xf32>,
      %get3A_697 = vector.shape_cast %get3A_696 : vector<1x16xf32> to vector<16xf32>
      %add3A_698 = arith.addf %scan3A_511, %get3A_697 : vector<16xf32>
      %get3A_699 = arith.index_cast %scan3A_476 : i32 to index
      %get3A_700 = arith.constant 560 : index
      %get3A_701 = tpu.vector_load %arg4[%get3A_699, %get3A_700] {strides = array<i32>} : memref<32x768xf32, #tpu.memory_space<vmem>>, vector<1x16xf32>,
      %get3A_702 = vector.shape_cast %get3A_701 : vector<1x16xf32> to vector<16xf32>
      %add3A_703 = arith.addf %scan3A_512, %get3A_702 : vector<16xf32>
      %get3A_704 = arith.index_cast %scan3A_476 : i32 to index
      %get3A_705 = arith.constant 576 : index
      %get3A_706 = tpu.vector_load %arg4[%get3A_704, %get3A_705] {strides = array<i32>} : memref<32x768xf32, #tpu.memory_space<vmem>>, vector<1x16xf32>,
      %get3A_707 = vector.shape_cast %get3A_706 : vector<1x16xf32> to vector<16xf32>
      %add3A_708 = arith.addf %scan3A_513, %get3A_707 : vector<16xf32>
      %get3A_709 = arith.index_cast %scan3A_476 : i32 to index
      %get3A_710 = arith.constant 592 : index
      %get3A_711 = tpu.vector_load %arg4[%get3A_709, %get3A_710] {strides = array<i32>} : memref<32x768xf32, #tpu.memory_space<vmem>>, vector<1x16xf32>,
      %get3A_712 = vector.shape_cast %get3A_711 : vector<1x16xf32> to vector<16xf32>
      %add3A_713 = arith.addf %scan3A_514, %get3A_712 : vector<16xf32>
      %get3A_714 = arith.index_cast %scan3A_476 : i32 to index
      %get3A_715 = arith.constant 608 : index
      %get3A_716 = tpu.vector_load %arg4[%get3A_714, %get3A_715] {strides = array<i32>} : memref<32x768xf32, #tpu.memory_space<vmem>>, vector<1x16xf32>,
      %get3A_717 = vector.shape_cast %get3A_716 : vector<1x16xf32> to vector<16xf32>
      %add3A_718 = arith.addf %scan3A_515, %get3A_717 : vector<16xf32>
      %get3A_719 = arith.index_cast %scan3A_476 : i32 to index
      %get3A_720 = arith.constant 624 : index
      %get3A_721 = tpu.vector_load %arg4[%get3A_719, %get3A_720] {strides = array<i32>} : memref<32x768xf32, #tpu.memory_space<vmem>>, vector<1x16xf32>,
      %get3A_722 = vector.shape_cast %get3A_721 : vector<1x16xf32> to vector<16xf32>
      %add3A_723 = arith.addf %scan3A_516, %get3A_722 : vector<16xf32>
      %get3A_724 = arith.index_cast %scan3A_476 : i32 to index
      %get3A_725 = arith.constant 640 : index
      %get3A_726 = tpu.vector_load %arg4[%get3A_724, %get3A_725] {strides = array<i32>} : memref<32x768xf32, #tpu.memory_space<vmem>>, vector<1x16xf32>,
      %get3A_727 = vector.shape_cast %get3A_726 : vector<1x16xf32> to vector<16xf32>
      %add3A_728 = arith.addf %scan3A_517, %get3A_727 : vector<16xf32>
      %get3A_729 = arith.index_cast %scan3A_476 : i32 to index
      %get3A_730 = arith.constant 656 : index
      %get3A_731 = tpu.vector_load %arg4[%get3A_729, %get3A_730] {strides = array<i32>} : memref<32x768xf32, #tpu.memory_space<vmem>>, vector<1x16xf32>,
      %get3A_732 = vector.shape_cast %get3A_731 : vector<1x16xf32> to vector<16xf32>
      %add3A_733 = arith.addf %scan3A_518, %get3A_732 : vector<16xf32>
      %get3A_734 = arith.index_cast %scan3A_476 : i32 to index
      %get3A_735 = arith.constant 672 : index
      %get3A_736 = tpu.vector_load %arg4[%get3A_734, %get3A_735] {strides = array<i32>} : memref<32x768xf32, #tpu.memory_space<vmem>>, vector<1x16xf32>,
      %get3A_737 = vector.shape_cast %get3A_736 : vector<1x16xf32> to vector<16xf32>
      %add3A_738 = arith.addf %scan3A_519, %get3A_737 : vector<16xf32>
      %get3A_739 = arith.index_cast %scan3A_476 : i32 to index
      %get3A_740 = arith.constant 688 : index
      %get3A_741 = tpu.vector_load %arg4[%get3A_739, %get3A_740] {strides = array<i32>} : memref<32x768xf32, #tpu.memory_space<vmem>>, vector<1x16xf32>,
      %get3A_742 = vector.shape_cast %get3A_741 : vector<1x16xf32> to vector<16xf32>
      %add3A_743 = arith.addf %scan3A_520, %get3A_742 : vector<16xf32>
      %get3A_744 = arith.index_cast %scan3A_476 : i32 to index
      %get3A_745 = arith.constant 704 : index
      %get3A_746 = tpu.vector_load %arg4[%get3A_744, %get3A_745] {strides = array<i32>} : memref<32x768xf32, #tpu.memory_space<vmem>>, vector<1x16xf32>,
      %get3A_747 = vector.shape_cast %get3A_746 : vector<1x16xf32> to vector<16xf32>
      %add3A_748 = arith.addf %scan3A_521, %get3A_747 : vector<16xf32>
      %get3A_749 = arith.index_cast %scan3A_476 : i32 to index
      %get3A_750 = arith.constant 720 : index
      %get3A_751 = tpu.vector_load %arg4[%get3A_749, %get3A_750] {strides = array<i32>} : memref<32x768xf32, #tpu.memory_space<vmem>>, vector<1x16xf32>,
      %get3A_752 = vector.shape_cast %get3A_751 : vector<1x16xf32> to vector<16xf32>
      %add3A_753 = arith.addf %scan3A_522, %get3A_752 : vector<16xf32>
      %get3A_754 = arith.index_cast %scan3A_476 : i32 to index
      %get3A_755 = arith.constant 736 : index
      %get3A_756 = tpu.vector_load %arg4[%get3A_754, %get3A_755] {strides = array<i32>} : memref<32x768xf32, #tpu.memory_space<vmem>>, vector<1x16xf32>,
      %get3A_757 = vector.shape_cast %get3A_756 : vector<1x16xf32> to vector<16xf32>
      %add3A_758 = arith.addf %scan3A_523, %get3A_757 : vector<16xf32>
      %get3A_759 = arith.index_cast %scan3A_476 : i32 to index
      %get3A_760 = arith.constant 752 : index
      %get3A_761 = tpu.vector_load %arg4[%get3A_759, %get3A_760] {strides = array<i32>} : memref<32x768xf32, #tpu.memory_space<vmem>>, vector<1x16xf32>,
      %get3A_762 = vector.shape_cast %get3A_761 : vector<1x16xf32> to vector<16xf32>
      %add3A_763 = arith.addf %scan3A_524, %get3A_762 : vector<16xf32>
      scf.yield %add3A_528, %add3A_533, %add3A_538, %add3A_543, %add3A_548, %add3A_553, %add3A_558, %add3A_563, %add3A_568, %add3A_573, %add3A_578, %add3A_583, %add3A_588, %add3A_593, %add3A_598, %add3A_603, %add3A_608, %add3A_613, %add3A_618, %add3A_623, %add3A_628, %add3A_633, %add3A_638, %add3A_643, %add3A_648, %add3A_653, %add3A_658, %add3A_663, %add3A_668, %add3A_673, %add3A_678, %add3A_683, %add3A_688, %add3A_693, %add3A_698, %add3A_703, %add3A_708, %add3A_713, %add3A_718, %add3A_723, %add3A_728, %add3A_733, %add3A_738, %add3A_743, %add3A_748, %add3A_753, %add3A_758, %add3A_763 : vector<16xf32>, vector<16xf32>, vector<16xf32>, vector<16xf32>, vector<16xf32>, vector<16xf32>, vector<16xf32>, vector<16xf32>, vector<16xf32>, vector<16xf32>, vector<16xf32>, vector<16xf32>, vector<16xf32>, vector<16xf32>, vector<16xf32>, vector<16xf32>, vector<16xf32>, vector<16xf32>, vector<16xf32>, vector<16xf32>, vector<16xf32>, vector<16xf32>, vector<16xf32>, vector<16xf32>, vector<16xf32>, vector<16xf32>, vector<16xf32>, vector<16xf32>, vector<16xf32>, vector<16xf32>, vector<16xf32>, vector<16xf32>, vector<16xf32>, vector<16xf32>, vector<16xf32>, vector<16xf32>, vector<16xf32>, vector<16xf32>, vector<16xf32>, vector<16xf32>, vector<16xf32>, vector<16xf32>, vector<16xf32>, vector<16xf32>, vector<16xf32>, vector<16xf32>, vector<16xf32>, vector<16xf32>
    }
    %scan3A_152 = arith.constant 32 : i32
    %add3A_153 = arith.constant 64 : i32
    %add3A_154 = arith.addi %add3A_34, %add3A_153 : i32
    %dma_start3A_155 = arith.constant 0 : i32
    %dma_start3A_156 = tpu.memref_slice %arg2[%select_n3A, %add3A_154, %dma_start3A_155] : memref<2x8192x768xf32, #tpu.memory_space<hbm>> -> memref<1x32x768xf32, #tpu.memory_space<hbm>>
    %dma_start3A_157 = tpu.memref_squeeze %dma_start3A_156 : memref<1x32x768xf32, #tpu.memory_space<hbm>> -> memref<32x768xf32, #tpu.memory_space<hbm>>
    %dma_start3A_158 = arith.constant 0 : i32
    %dma_start3A_159 = tpu.memref_slice %arg2[%select_n3A, %add3A_154, %dma_start3A_158] : memref<2x8192x768xf32, #tpu.memory_space<hbm>> -> memref<1x32x768xf32, #tpu.memory_space<hbm>>
    %dma_start3A_160 = tpu.memref_squeeze %dma_start3A_159 : memref<1x32x768xf32, #tpu.memory_space<hbm>> -> memref<32x768xf32, #tpu.memory_space<hbm>>
    tpu.enqueue_dma source(%dma_start3A_160 : memref<32x768xf32, #tpu.memory_space<hbm>>) target(%arg4 : memref<32x768xf32, #tpu.memory_space<vmem>>) target_semaphore(%arg7 : memref<!tpu.dma_semaphore, #tpu.memory_space<semaphore_mem>>)
    %dma_wait3A_161 = arith.constant 0 : i32
    %dma_wait3A_162 = tpu.memref_slice %arg2[%select_n3A, %add3A_136, %dma_wait3A_161] : memref<2x8192x768xf32, #tpu.memory_space<hbm>> -> memref<1x32x768xf32, #tpu.memory_space<hbm>>
    %dma_wait3A_163 = tpu.memref_squeeze %dma_wait3A_162 : memref<1x32x768xf32, #tpu.memory_space<hbm>> -> memref<32x768xf32, #tpu.memory_space<hbm>>
    %dma_wait3A_164 = arith.constant 0 : i32
    %dma_wait3A_165 = tpu.memref_slice %arg2[%select_n3A, %add3A_136, %dma_wait3A_164] : memref<2x8192x768xf32, #tpu.memory_space<hbm>> -> memref<1x32x768xf32, #tpu.memory_space<hbm>>
    %dma_wait3A_166 = tpu.memref_squeeze %dma_wait3A_165 : memref<1x32x768xf32, #tpu.memory_space<hbm>> -> memref<32x768xf32, #tpu.memory_space<hbm>>
    tpu.wait_dma2 semaphore(%arg8 : memref<!tpu.dma_semaphore, #tpu.memory_space<semaphore_mem>>) src(%dma_wait3A_166 : memref<32x768xf32, #tpu.memory_space<hbm>>) dst(%arg5 : memref<32x768xf32, #tpu.memory_space<vmem>>)
    %scan3A_167 = arith.constant 0 : i32
    %scan3A_168 = arith.constant 32 : i32
    %scan3A_169 = arith.addi %scan3A_167, %scan3A_168 : i32
    %scan3A_170 = arith.constant 1 : i32
    %scan3A_171:48 = scf.for %scan3A_476 = %scan3A_167 to %scan3A_169 step %scan3A_170 iter_args(%scan3A_477 = %scan3A_151#0, %scan3A_478 = %scan3A_151#1, %scan3A_479 = %scan3A_151#2, %scan3A_480 = %scan3A_151#3, %scan3A_481 = %scan3A_151#4, %scan3A_482 = %scan3A_151#5, %scan3A_483 = %scan3A_151#6, %scan3A_484 = %scan3A_151#7, %scan3A_485 = %scan3A_151#8, %scan3A_486 = %scan3A_151#9, %scan3A_487 = %scan3A_151#10, %scan3A_488 = %scan3A_151#11, %scan3A_489 = %scan3A_151#12, %scan3A_490 = %scan3A_151#13, %scan3A_491 = %scan3A_151#14, %scan3A_492 = %scan3A_151#15, %scan3A_493 = %scan3A_151#16, %scan3A_494 = %scan3A_151#17, %scan3A_495 = %scan3A_151#18, %scan3A_496 = %scan3A_151#19, %scan3A_497 = %scan3A_151#20, %scan3A_498 = %scan3A_151#21, %scan3A_499 = %scan3A_151#22, %scan3A_500 = %scan3A_151#23, %scan3A_501 = %scan3A_151#24, %scan3A_502 = %scan3A_151#25, %scan3A_503 = %scan3A_151#26, %scan3A_504 = %scan3A_151#27, %scan3A_505 = %scan3A_151#28, %scan3A_506 = %scan3A_151#29, %scan3A_507 = %scan3A_151#30, %scan3A_508 = %scan3A_151#31, %scan3A_509 = %scan3A_151#32, %scan3A_510 = %scan3A_151#33, %scan3A_511 = %scan3A_151#34, %scan3A_512 = %scan3A_151#35, %scan3A_513 = %scan3A_151#36, %scan3A_514 = %scan3A_151#37, %scan3A_515 = %scan3A_151#38, %scan3A_516 = %scan3A_151#39, %scan3A_517 = %scan3A_151#40, %scan3A_518 = %scan3A_151#41, %scan3A_519 = %scan3A_151#42, %scan3A_520 = %scan3A_151#43, %scan3A_521 = %scan3A_151#44, %scan3A_522 = %scan3A_151#45, %scan3A_523 = %scan3A_151#46, %scan3A_524 = %scan3A_151#47) -> (vector<16xf32>, vector<16xf32>, vector<16xf32>, vector<16xf32>, vector<16xf32>, vector<16xf32>, vector<16xf32>, vector<16xf32>, vector<16xf32>, vector<16xf32>, vector<16xf32>, vector<16xf32>, vector<16xf32>, vector<16xf32>, vector<16xf32>, vector<16xf32>, vector<16xf32>, vector<16xf32>, vector<16xf32>, vector<16xf32>, vector<16xf32>, vector<16xf32>, vector<16xf32>, vector<16xf32>, vector<16xf32>, vector<16xf32>, vector<16xf32>, vector<16xf32>, vector<16xf32>, vector<16xf32>, vector<16xf32>, vector<16xf32>, vector<16xf32>, vector<16xf32>, vector<16xf32>, vector<16xf32>, vector<16xf32>, vector<16xf32>, vector<16xf32>, vector<16xf32>, vector<16xf32>, vector<16xf32>, vector<16xf32>, vector<16xf32>, vector<16xf32>, vector<16xf32>, vector<16xf32>, vector<16xf32>)  : i32 {
      %get3A = arith.index_cast %scan3A_476 : i32 to index
      %get3A_525 = arith.constant 0 : index
      %get3A_526 = tpu.vector_load %arg5[%get3A, %get3A_525] {strides = array<i32>} : memref<32x768xf32, #tpu.memory_space<vmem>>, vector<1x16xf32>,
      %get3A_527 = vector.shape_cast %get3A_526 : vector<1x16xf32> to vector<16xf32>
      %add3A_528 = arith.addf %scan3A_477, %get3A_527 : vector<16xf32>
      %get3A_529 = arith.index_cast %scan3A_476 : i32 to index
      %get3A_530 = arith.constant 16 : index
      %get3A_531 = tpu.vector_load %arg5[%get3A_529, %get3A_530] {strides = array<i32>} : memref<32x768xf32, #tpu.memory_space<vmem>>, vector<1x16xf32>,
      %get3A_532 = vector.shape_cast %get3A_531 : vector<1x16xf32> to vector<16xf32>
      %add3A_533 = arith.addf %scan3A_478, %get3A_532 : vector<16xf32>
      %get3A_534 = arith.index_cast %scan3A_476 : i32 to index
      %get3A_535 = arith.constant 32 : index
      %get3A_536 = tpu.vector_load %arg5[%get3A_534, %get3A_535] {strides = array<i32>} : memref<32x768xf32, #tpu.memory_space<vmem>>, vector<1x16xf32>,
      %get3A_537 = vector.shape_cast %get3A_536 : vector<1x16xf32> to vector<16xf32>
      %add3A_538 = arith.addf %scan3A_479, %get3A_537 : vector<16xf32>
      %get3A_539 = arith.index_cast %scan3A_476 : i32 to index
      %get3A_540 = arith.constant 48 : index
      %get3A_541 = tpu.vector_load %arg5[%get3A_539, %get3A_540] {strides = array<i32>} : memref<32x768xf32, #tpu.memory_space<vmem>>, vector<1x16xf32>,
      %get3A_542 = vector.shape_cast %get3A_541 : vector<1x16xf32> to vector<16xf32>
      %add3A_543 = arith.addf %scan3A_480, %get3A_542 : vector<16xf32>
      %get3A_544 = arith.index_cast %scan3A_476 : i32 to index
      %get3A_545 = arith.constant 64 : index
      %get3A_546 = tpu.vector_load %arg5[%get3A_544, %get3A_545] {strides = array<i32>} : memref<32x768xf32, #tpu.memory_space<vmem>>, vector<1x16xf32>,
      %get3A_547 = vector.shape_cast %get3A_546 : vector<1x16xf32> to vector<16xf32>
      %add3A_548 = arith.addf %scan3A_481, %get3A_547 : vector<16xf32>
      %get3A_549 = arith.index_cast %scan3A_476 : i32 to index
      %get3A_550 = arith.constant 80 : index
      %get3A_551 = tpu.vector_load %arg5[%get3A_549, %get3A_550] {strides = array<i32>} : memref<32x768xf32, #tpu.memory_space<vmem>>, vector<1x16xf32>,
      %get3A_552 = vector.shape_cast %get3A_551 : vector<1x16xf32> to vector<16xf32>
      %add3A_553 = arith.addf %scan3A_482, %get3A_552 : vector<16xf32>
      %get3A_554 = arith.index_cast %scan3A_476 : i32 to index
      %get3A_555 = arith.constant 96 : index
      %get3A_556 = tpu.vector_load %arg5[%get3A_554, %get3A_555] {strides = array<i32>} : memref<32x768xf32, #tpu.memory_space<vmem>>, vector<1x16xf32>,
      %get3A_557 = vector.shape_cast %get3A_556 : vector<1x16xf32> to vector<16xf32>
      %add3A_558 = arith.addf %scan3A_483, %get3A_557 : vector<16xf32>
      %get3A_559 = arith.index_cast %scan3A_476 : i32 to index
      %get3A_560 = arith.constant 112 : index
      %get3A_561 = tpu.vector_load %arg5[%get3A_559, %get3A_560] {strides = array<i32>} : memref<32x768xf32, #tpu.memory_space<vmem>>, vector<1x16xf32>,
      %get3A_562 = vector.shape_cast %get3A_561 : vector<1x16xf32> to vector<16xf32>
      %add3A_563 = arith.addf %scan3A_484, %get3A_562 : vector<16xf32>
      %get3A_564 = arith.index_cast %scan3A_476 : i32 to index
      %get3A_565 = arith.constant 128 : index
      %get3A_566 = tpu.vector_load %arg5[%get3A_564, %get3A_565] {strides = array<i32>} : memref<32x768xf32, #tpu.memory_space<vmem>>, vector<1x16xf32>,
      %get3A_567 = vector.shape_cast %get3A_566 : vector<1x16xf32> to vector<16xf32>
      %add3A_568 = arith.addf %scan3A_485, %get3A_567 : vector<16xf32>
      %get3A_569 = arith.index_cast %scan3A_476 : i32 to index
      %get3A_570 = arith.constant 144 : index
      %get3A_571 = tpu.vector_load %arg5[%get3A_569, %get3A_570] {strides = array<i32>} : memref<32x768xf32, #tpu.memory_space<vmem>>, vector<1x16xf32>,
      %get3A_572 = vector.shape_cast %get3A_571 : vector<1x16xf32> to vector<16xf32>
      %add3A_573 = arith.addf %scan3A_486, %get3A_572 : vector<16xf32>
      %get3A_574 = arith.index_cast %scan3A_476 : i32 to index
      %get3A_575 = arith.constant 160 : index
      %get3A_576 = tpu.vector_load %arg5[%get3A_574, %get3A_575] {strides = array<i32>} : memref<32x768xf32, #tpu.memory_space<vmem>>, vector<1x16xf32>,
      %get3A_577 = vector.shape_cast %get3A_576 : vector<1x16xf32> to vector<16xf32>
      %add3A_578 = arith.addf %scan3A_487, %get3A_577 : vector<16xf32>
      %get3A_579 = arith.index_cast %scan3A_476 : i32 to index
      %get3A_580 = arith.constant 176 : index
      %get3A_581 = tpu.vector_load %arg5[%get3A_579, %get3A_580] {strides = array<i32>} : memref<32x768xf32, #tpu.memory_space<vmem>>, vector<1x16xf32>,
      %get3A_582 = vector.shape_cast %get3A_581 : vector<1x16xf32> to vector<16xf32>
      %add3A_583 = arith.addf %scan3A_488, %get3A_582 : vector<16xf32>
      %get3A_584 = arith.index_cast %scan3A_476 : i32 to index
      %get3A_585 = arith.constant 192 : index
      %get3A_586 = tpu.vector_load %arg5[%get3A_584, %get3A_585] {strides = array<i32>} : memref<32x768xf32, #tpu.memory_space<vmem>>, vector<1x16xf32>,
      %get3A_587 = vector.shape_cast %get3A_586 : vector<1x16xf32> to vector<16xf32>
      %add3A_588 = arith.addf %scan3A_489, %get3A_587 : vector<16xf32>
      %get3A_589 = arith.index_cast %scan3A_476 : i32 to index
      %get3A_590 = arith.constant 208 : index
      %get3A_591 = tpu.vector_load %arg5[%get3A_589, %get3A_590] {strides = array<i32>} : memref<32x768xf32, #tpu.memory_space<vmem>>, vector<1x16xf32>,
      %get3A_592 = vector.shape_cast %get3A_591 : vector<1x16xf32> to vector<16xf32>
      %add3A_593 = arith.addf %scan3A_490, %get3A_592 : vector<16xf32>
      %get3A_594 = arith.index_cast %scan3A_476 : i32 to index
      %get3A_595 = arith.constant 224 : index
      %get3A_596 = tpu.vector_load %arg5[%get3A_594, %get3A_595] {strides = array<i32>} : memref<32x768xf32, #tpu.memory_space<vmem>>, vector<1x16xf32>,
      %get3A_597 = vector.shape_cast %get3A_596 : vector<1x16xf32> to vector<16xf32>
      %add3A_598 = arith.addf %scan3A_491, %get3A_597 : vector<16xf32>
      %get3A_599 = arith.index_cast %scan3A_476 : i32 to index
      %get3A_600 = arith.constant 240 : index
      %get3A_601 = tpu.vector_load %arg5[%get3A_599, %get3A_600] {strides = array<i32>} : memref<32x768xf32, #tpu.memory_space<vmem>>, vector<1x16xf32>,
      %get3A_602 = vector.shape_cast %get3A_601 : vector<1x16xf32> to vector<16xf32>
      %add3A_603 = arith.addf %scan3A_492, %get3A_602 : vector<16xf32>
      %get3A_604 = arith.index_cast %scan3A_476 : i32 to index
      %get3A_605 = arith.constant 256 : index
      %get3A_606 = tpu.vector_load %arg5[%get3A_604, %get3A_605] {strides = array<i32>} : memref<32x768xf32, #tpu.memory_space<vmem>>, vector<1x16xf32>,
      %get3A_607 = vector.shape_cast %get3A_606 : vector<1x16xf32> to vector<16xf32>
      %add3A_608 = arith.addf %scan3A_493, %get3A_607 : vector<16xf32>
      %get3A_609 = arith.index_cast %scan3A_476 : i32 to index
      %get3A_610 = arith.constant 272 : index
      %get3A_611 = tpu.vector_load %arg5[%get3A_609, %get3A_610] {strides = array<i32>} : memref<32x768xf32, #tpu.memory_space<vmem>>, vector<1x16xf32>,
      %get3A_612 = vector.shape_cast %get3A_611 : vector<1x16xf32> to vector<16xf32>
      %add3A_613 = arith.addf %scan3A_494, %get3A_612 : vector<16xf32>
      %get3A_614 = arith.index_cast %scan3A_476 : i32 to index
      %get3A_615 = arith.constant 288 : index
      %get3A_616 = tpu.vector_load %arg5[%get3A_614, %get3A_615] {strides = array<i32>} : memref<32x768xf32, #tpu.memory_space<vmem>>, vector<1x16xf32>,
      %get3A_617 = vector.shape_cast %get3A_616 : vector<1x16xf32> to vector<16xf32>
      %add3A_618 = arith.addf %scan3A_495, %get3A_617 : vector<16xf32>
      %get3A_619 = arith.index_cast %scan3A_476 : i32 to index
      %get3A_620 = arith.constant 304 : index
      %get3A_621 = tpu.vector_load %arg5[%get3A_619, %get3A_620] {strides = array<i32>} : memref<32x768xf32, #tpu.memory_space<vmem>>, vector<1x16xf32>,
      %get3A_622 = vector.shape_cast %get3A_621 : vector<1x16xf32> to vector<16xf32>
      %add3A_623 = arith.addf %scan3A_496, %get3A_622 : vector<16xf32>
      %get3A_624 = arith.index_cast %scan3A_476 : i32 to index
      %get3A_625 = arith.constant 320 : index
      %get3A_626 = tpu.vector_load %arg5[%get3A_624, %get3A_625] {strides = array<i32>} : memref<32x768xf32, #tpu.memory_space<vmem>>, vector<1x16xf32>,
      %get3A_627 = vector.shape_cast %get3A_626 : vector<1x16xf32> to vector<16xf32>
      %add3A_628 = arith.addf %scan3A_497, %get3A_627 : vector<16xf32>
      %get3A_629 = arith.index_cast %scan3A_476 : i32 to index
      %get3A_630 = arith.constant 336 : index
      %get3A_631 = tpu.vector_load %arg5[%get3A_629, %get3A_630] {strides = array<i32>} : memref<32x768xf32, #tpu.memory_space<vmem>>, vector<1x16xf32>,
      %get3A_632 = vector.shape_cast %get3A_631 : vector<1x16xf32> to vector<16xf32>
      %add3A_633 = arith.addf %scan3A_498, %get3A_632 : vector<16xf32>
      %get3A_634 = arith.index_cast %scan3A_476 : i32 to index
      %get3A_635 = arith.constant 352 : index
      %get3A_636 = tpu.vector_load %arg5[%get3A_634, %get3A_635] {strides = array<i32>} : memref<32x768xf32, #tpu.memory_space<vmem>>, vector<1x16xf32>,
      %get3A_637 = vector.shape_cast %get3A_636 : vector<1x16xf32> to vector<16xf32>
      %add3A_638 = arith.addf %scan3A_499, %get3A_637 : vector<16xf32>
      %get3A_639 = arith.index_cast %scan3A_476 : i32 to index
      %get3A_640 = arith.constant 368 : index
      %get3A_641 = tpu.vector_load %arg5[%get3A_639, %get3A_640] {strides = array<i32>} : memref<32x768xf32, #tpu.memory_space<vmem>>, vector<1x16xf32>,
      %get3A_642 = vector.shape_cast %get3A_641 : vector<1x16xf32> to vector<16xf32>
      %add3A_643 = arith.addf %scan3A_500, %get3A_642 : vector<16xf32>
      %get3A_644 = arith.index_cast %scan3A_476 : i32 to index
      %get3A_645 = arith.constant 384 : index
      %get3A_646 = tpu.vector_load %arg5[%get3A_644, %get3A_645] {strides = array<i32>} : memref<32x768xf32, #tpu.memory_space<vmem>>, vector<1x16xf32>,
      %get3A_647 = vector.shape_cast %get3A_646 : vector<1x16xf32> to vector<16xf32>
      %add3A_648 = arith.addf %scan3A_501, %get3A_647 : vector<16xf32>
      %get3A_649 = arith.index_cast %scan3A_476 : i32 to index
      %get3A_650 = arith.constant 400 : index
      %get3A_651 = tpu.vector_load %arg5[%get3A_649, %get3A_650] {strides = array<i32>} : memref<32x768xf32, #tpu.memory_space<vmem>>, vector<1x16xf32>,
      %get3A_652 = vector.shape_cast %get3A_651 : vector<1x16xf32> to vector<16xf32>
      %add3A_653 = arith.addf %scan3A_502, %get3A_652 : vector<16xf32>
      %get3A_654 = arith.index_cast %scan3A_476 : i32 to index
      %get3A_655 = arith.constant 416 : index
      %get3A_656 = tpu.vector_load %arg5[%get3A_654, %get3A_655] {strides = array<i32>} : memref<32x768xf32, #tpu.memory_space<vmem>>, vector<1x16xf32>,
      %get3A_657 = vector.shape_cast %get3A_656 : vector<1x16xf32> to vector<16xf32>
      %add3A_658 = arith.addf %scan3A_503, %get3A_657 : vector<16xf32>
      %get3A_659 = arith.index_cast %scan3A_476 : i32 to index
      %get3A_660 = arith.constant 432 : index
      %get3A_661 = tpu.vector_load %arg5[%get3A_659, %get3A_660] {strides = array<i32>} : memref<32x768xf32, #tpu.memory_space<vmem>>, vector<1x16xf32>,
      %get3A_662 = vector.shape_cast %get3A_661 : vector<1x16xf32> to vector<16xf32>
      %add3A_663 = arith.addf %scan3A_504, %get3A_662 : vector<16xf32>
      %get3A_664 = arith.index_cast %scan3A_476 : i32 to index
      %get3A_665 = arith.constant 448 : index
      %get3A_666 = tpu.vector_load %arg5[%get3A_664, %get3A_665] {strides = array<i32>} : memref<32x768xf32, #tpu.memory_space<vmem>>, vector<1x16xf32>,
      %get3A_667 = vector.shape_cast %get3A_666 : vector<1x16xf32> to vector<16xf32>
      %add3A_668 = arith.addf %scan3A_505, %get3A_667 : vector<16xf32>
      %get3A_669 = arith.index_cast %scan3A_476 : i32 to index
      %get3A_670 = arith.constant 464 : index
      %get3A_671 = tpu.vector_load %arg5[%get3A_669, %get3A_670] {strides = array<i32>} : memref<32x768xf32, #tpu.memory_space<vmem>>, vector<1x16xf32>,
      %get3A_672 = vector.shape_cast %get3A_671 : vector<1x16xf32> to vector<16xf32>
      %add3A_673 = arith.addf %scan3A_506, %get3A_672 : vector<16xf32>
      %get3A_674 = arith.index_cast %scan3A_476 : i32 to index
      %get3A_675 = arith.constant 480 : index
      %get3A_676 = tpu.vector_load %arg5[%get3A_674, %get3A_675] {strides = array<i32>} : memref<32x768xf32, #tpu.memory_space<vmem>>, vector<1x16xf32>,
      %get3A_677 = vector.shape_cast %get3A_676 : vector<1x16xf32> to vector<16xf32>
      %add3A_678 = arith.addf %scan3A_507, %get3A_677 : vector<16xf32>
      %get3A_679 = arith.index_cast %scan3A_476 : i32 to index
      %get3A_680 = arith.constant 496 : index
      %get3A_681 = tpu.vector_load %arg5[%get3A_679, %get3A_680] {strides = array<i32>} : memref<32x768xf32, #tpu.memory_space<vmem>>, vector<1x16xf32>,
      %get3A_682 = vector.shape_cast %get3A_681 : vector<1x16xf32> to vector<16xf32>
      %add3A_683 = arith.addf %scan3A_508, %get3A_682 : vector<16xf32>
      %get3A_684 = arith.index_cast %scan3A_476 : i32 to index
      %get3A_685 = arith.constant 512 : index
      %get3A_686 = tpu.vector_load %arg5[%get3A_684, %get3A_685] {strides = array<i32>} : memref<32x768xf32, #tpu.memory_space<vmem>>, vector<1x16xf32>,
      %get3A_687 = vector.shape_cast %get3A_686 : vector<1x16xf32> to vector<16xf32>
      %add3A_688 = arith.addf %scan3A_509, %get3A_687 : vector<16xf32>
      %get3A_689 = arith.index_cast %scan3A_476 : i32 to index
      %get3A_690 = arith.constant 528 : index
      %get3A_691 = tpu.vector_load %arg5[%get3A_689, %get3A_690] {strides = array<i32>} : memref<32x768xf32, #tpu.memory_space<vmem>>, vector<1x16xf32>,
      %get3A_692 = vector.shape_cast %get3A_691 : vector<1x16xf32> to vector<16xf32>
      %add3A_693 = arith.addf %scan3A_510, %get3A_692 : vector<16xf32>
      %get3A_694 = arith.index_cast %scan3A_476 : i32 to index
      %get3A_695 = arith.constant 544 : index
      %get3A_696 = tpu.vector_load %arg5[%get3A_694, %get3A_695] {strides = array<i32>} : memref<32x768xf32, #tpu.memory_space<vmem>>, vector<1x16xf32>,
      %get3A_697 = vector.shape_cast %get3A_696 : vector<1x16xf32> to vector<16xf32>
      %add3A_698 = arith.addf %scan3A_511, %get3A_697 : vector<16xf32>
      %get3A_699 = arith.index_cast %scan3A_476 : i32 to index
      %get3A_700 = arith.constant 560 : index
      %get3A_701 = tpu.vector_load %arg5[%get3A_699, %get3A_700] {strides = array<i32>} : memref<32x768xf32, #tpu.memory_space<vmem>>, vector<1x16xf32>,
      %get3A_702 = vector.shape_cast %get3A_701 : vector<1x16xf32> to vector<16xf32>
      %add3A_703 = arith.addf %scan3A_512, %get3A_702 : vector<16xf32>
      %get3A_704 = arith.index_cast %scan3A_476 : i32 to index
      %get3A_705 = arith.constant 576 : index
      %get3A_706 = tpu.vector_load %arg5[%get3A_704, %get3A_705] {strides = array<i32>} : memref<32x768xf32, #tpu.memory_space<vmem>>, vector<1x16xf32>,
      %get3A_707 = vector.shape_cast %get3A_706 : vector<1x16xf32> to vector<16xf32>
      %add3A_708 = arith.addf %scan3A_513, %get3A_707 : vector<16xf32>
      %get3A_709 = arith.index_cast %scan3A_476 : i32 to index
      %get3A_710 = arith.constant 592 : index
      %get3A_711 = tpu.vector_load %arg5[%get3A_709, %get3A_710] {strides = array<i32>} : memref<32x768xf32, #tpu.memory_space<vmem>>, vector<1x16xf32>,
      %get3A_712 = vector.shape_cast %get3A_711 : vector<1x16xf32> to vector<16xf32>
      %add3A_713 = arith.addf %scan3A_514, %get3A_712 : vector<16xf32>
      %get3A_714 = arith.index_cast %scan3A_476 : i32 to index
      %get3A_715 = arith.constant 608 : index
      %get3A_716 = tpu.vector_load %arg5[%get3A_714, %get3A_715] {strides = array<i32>} : memref<32x768xf32, #tpu.memory_space<vmem>>, vector<1x16xf32>,
      %get3A_717 = vector.shape_cast %get3A_716 : vector<1x16xf32> to vector<16xf32>
      %add3A_718 = arith.addf %scan3A_515, %get3A_717 : vector<16xf32>
      %get3A_719 = arith.index_cast %scan3A_476 : i32 to index
      %get3A_720 = arith.constant 624 : index
      %get3A_721 = tpu.vector_load %arg5[%get3A_719, %get3A_720] {strides = array<i32>} : memref<32x768xf32, #tpu.memory_space<vmem>>, vector<1x16xf32>,
      %get3A_722 = vector.shape_cast %get3A_721 : vector<1x16xf32> to vector<16xf32>
      %add3A_723 = arith.addf %scan3A_516, %get3A_722 : vector<16xf32>
      %get3A_724 = arith.index_cast %scan3A_476 : i32 to index
      %get3A_725 = arith.constant 640 : index
      %get3A_726 = tpu.vector_load %arg5[%get3A_724, %get3A_725] {strides = array<i32>} : memref<32x768xf32, #tpu.memory_space<vmem>>, vector<1x16xf32>,
      %get3A_727 = vector.shape_cast %get3A_726 : vector<1x16xf32> to vector<16xf32>
      %add3A_728 = arith.addf %scan3A_517, %get3A_727 : vector<16xf32>
      %get3A_729 = arith.index_cast %scan3A_476 : i32 to index
      %get3A_730 = arith.constant 656 : index
      %get3A_731 = tpu.vector_load %arg5[%get3A_729, %get3A_730] {strides = array<i32>} : memref<32x768xf32, #tpu.memory_space<vmem>>, vector<1x16xf32>,
      %get3A_732 = vector.shape_cast %get3A_731 : vector<1x16xf32> to vector<16xf32>
      %add3A_733 = arith.addf %scan3A_518, %get3A_732 : vector<16xf32>
      %get3A_734 = arith.index_cast %scan3A_476 : i32 to index
      %get3A_735 = arith.constant 672 : index
      %get3A_736 = tpu.vector_load %arg5[%get3A_734, %get3A_735] {strides = array<i32>} : memref<32x768xf32, #tpu.memory_space<vmem>>, vector<1x16xf32>,
      %get3A_737 = vector.shape_cast %get3A_736 : vector<1x16xf32> to vector<16xf32>
      %add3A_738 = arith.addf %scan3A_519, %get3A_737 : vector<16xf32>
      %get3A_739 = arith.index_cast %scan3A_476 : i32 to index
      %get3A_740 = arith.constant 688 : index
      %get3A_741 = tpu.vector_load %arg5[%get3A_739, %get3A_740] {strides = array<i32>} : memref<32x768xf32, #tpu.memory_space<vmem>>, vector<1x16xf32>,
      %get3A_742 = vector.shape_cast %get3A_741 : vector<1x16xf32> to vector<16xf32>
      %add3A_743 = arith.addf %scan3A_520, %get3A_742 : vector<16xf32>
      %get3A_744 = arith.index_cast %scan3A_476 : i32 to index
      %get3A_745 = arith.constant 704 : index
      %get3A_746 = tpu.vector_load %arg5[%get3A_744, %get3A_745] {strides = array<i32>} : memref<32x768xf32, #tpu.memory_space<vmem>>, vector<1x16xf32>,
      %get3A_747 = vector.shape_cast %get3A_746 : vector<1x16xf32> to vector<16xf32>
      %add3A_748 = arith.addf %scan3A_521, %get3A_747 : vector<16xf32>
      %get3A_749 = arith.index_cast %scan3A_476 : i32 to index
      %get3A_750 = arith.constant 720 : index
      %get3A_751 = tpu.vector_load %arg5[%get3A_749, %get3A_750] {strides = array<i32>} : memref<32x768xf32, #tpu.memory_space<vmem>>, vector<1x16xf32>,
      %get3A_752 = vector.shape_cast %get3A_751 : vector<1x16xf32> to vector<16xf32>
      %add3A_753 = arith.addf %scan3A_522, %get3A_752 : vector<16xf32>
      %get3A_754 = arith.index_cast %scan3A_476 : i32 to index
      %get3A_755 = arith.constant 736 : index
      %get3A_756 = tpu.vector_load %arg5[%get3A_754, %get3A_755] {strides = array<i32>} : memref<32x768xf32, #tpu.memory_space<vmem>>, vector<1x16xf32>,
      %get3A_757 = vector.shape_cast %get3A_756 : vector<1x16xf32> to vector<16xf32>
      %add3A_758 = arith.addf %scan3A_523, %get3A_757 : vector<16xf32>
      %get3A_759 = arith.index_cast %scan3A_476 : i32 to index
      %get3A_760 = arith.constant 752 : index
      %get3A_761 = tpu.vector_load %arg5[%get3A_759, %get3A_760] {strides = array<i32>} : memref<32x768xf32, #tpu.memory_space<vmem>>, vector<1x16xf32>,
      %get3A_762 = vector.shape_cast %get3A_761 : vector<1x16xf32> to vector<16xf32>
      %add3A_763 = arith.addf %scan3A_524, %get3A_762 : vector<16xf32>
      scf.yield %add3A_528, %add3A_533, %add3A_538, %add3A_543, %add3A_548, %add3A_553, %add3A_558, %add3A_563, %add3A_568, %add3A_573, %add3A_578, %add3A_583, %add3A_588, %add3A_593, %add3A_598, %add3A_603, %add3A_608, %add3A_613, %add3A_618, %add3A_623, %add3A_628, %add3A_633, %add3A_638, %add3A_643, %add3A_648, %add3A_653, %add3A_658, %add3A_663, %add3A_668, %add3A_673, %add3A_678, %add3A_683, %add3A_688, %add3A_693, %add3A_698, %add3A_703, %add3A_708, %add3A_713, %add3A_718, %add3A_723, %add3A_728, %add3A_733, %add3A_738, %add3A_743, %add3A_748, %add3A_753, %add3A_758, %add3A_763 : vector<16xf32>, vector<16xf32>, vector<16xf32>, vector<16xf32>, vector<16xf32>, vector<16xf32>, vector<16xf32>, vector<16xf32>, vector<16xf32>, vector<16xf32>, vector<16xf32>, vector<16xf32>, vector<16xf32>, vector<16xf32>, vector<16xf32>, vector<16xf32>, vector<16xf32>, vector<16xf32>, vector<16xf32>, vector<16xf32>, vector<16xf32>, vector<16xf32>, vector<16xf32>, vector<16xf32>, vector<16xf32>, vector<16xf32>, vector<16xf32>, vector<16xf32>, vector<16xf32>, vector<16xf32>, vector<16xf32>, vector<16xf32>, vector<16xf32>, vector<16xf32>, vector<16xf32>, vector<16xf32>, vector<16xf32>, vector<16xf32>, vector<16xf32>, vector<16xf32>, vector<16xf32>, vector<16xf32>, vector<16xf32>, vector<16xf32>, vector<16xf32>, vector<16xf32>, vector<16xf32>, vector<16xf32>
    }
    %scan3A_172 = arith.constant 32 : i32
    %add3A_173 = arith.constant 96 : i32
    %add3A_174 = arith.addi %add3A_34, %add3A_173 : i32
    %dma_start3A_175 = arith.constant 0 : i32
    %dma_start3A_176 = tpu.memref_slice %arg2[%select_n3A, %add3A_174, %dma_start3A_175] : memref<2x8192x768xf32, #tpu.memory_space<hbm>> -> memref<1x32x768xf32, #tpu.memory_space<hbm>>
    %dma_start3A_177 = tpu.memref_squeeze %dma_start3A_176 : memref<1x32x768xf32, #tpu.memory_space<hbm>> -> memref<32x768xf32, #tpu.memory_space<hbm>>
    %dma_start3A_178 = arith.constant 0 : i32
    %dma_start3A_179 = tpu.memref_slice %arg2[%select_n3A, %add3A_174, %dma_start3A_178] : memref<2x8192x768xf32, #tpu.memory_space<hbm>> -> memref<1x32x768xf32, #tpu.memory_space<hbm>>
    %dma_start3A_180 = tpu.memref_squeeze %dma_start3A_179 : memref<1x32x768xf32, #tpu.memory_space<hbm>> -> memref<32x768xf32, #tpu.memory_space<hbm>>
    tpu.enqueue_dma source(%dma_start3A_180 : memref<32x768xf32, #tpu.memory_space<hbm>>) target(%arg5 : memref<32x768xf32, #tpu.memory_space<vmem>>) target_semaphore(%arg8 : memref<!tpu.dma_semaphore, #tpu.memory_space<semaphore_mem>>)
    %dma_wait3A_181 = arith.constant 0 : i32
    %dma_wait3A_182 = tpu.memref_slice %arg2[%select_n3A, %add3A_154, %dma_wait3A_181] : memref<2x8192x768xf32, #tpu.memory_space<hbm>> -> memref<1x32x768xf32, #tpu.memory_space<hbm>>
    %dma_wait3A_183 = tpu.memref_squeeze %dma_wait3A_182 : memref<1x32x768xf32, #tpu.memory_space<hbm>> -> memref<32x768xf32, #tpu.memory_space<hbm>>
    %dma_wait3A_184 = arith.constant 0 : i32
    %dma_wait3A_185 = tpu.memref_slice %arg2[%select_n3A, %add3A_154, %dma_wait3A_184] : memref<2x8192x768xf32, #tpu.memory_space<hbm>> -> memref<1x32x768xf32, #tpu.memory_space<hbm>>
    %dma_wait3A_186 = tpu.memref_squeeze %dma_wait3A_185 : memref<1x32x768xf32, #tpu.memory_space<hbm>> -> memref<32x768xf32, #tpu.memory_space<hbm>>
    tpu.wait_dma2 semaphore(%arg7 : memref<!tpu.dma_semaphore, #tpu.memory_space<semaphore_mem>>) src(%dma_wait3A_186 : memref<32x768xf32, #tpu.memory_space<hbm>>) dst(%arg4 : memref<32x768xf32, #tpu.memory_space<vmem>>)
    %scan3A_187 = arith.constant 0 : i32
    %scan3A_188 = arith.constant 32 : i32
    %scan3A_189 = arith.addi %scan3A_187, %scan3A_188 : i32
    %scan3A_190 = arith.constant 1 : i32
    %scan3A_191:48 = scf.for %scan3A_476 = %scan3A_187 to %scan3A_189 step %scan3A_190 iter_args(%scan3A_477 = %scan3A_171#0, %scan3A_478 = %scan3A_171#1, %scan3A_479 = %scan3A_171#2, %scan3A_480 = %scan3A_171#3, %scan3A_481 = %scan3A_171#4, %scan3A_482 = %scan3A_171#5, %scan3A_483 = %scan3A_171#6, %scan3A_484 = %scan3A_171#7, %scan3A_485 = %scan3A_171#8, %scan3A_486 = %scan3A_171#9, %scan3A_487 = %scan3A_171#10, %scan3A_488 = %scan3A_171#11, %scan3A_489 = %scan3A_171#12, %scan3A_490 = %scan3A_171#13, %scan3A_491 = %scan3A_171#14, %scan3A_492 = %scan3A_171#15, %scan3A_493 = %scan3A_171#16, %scan3A_494 = %scan3A_171#17, %scan3A_495 = %scan3A_171#18, %scan3A_496 = %scan3A_171#19, %scan3A_497 = %scan3A_171#20, %scan3A_498 = %scan3A_171#21, %scan3A_499 = %scan3A_171#22, %scan3A_500 = %scan3A_171#23, %scan3A_501 = %scan3A_171#24, %scan3A_502 = %scan3A_171#25, %scan3A_503 = %scan3A_171#26, %scan3A_504 = %scan3A_171#27, %scan3A_505 = %scan3A_171#28, %scan3A_506 = %scan3A_171#29, %scan3A_507 = %scan3A_171#30, %scan3A_508 = %scan3A_171#31, %scan3A_509 = %scan3A_171#32, %scan3A_510 = %scan3A_171#33, %scan3A_511 = %scan3A_171#34, %scan3A_512 = %scan3A_171#35, %scan3A_513 = %scan3A_171#36, %scan3A_514 = %scan3A_171#37, %scan3A_515 = %scan3A_171#38, %scan3A_516 = %scan3A_171#39, %scan3A_517 = %scan3A_171#40, %scan3A_518 = %scan3A_171#41, %scan3A_519 = %scan3A_171#42, %scan3A_520 = %scan3A_171#43, %scan3A_521 = %scan3A_171#44, %scan3A_522 = %scan3A_171#45, %scan3A_523 = %scan3A_171#46, %scan3A_524 = %scan3A_171#47) -> (vector<16xf32>, vector<16xf32>, vector<16xf32>, vector<16xf32>, vector<16xf32>, vector<16xf32>, vector<16xf32>, vector<16xf32>, vector<16xf32>, vector<16xf32>, vector<16xf32>, vector<16xf32>, vector<16xf32>, vector<16xf32>, vector<16xf32>, vector<16xf32>, vector<16xf32>, vector<16xf32>, vector<16xf32>, vector<16xf32>, vector<16xf32>, vector<16xf32>, vector<16xf32>, vector<16xf32>, vector<16xf32>, vector<16xf32>, vector<16xf32>, vector<16xf32>, vector<16xf32>, vector<16xf32>, vector<16xf32>, vector<16xf32>, vector<16xf32>, vector<16xf32>, vector<16xf32>, vector<16xf32>, vector<16xf32>, vector<16xf32>, vector<16xf32>, vector<16xf32>, vector<16xf32>, vector<16xf32>, vector<16xf32>, vector<16xf32>, vector<16xf32>, vector<16xf32>, vector<16xf32>, vector<16xf32>)  : i32 {
      %get3A = arith.index_cast %scan3A_476 : i32 to index
      %get3A_525 = arith.constant 0 : index
      %get3A_526 = tpu.vector_load %arg4[%get3A, %get3A_525] {strides = array<i32>} : memref<32x768xf32, #tpu.memory_space<vmem>>, vector<1x16xf32>,
      %get3A_527 = vector.shape_cast %get3A_526 : vector<1x16xf32> to vector<16xf32>
      %add3A_528 = arith.addf %scan3A_477, %get3A_527 : vector<16xf32>
      %get3A_529 = arith.index_cast %scan3A_476 : i32 to index
      %get3A_530 = arith.constant 16 : index
      %get3A_531 = tpu.vector_load %arg4[%get3A_529, %get3A_530] {strides = array<i32>} : memref<32x768xf32, #tpu.memory_space<vmem>>, vector<1x16xf32>,
      %get3A_532 = vector.shape_cast %get3A_531 : vector<1x16xf32> to vector<16xf32>
      %add3A_533 = arith.addf %scan3A_478, %get3A_532 : vector<16xf32>
      %get3A_534 = arith.index_cast %scan3A_476 : i32 to index
      %get3A_535 = arith.constant 32 : index
      %get3A_536 = tpu.vector_load %arg4[%get3A_534, %get3A_535] {strides = array<i32>} : memref<32x768xf32, #tpu.memory_space<vmem>>, vector<1x16xf32>,
      %get3A_537 = vector.shape_cast %get3A_536 : vector<1x16xf32> to vector<16xf32>
      %add3A_538 = arith.addf %scan3A_479, %get3A_537 : vector<16xf32>
      %get3A_539 = arith.index_cast %scan3A_476 : i32 to index
      %get3A_540 = arith.constant 48 : index
      %get3A_541 = tpu.vector_load %arg4[%get3A_539, %get3A_540] {strides = array<i32>} : memref<32x768xf32, #tpu.memory_space<vmem>>, vector<1x16xf32>,
      %get3A_542 = vector.shape_cast %get3A_541 : vector<1x16xf32> to vector<16xf32>
      %add3A_543 = arith.addf %scan3A_480, %get3A_542 : vector<16xf32>
      %get3A_544 = arith.index_cast %scan3A_476 : i32 to index
      %get3A_545 = arith.constant 64 : index
      %get3A_546 = tpu.vector_load %arg4[%get3A_544, %get3A_545] {strides = array<i32>} : memref<32x768xf32, #tpu.memory_space<vmem>>, vector<1x16xf32>,
      %get3A_547 = vector.shape_cast %get3A_546 : vector<1x16xf32> to vector<16xf32>
      %add3A_548 = arith.addf %scan3A_481, %get3A_547 : vector<16xf32>
      %get3A_549 = arith.index_cast %scan3A_476 : i32 to index
      %get3A_550 = arith.constant 80 : index
      %get3A_551 = tpu.vector_load %arg4[%get3A_549, %get3A_550] {strides = array<i32>} : memref<32x768xf32, #tpu.memory_space<vmem>>, vector<1x16xf32>,
      %get3A_552 = vector.shape_cast %get3A_551 : vector<1x16xf32> to vector<16xf32>
      %add3A_553 = arith.addf %scan3A_482, %get3A_552 : vector<16xf32>
      %get3A_554 = arith.index_cast %scan3A_476 : i32 to index
      %get3A_555 = arith.constant 96 : index
      %get3A_556 = tpu.vector_load %arg4[%get3A_554, %get3A_555] {strides = array<i32>} : memref<32x768xf32, #tpu.memory_space<vmem>>, vector<1x16xf32>,
      %get3A_557 = vector.shape_cast %get3A_556 : vector<1x16xf32> to vector<16xf32>
      %add3A_558 = arith.addf %scan3A_483, %get3A_557 : vector<16xf32>
      %get3A_559 = arith.index_cast %scan3A_476 : i32 to index
      %get3A_560 = arith.constant 112 : index
      %get3A_561 = tpu.vector_load %arg4[%get3A_559, %get3A_560] {strides = array<i32>} : memref<32x768xf32, #tpu.memory_space<vmem>>, vector<1x16xf32>,
      %get3A_562 = vector.shape_cast %get3A_561 : vector<1x16xf32> to vector<16xf32>
      %add3A_563 = arith.addf %scan3A_484, %get3A_562 : vector<16xf32>
      %get3A_564 = arith.index_cast %scan3A_476 : i32 to index
      %get3A_565 = arith.constant 128 : index
      %get3A_566 = tpu.vector_load %arg4[%get3A_564, %get3A_565] {strides = array<i32>} : memref<32x768xf32, #tpu.memory_space<vmem>>, vector<1x16xf32>,
      %get3A_567 = vector.shape_cast %get3A_566 : vector<1x16xf32> to vector<16xf32>
      %add3A_568 = arith.addf %scan3A_485, %get3A_567 : vector<16xf32>
      %get3A_569 = arith.index_cast %scan3A_476 : i32 to index
      %get3A_570 = arith.constant 144 : index
      %get3A_571 = tpu.vector_load %arg4[%get3A_569, %get3A_570] {strides = array<i32>} : memref<32x768xf32, #tpu.memory_space<vmem>>, vector<1x16xf32>,
      %get3A_572 = vector.shape_cast %get3A_571 : vector<1x16xf32> to vector<16xf32>
      %add3A_573 = arith.addf %scan3A_486, %get3A_572 : vector<16xf32>
      %get3A_574 = arith.index_cast %scan3A_476 : i32 to index
      %get3A_575 = arith.constant 160 : index
      %get3A_576 = tpu.vector_load %arg4[%get3A_574, %get3A_575] {strides = array<i32>} : memref<32x768xf32, #tpu.memory_space<vmem>>, vector<1x16xf32>,
      %get3A_577 = vector.shape_cast %get3A_576 : vector<1x16xf32> to vector<16xf32>
      %add3A_578 = arith.addf %scan3A_487, %get3A_577 : vector<16xf32>
      %get3A_579 = arith.index_cast %scan3A_476 : i32 to index
      %get3A_580 = arith.constant 176 : index
      %get3A_581 = tpu.vector_load %arg4[%get3A_579, %get3A_580] {strides = array<i32>} : memref<32x768xf32, #tpu.memory_space<vmem>>, vector<1x16xf32>,
      %get3A_582 = vector.shape_cast %get3A_581 : vector<1x16xf32> to vector<16xf32>
      %add3A_583 = arith.addf %scan3A_488, %get3A_582 : vector<16xf32>
      %get3A_584 = arith.index_cast %scan3A_476 : i32 to index
      %get3A_585 = arith.constant 192 : index
      %get3A_586 = tpu.vector_load %arg4[%get3A_584, %get3A_585] {strides = array<i32>} : memref<32x768xf32, #tpu.memory_space<vmem>>, vector<1x16xf32>,
      %get3A_587 = vector.shape_cast %get3A_586 : vector<1x16xf32> to vector<16xf32>
      %add3A_588 = arith.addf %scan3A_489, %get3A_587 : vector<16xf32>
      %get3A_589 = arith.index_cast %scan3A_476 : i32 to index
      %get3A_590 = arith.constant 208 : index
      %get3A_591 = tpu.vector_load %arg4[%get3A_589, %get3A_590] {strides = array<i32>} : memref<32x768xf32, #tpu.memory_space<vmem>>, vector<1x16xf32>,
      %get3A_592 = vector.shape_cast %get3A_591 : vector<1x16xf32> to vector<16xf32>
      %add3A_593 = arith.addf %scan3A_490, %get3A_592 : vector<16xf32>
      %get3A_594 = arith.index_cast %scan3A_476 : i32 to index
      %get3A_595 = arith.constant 224 : index
      %get3A_596 = tpu.vector_load %arg4[%get3A_594, %get3A_595] {strides = array<i32>} : memref<32x768xf32, #tpu.memory_space<vmem>>, vector<1x16xf32>,
      %get3A_597 = vector.shape_cast %get3A_596 : vector<1x16xf32> to vector<16xf32>
      %add3A_598 = arith.addf %scan3A_491, %get3A_597 : vector<16xf32>
      %get3A_599 = arith.index_cast %scan3A_476 : i32 to index
      %get3A_600 = arith.constant 240 : index
      %get3A_601 = tpu.vector_load %arg4[%get3A_599, %get3A_600] {strides = array<i32>} : memref<32x768xf32, #tpu.memory_space<vmem>>, vector<1x16xf32>,
      %get3A_602 = vector.shape_cast %get3A_601 : vector<1x16xf32> to vector<16xf32>
      %add3A_603 = arith.addf %scan3A_492, %get3A_602 : vector<16xf32>
      %get3A_604 = arith.index_cast %scan3A_476 : i32 to index
      %get3A_605 = arith.constant 256 : index
      %get3A_606 = tpu.vector_load %arg4[%get3A_604, %get3A_605] {strides = array<i32>} : memref<32x768xf32, #tpu.memory_space<vmem>>, vector<1x16xf32>,
      %get3A_607 = vector.shape_cast %get3A_606 : vector<1x16xf32> to vector<16xf32>
      %add3A_608 = arith.addf %scan3A_493, %get3A_607 : vector<16xf32>
      %get3A_609 = arith.index_cast %scan3A_476 : i32 to index
      %get3A_610 = arith.constant 272 : index
      %get3A_611 = tpu.vector_load %arg4[%get3A_609, %get3A_610] {strides = array<i32>} : memref<32x768xf32, #tpu.memory_space<vmem>>, vector<1x16xf32>,
      %get3A_612 = vector.shape_cast %get3A_611 : vector<1x16xf32> to vector<16xf32>
      %add3A_613 = arith.addf %scan3A_494, %get3A_612 : vector<16xf32>
      %get3A_614 = arith.index_cast %scan3A_476 : i32 to index
      %get3A_615 = arith.constant 288 : index
      %get3A_616 = tpu.vector_load %arg4[%get3A_614, %get3A_615] {strides = array<i32>} : memref<32x768xf32, #tpu.memory_space<vmem>>, vector<1x16xf32>,
      %get3A_617 = vector.shape_cast %get3A_616 : vector<1x16xf32> to vector<16xf32>
      %add3A_618 = arith.addf %scan3A_495, %get3A_617 : vector<16xf32>
      %get3A_619 = arith.index_cast %scan3A_476 : i32 to index
      %get3A_620 = arith.constant 304 : index
      %get3A_621 = tpu.vector_load %arg4[%get3A_619, %get3A_620] {strides = array<i32>} : memref<32x768xf32, #tpu.memory_space<vmem>>, vector<1x16xf32>,
      %get3A_622 = vector.shape_cast %get3A_621 : vector<1x16xf32> to vector<16xf32>
      %add3A_623 = arith.addf %scan3A_496, %get3A_622 : vector<16xf32>
      %get3A_624 = arith.index_cast %scan3A_476 : i32 to index
      %get3A_625 = arith.constant 320 : index
      %get3A_626 = tpu.vector_load %arg4[%get3A_624, %get3A_625] {strides = array<i32>} : memref<32x768xf32, #tpu.memory_space<vmem>>, vector<1x16xf32>,
      %get3A_627 = vector.shape_cast %get3A_626 : vector<1x16xf32> to vector<16xf32>
      %add3A_628 = arith.addf %scan3A_497, %get3A_627 : vector<16xf32>
      %get3A_629 = arith.index_cast %scan3A_476 : i32 to index
      %get3A_630 = arith.constant 336 : index
      %get3A_631 = tpu.vector_load %arg4[%get3A_629, %get3A_630] {strides = array<i32>} : memref<32x768xf32, #tpu.memory_space<vmem>>, vector<1x16xf32>,
      %get3A_632 = vector.shape_cast %get3A_631 : vector<1x16xf32> to vector<16xf32>
      %add3A_633 = arith.addf %scan3A_498, %get3A_632 : vector<16xf32>
      %get3A_634 = arith.index_cast %scan3A_476 : i32 to index
      %get3A_635 = arith.constant 352 : index
      %get3A_636 = tpu.vector_load %arg4[%get3A_634, %get3A_635] {strides = array<i32>} : memref<32x768xf32, #tpu.memory_space<vmem>>, vector<1x16xf32>,
      %get3A_637 = vector.shape_cast %get3A_636 : vector<1x16xf32> to vector<16xf32>
      %add3A_638 = arith.addf %scan3A_499, %get3A_637 : vector<16xf32>
      %get3A_639 = arith.index_cast %scan3A_476 : i32 to index
      %get3A_640 = arith.constant 368 : index
      %get3A_641 = tpu.vector_load %arg4[%get3A_639, %get3A_640] {strides = array<i32>} : memref<32x768xf32, #tpu.memory_space<vmem>>, vector<1x16xf32>,
      %get3A_642 = vector.shape_cast %get3A_641 : vector<1x16xf32> to vector<16xf32>
      %add3A_643 = arith.addf %scan3A_500, %get3A_642 : vector<16xf32>
      %get3A_644 = arith.index_cast %scan3A_476 : i32 to index
      %get3A_645 = arith.constant 384 : index
      %get3A_646 = tpu.vector_load %arg4[%get3A_644, %get3A_645] {strides = array<i32>} : memref<32x768xf32, #tpu.memory_space<vmem>>, vector<1x16xf32>,
      %get3A_647 = vector.shape_cast %get3A_646 : vector<1x16xf32> to vector<16xf32>
      %add3A_648 = arith.addf %scan3A_501, %get3A_647 : vector<16xf32>
      %get3A_649 = arith.index_cast %scan3A_476 : i32 to index
      %get3A_650 = arith.constant 400 : index
      %get3A_651 = tpu.vector_load %arg4[%get3A_649, %get3A_650] {strides = array<i32>} : memref<32x768xf32, #tpu.memory_space<vmem>>, vector<1x16xf32>,
      %get3A_652 = vector.shape_cast %get3A_651 : vector<1x16xf32> to vector<16xf32>
      %add3A_653 = arith.addf %scan3A_502, %get3A_652 : vector<16xf32>
      %get3A_654 = arith.index_cast %scan3A_476 : i32 to index
      %get3A_655 = arith.constant 416 : index
      %get3A_656 = tpu.vector_load %arg4[%get3A_654, %get3A_655] {strides = array<i32>} : memref<32x768xf32, #tpu.memory_space<vmem>>, vector<1x16xf32>,
      %get3A_657 = vector.shape_cast %get3A_656 : vector<1x16xf32> to vector<16xf32>
      %add3A_658 = arith.addf %scan3A_503, %get3A_657 : vector<16xf32>
      %get3A_659 = arith.index_cast %scan3A_476 : i32 to index
      %get3A_660 = arith.constant 432 : index
      %get3A_661 = tpu.vector_load %arg4[%get3A_659, %get3A_660] {strides = array<i32>} : memref<32x768xf32, #tpu.memory_space<vmem>>, vector<1x16xf32>,
      %get3A_662 = vector.shape_cast %get3A_661 : vector<1x16xf32> to vector<16xf32>
      %add3A_663 = arith.addf %scan3A_504, %get3A_662 : vector<16xf32>
      %get3A_664 = arith.index_cast %scan3A_476 : i32 to index
      %get3A_665 = arith.constant 448 : index
      %get3A_666 = tpu.vector_load %arg4[%get3A_664, %get3A_665] {strides = array<i32>} : memref<32x768xf32, #tpu.memory_space<vmem>>, vector<1x16xf32>,
      %get3A_667 = vector.shape_cast %get3A_666 : vector<1x16xf32> to vector<16xf32>
      %add3A_668 = arith.addf %scan3A_505, %get3A_667 : vector<16xf32>
      %get3A_669 = arith.index_cast %scan3A_476 : i32 to index
      %get3A_670 = arith.constant 464 : index
      %get3A_671 = tpu.vector_load %arg4[%get3A_669, %get3A_670] {strides = array<i32>} : memref<32x768xf32, #tpu.memory_space<vmem>>, vector<1x16xf32>,
      %get3A_672 = vector.shape_cast %get3A_671 : vector<1x16xf32> to vector<16xf32>
      %add3A_673 = arith.addf %scan3A_506, %get3A_672 : vector<16xf32>
      %get3A_674 = arith.index_cast %scan3A_476 : i32 to index
      %get3A_675 = arith.constant 480 : index
      %get3A_676 = tpu.vector_load %arg4[%get3A_674, %get3A_675] {strides = array<i32>} : memref<32x768xf32, #tpu.memory_space<vmem>>, vector<1x16xf32>,
      %get3A_677 = vector.shape_cast %get3A_676 : vector<1x16xf32> to vector<16xf32>
      %add3A_678 = arith.addf %scan3A_507, %get3A_677 : vector<16xf32>
      %get3A_679 = arith.index_cast %scan3A_476 : i32 to index
      %get3A_680 = arith.constant 496 : index
      %get3A_681 = tpu.vector_load %arg4[%get3A_679, %get3A_680] {strides = array<i32>} : memref<32x768xf32, #tpu.memory_space<vmem>>, vector<1x16xf32>,
      %get3A_682 = vector.shape_cast %get3A_681 : vector<1x16xf32> to vector<16xf32>
      %add3A_683 = arith.addf %scan3A_508, %get3A_682 : vector<16xf32>
      %get3A_684 = arith.index_cast %scan3A_476 : i32 to index
      %get3A_685 = arith.constant 512 : index
      %get3A_686 = tpu.vector_load %arg4[%get3A_684, %get3A_685] {strides = array<i32>} : memref<32x768xf32, #tpu.memory_space<vmem>>, vector<1x16xf32>,
      %get3A_687 = vector.shape_cast %get3A_686 : vector<1x16xf32> to vector<16xf32>
      %add3A_688 = arith.addf %scan3A_509, %get3A_687 : vector<16xf32>
      %get3A_689 = arith.index_cast %scan3A_476 : i32 to index
      %get3A_690 = arith.constant 528 : index
      %get3A_691 = tpu.vector_load %arg4[%get3A_689, %get3A_690] {strides = array<i32>} : memref<32x768xf32, #tpu.memory_space<vmem>>, vector<1x16xf32>,
      %get3A_692 = vector.shape_cast %get3A_691 : vector<1x16xf32> to vector<16xf32>
      %add3A_693 = arith.addf %scan3A_510, %get3A_692 : vector<16xf32>
      %get3A_694 = arith.index_cast %scan3A_476 : i32 to index
      %get3A_695 = arith.constant 544 : index
      %get3A_696 = tpu.vector_load %arg4[%get3A_694, %get3A_695] {strides = array<i32>} : memref<32x768xf32, #tpu.memory_space<vmem>>, vector<1x16xf32>,
      %get3A_697 = vector.shape_cast %get3A_696 : vector<1x16xf32> to vector<16xf32>
      %add3A_698 = arith.addf %scan3A_511, %get3A_697 : vector<16xf32>
      %get3A_699 = arith.index_cast %scan3A_476 : i32 to index
      %get3A_700 = arith.constant 560 : index
      %get3A_701 = tpu.vector_load %arg4[%get3A_699, %get3A_700] {strides = array<i32>} : memref<32x768xf32, #tpu.memory_space<vmem>>, vector<1x16xf32>,
      %get3A_702 = vector.shape_cast %get3A_701 : vector<1x16xf32> to vector<16xf32>
      %add3A_703 = arith.addf %scan3A_512, %get3A_702 : vector<16xf32>
      %get3A_704 = arith.index_cast %scan3A_476 : i32 to index
      %get3A_705 = arith.constant 576 : index
      %get3A_706 = tpu.vector_load %arg4[%get3A_704, %get3A_705] {strides = array<i32>} : memref<32x768xf32, #tpu.memory_space<vmem>>, vector<1x16xf32>,
      %get3A_707 = vector.shape_cast %get3A_706 : vector<1x16xf32> to vector<16xf32>
      %add3A_708 = arith.addf %scan3A_513, %get3A_707 : vector<16xf32>
      %get3A_709 = arith.index_cast %scan3A_476 : i32 to index
      %get3A_710 = arith.constant 592 : index
      %get3A_711 = tpu.vector_load %arg4[%get3A_709, %get3A_710] {strides = array<i32>} : memref<32x768xf32, #tpu.memory_space<vmem>>, vector<1x16xf32>,
      %get3A_712 = vector.shape_cast %get3A_711 : vector<1x16xf32> to vector<16xf32>
      %add3A_713 = arith.addf %scan3A_514, %get3A_712 : vector<16xf32>
      %get3A_714 = arith.index_cast %scan3A_476 : i32 to index
      %get3A_715 = arith.constant 608 : index
      %get3A_716 = tpu.vector_load %arg4[%get3A_714, %get3A_715] {strides = array<i32>} : memref<32x768xf32, #tpu.memory_space<vmem>>, vector<1x16xf32>,
      %get3A_717 = vector.shape_cast %get3A_716 : vector<1x16xf32> to vector<16xf32>
      %add3A_718 = arith.addf %scan3A_515, %get3A_717 : vector<16xf32>
      %get3A_719 = arith.index_cast %scan3A_476 : i32 to index
      %get3A_720 = arith.constant 624 : index
      %get3A_721 = tpu.vector_load %arg4[%get3A_719, %get3A_720] {strides = array<i32>} : memref<32x768xf32, #tpu.memory_space<vmem>>, vector<1x16xf32>,
      %get3A_722 = vector.shape_cast %get3A_721 : vector<1x16xf32> to vector<16xf32>
      %add3A_723 = arith.addf %scan3A_516, %get3A_722 : vector<16xf32>
      %get3A_724 = arith.index_cast %scan3A_476 : i32 to index
      %get3A_725 = arith.constant 640 : index
      %get3A_726 = tpu.vector_load %arg4[%get3A_724, %get3A_725] {strides = array<i32>} : memref<32x768xf32, #tpu.memory_space<vmem>>, vector<1x16xf32>,
      %get3A_727 = vector.shape_cast %get3A_726 : vector<1x16xf32> to vector<16xf32>
      %add3A_728 = arith.addf %scan3A_517, %get3A_727 : vector<16xf32>
      %get3A_729 = arith.index_cast %scan3A_476 : i32 to index
      %get3A_730 = arith.constant 656 : index
      %get3A_731 = tpu.vector_load %arg4[%get3A_729, %get3A_730] {strides = array<i32>} : memref<32x768xf32, #tpu.memory_space<vmem>>, vector<1x16xf32>,
      %get3A_732 = vector.shape_cast %get3A_731 : vector<1x16xf32> to vector<16xf32>
      %add3A_733 = arith.addf %scan3A_518, %get3A_732 : vector<16xf32>
      %get3A_734 = arith.index_cast %scan3A_476 : i32 to index
      %get3A_735 = arith.constant 672 : index
      %get3A_736 = tpu.vector_load %arg4[%get3A_734, %get3A_735] {strides = array<i32>} : memref<32x768xf32, #tpu.memory_space<vmem>>, vector<1x16xf32>,
      %get3A_737 = vector.shape_cast %get3A_736 : vector<1x16xf32> to vector<16xf32>
      %add3A_738 = arith.addf %scan3A_519, %get3A_737 : vector<16xf32>
      %get3A_739 = arith.index_cast %scan3A_476 : i32 to index
      %get3A_740 = arith.constant 688 : index
      %get3A_741 = tpu.vector_load %arg4[%get3A_739, %get3A_740] {strides = array<i32>} : memref<32x768xf32, #tpu.memory_space<vmem>>, vector<1x16xf32>,
      %get3A_742 = vector.shape_cast %get3A_741 : vector<1x16xf32> to vector<16xf32>
      %add3A_743 = arith.addf %scan3A_520, %get3A_742 : vector<16xf32>
      %get3A_744 = arith.index_cast %scan3A_476 : i32 to index
      %get3A_745 = arith.constant 704 : index
      %get3A_746 = tpu.vector_load %arg4[%get3A_744, %get3A_745] {strides = array<i32>} : memref<32x768xf32, #tpu.memory_space<vmem>>, vector<1x16xf32>,
      %get3A_747 = vector.shape_cast %get3A_746 : vector<1x16xf32> to vector<16xf32>
      %add3A_748 = arith.addf %scan3A_521, %get3A_747 : vector<16xf32>
      %get3A_749 = arith.index_cast %scan3A_476 : i32 to index
      %get3A_750 = arith.constant 720 : index
      %get3A_751 = tpu.vector_load %arg4[%get3A_749, %get3A_750] {strides = array<i32>} : memref<32x768xf32, #tpu.memory_space<vmem>>, vector<1x16xf32>,
      %get3A_752 = vector.shape_cast %get3A_751 : vector<1x16xf32> to vector<16xf32>
      %add3A_753 = arith.addf %scan3A_522, %get3A_752 : vector<16xf32>
      %get3A_754 = arith.index_cast %scan3A_476 : i32 to index
      %get3A_755 = arith.constant 736 : index
      %get3A_756 = tpu.vector_load %arg4[%get3A_754, %get3A_755] {strides = array<i32>} : memref<32x768xf32, #tpu.memory_space<vmem>>, vector<1x16xf32>,
      %get3A_757 = vector.shape_cast %get3A_756 : vector<1x16xf32> to vector<16xf32>
      %add3A_758 = arith.addf %scan3A_523, %get3A_757 : vector<16xf32>
      %get3A_759 = arith.index_cast %scan3A_476 : i32 to index
      %get3A_760 = arith.constant 752 : index
      %get3A_761 = tpu.vector_load %arg4[%get3A_759, %get3A_760] {strides = array<i32>} : memref<32x768xf32, #tpu.memory_space<vmem>>, vector<1x16xf32>,
      %get3A_762 = vector.shape_cast %get3A_761 : vector<1x16xf32> to vector<16xf32>
      %add3A_763 = arith.addf %scan3A_524, %get3A_762 : vector<16xf32>
      scf.yield %add3A_528, %add3A_533, %add3A_538, %add3A_543, %add3A_548, %add3A_553, %add3A_558, %add3A_563, %add3A_568, %add3A_573, %add3A_578, %add3A_583, %add3A_588, %add3A_593, %add3A_598, %add3A_603, %add3A_608, %add3A_613, %add3A_618, %add3A_623, %add3A_628, %add3A_633, %add3A_638, %add3A_643, %add3A_648, %add3A_653, %add3A_658, %add3A_663, %add3A_668, %add3A_673, %add3A_678, %add3A_683, %add3A_688, %add3A_693, %add3A_698, %add3A_703, %add3A_708, %add3A_713, %add3A_718, %add3A_723, %add3A_728, %add3A_733, %add3A_738, %add3A_743, %add3A_748, %add3A_753, %add3A_758, %add3A_763 : vector<16xf32>, vector<16xf32>, vector<16xf32>, vector<16xf32>, vector<16xf32>, vector<16xf32>, vector<16xf32>, vector<16xf32>, vector<16xf32>, vector<16xf32>, vector<16xf32>, vector<16xf32>, vector<16xf32>, vector<16xf32>, vector<16xf32>, vector<16xf32>, vector<16xf32>, vector<16xf32>, vector<16xf32>, vector<16xf32>, vector<16xf32>, vector<16xf32>, vector<16xf32>, vector<16xf32>, vector<16xf32>, vector<16xf32>, vector<16xf32>, vector<16xf32>, vector<16xf32>, vector<16xf32>, vector<16xf32>, vector<16xf32>, vector<16xf32>, vector<16xf32>, vector<16xf32>, vector<16xf32>, vector<16xf32>, vector<16xf32>, vector<16xf32>, vector<16xf32>, vector<16xf32>, vector<16xf32>, vector<16xf32>, vector<16xf32>, vector<16xf32>, vector<16xf32>, vector<16xf32>, vector<16xf32>
    }
    %scan3A_192 = arith.constant 32 : i32
    %add3A_193 = arith.constant 128 : i32
    %add3A_194 = arith.addi %add3A_34, %add3A_193 : i32
    %dma_start3A_195 = arith.constant 0 : i32
    %dma_start3A_196 = tpu.memref_slice %arg2[%select_n3A, %add3A_194, %dma_start3A_195] : memref<2x8192x768xf32, #tpu.memory_space<hbm>> -> memref<1x32x768xf32, #tpu.memory_space<hbm>>
    %dma_start3A_197 = tpu.memref_squeeze %dma_start3A_196 : memref<1x32x768xf32, #tpu.memory_space<hbm>> -> memref<32x768xf32, #tpu.memory_space<hbm>>
    %dma_start3A_198 = arith.constant 0 : i32
    %dma_start3A_199 = tpu.memref_slice %arg2[%select_n3A, %add3A_194, %dma_start3A_198] : memref<2x8192x768xf32, #tpu.memory_space<hbm>> -> memref<1x32x768xf32, #tpu.memory_space<hbm>>
    %dma_start3A_200 = tpu.memref_squeeze %dma_start3A_199 : memref<1x32x768xf32, #tpu.memory_space<hbm>> -> memref<32x768xf32, #tpu.memory_space<hbm>>
    tpu.enqueue_dma source(%dma_start3A_200 : memref<32x768xf32, #tpu.memory_space<hbm>>) target(%arg4 : memref<32x768xf32, #tpu.memory_space<vmem>>) target_semaphore(%arg7 : memref<!tpu.dma_semaphore, #tpu.memory_space<semaphore_mem>>)
    %dma_wait3A_201 = arith.constant 0 : i32
    %dma_wait3A_202 = tpu.memref_slice %arg2[%select_n3A, %add3A_174, %dma_wait3A_201] : memref<2x8192x768xf32, #tpu.memory_space<hbm>> -> memref<1x32x768xf32, #tpu.memory_space<hbm>>
    %dma_wait3A_203 = tpu.memref_squeeze %dma_wait3A_202 : memref<1x32x768xf32, #tpu.memory_space<hbm>> -> memref<32x768xf32, #tpu.memory_space<hbm>>
    %dma_wait3A_204 = arith.constant 0 : i32
    %dma_wait3A_205 = tpu.memref_slice %arg2[%select_n3A, %add3A_174, %dma_wait3A_204] : memref<2x8192x768xf32, #tpu.memory_space<hbm>> -> memref<1x32x768xf32, #tpu.memory_space<hbm>>
    %dma_wait3A_206 = tpu.memref_squeeze %dma_wait3A_205 : memref<1x32x768xf32, #tpu.memory_space<hbm>> -> memref<32x768xf32, #tpu.memory_space<hbm>>
    tpu.wait_dma2 semaphore(%arg8 : memref<!tpu.dma_semaphore, #tpu.memory_space<semaphore_mem>>) src(%dma_wait3A_206 : memref<32x768xf32, #tpu.memory_space<hbm>>) dst(%arg5 : memref<32x768xf32, #tpu.memory_space<vmem>>)
    %scan3A_207 = arith.constant 0 : i32
    %scan3A_208 = arith.constant 32 : i32
    %scan3A_209 = arith.addi %scan3A_207, %scan3A_208 : i32
    %scan3A_210 = arith.constant 1 : i32
    %scan3A_211:48 = scf.for %scan3A_476 = %scan3A_207 to %scan3A_209 step %scan3A_210 iter_args(%scan3A_477 = %scan3A_191#0, %scan3A_478 = %scan3A_191#1, %scan3A_479 = %scan3A_191#2, %scan3A_480 = %scan3A_191#3, %scan3A_481 = %scan3A_191#4, %scan3A_482 = %scan3A_191#5, %scan3A_483 = %scan3A_191#6, %scan3A_484 = %scan3A_191#7, %scan3A_485 = %scan3A_191#8, %scan3A_486 = %scan3A_191#9, %scan3A_487 = %scan3A_191#10, %scan3A_488 = %scan3A_191#11, %scan3A_489 = %scan3A_191#12, %scan3A_490 = %scan3A_191#13, %scan3A_491 = %scan3A_191#14, %scan3A_492 = %scan3A_191#15, %scan3A_493 = %scan3A_191#16, %scan3A_494 = %scan3A_191#17, %scan3A_495 = %scan3A_191#18, %scan3A_496 = %scan3A_191#19, %scan3A_497 = %scan3A_191#20, %scan3A_498 = %scan3A_191#21, %scan3A_499 = %scan3A_191#22, %scan3A_500 = %scan3A_191#23, %scan3A_501 = %scan3A_191#24, %scan3A_502 = %scan3A_191#25, %scan3A_503 = %scan3A_191#26, %scan3A_504 = %scan3A_191#27, %scan3A_505 = %scan3A_191#28, %scan3A_506 = %scan3A_191#29, %scan3A_507 = %scan3A_191#30, %scan3A_508 = %scan3A_191#31, %scan3A_509 = %scan3A_191#32, %scan3A_510 = %scan3A_191#33, %scan3A_511 = %scan3A_191#34, %scan3A_512 = %scan3A_191#35, %scan3A_513 = %scan3A_191#36, %scan3A_514 = %scan3A_191#37, %scan3A_515 = %scan3A_191#38, %scan3A_516 = %scan3A_191#39, %scan3A_517 = %scan3A_191#40, %scan3A_518 = %scan3A_191#41, %scan3A_519 = %scan3A_191#42, %scan3A_520 = %scan3A_191#43, %scan3A_521 = %scan3A_191#44, %scan3A_522 = %scan3A_191#45, %scan3A_523 = %scan3A_191#46, %scan3A_524 = %scan3A_191#47) -> (vector<16xf32>, vector<16xf32>, vector<16xf32>, vector<16xf32>, vector<16xf32>, vector<16xf32>, vector<16xf32>, vector<16xf32>, vector<16xf32>, vector<16xf32>, vector<16xf32>, vector<16xf32>, vector<16xf32>, vector<16xf32>, vector<16xf32>, vector<16xf32>, vector<16xf32>, vector<16xf32>, vector<16xf32>, vector<16xf32>, vector<16xf32>, vector<16xf32>, vector<16xf32>, vector<16xf32>, vector<16xf32>, vector<16xf32>, vector<16xf32>, vector<16xf32>, vector<16xf32>, vector<16xf32>, vector<16xf32>, vector<16xf32>, vector<16xf32>, vector<16xf32>, vector<16xf32>, vector<16xf32>, vector<16xf32>, vector<16xf32>, vector<16xf32>, vector<16xf32>, vector<16xf32>, vector<16xf32>, vector<16xf32>, vector<16xf32>, vector<16xf32>, vector<16xf32>, vector<16xf32>, vector<16xf32>)  : i32 {
      %get3A = arith.index_cast %scan3A_476 : i32 to index
      %get3A_525 = arith.constant 0 : index
      %get3A_526 = tpu.vector_load %arg5[%get3A, %get3A_525] {strides = array<i32>} : memref<32x768xf32, #tpu.memory_space<vmem>>, vector<1x16xf32>,
      %get3A_527 = vector.shape_cast %get3A_526 : vector<1x16xf32> to vector<16xf32>
      %add3A_528 = arith.addf %scan3A_477, %get3A_527 : vector<16xf32>
      %get3A_529 = arith.index_cast %scan3A_476 : i32 to index
      %get3A_530 = arith.constant 16 : index
      %get3A_531 = tpu.vector_load %arg5[%get3A_529, %get3A_530] {strides = array<i32>} : memref<32x768xf32, #tpu.memory_space<vmem>>, vector<1x16xf32>,
      %get3A_532 = vector.shape_cast %get3A_531 : vector<1x16xf32> to vector<16xf32>
      %add3A_533 = arith.addf %scan3A_478, %get3A_532 : vector<16xf32>
      %get3A_534 = arith.index_cast %scan3A_476 : i32 to index
      %get3A_535 = arith.constant 32 : index
      %get3A_536 = tpu.vector_load %arg5[%get3A_534, %get3A_535] {strides = array<i32>} : memref<32x768xf32, #tpu.memory_space<vmem>>, vector<1x16xf32>,
      %get3A_537 = vector.shape_cast %get3A_536 : vector<1x16xf32> to vector<16xf32>
      %add3A_538 = arith.addf %scan3A_479, %get3A_537 : vector<16xf32>
      %get3A_539 = arith.index_cast %scan3A_476 : i32 to index
      %get3A_540 = arith.constant 48 : index
      %get3A_541 = tpu.vector_load %arg5[%get3A_539, %get3A_540] {strides = array<i32>} : memref<32x768xf32, #tpu.memory_space<vmem>>, vector<1x16xf32>,
      %get3A_542 = vector.shape_cast %get3A_541 : vector<1x16xf32> to vector<16xf32>
      %add3A_543 = arith.addf %scan3A_480, %get3A_542 : vector<16xf32>
      %get3A_544 = arith.index_cast %scan3A_476 : i32 to index
      %get3A_545 = arith.constant 64 : index
      %get3A_546 = tpu.vector_load %arg5[%get3A_544, %get3A_545] {strides = array<i32>} : memref<32x768xf32, #tpu.memory_space<vmem>>, vector<1x16xf32>,
      %get3A_547 = vector.shape_cast %get3A_546 : vector<1x16xf32> to vector<16xf32>
      %add3A_548 = arith.addf %scan3A_481, %get3A_547 : vector<16xf32>
      %get3A_549 = arith.index_cast %scan3A_476 : i32 to index
      %get3A_550 = arith.constant 80 : index
      %get3A_551 = tpu.vector_load %arg5[%get3A_549, %get3A_550] {strides = array<i32>} : memref<32x768xf32, #tpu.memory_space<vmem>>, vector<1x16xf32>,
      %get3A_552 = vector.shape_cast %get3A_551 : vector<1x16xf32> to vector<16xf32>
      %add3A_553 = arith.addf %scan3A_482, %get3A_552 : vector<16xf32>
      %get3A_554 = arith.index_cast %scan3A_476 : i32 to index
      %get3A_555 = arith.constant 96 : index
      %get3A_556 = tpu.vector_load %arg5[%get3A_554, %get3A_555] {strides = array<i32>} : memref<32x768xf32, #tpu.memory_space<vmem>>, vector<1x16xf32>,
      %get3A_557 = vector.shape_cast %get3A_556 : vector<1x16xf32> to vector<16xf32>
      %add3A_558 = arith.addf %scan3A_483, %get3A_557 : vector<16xf32>
      %get3A_559 = arith.index_cast %scan3A_476 : i32 to index
      %get3A_560 = arith.constant 112 : index
      %get3A_561 = tpu.vector_load %arg5[%get3A_559, %get3A_560] {strides = array<i32>} : memref<32x768xf32, #tpu.memory_space<vmem>>, vector<1x16xf32>,
      %get3A_562 = vector.shape_cast %get3A_561 : vector<1x16xf32> to vector<16xf32>
      %add3A_563 = arith.addf %scan3A_484, %get3A_562 : vector<16xf32>
      %get3A_564 = arith.index_cast %scan3A_476 : i32 to index
      %get3A_565 = arith.constant 128 : index
      %get3A_566 = tpu.vector_load %arg5[%get3A_564, %get3A_565] {strides = array<i32>} : memref<32x768xf32, #tpu.memory_space<vmem>>, vector<1x16xf32>,
      %get3A_567 = vector.shape_cast %get3A_566 : vector<1x16xf32> to vector<16xf32>
      %add3A_568 = arith.addf %scan3A_485, %get3A_567 : vector<16xf32>
      %get3A_569 = arith.index_cast %scan3A_476 : i32 to index
      %get3A_570 = arith.constant 144 : index
      %get3A_571 = tpu.vector_load %arg5[%get3A_569, %get3A_570] {strides = array<i32>} : memref<32x768xf32, #tpu.memory_space<vmem>>, vector<1x16xf32>,
      %get3A_572 = vector.shape_cast %get3A_571 : vector<1x16xf32> to vector<16xf32>
      %add3A_573 = arith.addf %scan3A_486, %get3A_572 : vector<16xf32>
      %get3A_574 = arith.index_cast %scan3A_476 : i32 to index
      %get3A_575 = arith.constant 160 : index
      %get3A_576 = tpu.vector_load %arg5[%get3A_574, %get3A_575] {strides = array<i32>} : memref<32x768xf32, #tpu.memory_space<vmem>>, vector<1x16xf32>,
      %get3A_577 = vector.shape_cast %get3A_576 : vector<1x16xf32> to vector<16xf32>
      %add3A_578 = arith.addf %scan3A_487, %get3A_577 : vector<16xf32>
      %get3A_579 = arith.index_cast %scan3A_476 : i32 to index
      %get3A_580 = arith.constant 176 : index
      %get3A_581 = tpu.vector_load %arg5[%get3A_579, %get3A_580] {strides = array<i32>} : memref<32x768xf32, #tpu.memory_space<vmem>>, vector<1x16xf32>,
      %get3A_582 = vector.shape_cast %get3A_581 : vector<1x16xf32> to vector<16xf32>
      %add3A_583 = arith.addf %scan3A_488, %get3A_582 : vector<16xf32>
      %get3A_584 = arith.index_cast %scan3A_476 : i32 to index
      %get3A_585 = arith.constant 192 : index
      %get3A_586 = tpu.vector_load %arg5[%get3A_584, %get3A_585] {strides = array<i32>} : memref<32x768xf32, #tpu.memory_space<vmem>>, vector<1x16xf32>,
      %get3A_587 = vector.shape_cast %get3A_586 : vector<1x16xf32> to vector<16xf32>
      %add3A_588 = arith.addf %scan3A_489, %get3A_587 : vector<16xf32>
      %get3A_589 = arith.index_cast %scan3A_476 : i32 to index
      %get3A_590 = arith.constant 208 : index
      %get3A_591 = tpu.vector_load %arg5[%get3A_589, %get3A_590] {strides = array<i32>} : memref<32x768xf32, #tpu.memory_space<vmem>>, vector<1x16xf32>,
      %get3A_592 = vector.shape_cast %get3A_591 : vector<1x16xf32> to vector<16xf32>
      %add3A_593 = arith.addf %scan3A_490, %get3A_592 : vector<16xf32>
      %get3A_594 = arith.index_cast %scan3A_476 : i32 to index
      %get3A_595 = arith.constant 224 : index
      %get3A_596 = tpu.vector_load %arg5[%get3A_594, %get3A_595] {strides = array<i32>} : memref<32x768xf32, #tpu.memory_space<vmem>>, vector<1x16xf32>,
      %get3A_597 = vector.shape_cast %get3A_596 : vector<1x16xf32> to vector<16xf32>
      %add3A_598 = arith.addf %scan3A_491, %get3A_597 : vector<16xf32>
      %get3A_599 = arith.index_cast %scan3A_476 : i32 to index
      %get3A_600 = arith.constant 240 : index
      %get3A_601 = tpu.vector_load %arg5[%get3A_599, %get3A_600] {strides = array<i32>} : memref<32x768xf32, #tpu.memory_space<vmem>>, vector<1x16xf32>,
      %get3A_602 = vector.shape_cast %get3A_601 : vector<1x16xf32> to vector<16xf32>
      %add3A_603 = arith.addf %scan3A_492, %get3A_602 : vector<16xf32>
      %get3A_604 = arith.index_cast %scan3A_476 : i32 to index
      %get3A_605 = arith.constant 256 : index
      %get3A_606 = tpu.vector_load %arg5[%get3A_604, %get3A_605] {strides = array<i32>} : memref<32x768xf32, #tpu.memory_space<vmem>>, vector<1x16xf32>,
      %get3A_607 = vector.shape_cast %get3A_606 : vector<1x16xf32> to vector<16xf32>
      %add3A_608 = arith.addf %scan3A_493, %get3A_607 : vector<16xf32>
      %get3A_609 = arith.index_cast %scan3A_476 : i32 to index
      %get3A_610 = arith.constant 272 : index
      %get3A_611 = tpu.vector_load %arg5[%get3A_609, %get3A_610] {strides = array<i32>} : memref<32x768xf32, #tpu.memory_space<vmem>>, vector<1x16xf32>,
      %get3A_612 = vector.shape_cast %get3A_611 : vector<1x16xf32> to vector<16xf32>
      %add3A_613 = arith.addf %scan3A_494, %get3A_612 : vector<16xf32>
      %get3A_614 = arith.index_cast %scan3A_476 : i32 to index
      %get3A_615 = arith.constant 288 : index
      %get3A_616 = tpu.vector_load %arg5[%get3A_614, %get3A_615] {strides = array<i32>} : memref<32x768xf32, #tpu.memory_space<vmem>>, vector<1x16xf32>,
      %get3A_617 = vector.shape_cast %get3A_616 : vector<1x16xf32> to vector<16xf32>
      %add3A_618 = arith.addf %scan3A_495, %get3A_617 : vector<16xf32>
      %get3A_619 = arith.index_cast %scan3A_476 : i32 to index
      %get3A_620 = arith.constant 304 : index
      %get3A_621 = tpu.vector_load %arg5[%get3A_619, %get3A_620] {strides = array<i32>} : memref<32x768xf32, #tpu.memory_space<vmem>>, vector<1x16xf32>,
      %get3A_622 = vector.shape_cast %get3A_621 : vector<1x16xf32> to vector<16xf32>
      %add3A_623 = arith.addf %scan3A_496, %get3A_622 : vector<16xf32>
      %get3A_624 = arith.index_cast %scan3A_476 : i32 to index
      %get3A_625 = arith.constant 320 : index
      %get3A_626 = tpu.vector_load %arg5[%get3A_624, %get3A_625] {strides = array<i32>} : memref<32x768xf32, #tpu.memory_space<vmem>>, vector<1x16xf32>,
      %get3A_627 = vector.shape_cast %get3A_626 : vector<1x16xf32> to vector<16xf32>
      %add3A_628 = arith.addf %scan3A_497, %get3A_627 : vector<16xf32>
      %get3A_629 = arith.index_cast %scan3A_476 : i32 to index
      %get3A_630 = arith.constant 336 : index
      %get3A_631 = tpu.vector_load %arg5[%get3A_629, %get3A_630] {strides = array<i32>} : memref<32x768xf32, #tpu.memory_space<vmem>>, vector<1x16xf32>,
      %get3A_632 = vector.shape_cast %get3A_631 : vector<1x16xf32> to vector<16xf32>
      %add3A_633 = arith.addf %scan3A_498, %get3A_632 : vector<16xf32>
      %get3A_634 = arith.index_cast %scan3A_476 : i32 to index
      %get3A_635 = arith.constant 352 : index
      %get3A_636 = tpu.vector_load %arg5[%get3A_634, %get3A_635] {strides = array<i32>} : memref<32x768xf32, #tpu.memory_space<vmem>>, vector<1x16xf32>,
      %get3A_637 = vector.shape_cast %get3A_636 : vector<1x16xf32> to vector<16xf32>
      %add3A_638 = arith.addf %scan3A_499, %get3A_637 : vector<16xf32>
      %get3A_639 = arith.index_cast %scan3A_476 : i32 to index
      %get3A_640 = arith.constant 368 : index
      %get3A_641 = tpu.vector_load %arg5[%get3A_639, %get3A_640] {strides = array<i32>} : memref<32x768xf32, #tpu.memory_space<vmem>>, vector<1x16xf32>,
      %get3A_642 = vector.shape_cast %get3A_641 : vector<1x16xf32> to vector<16xf32>
      %add3A_643 = arith.addf %scan3A_500, %get3A_642 : vector<16xf32>
      %get3A_644 = arith.index_cast %scan3A_476 : i32 to index
      %get3A_645 = arith.constant 384 : index
      %get3A_646 = tpu.vector_load %arg5[%get3A_644, %get3A_645] {strides = array<i32>} : memref<32x768xf32, #tpu.memory_space<vmem>>, vector<1x16xf32>,
      %get3A_647 = vector.shape_cast %get3A_646 : vector<1x16xf32> to vector<16xf32>
      %add3A_648 = arith.addf %scan3A_501, %get3A_647 : vector<16xf32>
      %get3A_649 = arith.index_cast %scan3A_476 : i32 to index
      %get3A_650 = arith.constant 400 : index
      %get3A_651 = tpu.vector_load %arg5[%get3A_649, %get3A_650] {strides = array<i32>} : memref<32x768xf32, #tpu.memory_space<vmem>>, vector<1x16xf32>,
      %get3A_652 = vector.shape_cast %get3A_651 : vector<1x16xf32> to vector<16xf32>
      %add3A_653 = arith.addf %scan3A_502, %get3A_652 : vector<16xf32>
      %get3A_654 = arith.index_cast %scan3A_476 : i32 to index
      %get3A_655 = arith.constant 416 : index
      %get3A_656 = tpu.vector_load %arg5[%get3A_654, %get3A_655] {strides = array<i32>} : memref<32x768xf32, #tpu.memory_space<vmem>>, vector<1x16xf32>,
      %get3A_657 = vector.shape_cast %get3A_656 : vector<1x16xf32> to vector<16xf32>
      %add3A_658 = arith.addf %scan3A_503, %get3A_657 : vector<16xf32>
      %get3A_659 = arith.index_cast %scan3A_476 : i32 to index
      %get3A_660 = arith.constant 432 : index
      %get3A_661 = tpu.vector_load %arg5[%get3A_659, %get3A_660] {strides = array<i32>} : memref<32x768xf32, #tpu.memory_space<vmem>>, vector<1x16xf32>,
      %get3A_662 = vector.shape_cast %get3A_661 : vector<1x16xf32> to vector<16xf32>
      %add3A_663 = arith.addf %scan3A_504, %get3A_662 : vector<16xf32>
      %get3A_664 = arith.index_cast %scan3A_476 : i32 to index
      %get3A_665 = arith.constant 448 : index
      %get3A_666 = tpu.vector_load %arg5[%get3A_664, %get3A_665] {strides = array<i32>} : memref<32x768xf32, #tpu.memory_space<vmem>>, vector<1x16xf32>,
      %get3A_667 = vector.shape_cast %get3A_666 : vector<1x16xf32> to vector<16xf32>
      %add3A_668 = arith.addf %scan3A_505, %get3A_667 : vector<16xf32>
      %get3A_669 = arith.index_cast %scan3A_476 : i32 to index
      %get3A_670 = arith.constant 464 : index
      %get3A_671 = tpu.vector_load %arg5[%get3A_669, %get3A_670] {strides = array<i32>} : memref<32x768xf32, #tpu.memory_space<vmem>>, vector<1x16xf32>,
      %get3A_672 = vector.shape_cast %get3A_671 : vector<1x16xf32> to vector<16xf32>
      %add3A_673 = arith.addf %scan3A_506, %get3A_672 : vector<16xf32>
      %get3A_674 = arith.index_cast %scan3A_476 : i32 to index
      %get3A_675 = arith.constant 480 : index
      %get3A_676 = tpu.vector_load %arg5[%get3A_674, %get3A_675] {strides = array<i32>} : memref<32x768xf32, #tpu.memory_space<vmem>>, vector<1x16xf32>,
      %get3A_677 = vector.shape_cast %get3A_676 : vector<1x16xf32> to vector<16xf32>
      %add3A_678 = arith.addf %scan3A_507, %get3A_677 : vector<16xf32>
      %get3A_679 = arith.index_cast %scan3A_476 : i32 to index
      %get3A_680 = arith.constant 496 : index
      %get3A_681 = tpu.vector_load %arg5[%get3A_679, %get3A_680] {strides = array<i32>} : memref<32x768xf32, #tpu.memory_space<vmem>>, vector<1x16xf32>,
      %get3A_682 = vector.shape_cast %get3A_681 : vector<1x16xf32> to vector<16xf32>
      %add3A_683 = arith.addf %scan3A_508, %get3A_682 : vector<16xf32>
      %get3A_684 = arith.index_cast %scan3A_476 : i32 to index
      %get3A_685 = arith.constant 512 : index
      %get3A_686 = tpu.vector_load %arg5[%get3A_684, %get3A_685] {strides = array<i32>} : memref<32x768xf32, #tpu.memory_space<vmem>>, vector<1x16xf32>,
      %get3A_687 = vector.shape_cast %get3A_686 : vector<1x16xf32> to vector<16xf32>
      %add3A_688 = arith.addf %scan3A_509, %get3A_687 : vector<16xf32>
      %get3A_689 = arith.index_cast %scan3A_476 : i32 to index
      %get3A_690 = arith.constant 528 : index
      %get3A_691 = tpu.vector_load %arg5[%get3A_689, %get3A_690] {strides = array<i32>} : memref<32x768xf32, #tpu.memory_space<vmem>>, vector<1x16xf32>,
      %get3A_692 = vector.shape_cast %get3A_691 : vector<1x16xf32> to vector<16xf32>
      %add3A_693 = arith.addf %scan3A_510, %get3A_692 : vector<16xf32>
      %get3A_694 = arith.index_cast %scan3A_476 : i32 to index
      %get3A_695 = arith.constant 544 : index
      %get3A_696 = tpu.vector_load %arg5[%get3A_694, %get3A_695] {strides = array<i32>} : memref<32x768xf32, #tpu.memory_space<vmem>>, vector<1x16xf32>,
      %get3A_697 = vector.shape_cast %get3A_696 : vector<1x16xf32> to vector<16xf32>
      %add3A_698 = arith.addf %scan3A_511, %get3A_697 : vector<16xf32>
      %get3A_699 = arith.index_cast %scan3A_476 : i32 to index
      %get3A_700 = arith.constant 560 : index
      %get3A_701 = tpu.vector_load %arg5[%get3A_699, %get3A_700] {strides = array<i32>} : memref<32x768xf32, #tpu.memory_space<vmem>>, vector<1x16xf32>,
      %get3A_702 = vector.shape_cast %get3A_701 : vector<1x16xf32> to vector<16xf32>
      %add3A_703 = arith.addf %scan3A_512, %get3A_702 : vector<16xf32>
      %get3A_704 = arith.index_cast %scan3A_476 : i32 to index
      %get3A_705 = arith.constant 576 : index
      %get3A_706 = tpu.vector_load %arg5[%get3A_704, %get3A_705] {strides = array<i32>} : memref<32x768xf32, #tpu.memory_space<vmem>>, vector<1x16xf32>,
      %get3A_707 = vector.shape_cast %get3A_706 : vector<1x16xf32> to vector<16xf32>
      %add3A_708 = arith.addf %scan3A_513, %get3A_707 : vector<16xf32>
      %get3A_709 = arith.index_cast %scan3A_476 : i32 to index
      %get3A_710 = arith.constant 592 : index
      %get3A_711 = tpu.vector_load %arg5[%get3A_709, %get3A_710] {strides = array<i32>} : memref<32x768xf32, #tpu.memory_space<vmem>>, vector<1x16xf32>,
      %get3A_712 = vector.shape_cast %get3A_711 : vector<1x16xf32> to vector<16xf32>
      %add3A_713 = arith.addf %scan3A_514, %get3A_712 : vector<16xf32>
      %get3A_714 = arith.index_cast %scan3A_476 : i32 to index
      %get3A_715 = arith.constant 608 : index
      %get3A_716 = tpu.vector_load %arg5[%get3A_714, %get3A_715] {strides = array<i32>} : memref<32x768xf32, #tpu.memory_space<vmem>>, vector<1x16xf32>,
      %get3A_717 = vector.shape_cast %get3A_716 : vector<1x16xf32> to vector<16xf32>
      %add3A_718 = arith.addf %scan3A_515, %get3A_717 : vector<16xf32>
      %get3A_719 = arith.index_cast %scan3A_476 : i32 to index
      %get3A_720 = arith.constant 624 : index
      %get3A_721 = tpu.vector_load %arg5[%get3A_719, %get3A_720] {strides = array<i32>} : memref<32x768xf32, #tpu.memory_space<vmem>>, vector<1x16xf32>,
      %get3A_722 = vector.shape_cast %get3A_721 : vector<1x16xf32> to vector<16xf32>
      %add3A_723 = arith.addf %scan3A_516, %get3A_722 : vector<16xf32>
      %get3A_724 = arith.index_cast %scan3A_476 : i32 to index
      %get3A_725 = arith.constant 640 : index
      %get3A_726 = tpu.vector_load %arg5[%get3A_724, %get3A_725] {strides = array<i32>} : memref<32x768xf32, #tpu.memory_space<vmem>>, vector<1x16xf32>,
      %get3A_727 = vector.shape_cast %get3A_726 : vector<1x16xf32> to vector<16xf32>
      %add3A_728 = arith.addf %scan3A_517, %get3A_727 : vector<16xf32>
      %get3A_729 = arith.index_cast %scan3A_476 : i32 to index
      %get3A_730 = arith.constant 656 : index
      %get3A_731 = tpu.vector_load %arg5[%get3A_729, %get3A_730] {strides = array<i32>} : memref<32x768xf32, #tpu.memory_space<vmem>>, vector<1x16xf32>,
      %get3A_732 = vector.shape_cast %get3A_731 : vector<1x16xf32> to vector<16xf32>
      %add3A_733 = arith.addf %scan3A_518, %get3A_732 : vector<16xf32>
      %get3A_734 = arith.index_cast %scan3A_476 : i32 to index
      %get3A_735 = arith.constant 672 : index
      %get3A_736 = tpu.vector_load %arg5[%get3A_734, %get3A_735] {strides = array<i32>} : memref<32x768xf32, #tpu.memory_space<vmem>>, vector<1x16xf32>,
      %get3A_737 = vector.shape_cast %get3A_736 : vector<1x16xf32> to vector<16xf32>
      %add3A_738 = arith.addf %scan3A_519, %get3A_737 : vector<16xf32>
      %get3A_739 = arith.index_cast %scan3A_476 : i32 to index
      %get3A_740 = arith.constant 688 : index
      %get3A_741 = tpu.vector_load %arg5[%get3A_739, %get3A_740] {strides = array<i32>} : memref<32x768xf32, #tpu.memory_space<vmem>>, vector<1x16xf32>,
      %get3A_742 = vector.shape_cast %get3A_741 : vector<1x16xf32> to vector<16xf32>
      %add3A_743 = arith.addf %scan3A_520, %get3A_742 : vector<16xf32>
      %get3A_744 = arith.index_cast %scan3A_476 : i32 to index
      %get3A_745 = arith.constant 704 : index
      %get3A_746 = tpu.vector_load %arg5[%get3A_744, %get3A_745] {strides = array<i32>} : memref<32x768xf32, #tpu.memory_space<vmem>>, vector<1x16xf32>,
      %get3A_747 = vector.shape_cast %get3A_746 : vector<1x16xf32> to vector<16xf32>
      %add3A_748 = arith.addf %scan3A_521, %get3A_747 : vector<16xf32>
      %get3A_749 = arith.index_cast %scan3A_476 : i32 to index
      %get3A_750 = arith.constant 720 : index
      %get3A_751 = tpu.vector_load %arg5[%get3A_749, %get3A_750] {strides = array<i32>} : memref<32x768xf32, #tpu.memory_space<vmem>>, vector<1x16xf32>,
      %get3A_752 = vector.shape_cast %get3A_751 : vector<1x16xf32> to vector<16xf32>
      %add3A_753 = arith.addf %scan3A_522, %get3A_752 : vector<16xf32>
      %get3A_754 = arith.index_cast %scan3A_476 : i32 to index
      %get3A_755 = arith.constant 736 : index
      %get3A_756 = tpu.vector_load %arg5[%get3A_754, %get3A_755] {strides = array<i32>} : memref<32x768xf32, #tpu.memory_space<vmem>>, vector<1x16xf32>,
      %get3A_757 = vector.shape_cast %get3A_756 : vector<1x16xf32> to vector<16xf32>
      %add3A_758 = arith.addf %scan3A_523, %get3A_757 : vector<16xf32>
      %get3A_759 = arith.index_cast %scan3A_476 : i32 to index
      %get3A_760 = arith.constant 752 : index
      %get3A_761 = tpu.vector_load %arg5[%get3A_759, %get3A_760] {strides = array<i32>} : memref<32x768xf32, #tpu.memory_space<vmem>>, vector<1x16xf32>,
      %get3A_762 = vector.shape_cast %get3A_761 : vector<1x16xf32> to vector<16xf32>
      %add3A_763 = arith.addf %scan3A_524, %get3A_762 : vector<16xf32>
      scf.yield %add3A_528, %add3A_533, %add3A_538, %add3A_543, %add3A_548, %add3A_553, %add3A_558, %add3A_563, %add3A_568, %add3A_573, %add3A_578, %add3A_583, %add3A_588, %add3A_593, %add3A_598, %add3A_603, %add3A_608, %add3A_613, %add3A_618, %add3A_623, %add3A_628, %add3A_633, %add3A_638, %add3A_643, %add3A_648, %add3A_653, %add3A_658, %add3A_663, %add3A_668, %add3A_673, %add3A_678, %add3A_683, %add3A_688, %add3A_693, %add3A_698, %add3A_703, %add3A_708, %add3A_713, %add3A_718, %add3A_723, %add3A_728, %add3A_733, %add3A_738, %add3A_743, %add3A_748, %add3A_753, %add3A_758, %add3A_763 : vector<16xf32>, vector<16xf32>, vector<16xf32>, vector<16xf32>, vector<16xf32>, vector<16xf32>, vector<16xf32>, vector<16xf32>, vector<16xf32>, vector<16xf32>, vector<16xf32>, vector<16xf32>, vector<16xf32>, vector<16xf32>, vector<16xf32>, vector<16xf32>, vector<16xf32>, vector<16xf32>, vector<16xf32>, vector<16xf32>, vector<16xf32>, vector<16xf32>, vector<16xf32>, vector<16xf32>, vector<16xf32>, vector<16xf32>, vector<16xf32>, vector<16xf32>, vector<16xf32>, vector<16xf32>, vector<16xf32>, vector<16xf32>, vector<16xf32>, vector<16xf32>, vector<16xf32>, vector<16xf32>, vector<16xf32>, vector<16xf32>, vector<16xf32>, vector<16xf32>, vector<16xf32>, vector<16xf32>, vector<16xf32>, vector<16xf32>, vector<16xf32>, vector<16xf32>, vector<16xf32>, vector<16xf32>
    }
    %scan3A_212 = arith.constant 32 : i32
    %add3A_213 = arith.constant 160 : i32
    %add3A_214 = arith.addi %add3A_34, %add3A_213 : i32
    %dma_start3A_215 = arith.constant 0 : i32
    %dma_start3A_216 = tpu.memref_slice %arg2[%select_n3A, %add3A_214, %dma_start3A_215] : memref<2x8192x768xf32, #tpu.memory_space<hbm>> -> memref<1x32x768xf32, #tpu.memory_space<hbm>>
    %dma_start3A_217 = tpu.memref_squeeze %dma_start3A_216 : memref<1x32x768xf32, #tpu.memory_space<hbm>> -> memref<32x768xf32, #tpu.memory_space<hbm>>
    %dma_start3A_218 = arith.constant 0 : i32
    %dma_start3A_219 = tpu.memref_slice %arg2[%select_n3A, %add3A_214, %dma_start3A_218] : memref<2x8192x768xf32, #tpu.memory_space<hbm>> -> memref<1x32x768xf32, #tpu.memory_space<hbm>>
    %dma_start3A_220 = tpu.memref_squeeze %dma_start3A_219 : memref<1x32x768xf32, #tpu.memory_space<hbm>> -> memref<32x768xf32, #tpu.memory_space<hbm>>
    tpu.enqueue_dma source(%dma_start3A_220 : memref<32x768xf32, #tpu.memory_space<hbm>>) target(%arg5 : memref<32x768xf32, #tpu.memory_space<vmem>>) target_semaphore(%arg8 : memref<!tpu.dma_semaphore, #tpu.memory_space<semaphore_mem>>)
    %dma_wait3A_221 = arith.constant 0 : i32
    %dma_wait3A_222 = tpu.memref_slice %arg2[%select_n3A, %add3A_194, %dma_wait3A_221] : memref<2x8192x768xf32, #tpu.memory_space<hbm>> -> memref<1x32x768xf32, #tpu.memory_space<hbm>>
    %dma_wait3A_223 = tpu.memref_squeeze %dma_wait3A_222 : memref<1x32x768xf32, #tpu.memory_space<hbm>> -> memref<32x768xf32, #tpu.memory_space<hbm>>
    %dma_wait3A_224 = arith.constant 0 : i32
    %dma_wait3A_225 = tpu.memref_slice %arg2[%select_n3A, %add3A_194, %dma_wait3A_224] : memref<2x8192x768xf32, #tpu.memory_space<hbm>> -> memref<1x32x768xf32, #tpu.memory_space<hbm>>
    %dma_wait3A_226 = tpu.memref_squeeze %dma_wait3A_225 : memref<1x32x768xf32, #tpu.memory_space<hbm>> -> memref<32x768xf32, #tpu.memory_space<hbm>>
    tpu.wait_dma2 semaphore(%arg7 : memref<!tpu.dma_semaphore, #tpu.memory_space<semaphore_mem>>) src(%dma_wait3A_226 : memref<32x768xf32, #tpu.memory_space<hbm>>) dst(%arg4 : memref<32x768xf32, #tpu.memory_space<vmem>>)
    %scan3A_227 = arith.constant 0 : i32
    %scan3A_228 = arith.constant 32 : i32
    %scan3A_229 = arith.addi %scan3A_227, %scan3A_228 : i32
    %scan3A_230 = arith.constant 1 : i32
    %scan3A_231:48 = scf.for %scan3A_476 = %scan3A_227 to %scan3A_229 step %scan3A_230 iter_args(%scan3A_477 = %scan3A_211#0, %scan3A_478 = %scan3A_211#1, %scan3A_479 = %scan3A_211#2, %scan3A_480 = %scan3A_211#3, %scan3A_481 = %scan3A_211#4, %scan3A_482 = %scan3A_211#5, %scan3A_483 = %scan3A_211#6, %scan3A_484 = %scan3A_211#7, %scan3A_485 = %scan3A_211#8, %scan3A_486 = %scan3A_211#9, %scan3A_487 = %scan3A_211#10, %scan3A_488 = %scan3A_211#11, %scan3A_489 = %scan3A_211#12, %scan3A_490 = %scan3A_211#13, %scan3A_491 = %scan3A_211#14, %scan3A_492 = %scan3A_211#15, %scan3A_493 = %scan3A_211#16, %scan3A_494 = %scan3A_211#17, %scan3A_495 = %scan3A_211#18, %scan3A_496 = %scan3A_211#19, %scan3A_497 = %scan3A_211#20, %scan3A_498 = %scan3A_211#21, %scan3A_499 = %scan3A_211#22, %scan3A_500 = %scan3A_211#23, %scan3A_501 = %scan3A_211#24, %scan3A_502 = %scan3A_211#25, %scan3A_503 = %scan3A_211#26, %scan3A_504 = %scan3A_211#27, %scan3A_505 = %scan3A_211#28, %scan3A_506 = %scan3A_211#29, %scan3A_507 = %scan3A_211#30, %scan3A_508 = %scan3A_211#31, %scan3A_509 = %scan3A_211#32, %scan3A_510 = %scan3A_211#33, %scan3A_511 = %scan3A_211#34, %scan3A_512 = %scan3A_211#35, %scan3A_513 = %scan3A_211#36, %scan3A_514 = %scan3A_211#37, %scan3A_515 = %scan3A_211#38, %scan3A_516 = %scan3A_211#39, %scan3A_517 = %scan3A_211#40, %scan3A_518 = %scan3A_211#41, %scan3A_519 = %scan3A_211#42, %scan3A_520 = %scan3A_211#43, %scan3A_521 = %scan3A_211#44, %scan3A_522 = %scan3A_211#45, %scan3A_523 = %scan3A_211#46, %scan3A_524 = %scan3A_211#47) -> (vector<16xf32>, vector<16xf32>, vector<16xf32>, vector<16xf32>, vector<16xf32>, vector<16xf32>, vector<16xf32>, vector<16xf32>, vector<16xf32>, vector<16xf32>, vector<16xf32>, vector<16xf32>, vector<16xf32>, vector<16xf32>, vector<16xf32>, vector<16xf32>, vector<16xf32>, vector<16xf32>, vector<16xf32>, vector<16xf32>, vector<16xf32>, vector<16xf32>, vector<16xf32>, vector<16xf32>, vector<16xf32>, vector<16xf32>, vector<16xf32>, vector<16xf32>, vector<16xf32>, vector<16xf32>, vector<16xf32>, vector<16xf32>, vector<16xf32>, vector<16xf32>, vector<16xf32>, vector<16xf32>, vector<16xf32>, vector<16xf32>, vector<16xf32>, vector<16xf32>, vector<16xf32>, vector<16xf32>, vector<16xf32>, vector<16xf32>, vector<16xf32>, vector<16xf32>, vector<16xf32>, vector<16xf32>)  : i32 {
      %get3A = arith.index_cast %scan3A_476 : i32 to index
      %get3A_525 = arith.constant 0 : index
      %get3A_526 = tpu.vector_load %arg4[%get3A, %get3A_525] {strides = array<i32>} : memref<32x768xf32, #tpu.memory_space<vmem>>, vector<1x16xf32>,
      %get3A_527 = vector.shape_cast %get3A_526 : vector<1x16xf32> to vector<16xf32>
      %add3A_528 = arith.addf %scan3A_477, %get3A_527 : vector<16xf32>
      %get3A_529 = arith.index_cast %scan3A_476 : i32 to index
      %get3A_530 = arith.constant 16 : index
      %get3A_531 = tpu.vector_load %arg4[%get3A_529, %get3A_530] {strides = array<i32>} : memref<32x768xf32, #tpu.memory_space<vmem>>, vector<1x16xf32>,
      %get3A_532 = vector.shape_cast %get3A_531 : vector<1x16xf32> to vector<16xf32>
      %add3A_533 = arith.addf %scan3A_478, %get3A_532 : vector<16xf32>
      %get3A_534 = arith.index_cast %scan3A_476 : i32 to index
      %get3A_535 = arith.constant 32 : index
      %get3A_536 = tpu.vector_load %arg4[%get3A_534, %get3A_535] {strides = array<i32>} : memref<32x768xf32, #tpu.memory_space<vmem>>, vector<1x16xf32>,
      %get3A_537 = vector.shape_cast %get3A_536 : vector<1x16xf32> to vector<16xf32>
      %add3A_538 = arith.addf %scan3A_479, %get3A_537 : vector<16xf32>
      %get3A_539 = arith.index_cast %scan3A_476 : i32 to index
      %get3A_540 = arith.constant 48 : index
      %get3A_541 = tpu.vector_load %arg4[%get3A_539, %get3A_540] {strides = array<i32>} : memref<32x768xf32, #tpu.memory_space<vmem>>, vector<1x16xf32>,
      %get3A_542 = vector.shape_cast %get3A_541 : vector<1x16xf32> to vector<16xf32>
      %add3A_543 = arith.addf %scan3A_480, %get3A_542 : vector<16xf32>
      %get3A_544 = arith.index_cast %scan3A_476 : i32 to index
      %get3A_545 = arith.constant 64 : index
      %get3A_546 = tpu.vector_load %arg4[%get3A_544, %get3A_545] {strides = array<i32>} : memref<32x768xf32, #tpu.memory_space<vmem>>, vector<1x16xf32>,
      %get3A_547 = vector.shape_cast %get3A_546 : vector<1x16xf32> to vector<16xf32>
      %add3A_548 = arith.addf %scan3A_481, %get3A_547 : vector<16xf32>
      %get3A_549 = arith.index_cast %scan3A_476 : i32 to index
      %get3A_550 = arith.constant 80 : index
      %get3A_551 = tpu.vector_load %arg4[%get3A_549, %get3A_550] {strides = array<i32>} : memref<32x768xf32, #tpu.memory_space<vmem>>, vector<1x16xf32>,
      %get3A_552 = vector.shape_cast %get3A_551 : vector<1x16xf32> to vector<16xf32>
      %add3A_553 = arith.addf %scan3A_482, %get3A_552 : vector<16xf32>
      %get3A_554 = arith.index_cast %scan3A_476 : i32 to index
      %get3A_555 = arith.constant 96 : index
      %get3A_556 = tpu.vector_load %arg4[%get3A_554, %get3A_555] {strides = array<i32>} : memref<32x768xf32, #tpu.memory_space<vmem>>, vector<1x16xf32>,
      %get3A_557 = vector.shape_cast %get3A_556 : vector<1x16xf32> to vector<16xf32>
      %add3A_558 = arith.addf %scan3A_483, %get3A_557 : vector<16xf32>
      %get3A_559 = arith.index_cast %scan3A_476 : i32 to index
      %get3A_560 = arith.constant 112 : index
      %get3A_561 = tpu.vector_load %arg4[%get3A_559, %get3A_560] {strides = array<i32>} : memref<32x768xf32, #tpu.memory_space<vmem>>, vector<1x16xf32>,
      %get3A_562 = vector.shape_cast %get3A_561 : vector<1x16xf32> to vector<16xf32>
      %add3A_563 = arith.addf %scan3A_484, %get3A_562 : vector<16xf32>
      %get3A_564 = arith.index_cast %scan3A_476 : i32 to index
      %get3A_565 = arith.constant 128 : index
      %get3A_566 = tpu.vector_load %arg4[%get3A_564, %get3A_565] {strides = array<i32>} : memref<32x768xf32, #tpu.memory_space<vmem>>, vector<1x16xf32>,
      %get3A_567 = vector.shape_cast %get3A_566 : vector<1x16xf32> to vector<16xf32>
      %add3A_568 = arith.addf %scan3A_485, %get3A_567 : vector<16xf32>
      %get3A_569 = arith.index_cast %scan3A_476 : i32 to index
      %get3A_570 = arith.constant 144 : index
      %get3A_571 = tpu.vector_load %arg4[%get3A_569, %get3A_570] {strides = array<i32>} : memref<32x768xf32, #tpu.memory_space<vmem>>, vector<1x16xf32>,
      %get3A_572 = vector.shape_cast %get3A_571 : vector<1x16xf32> to vector<16xf32>
      %add3A_573 = arith.addf %scan3A_486, %get3A_572 : vector<16xf32>
      %get3A_574 = arith.index_cast %scan3A_476 : i32 to index
      %get3A_575 = arith.constant 160 : index
      %get3A_576 = tpu.vector_load %arg4[%get3A_574, %get3A_575] {strides = array<i32>} : memref<32x768xf32, #tpu.memory_space<vmem>>, vector<1x16xf32>,
      %get3A_577 = vector.shape_cast %get3A_576 : vector<1x16xf32> to vector<16xf32>
      %add3A_578 = arith.addf %scan3A_487, %get3A_577 : vector<16xf32>
      %get3A_579 = arith.index_cast %scan3A_476 : i32 to index
      %get3A_580 = arith.constant 176 : index
      %get3A_581 = tpu.vector_load %arg4[%get3A_579, %get3A_580] {strides = array<i32>} : memref<32x768xf32, #tpu.memory_space<vmem>>, vector<1x16xf32>,
      %get3A_582 = vector.shape_cast %get3A_581 : vector<1x16xf32> to vector<16xf32>
      %add3A_583 = arith.addf %scan3A_488, %get3A_582 : vector<16xf32>
      %get3A_584 = arith.index_cast %scan3A_476 : i32 to index
      %get3A_585 = arith.constant 192 : index
      %get3A_586 = tpu.vector_load %arg4[%get3A_584, %get3A_585] {strides = array<i32>} : memref<32x768xf32, #tpu.memory_space<vmem>>, vector<1x16xf32>,
      %get3A_587 = vector.shape_cast %get3A_586 : vector<1x16xf32> to vector<16xf32>
      %add3A_588 = arith.addf %scan3A_489, %get3A_587 : vector<16xf32>
      %get3A_589 = arith.index_cast %scan3A_476 : i32 to index
      %get3A_590 = arith.constant 208 : index
      %get3A_591 = tpu.vector_load %arg4[%get3A_589, %get3A_590] {strides = array<i32>} : memref<32x768xf32, #tpu.memory_space<vmem>>, vector<1x16xf32>,
      %get3A_592 = vector.shape_cast %get3A_591 : vector<1x16xf32> to vector<16xf32>
      %add3A_593 = arith.addf %scan3A_490, %get3A_592 : vector<16xf32>
      %get3A_594 = arith.index_cast %scan3A_476 : i32 to index
      %get3A_595 = arith.constant 224 : index
      %get3A_596 = tpu.vector_load %arg4[%get3A_594, %get3A_595] {strides = array<i32>} : memref<32x768xf32, #tpu.memory_space<vmem>>, vector<1x16xf32>,
      %get3A_597 = vector.shape_cast %get3A_596 : vector<1x16xf32> to vector<16xf32>
      %add3A_598 = arith.addf %scan3A_491, %get3A_597 : vector<16xf32>
      %get3A_599 = arith.index_cast %scan3A_476 : i32 to index
      %get3A_600 = arith.constant 240 : index
      %get3A_601 = tpu.vector_load %arg4[%get3A_599, %get3A_600] {strides = array<i32>} : memref<32x768xf32, #tpu.memory_space<vmem>>, vector<1x16xf32>,
      %get3A_602 = vector.shape_cast %get3A_601 : vector<1x16xf32> to vector<16xf32>
      %add3A_603 = arith.addf %scan3A_492, %get3A_602 : vector<16xf32>
      %get3A_604 = arith.index_cast %scan3A_476 : i32 to index
      %get3A_605 = arith.constant 256 : index
      %get3A_606 = tpu.vector_load %arg4[%get3A_604, %get3A_605] {strides = array<i32>} : memref<32x768xf32, #tpu.memory_space<vmem>>, vector<1x16xf32>,
      %get3A_607 = vector.shape_cast %get3A_606 : vector<1x16xf32> to vector<16xf32>
      %add3A_608 = arith.addf %scan3A_493, %get3A_607 : vector<16xf32>
      %get3A_609 = arith.index_cast %scan3A_476 : i32 to index
      %get3A_610 = arith.constant 272 : index
      %get3A_611 = tpu.vector_load %arg4[%get3A_609, %get3A_610] {strides = array<i32>} : memref<32x768xf32, #tpu.memory_space<vmem>>, vector<1x16xf32>,
      %get3A_612 = vector.shape_cast %get3A_611 : vector<1x16xf32> to vector<16xf32>
      %add3A_613 = arith.addf %scan3A_494, %get3A_612 : vector<16xf32>
      %get3A_614 = arith.index_cast %scan3A_476 : i32 to index
      %get3A_615 = arith.constant 288 : index
      %get3A_616 = tpu.vector_load %arg4[%get3A_614, %get3A_615] {strides = array<i32>} : memref<32x768xf32, #tpu.memory_space<vmem>>, vector<1x16xf32>,
      %get3A_617 = vector.shape_cast %get3A_616 : vector<1x16xf32> to vector<16xf32>
      %add3A_618 = arith.addf %scan3A_495, %get3A_617 : vector<16xf32>
      %get3A_619 = arith.index_cast %scan3A_476 : i32 to index
      %get3A_620 = arith.constant 304 : index
      %get3A_621 = tpu.vector_load %arg4[%get3A_619, %get3A_620] {strides = array<i32>} : memref<32x768xf32, #tpu.memory_space<vmem>>, vector<1x16xf32>,
      %get3A_622 = vector.shape_cast %get3A_621 : vector<1x16xf32> to vector<16xf32>
      %add3A_623 = arith.addf %scan3A_496, %get3A_622 : vector<16xf32>
      %get3A_624 = arith.index_cast %scan3A_476 : i32 to index
      %get3A_625 = arith.constant 320 : index
      %get3A_626 = tpu.vector_load %arg4[%get3A_624, %get3A_625] {strides = array<i32>} : memref<32x768xf32, #tpu.memory_space<vmem>>, vector<1x16xf32>,
      %get3A_627 = vector.shape_cast %get3A_626 : vector<1x16xf32> to vector<16xf32>
      %add3A_628 = arith.addf %scan3A_497, %get3A_627 : vector<16xf32>
      %get3A_629 = arith.index_cast %scan3A_476 : i32 to index
      %get3A_630 = arith.constant 336 : index
      %get3A_631 = tpu.vector_load %arg4[%get3A_629, %get3A_630] {strides = array<i32>} : memref<32x768xf32, #tpu.memory_space<vmem>>, vector<1x16xf32>,
      %get3A_632 = vector.shape_cast %get3A_631 : vector<1x16xf32> to vector<16xf32>
      %add3A_633 = arith.addf %scan3A_498, %get3A_632 : vector<16xf32>
      %get3A_634 = arith.index_cast %scan3A_476 : i32 to index
      %get3A_635 = arith.constant 352 : index
      %get3A_636 = tpu.vector_load %arg4[%get3A_634, %get3A_635] {strides = array<i32>} : memref<32x768xf32, #tpu.memory_space<vmem>>, vector<1x16xf32>,
      %get3A_637 = vector.shape_cast %get3A_636 : vector<1x16xf32> to vector<16xf32>
      %add3A_638 = arith.addf %scan3A_499, %get3A_637 : vector<16xf32>
      %get3A_639 = arith.index_cast %scan3A_476 : i32 to index
      %get3A_640 = arith.constant 368 : index
      %get3A_641 = tpu.vector_load %arg4[%get3A_639, %get3A_640] {strides = array<i32>} : memref<32x768xf32, #tpu.memory_space<vmem>>, vector<1x16xf32>,
      %get3A_642 = vector.shape_cast %get3A_641 : vector<1x16xf32> to vector<16xf32>
      %add3A_643 = arith.addf %scan3A_500, %get3A_642 : vector<16xf32>
      %get3A_644 = arith.index_cast %scan3A_476 : i32 to index
      %get3A_645 = arith.constant 384 : index
      %get3A_646 = tpu.vector_load %arg4[%get3A_644, %get3A_645] {strides = array<i32>} : memref<32x768xf32, #tpu.memory_space<vmem>>, vector<1x16xf32>,
      %get3A_647 = vector.shape_cast %get3A_646 : vector<1x16xf32> to vector<16xf32>
      %add3A_648 = arith.addf %scan3A_501, %get3A_647 : vector<16xf32>
      %get3A_649 = arith.index_cast %scan3A_476 : i32 to index
      %get3A_650 = arith.constant 400 : index
      %get3A_651 = tpu.vector_load %arg4[%get3A_649, %get3A_650] {strides = array<i32>} : memref<32x768xf32, #tpu.memory_space<vmem>>, vector<1x16xf32>,
      %get3A_652 = vector.shape_cast %get3A_651 : vector<1x16xf32> to vector<16xf32>
      %add3A_653 = arith.addf %scan3A_502, %get3A_652 : vector<16xf32>
      %get3A_654 = arith.index_cast %scan3A_476 : i32 to index
      %get3A_655 = arith.constant 416 : index
      %get3A_656 = tpu.vector_load %arg4[%get3A_654, %get3A_655] {strides = array<i32>} : memref<32x768xf32, #tpu.memory_space<vmem>>, vector<1x16xf32>,
      %get3A_657 = vector.shape_cast %get3A_656 : vector<1x16xf32> to vector<16xf32>
      %add3A_658 = arith.addf %scan3A_503, %get3A_657 : vector<16xf32>
      %get3A_659 = arith.index_cast %scan3A_476 : i32 to index
      %get3A_660 = arith.constant 432 : index
      %get3A_661 = tpu.vector_load %arg4[%get3A_659, %get3A_660] {strides = array<i32>} : memref<32x768xf32, #tpu.memory_space<vmem>>, vector<1x16xf32>,
      %get3A_662 = vector.shape_cast %get3A_661 : vector<1x16xf32> to vector<16xf32>
      %add3A_663 = arith.addf %scan3A_504, %get3A_662 : vector<16xf32>
      %get3A_664 = arith.index_cast %scan3A_476 : i32 to index
      %get3A_665 = arith.constant 448 : index
      %get3A_666 = tpu.vector_load %arg4[%get3A_664, %get3A_665] {strides = array<i32>} : memref<32x768xf32, #tpu.memory_space<vmem>>, vector<1x16xf32>,
      %get3A_667 = vector.shape_cast %get3A_666 : vector<1x16xf32> to vector<16xf32>
      %add3A_668 = arith.addf %scan3A_505, %get3A_667 : vector<16xf32>
      %get3A_669 = arith.index_cast %scan3A_476 : i32 to index
      %get3A_670 = arith.constant 464 : index
      %get3A_671 = tpu.vector_load %arg4[%get3A_669, %get3A_670] {strides = array<i32>} : memref<32x768xf32, #tpu.memory_space<vmem>>, vector<1x16xf32>,
      %get3A_672 = vector.shape_cast %get3A_671 : vector<1x16xf32> to vector<16xf32>
      %add3A_673 = arith.addf %scan3A_506, %get3A_672 : vector<16xf32>
      %get3A_674 = arith.index_cast %scan3A_476 : i32 to index
      %get3A_675 = arith.constant 480 : index
      %get3A_676 = tpu.vector_load %arg4[%get3A_674, %get3A_675] {strides = array<i32>} : memref<32x768xf32, #tpu.memory_space<vmem>>, vector<1x16xf32>,
      %get3A_677 = vector.shape_cast %get3A_676 : vector<1x16xf32> to vector<16xf32>
      %add3A_678 = arith.addf %scan3A_507, %get3A_677 : vector<16xf32>
      %get3A_679 = arith.index_cast %scan3A_476 : i32 to index
      %get3A_680 = arith.constant 496 : index
      %get3A_681 = tpu.vector_load %arg4[%get3A_679, %get3A_680] {strides = array<i32>} : memref<32x768xf32, #tpu.memory_space<vmem>>, vector<1x16xf32>,
      %get3A_682 = vector.shape_cast %get3A_681 : vector<1x16xf32> to vector<16xf32>
      %add3A_683 = arith.addf %scan3A_508, %get3A_682 : vector<16xf32>
      %get3A_684 = arith.index_cast %scan3A_476 : i32 to index
      %get3A_685 = arith.constant 512 : index
      %get3A_686 = tpu.vector_load %arg4[%get3A_684, %get3A_685] {strides = array<i32>} : memref<32x768xf32, #tpu.memory_space<vmem>>, vector<1x16xf32>,
      %get3A_687 = vector.shape_cast %get3A_686 : vector<1x16xf32> to vector<16xf32>
      %add3A_688 = arith.addf %scan3A_509, %get3A_687 : vector<16xf32>
      %get3A_689 = arith.index_cast %scan3A_476 : i32 to index
      %get3A_690 = arith.constant 528 : index
      %get3A_691 = tpu.vector_load %arg4[%get3A_689, %get3A_690] {strides = array<i32>} : memref<32x768xf32, #tpu.memory_space<vmem>>, vector<1x16xf32>,
      %get3A_692 = vector.shape_cast %get3A_691 : vector<1x16xf32> to vector<16xf32>
      %add3A_693 = arith.addf %scan3A_510, %get3A_692 : vector<16xf32>
      %get3A_694 = arith.index_cast %scan3A_476 : i32 to index
      %get3A_695 = arith.constant 544 : index
      %get3A_696 = tpu.vector_load %arg4[%get3A_694, %get3A_695] {strides = array<i32>} : memref<32x768xf32, #tpu.memory_space<vmem>>, vector<1x16xf32>,
      %get3A_697 = vector.shape_cast %get3A_696 : vector<1x16xf32> to vector<16xf32>
      %add3A_698 = arith.addf %scan3A_511, %get3A_697 : vector<16xf32>
      %get3A_699 = arith.index_cast %scan3A_476 : i32 to index
      %get3A_700 = arith.constant 560 : index
      %get3A_701 = tpu.vector_load %arg4[%get3A_699, %get3A_700] {strides = array<i32>} : memref<32x768xf32, #tpu.memory_space<vmem>>, vector<1x16xf32>,
      %get3A_702 = vector.shape_cast %get3A_701 : vector<1x16xf32> to vector<16xf32>
      %add3A_703 = arith.addf %scan3A_512, %get3A_702 : vector<16xf32>
      %get3A_704 = arith.index_cast %scan3A_476 : i32 to index
      %get3A_705 = arith.constant 576 : index
      %get3A_706 = tpu.vector_load %arg4[%get3A_704, %get3A_705] {strides = array<i32>} : memref<32x768xf32, #tpu.memory_space<vmem>>, vector<1x16xf32>,
      %get3A_707 = vector.shape_cast %get3A_706 : vector<1x16xf32> to vector<16xf32>
      %add3A_708 = arith.addf %scan3A_513, %get3A_707 : vector<16xf32>
      %get3A_709 = arith.index_cast %scan3A_476 : i32 to index
      %get3A_710 = arith.constant 592 : index
      %get3A_711 = tpu.vector_load %arg4[%get3A_709, %get3A_710] {strides = array<i32>} : memref<32x768xf32, #tpu.memory_space<vmem>>, vector<1x16xf32>,
      %get3A_712 = vector.shape_cast %get3A_711 : vector<1x16xf32> to vector<16xf32>
      %add3A_713 = arith.addf %scan3A_514, %get3A_712 : vector<16xf32>
      %get3A_714 = arith.index_cast %scan3A_476 : i32 to index
      %get3A_715 = arith.constant 608 : index
      %get3A_716 = tpu.vector_load %arg4[%get3A_714, %get3A_715] {strides = array<i32>} : memref<32x768xf32, #tpu.memory_space<vmem>>, vector<1x16xf32>,
      %get3A_717 = vector.shape_cast %get3A_716 : vector<1x16xf32> to vector<16xf32>
      %add3A_718 = arith.addf %scan3A_515, %get3A_717 : vector<16xf32>
      %get3A_719 = arith.index_cast %scan3A_476 : i32 to index
      %get3A_720 = arith.constant 624 : index
      %get3A_721 = tpu.vector_load %arg4[%get3A_719, %get3A_720] {strides = array<i32>} : memref<32x768xf32, #tpu.memory_space<vmem>>, vector<1x16xf32>,
      %get3A_722 = vector.shape_cast %get3A_721 : vector<1x16xf32> to vector<16xf32>
      %add3A_723 = arith.addf %scan3A_516, %get3A_722 : vector<16xf32>
      %get3A_724 = arith.index_cast %scan3A_476 : i32 to index
      %get3A_725 = arith.constant 640 : index
      %get3A_726 = tpu.vector_load %arg4[%get3A_724, %get3A_725] {strides = array<i32>} : memref<32x768xf32, #tpu.memory_space<vmem>>, vector<1x16xf32>,
      %get3A_727 = vector.shape_cast %get3A_726 : vector<1x16xf32> to vector<16xf32>
      %add3A_728 = arith.addf %scan3A_517, %get3A_727 : vector<16xf32>
      %get3A_729 = arith.index_cast %scan3A_476 : i32 to index
      %get3A_730 = arith.constant 656 : index
      %get3A_731 = tpu.vector_load %arg4[%get3A_729, %get3A_730] {strides = array<i32>} : memref<32x768xf32, #tpu.memory_space<vmem>>, vector<1x16xf32>,
      %get3A_732 = vector.shape_cast %get3A_731 : vector<1x16xf32> to vector<16xf32>
      %add3A_733 = arith.addf %scan3A_518, %get3A_732 : vector<16xf32>
      %get3A_734 = arith.index_cast %scan3A_476 : i32 to index
      %get3A_735 = arith.constant 672 : index
      %get3A_736 = tpu.vector_load %arg4[%get3A_734, %get3A_735] {strides = array<i32>} : memref<32x768xf32, #tpu.memory_space<vmem>>, vector<1x16xf32>,
      %get3A_737 = vector.shape_cast %get3A_736 : vector<1x16xf32> to vector<16xf32>
      %add3A_738 = arith.addf %scan3A_519, %get3A_737 : vector<16xf32>
      %get3A_739 = arith.index_cast %scan3A_476 : i32 to index
      %get3A_740 = arith.constant 688 : index
      %get3A_741 = tpu.vector_load %arg4[%get3A_739, %get3A_740] {strides = array<i32>} : memref<32x768xf32, #tpu.memory_space<vmem>>, vector<1x16xf32>,
      %get3A_742 = vector.shape_cast %get3A_741 : vector<1x16xf32> to vector<16xf32>
      %add3A_743 = arith.addf %scan3A_520, %get3A_742 : vector<16xf32>
      %get3A_744 = arith.index_cast %scan3A_476 : i32 to index
      %get3A_745 = arith.constant 704 : index
      %get3A_746 = tpu.vector_load %arg4[%get3A_744, %get3A_745] {strides = array<i32>} : memref<32x768xf32, #tpu.memory_space<vmem>>, vector<1x16xf32>,
      %get3A_747 = vector.shape_cast %get3A_746 : vector<1x16xf32> to vector<16xf32>
      %add3A_748 = arith.addf %scan3A_521, %get3A_747 : vector<16xf32>
      %get3A_749 = arith.index_cast %scan3A_476 : i32 to index
      %get3A_750 = arith.constant 720 : index
      %get3A_751 = tpu.vector_load %arg4[%get3A_749, %get3A_750] {strides = array<i32>} : memref<32x768xf32, #tpu.memory_space<vmem>>, vector<1x16xf32>,
      %get3A_752 = vector.shape_cast %get3A_751 : vector<1x16xf32> to vector<16xf32>
      %add3A_753 = arith.addf %scan3A_522, %get3A_752 : vector<16xf32>
      %get3A_754 = arith.index_cast %scan3A_476 : i32 to index
      %get3A_755 = arith.constant 736 : index
      %get3A_756 = tpu.vector_load %arg4[%get3A_754, %get3A_755] {strides = array<i32>} : memref<32x768xf32, #tpu.memory_space<vmem>>, vector<1x16xf32>,
      %get3A_757 = vector.shape_cast %get3A_756 : vector<1x16xf32> to vector<16xf32>
      %add3A_758 = arith.addf %scan3A_523, %get3A_757 : vector<16xf32>
      %get3A_759 = arith.index_cast %scan3A_476 : i32 to index
      %get3A_760 = arith.constant 752 : index
      %get3A_761 = tpu.vector_load %arg4[%get3A_759, %get3A_760] {strides = array<i32>} : memref<32x768xf32, #tpu.memory_space<vmem>>, vector<1x16xf32>,
      %get3A_762 = vector.shape_cast %get3A_761 : vector<1x16xf32> to vector<16xf32>
      %add3A_763 = arith.addf %scan3A_524, %get3A_762 : vector<16xf32>
      scf.yield %add3A_528, %add3A_533, %add3A_538, %add3A_543, %add3A_548, %add3A_553, %add3A_558, %add3A_563, %add3A_568, %add3A_573, %add3A_578, %add3A_583, %add3A_588, %add3A_593, %add3A_598, %add3A_603, %add3A_608, %add3A_613, %add3A_618, %add3A_623, %add3A_628, %add3A_633, %add3A_638, %add3A_643, %add3A_648, %add3A_653, %add3A_658, %add3A_663, %add3A_668, %add3A_673, %add3A_678, %add3A_683, %add3A_688, %add3A_693, %add3A_698, %add3A_703, %add3A_708, %add3A_713, %add3A_718, %add3A_723, %add3A_728, %add3A_733, %add3A_738, %add3A_743, %add3A_748, %add3A_753, %add3A_758, %add3A_763 : vector<16xf32>, vector<16xf32>, vector<16xf32>, vector<16xf32>, vector<16xf32>, vector<16xf32>, vector<16xf32>, vector<16xf32>, vector<16xf32>, vector<16xf32>, vector<16xf32>, vector<16xf32>, vector<16xf32>, vector<16xf32>, vector<16xf32>, vector<16xf32>, vector<16xf32>, vector<16xf32>, vector<16xf32>, vector<16xf32>, vector<16xf32>, vector<16xf32>, vector<16xf32>, vector<16xf32>, vector<16xf32>, vector<16xf32>, vector<16xf32>, vector<16xf32>, vector<16xf32>, vector<16xf32>, vector<16xf32>, vector<16xf32>, vector<16xf32>, vector<16xf32>, vector<16xf32>, vector<16xf32>, vector<16xf32>, vector<16xf32>, vector<16xf32>, vector<16xf32>, vector<16xf32>, vector<16xf32>, vector<16xf32>, vector<16xf32>, vector<16xf32>, vector<16xf32>, vector<16xf32>, vector<16xf32>
    }
    %scan3A_232 = arith.constant 32 : i32
    %add3A_233 = arith.constant 192 : i32
    %add3A_234 = arith.addi %add3A_34, %add3A_233 : i32
    %dma_start3A_235 = arith.constant 0 : i32
    %dma_start3A_236 = tpu.memref_slice %arg2[%select_n3A, %add3A_234, %dma_start3A_235] : memref<2x8192x768xf32, #tpu.memory_space<hbm>> -> memref<1x32x768xf32, #tpu.memory_space<hbm>>
    %dma_start3A_237 = tpu.memref_squeeze %dma_start3A_236 : memref<1x32x768xf32, #tpu.memory_space<hbm>> -> memref<32x768xf32, #tpu.memory_space<hbm>>
    %dma_start3A_238 = arith.constant 0 : i32
    %dma_start3A_239 = tpu.memref_slice %arg2[%select_n3A, %add3A_234, %dma_start3A_238] : memref<2x8192x768xf32, #tpu.memory_space<hbm>> -> memref<1x32x768xf32, #tpu.memory_space<hbm>>
    %dma_start3A_240 = tpu.memref_squeeze %dma_start3A_239 : memref<1x32x768xf32, #tpu.memory_space<hbm>> -> memref<32x768xf32, #tpu.memory_space<hbm>>
    tpu.enqueue_dma source(%dma_start3A_240 : memref<32x768xf32, #tpu.memory_space<hbm>>) target(%arg4 : memref<32x768xf32, #tpu.memory_space<vmem>>) target_semaphore(%arg7 : memref<!tpu.dma_semaphore, #tpu.memory_space<semaphore_mem>>)
    %dma_wait3A_241 = arith.constant 0 : i32
    %dma_wait3A_242 = tpu.memref_slice %arg2[%select_n3A, %add3A_214, %dma_wait3A_241] : memref<2x8192x768xf32, #tpu.memory_space<hbm>> -> memref<1x32x768xf32, #tpu.memory_space<hbm>>
    %dma_wait3A_243 = tpu.memref_squeeze %dma_wait3A_242 : memref<1x32x768xf32, #tpu.memory_space<hbm>> -> memref<32x768xf32, #tpu.memory_space<hbm>>
    %dma_wait3A_244 = arith.constant 0 : i32
    %dma_wait3A_245 = tpu.memref_slice %arg2[%select_n3A, %add3A_214, %dma_wait3A_244] : memref<2x8192x768xf32, #tpu.memory_space<hbm>> -> memref<1x32x768xf32, #tpu.memory_space<hbm>>
    %dma_wait3A_246 = tpu.memref_squeeze %dma_wait3A_245 : memref<1x32x768xf32, #tpu.memory_space<hbm>> -> memref<32x768xf32, #tpu.memory_space<hbm>>
    tpu.wait_dma2 semaphore(%arg8 : memref<!tpu.dma_semaphore, #tpu.memory_space<semaphore_mem>>) src(%dma_wait3A_246 : memref<32x768xf32, #tpu.memory_space<hbm>>) dst(%arg5 : memref<32x768xf32, #tpu.memory_space<vmem>>)
    %scan3A_247 = arith.constant 0 : i32
    %scan3A_248 = arith.constant 32 : i32
    %scan3A_249 = arith.addi %scan3A_247, %scan3A_248 : i32
    %scan3A_250 = arith.constant 1 : i32
    %scan3A_251:48 = scf.for %scan3A_476 = %scan3A_247 to %scan3A_249 step %scan3A_250 iter_args(%scan3A_477 = %scan3A_231#0, %scan3A_478 = %scan3A_231#1, %scan3A_479 = %scan3A_231#2, %scan3A_480 = %scan3A_231#3, %scan3A_481 = %scan3A_231#4, %scan3A_482 = %scan3A_231#5, %scan3A_483 = %scan3A_231#6, %scan3A_484 = %scan3A_231#7, %scan3A_485 = %scan3A_231#8, %scan3A_486 = %scan3A_231#9, %scan3A_487 = %scan3A_231#10, %scan3A_488 = %scan3A_231#11, %scan3A_489 = %scan3A_231#12, %scan3A_490 = %scan3A_231#13, %scan3A_491 = %scan3A_231#14, %scan3A_492 = %scan3A_231#15, %scan3A_493 = %scan3A_231#16, %scan3A_494 = %scan3A_231#17, %scan3A_495 = %scan3A_231#18, %scan3A_496 = %scan3A_231#19, %scan3A_497 = %scan3A_231#20, %scan3A_498 = %scan3A_231#21, %scan3A_499 = %scan3A_231#22, %scan3A_500 = %scan3A_231#23, %scan3A_501 = %scan3A_231#24, %scan3A_502 = %scan3A_231#25, %scan3A_503 = %scan3A_231#26, %scan3A_504 = %scan3A_231#27, %scan3A_505 = %scan3A_231#28, %scan3A_506 = %scan3A_231#29, %scan3A_507 = %scan3A_231#30, %scan3A_508 = %scan3A_231#31, %scan3A_509 = %scan3A_231#32, %scan3A_510 = %scan3A_231#33, %scan3A_511 = %scan3A_231#34, %scan3A_512 = %scan3A_231#35, %scan3A_513 = %scan3A_231#36, %scan3A_514 = %scan3A_231#37, %scan3A_515 = %scan3A_231#38, %scan3A_516 = %scan3A_231#39, %scan3A_517 = %scan3A_231#40, %scan3A_518 = %scan3A_231#41, %scan3A_519 = %scan3A_231#42, %scan3A_520 = %scan3A_231#43, %scan3A_521 = %scan3A_231#44, %scan3A_522 = %scan3A_231#45, %scan3A_523 = %scan3A_231#46, %scan3A_524 = %scan3A_231#47) -> (vector<16xf32>, vector<16xf32>, vector<16xf32>, vector<16xf32>, vector<16xf32>, vector<16xf32>, vector<16xf32>, vector<16xf32>, vector<16xf32>, vector<16xf32>, vector<16xf32>, vector<16xf32>, vector<16xf32>, vector<16xf32>, vector<16xf32>, vector<16xf32>, vector<16xf32>, vector<16xf32>, vector<16xf32>, vector<16xf32>, vector<16xf32>, vector<16xf32>, vector<16xf32>, vector<16xf32>, vector<16xf32>, vector<16xf32>, vector<16xf32>, vector<16xf32>, vector<16xf32>, vector<16xf32>, vector<16xf32>, vector<16xf32>, vector<16xf32>, vector<16xf32>, vector<16xf32>, vector<16xf32>, vector<16xf32>, vector<16xf32>, vector<16xf32>, vector<16xf32>, vector<16xf32>, vector<16xf32>, vector<16xf32>, vector<16xf32>, vector<16xf32>, vector<16xf32>, vector<16xf32>, vector<16xf32>)  : i32 {
      %get3A = arith.index_cast %scan3A_476 : i32 to index
      %get3A_525 = arith.constant 0 : index
      %get3A_526 = tpu.vector_load %arg5[%get3A, %get3A_525] {strides = array<i32>} : memref<32x768xf32, #tpu.memory_space<vmem>>, vector<1x16xf32>,
      %get3A_527 = vector.shape_cast %get3A_526 : vector<1x16xf32> to vector<16xf32>
      %add3A_528 = arith.addf %scan3A_477, %get3A_527 : vector<16xf32>
      %get3A_529 = arith.index_cast %scan3A_476 : i32 to index
      %get3A_530 = arith.constant 16 : index
      %get3A_531 = tpu.vector_load %arg5[%get3A_529, %get3A_530] {strides = array<i32>} : memref<32x768xf32, #tpu.memory_space<vmem>>, vector<1x16xf32>,
      %get3A_532 = vector.shape_cast %get3A_531 : vector<1x16xf32> to vector<16xf32>
      %add3A_533 = arith.addf %scan3A_478, %get3A_532 : vector<16xf32>
      %get3A_534 = arith.index_cast %scan3A_476 : i32 to index
      %get3A_535 = arith.constant 32 : index
      %get3A_536 = tpu.vector_load %arg5[%get3A_534, %get3A_535] {strides = array<i32>} : memref<32x768xf32, #tpu.memory_space<vmem>>, vector<1x16xf32>,
      %get3A_537 = vector.shape_cast %get3A_536 : vector<1x16xf32> to vector<16xf32>
      %add3A_538 = arith.addf %scan3A_479, %get3A_537 : vector<16xf32>
      %get3A_539 = arith.index_cast %scan3A_476 : i32 to index
      %get3A_540 = arith.constant 48 : index
      %get3A_541 = tpu.vector_load %arg5[%get3A_539, %get3A_540] {strides = array<i32>} : memref<32x768xf32, #tpu.memory_space<vmem>>, vector<1x16xf32>,
      %get3A_542 = vector.shape_cast %get3A_541 : vector<1x16xf32> to vector<16xf32>
      %add3A_543 = arith.addf %scan3A_480, %get3A_542 : vector<16xf32>
      %get3A_544 = arith.index_cast %scan3A_476 : i32 to index
      %get3A_545 = arith.constant 64 : index
      %get3A_546 = tpu.vector_load %arg5[%get3A_544, %get3A_545] {strides = array<i32>} : memref<32x768xf32, #tpu.memory_space<vmem>>, vector<1x16xf32>,
      %get3A_547 = vector.shape_cast %get3A_546 : vector<1x16xf32> to vector<16xf32>
      %add3A_548 = arith.addf %scan3A_481, %get3A_547 : vector<16xf32>
      %get3A_549 = arith.index_cast %scan3A_476 : i32 to index
      %get3A_550 = arith.constant 80 : index
      %get3A_551 = tpu.vector_load %arg5[%get3A_549, %get3A_550] {strides = array<i32>} : memref<32x768xf32, #tpu.memory_space<vmem>>, vector<1x16xf32>,
      %get3A_552 = vector.shape_cast %get3A_551 : vector<1x16xf32> to vector<16xf32>
      %add3A_553 = arith.addf %scan3A_482, %get3A_552 : vector<16xf32>
      %get3A_554 = arith.index_cast %scan3A_476 : i32 to index
      %get3A_555 = arith.constant 96 : index
      %get3A_556 = tpu.vector_load %arg5[%get3A_554, %get3A_555] {strides = array<i32>} : memref<32x768xf32, #tpu.memory_space<vmem>>, vector<1x16xf32>,
      %get3A_557 = vector.shape_cast %get3A_556 : vector<1x16xf32> to vector<16xf32>
      %add3A_558 = arith.addf %scan3A_483, %get3A_557 : vector<16xf32>
      %get3A_559 = arith.index_cast %scan3A_476 : i32 to index
      %get3A_560 = arith.constant 112 : index
      %get3A_561 = tpu.vector_load %arg5[%get3A_559, %get3A_560] {strides = array<i32>} : memref<32x768xf32, #tpu.memory_space<vmem>>, vector<1x16xf32>,
      %get3A_562 = vector.shape_cast %get3A_561 : vector<1x16xf32> to vector<16xf32>
      %add3A_563 = arith.addf %scan3A_484, %get3A_562 : vector<16xf32>
      %get3A_564 = arith.index_cast %scan3A_476 : i32 to index
      %get3A_565 = arith.constant 128 : index
      %get3A_566 = tpu.vector_load %arg5[%get3A_564, %get3A_565] {strides = array<i32>} : memref<32x768xf32, #tpu.memory_space<vmem>>, vector<1x16xf32>,
      %get3A_567 = vector.shape_cast %get3A_566 : vector<1x16xf32> to vector<16xf32>
      %add3A_568 = arith.addf %scan3A_485, %get3A_567 : vector<16xf32>
      %get3A_569 = arith.index_cast %scan3A_476 : i32 to index
      %get3A_570 = arith.constant 144 : index
      %get3A_571 = tpu.vector_load %arg5[%get3A_569, %get3A_570] {strides = array<i32>} : memref<32x768xf32, #tpu.memory_space<vmem>>, vector<1x16xf32>,
      %get3A_572 = vector.shape_cast %get3A_571 : vector<1x16xf32> to vector<16xf32>
      %add3A_573 = arith.addf %scan3A_486, %get3A_572 : vector<16xf32>
      %get3A_574 = arith.index_cast %scan3A_476 : i32 to index
      %get3A_575 = arith.constant 160 : index
      %get3A_576 = tpu.vector_load %arg5[%get3A_574, %get3A_575] {strides = array<i32>} : memref<32x768xf32, #tpu.memory_space<vmem>>, vector<1x16xf32>,
      %get3A_577 = vector.shape_cast %get3A_576 : vector<1x16xf32> to vector<16xf32>
      %add3A_578 = arith.addf %scan3A_487, %get3A_577 : vector<16xf32>
      %get3A_579 = arith.index_cast %scan3A_476 : i32 to index
      %get3A_580 = arith.constant 176 : index
      %get3A_581 = tpu.vector_load %arg5[%get3A_579, %get3A_580] {strides = array<i32>} : memref<32x768xf32, #tpu.memory_space<vmem>>, vector<1x16xf32>,
      %get3A_582 = vector.shape_cast %get3A_581 : vector<1x16xf32> to vector<16xf32>
      %add3A_583 = arith.addf %scan3A_488, %get3A_582 : vector<16xf32>
      %get3A_584 = arith.index_cast %scan3A_476 : i32 to index
      %get3A_585 = arith.constant 192 : index
      %get3A_586 = tpu.vector_load %arg5[%get3A_584, %get3A_585] {strides = array<i32>} : memref<32x768xf32, #tpu.memory_space<vmem>>, vector<1x16xf32>,
      %get3A_587 = vector.shape_cast %get3A_586 : vector<1x16xf32> to vector<16xf32>
      %add3A_588 = arith.addf %scan3A_489, %get3A_587 : vector<16xf32>
      %get3A_589 = arith.index_cast %scan3A_476 : i32 to index
      %get3A_590 = arith.constant 208 : index
      %get3A_591 = tpu.vector_load %arg5[%get3A_589, %get3A_590] {strides = array<i32>} : memref<32x768xf32, #tpu.memory_space<vmem>>, vector<1x16xf32>,
      %get3A_592 = vector.shape_cast %get3A_591 : vector<1x16xf32> to vector<16xf32>
      %add3A_593 = arith.addf %scan3A_490, %get3A_592 : vector<16xf32>
      %get3A_594 = arith.index_cast %scan3A_476 : i32 to index
      %get3A_595 = arith.constant 224 : index
      %get3A_596 = tpu.vector_load %arg5[%get3A_594, %get3A_595] {strides = array<i32>} : memref<32x768xf32, #tpu.memory_space<vmem>>, vector<1x16xf32>,
      %get3A_597 = vector.shape_cast %get3A_596 : vector<1x16xf32> to vector<16xf32>
      %add3A_598 = arith.addf %scan3A_491, %get3A_597 : vector<16xf32>
      %get3A_599 = arith.index_cast %scan3A_476 : i32 to index
      %get3A_600 = arith.constant 240 : index
      %get3A_601 = tpu.vector_load %arg5[%get3A_599, %get3A_600] {strides = array<i32>} : memref<32x768xf32, #tpu.memory_space<vmem>>, vector<1x16xf32>,
      %get3A_602 = vector.shape_cast %get3A_601 : vector<1x16xf32> to vector<16xf32>
      %add3A_603 = arith.addf %scan3A_492, %get3A_602 : vector<16xf32>
      %get3A_604 = arith.index_cast %scan3A_476 : i32 to index
      %get3A_605 = arith.constant 256 : index
      %get3A_606 = tpu.vector_load %arg5[%get3A_604, %get3A_605] {strides = array<i32>} : memref<32x768xf32, #tpu.memory_space<vmem>>, vector<1x16xf32>,
      %get3A_607 = vector.shape_cast %get3A_606 : vector<1x16xf32> to vector<16xf32>
      %add3A_608 = arith.addf %scan3A_493, %get3A_607 : vector<16xf32>
      %get3A_609 = arith.index_cast %scan3A_476 : i32 to index
      %get3A_610 = arith.constant 272 : index
      %get3A_611 = tpu.vector_load %arg5[%get3A_609, %get3A_610] {strides = array<i32>} : memref<32x768xf32, #tpu.memory_space<vmem>>, vector<1x16xf32>,
      %get3A_612 = vector.shape_cast %get3A_611 : vector<1x16xf32> to vector<16xf32>
      %add3A_613 = arith.addf %scan3A_494, %get3A_612 : vector<16xf32>
      %get3A_614 = arith.index_cast %scan3A_476 : i32 to index
      %get3A_615 = arith.constant 288 : index
      %get3A_616 = tpu.vector_load %arg5[%get3A_614, %get3A_615] {strides = array<i32>} : memref<32x768xf32, #tpu.memory_space<vmem>>, vector<1x16xf32>,
      %get3A_617 = vector.shape_cast %get3A_616 : vector<1x16xf32> to vector<16xf32>
      %add3A_618 = arith.addf %scan3A_495, %get3A_617 : vector<16xf32>
      %get3A_619 = arith.index_cast %scan3A_476 : i32 to index
      %get3A_620 = arith.constant 304 : index
      %get3A_621 = tpu.vector_load %arg5[%get3A_619, %get3A_620] {strides = array<i32>} : memref<32x768xf32, #tpu.memory_space<vmem>>, vector<1x16xf32>,
      %get3A_622 = vector.shape_cast %get3A_621 : vector<1x16xf32> to vector<16xf32>
      %add3A_623 = arith.addf %scan3A_496, %get3A_622 : vector<16xf32>
      %get3A_624 = arith.index_cast %scan3A_476 : i32 to index
      %get3A_625 = arith.constant 320 : index
      %get3A_626 = tpu.vector_load %arg5[%get3A_624, %get3A_625] {strides = array<i32>} : memref<32x768xf32, #tpu.memory_space<vmem>>, vector<1x16xf32>,
      %get3A_627 = vector.shape_cast %get3A_626 : vector<1x16xf32> to vector<16xf32>
      %add3A_628 = arith.addf %scan3A_497, %get3A_627 : vector<16xf32>
      %get3A_629 = arith.index_cast %scan3A_476 : i32 to index
      %get3A_630 = arith.constant 336 : index
      %get3A_631 = tpu.vector_load %arg5[%get3A_629, %get3A_630] {strides = array<i32>} : memref<32x768xf32, #tpu.memory_space<vmem>>, vector<1x16xf32>,
      %get3A_632 = vector.shape_cast %get3A_631 : vector<1x16xf32> to vector<16xf32>
      %add3A_633 = arith.addf %scan3A_498, %get3A_632 : vector<16xf32>
      %get3A_634 = arith.index_cast %scan3A_476 : i32 to index
      %get3A_635 = arith.constant 352 : index
      %get3A_636 = tpu.vector_load %arg5[%get3A_634, %get3A_635] {strides = array<i32>} : memref<32x768xf32, #tpu.memory_space<vmem>>, vector<1x16xf32>,
      %get3A_637 = vector.shape_cast %get3A_636 : vector<1x16xf32> to vector<16xf32>
      %add3A_638 = arith.addf %scan3A_499, %get3A_637 : vector<16xf32>
      %get3A_639 = arith.index_cast %scan3A_476 : i32 to index
      %get3A_640 = arith.constant 368 : index
      %get3A_641 = tpu.vector_load %arg5[%get3A_639, %get3A_640] {strides = array<i32>} : memref<32x768xf32, #tpu.memory_space<vmem>>, vector<1x16xf32>,
      %get3A_642 = vector.shape_cast %get3A_641 : vector<1x16xf32> to vector<16xf32>
      %add3A_643 = arith.addf %scan3A_500, %get3A_642 : vector<16xf32>
      %get3A_644 = arith.index_cast %scan3A_476 : i32 to index
      %get3A_645 = arith.constant 384 : index
      %get3A_646 = tpu.vector_load %arg5[%get3A_644, %get3A_645] {strides = array<i32>} : memref<32x768xf32, #tpu.memory_space<vmem>>, vector<1x16xf32>,
      %get3A_647 = vector.shape_cast %get3A_646 : vector<1x16xf32> to vector<16xf32>
      %add3A_648 = arith.addf %scan3A_501, %get3A_647 : vector<16xf32>
      %get3A_649 = arith.index_cast %scan3A_476 : i32 to index
      %get3A_650 = arith.constant 400 : index
      %get3A_651 = tpu.vector_load %arg5[%get3A_649, %get3A_650] {strides = array<i32>} : memref<32x768xf32, #tpu.memory_space<vmem>>, vector<1x16xf32>,
      %get3A_652 = vector.shape_cast %get3A_651 : vector<1x16xf32> to vector<16xf32>
      %add3A_653 = arith.addf %scan3A_502, %get3A_652 : vector<16xf32>
      %get3A_654 = arith.index_cast %scan3A_476 : i32 to index
      %get3A_655 = arith.constant 416 : index
      %get3A_656 = tpu.vector_load %arg5[%get3A_654, %get3A_655] {strides = array<i32>} : memref<32x768xf32, #tpu.memory_space<vmem>>, vector<1x16xf32>,
      %get3A_657 = vector.shape_cast %get3A_656 : vector<1x16xf32> to vector<16xf32>
      %add3A_658 = arith.addf %scan3A_503, %get3A_657 : vector<16xf32>
      %get3A_659 = arith.index_cast %scan3A_476 : i32 to index
      %get3A_660 = arith.constant 432 : index
      %get3A_661 = tpu.vector_load %arg5[%get3A_659, %get3A_660] {strides = array<i32>} : memref<32x768xf32, #tpu.memory_space<vmem>>, vector<1x16xf32>,
      %get3A_662 = vector.shape_cast %get3A_661 : vector<1x16xf32> to vector<16xf32>
      %add3A_663 = arith.addf %scan3A_504, %get3A_662 : vector<16xf32>
      %get3A_664 = arith.index_cast %scan3A_476 : i32 to index
      %get3A_665 = arith.constant 448 : index
      %get3A_666 = tpu.vector_load %arg5[%get3A_664, %get3A_665] {strides = array<i32>} : memref<32x768xf32, #tpu.memory_space<vmem>>, vector<1x16xf32>,
      %get3A_667 = vector.shape_cast %get3A_666 : vector<1x16xf32> to vector<16xf32>
      %add3A_668 = arith.addf %scan3A_505, %get3A_667 : vector<16xf32>
      %get3A_669 = arith.index_cast %scan3A_476 : i32 to index
      %get3A_670 = arith.constant 464 : index
      %get3A_671 = tpu.vector_load %arg5[%get3A_669, %get3A_670] {strides = array<i32>} : memref<32x768xf32, #tpu.memory_space<vmem>>, vector<1x16xf32>,
      %get3A_672 = vector.shape_cast %get3A_671 : vector<1x16xf32> to vector<16xf32>
      %add3A_673 = arith.addf %scan3A_506, %get3A_672 : vector<16xf32>
      %get3A_674 = arith.index_cast %scan3A_476 : i32 to index
      %get3A_675 = arith.constant 480 : index
      %get3A_676 = tpu.vector_load %arg5[%get3A_674, %get3A_675] {strides = array<i32>} : memref<32x768xf32, #tpu.memory_space<vmem>>, vector<1x16xf32>,
      %get3A_677 = vector.shape_cast %get3A_676 : vector<1x16xf32> to vector<16xf32>
      %add3A_678 = arith.addf %scan3A_507, %get3A_677 : vector<16xf32>
      %get3A_679 = arith.index_cast %scan3A_476 : i32 to index
      %get3A_680 = arith.constant 496 : index
      %get3A_681 = tpu.vector_load %arg5[%get3A_679, %get3A_680] {strides = array<i32>} : memref<32x768xf32, #tpu.memory_space<vmem>>, vector<1x16xf32>,
      %get3A_682 = vector.shape_cast %get3A_681 : vector<1x16xf32> to vector<16xf32>
      %add3A_683 = arith.addf %scan3A_508, %get3A_682 : vector<16xf32>
      %get3A_684 = arith.index_cast %scan3A_476 : i32 to index
      %get3A_685 = arith.constant 512 : index
      %get3A_686 = tpu.vector_load %arg5[%get3A_684, %get3A_685] {strides = array<i32>} : memref<32x768xf32, #tpu.memory_space<vmem>>, vector<1x16xf32>,
      %get3A_687 = vector.shape_cast %get3A_686 : vector<1x16xf32> to vector<16xf32>
      %add3A_688 = arith.addf %scan3A_509, %get3A_687 : vector<16xf32>
      %get3A_689 = arith.index_cast %scan3A_476 : i32 to index
      %get3A_690 = arith.constant 528 : index
      %get3A_691 = tpu.vector_load %arg5[%get3A_689, %get3A_690] {strides = array<i32>} : memref<32x768xf32, #tpu.memory_space<vmem>>, vector<1x16xf32>,
      %get3A_692 = vector.shape_cast %get3A_691 : vector<1x16xf32> to vector<16xf32>
      %add3A_693 = arith.addf %scan3A_510, %get3A_692 : vector<16xf32>
      %get3A_694 = arith.index_cast %scan3A_476 : i32 to index
      %get3A_695 = arith.constant 544 : index
      %get3A_696 = tpu.vector_load %arg5[%get3A_694, %get3A_695] {strides = array<i32>} : memref<32x768xf32, #tpu.memory_space<vmem>>, vector<1x16xf32>,
      %get3A_697 = vector.shape_cast %get3A_696 : vector<1x16xf32> to vector<16xf32>
      %add3A_698 = arith.addf %scan3A_511, %get3A_697 : vector<16xf32>
      %get3A_699 = arith.index_cast %scan3A_476 : i32 to index
      %get3A_700 = arith.constant 560 : index
      %get3A_701 = tpu.vector_load %arg5[%get3A_699, %get3A_700] {strides = array<i32>} : memref<32x768xf32, #tpu.memory_space<vmem>>, vector<1x16xf32>,
      %get3A_702 = vector.shape_cast %get3A_701 : vector<1x16xf32> to vector<16xf32>
      %add3A_703 = arith.addf %scan3A_512, %get3A_702 : vector<16xf32>
      %get3A_704 = arith.index_cast %scan3A_476 : i32 to index
      %get3A_705 = arith.constant 576 : index
      %get3A_706 = tpu.vector_load %arg5[%get3A_704, %get3A_705] {strides = array<i32>} : memref<32x768xf32, #tpu.memory_space<vmem>>, vector<1x16xf32>,
      %get3A_707 = vector.shape_cast %get3A_706 : vector<1x16xf32> to vector<16xf32>
      %add3A_708 = arith.addf %scan3A_513, %get3A_707 : vector<16xf32>
      %get3A_709 = arith.index_cast %scan3A_476 : i32 to index
      %get3A_710 = arith.constant 592 : index
      %get3A_711 = tpu.vector_load %arg5[%get3A_709, %get3A_710] {strides = array<i32>} : memref<32x768xf32, #tpu.memory_space<vmem>>, vector<1x16xf32>,
      %get3A_712 = vector.shape_cast %get3A_711 : vector<1x16xf32> to vector<16xf32>
      %add3A_713 = arith.addf %scan3A_514, %get3A_712 : vector<16xf32>
      %get3A_714 = arith.index_cast %scan3A_476 : i32 to index
      %get3A_715 = arith.constant 608 : index
      %get3A_716 = tpu.vector_load %arg5[%get3A_714, %get3A_715] {strides = array<i32>} : memref<32x768xf32, #tpu.memory_space<vmem>>, vector<1x16xf32>,
      %get3A_717 = vector.shape_cast %get3A_716 : vector<1x16xf32> to vector<16xf32>
      %add3A_718 = arith.addf %scan3A_515, %get3A_717 : vector<16xf32>
      %get3A_719 = arith.index_cast %scan3A_476 : i32 to index
      %get3A_720 = arith.constant 624 : index
      %get3A_721 = tpu.vector_load %arg5[%get3A_719, %get3A_720] {strides = array<i32>} : memref<32x768xf32, #tpu.memory_space<vmem>>, vector<1x16xf32>,
      %get3A_722 = vector.shape_cast %get3A_721 : vector<1x16xf32> to vector<16xf32>
      %add3A_723 = arith.addf %scan3A_516, %get3A_722 : vector<16xf32>
      %get3A_724 = arith.index_cast %scan3A_476 : i32 to index
      %get3A_725 = arith.constant 640 : index
      %get3A_726 = tpu.vector_load %arg5[%get3A_724, %get3A_725] {strides = array<i32>} : memref<32x768xf32, #tpu.memory_space<vmem>>, vector<1x16xf32>,
      %get3A_727 = vector.shape_cast %get3A_726 : vector<1x16xf32> to vector<16xf32>
      %add3A_728 = arith.addf %scan3A_517, %get3A_727 : vector<16xf32>
      %get3A_729 = arith.index_cast %scan3A_476 : i32 to index
      %get3A_730 = arith.constant 656 : index
      %get3A_731 = tpu.vector_load %arg5[%get3A_729, %get3A_730] {strides = array<i32>} : memref<32x768xf32, #tpu.memory_space<vmem>>, vector<1x16xf32>,
      %get3A_732 = vector.shape_cast %get3A_731 : vector<1x16xf32> to vector<16xf32>
      %add3A_733 = arith.addf %scan3A_518, %get3A_732 : vector<16xf32>
      %get3A_734 = arith.index_cast %scan3A_476 : i32 to index
      %get3A_735 = arith.constant 672 : index
      %get3A_736 = tpu.vector_load %arg5[%get3A_734, %get3A_735] {strides = array<i32>} : memref<32x768xf32, #tpu.memory_space<vmem>>, vector<1x16xf32>,
      %get3A_737 = vector.shape_cast %get3A_736 : vector<1x16xf32> to vector<16xf32>
      %add3A_738 = arith.addf %scan3A_519, %get3A_737 : vector<16xf32>
      %get3A_739 = arith.index_cast %scan3A_476 : i32 to index
      %get3A_740 = arith.constant 688 : index
      %get3A_741 = tpu.vector_load %arg5[%get3A_739, %get3A_740] {strides = array<i32>} : memref<32x768xf32, #tpu.memory_space<vmem>>, vector<1x16xf32>,
      %get3A_742 = vector.shape_cast %get3A_741 : vector<1x16xf32> to vector<16xf32>
      %add3A_743 = arith.addf %scan3A_520, %get3A_742 : vector<16xf32>
      %get3A_744 = arith.index_cast %scan3A_476 : i32 to index
      %get3A_745 = arith.constant 704 : index
      %get3A_746 = tpu.vector_load %arg5[%get3A_744, %get3A_745] {strides = array<i32>} : memref<32x768xf32, #tpu.memory_space<vmem>>, vector<1x16xf32>,
      %get3A_747 = vector.shape_cast %get3A_746 : vector<1x16xf32> to vector<16xf32>
      %add3A_748 = arith.addf %scan3A_521, %get3A_747 : vector<16xf32>
      %get3A_749 = arith.index_cast %scan3A_476 : i32 to index
      %get3A_750 = arith.constant 720 : index
      %get3A_751 = tpu.vector_load %arg5[%get3A_749, %get3A_750] {strides = array<i32>} : memref<32x768xf32, #tpu.memory_space<vmem>>, vector<1x16xf32>,
      %get3A_752 = vector.shape_cast %get3A_751 : vector<1x16xf32> to vector<16xf32>
      %add3A_753 = arith.addf %scan3A_522, %get3A_752 : vector<16xf32>
      %get3A_754 = arith.index_cast %scan3A_476 : i32 to index
      %get3A_755 = arith.constant 736 : index
      %get3A_756 = tpu.vector_load %arg5[%get3A_754, %get3A_755] {strides = array<i32>} : memref<32x768xf32, #tpu.memory_space<vmem>>, vector<1x16xf32>,
      %get3A_757 = vector.shape_cast %get3A_756 : vector<1x16xf32> to vector<16xf32>
      %add3A_758 = arith.addf %scan3A_523, %get3A_757 : vector<16xf32>
      %get3A_759 = arith.index_cast %scan3A_476 : i32 to index
      %get3A_760 = arith.constant 752 : index
      %get3A_761 = tpu.vector_load %arg5[%get3A_759, %get3A_760] {strides = array<i32>} : memref<32x768xf32, #tpu.memory_space<vmem>>, vector<1x16xf32>,
      %get3A_762 = vector.shape_cast %get3A_761 : vector<1x16xf32> to vector<16xf32>
      %add3A_763 = arith.addf %scan3A_524, %get3A_762 : vector<16xf32>
      scf.yield %add3A_528, %add3A_533, %add3A_538, %add3A_543, %add3A_548, %add3A_553, %add3A_558, %add3A_563, %add3A_568, %add3A_573, %add3A_578, %add3A_583, %add3A_588, %add3A_593, %add3A_598, %add3A_603, %add3A_608, %add3A_613, %add3A_618, %add3A_623, %add3A_628, %add3A_633, %add3A_638, %add3A_643, %add3A_648, %add3A_653, %add3A_658, %add3A_663, %add3A_668, %add3A_673, %add3A_678, %add3A_683, %add3A_688, %add3A_693, %add3A_698, %add3A_703, %add3A_708, %add3A_713, %add3A_718, %add3A_723, %add3A_728, %add3A_733, %add3A_738, %add3A_743, %add3A_748, %add3A_753, %add3A_758, %add3A_763 : vector<16xf32>, vector<16xf32>, vector<16xf32>, vector<16xf32>, vector<16xf32>, vector<16xf32>, vector<16xf32>, vector<16xf32>, vector<16xf32>, vector<16xf32>, vector<16xf32>, vector<16xf32>, vector<16xf32>, vector<16xf32>, vector<16xf32>, vector<16xf32>, vector<16xf32>, vector<16xf32>, vector<16xf32>, vector<16xf32>, vector<16xf32>, vector<16xf32>, vector<16xf32>, vector<16xf32>, vector<16xf32>, vector<16xf32>, vector<16xf32>, vector<16xf32>, vector<16xf32>, vector<16xf32>, vector<16xf32>, vector<16xf32>, vector<16xf32>, vector<16xf32>, vector<16xf32>, vector<16xf32>, vector<16xf32>, vector<16xf32>, vector<16xf32>, vector<16xf32>, vector<16xf32>, vector<16xf32>, vector<16xf32>, vector<16xf32>, vector<16xf32>, vector<16xf32>, vector<16xf32>, vector<16xf32>
    }
    %scan3A_252 = arith.constant 32 : i32
    %add3A_253 = arith.constant 224 : i32
    %add3A_254 = arith.addi %add3A_34, %add3A_253 : i32
    %dma_start3A_255 = arith.constant 0 : i32
    %dma_start3A_256 = tpu.memref_slice %arg2[%select_n3A, %add3A_254, %dma_start3A_255] : memref<2x8192x768xf32, #tpu.memory_space<hbm>> -> memref<1x32x768xf32, #tpu.memory_space<hbm>>
    %dma_start3A_257 = tpu.memref_squeeze %dma_start3A_256 : memref<1x32x768xf32, #tpu.memory_space<hbm>> -> memref<32x768xf32, #tpu.memory_space<hbm>>
    %dma_start3A_258 = arith.constant 0 : i32
    %dma_start3A_259 = tpu.memref_slice %arg2[%select_n3A, %add3A_254, %dma_start3A_258] : memref<2x8192x768xf32, #tpu.memory_space<hbm>> -> memref<1x32x768xf32, #tpu.memory_space<hbm>>
    %dma_start3A_260 = tpu.memref_squeeze %dma_start3A_259 : memref<1x32x768xf32, #tpu.memory_space<hbm>> -> memref<32x768xf32, #tpu.memory_space<hbm>>
    tpu.enqueue_dma source(%dma_start3A_260 : memref<32x768xf32, #tpu.memory_space<hbm>>) target(%arg5 : memref<32x768xf32, #tpu.memory_space<vmem>>) target_semaphore(%arg8 : memref<!tpu.dma_semaphore, #tpu.memory_space<semaphore_mem>>)
    %dma_wait3A_261 = arith.constant 0 : i32
    %dma_wait3A_262 = tpu.memref_slice %arg2[%select_n3A, %add3A_234, %dma_wait3A_261] : memref<2x8192x768xf32, #tpu.memory_space<hbm>> -> memref<1x32x768xf32, #tpu.memory_space<hbm>>
    %dma_wait3A_263 = tpu.memref_squeeze %dma_wait3A_262 : memref<1x32x768xf32, #tpu.memory_space<hbm>> -> memref<32x768xf32, #tpu.memory_space<hbm>>
    %dma_wait3A_264 = arith.constant 0 : i32
    %dma_wait3A_265 = tpu.memref_slice %arg2[%select_n3A, %add3A_234, %dma_wait3A_264] : memref<2x8192x768xf32, #tpu.memory_space<hbm>> -> memref<1x32x768xf32, #tpu.memory_space<hbm>>
    %dma_wait3A_266 = tpu.memref_squeeze %dma_wait3A_265 : memref<1x32x768xf32, #tpu.memory_space<hbm>> -> memref<32x768xf32, #tpu.memory_space<hbm>>
    tpu.wait_dma2 semaphore(%arg7 : memref<!tpu.dma_semaphore, #tpu.memory_space<semaphore_mem>>) src(%dma_wait3A_266 : memref<32x768xf32, #tpu.memory_space<hbm>>) dst(%arg4 : memref<32x768xf32, #tpu.memory_space<vmem>>)
    %scan3A_267 = arith.constant 0 : i32
    %scan3A_268 = arith.constant 32 : i32
    %scan3A_269 = arith.addi %scan3A_267, %scan3A_268 : i32
    %scan3A_270 = arith.constant 1 : i32
    %scan3A_271:48 = scf.for %scan3A_476 = %scan3A_267 to %scan3A_269 step %scan3A_270 iter_args(%scan3A_477 = %scan3A_251#0, %scan3A_478 = %scan3A_251#1, %scan3A_479 = %scan3A_251#2, %scan3A_480 = %scan3A_251#3, %scan3A_481 = %scan3A_251#4, %scan3A_482 = %scan3A_251#5, %scan3A_483 = %scan3A_251#6, %scan3A_484 = %scan3A_251#7, %scan3A_485 = %scan3A_251#8, %scan3A_486 = %scan3A_251#9, %scan3A_487 = %scan3A_251#10, %scan3A_488 = %scan3A_251#11, %scan3A_489 = %scan3A_251#12, %scan3A_490 = %scan3A_251#13, %scan3A_491 = %scan3A_251#14, %scan3A_492 = %scan3A_251#15, %scan3A_493 = %scan3A_251#16, %scan3A_494 = %scan3A_251#17, %scan3A_495 = %scan3A_251#18, %scan3A_496 = %scan3A_251#19, %scan3A_497 = %scan3A_251#20, %scan3A_498 = %scan3A_251#21, %scan3A_499 = %scan3A_251#22, %scan3A_500 = %scan3A_251#23, %scan3A_501 = %scan3A_251#24, %scan3A_502 = %scan3A_251#25, %scan3A_503 = %scan3A_251#26, %scan3A_504 = %scan3A_251#27, %scan3A_505 = %scan3A_251#28, %scan3A_506 = %scan3A_251#29, %scan3A_507 = %scan3A_251#30, %scan3A_508 = %scan3A_251#31, %scan3A_509 = %scan3A_251#32, %scan3A_510 = %scan3A_251#33, %scan3A_511 = %scan3A_251#34, %scan3A_512 = %scan3A_251#35, %scan3A_513 = %scan3A_251#36, %scan3A_514 = %scan3A_251#37, %scan3A_515 = %scan3A_251#38, %scan3A_516 = %scan3A_251#39, %scan3A_517 = %scan3A_251#40, %scan3A_518 = %scan3A_251#41, %scan3A_519 = %scan3A_251#42, %scan3A_520 = %scan3A_251#43, %scan3A_521 = %scan3A_251#44, %scan3A_522 = %scan3A_251#45, %scan3A_523 = %scan3A_251#46, %scan3A_524 = %scan3A_251#47) -> (vector<16xf32>, vector<16xf32>, vector<16xf32>, vector<16xf32>, vector<16xf32>, vector<16xf32>, vector<16xf32>, vector<16xf32>, vector<16xf32>, vector<16xf32>, vector<16xf32>, vector<16xf32>, vector<16xf32>, vector<16xf32>, vector<16xf32>, vector<16xf32>, vector<16xf32>, vector<16xf32>, vector<16xf32>, vector<16xf32>, vector<16xf32>, vector<16xf32>, vector<16xf32>, vector<16xf32>, vector<16xf32>, vector<16xf32>, vector<16xf32>, vector<16xf32>, vector<16xf32>, vector<16xf32>, vector<16xf32>, vector<16xf32>, vector<16xf32>, vector<16xf32>, vector<16xf32>, vector<16xf32>, vector<16xf32>, vector<16xf32>, vector<16xf32>, vector<16xf32>, vector<16xf32>, vector<16xf32>, vector<16xf32>, vector<16xf32>, vector<16xf32>, vector<16xf32>, vector<16xf32>, vector<16xf32>)  : i32 {
      %get3A = arith.index_cast %scan3A_476 : i32 to index
      %get3A_525 = arith.constant 0 : index
      %get3A_526 = tpu.vector_load %arg4[%get3A, %get3A_525] {strides = array<i32>} : memref<32x768xf32, #tpu.memory_space<vmem>>, vector<1x16xf32>,
      %get3A_527 = vector.shape_cast %get3A_526 : vector<1x16xf32> to vector<16xf32>
      %add3A_528 = arith.addf %scan3A_477, %get3A_527 : vector<16xf32>
      %get3A_529 = arith.index_cast %scan3A_476 : i32 to index
      %get3A_530 = arith.constant 16 : index
      %get3A_531 = tpu.vector_load %arg4[%get3A_529, %get3A_530] {strides = array<i32>} : memref<32x768xf32, #tpu.memory_space<vmem>>, vector<1x16xf32>,
      %get3A_532 = vector.shape_cast %get3A_531 : vector<1x16xf32> to vector<16xf32>
      %add3A_533 = arith.addf %scan3A_478, %get3A_532 : vector<16xf32>
      %get3A_534 = arith.index_cast %scan3A_476 : i32 to index
      %get3A_535 = arith.constant 32 : index
      %get3A_536 = tpu.vector_load %arg4[%get3A_534, %get3A_535] {strides = array<i32>} : memref<32x768xf32, #tpu.memory_space<vmem>>, vector<1x16xf32>,
      %get3A_537 = vector.shape_cast %get3A_536 : vector<1x16xf32> to vector<16xf32>
      %add3A_538 = arith.addf %scan3A_479, %get3A_537 : vector<16xf32>
      %get3A_539 = arith.index_cast %scan3A_476 : i32 to index
      %get3A_540 = arith.constant 48 : index
      %get3A_541 = tpu.vector_load %arg4[%get3A_539, %get3A_540] {strides = array<i32>} : memref<32x768xf32, #tpu.memory_space<vmem>>, vector<1x16xf32>,
      %get3A_542 = vector.shape_cast %get3A_541 : vector<1x16xf32> to vector<16xf32>
      %add3A_543 = arith.addf %scan3A_480, %get3A_542 : vector<16xf32>
      %get3A_544 = arith.index_cast %scan3A_476 : i32 to index
      %get3A_545 = arith.constant 64 : index
      %get3A_546 = tpu.vector_load %arg4[%get3A_544, %get3A_545] {strides = array<i32>} : memref<32x768xf32, #tpu.memory_space<vmem>>, vector<1x16xf32>,
      %get3A_547 = vector.shape_cast %get3A_546 : vector<1x16xf32> to vector<16xf32>
      %add3A_548 = arith.addf %scan3A_481, %get3A_547 : vector<16xf32>
      %get3A_549 = arith.index_cast %scan3A_476 : i32 to index
      %get3A_550 = arith.constant 80 : index
      %get3A_551 = tpu.vector_load %arg4[%get3A_549, %get3A_550] {strides = array<i32>} : memref<32x768xf32, #tpu.memory_space<vmem>>, vector<1x16xf32>,
      %get3A_552 = vector.shape_cast %get3A_551 : vector<1x16xf32> to vector<16xf32>
      %add3A_553 = arith.addf %scan3A_482, %get3A_552 : vector<16xf32>
      %get3A_554 = arith.index_cast %scan3A_476 : i32 to index
      %get3A_555 = arith.constant 96 : index
      %get3A_556 = tpu.vector_load %arg4[%get3A_554, %get3A_555] {strides = array<i32>} : memref<32x768xf32, #tpu.memory_space<vmem>>, vector<1x16xf32>,
      %get3A_557 = vector.shape_cast %get3A_556 : vector<1x16xf32> to vector<16xf32>
      %add3A_558 = arith.addf %scan3A_483, %get3A_557 : vector<16xf32>
      %get3A_559 = arith.index_cast %scan3A_476 : i32 to index
      %get3A_560 = arith.constant 112 : index
      %get3A_561 = tpu.vector_load %arg4[%get3A_559, %get3A_560] {strides = array<i32>} : memref<32x768xf32, #tpu.memory_space<vmem>>, vector<1x16xf32>,
      %get3A_562 = vector.shape_cast %get3A_561 : vector<1x16xf32> to vector<16xf32>
      %add3A_563 = arith.addf %scan3A_484, %get3A_562 : vector<16xf32>
      %get3A_564 = arith.index_cast %scan3A_476 : i32 to index
      %get3A_565 = arith.constant 128 : index
      %get3A_566 = tpu.vector_load %arg4[%get3A_564, %get3A_565] {strides = array<i32>} : memref<32x768xf32, #tpu.memory_space<vmem>>, vector<1x16xf32>,
      %get3A_567 = vector.shape_cast %get3A_566 : vector<1x16xf32> to vector<16xf32>
      %add3A_568 = arith.addf %scan3A_485, %get3A_567 : vector<16xf32>
      %get3A_569 = arith.index_cast %scan3A_476 : i32 to index
      %get3A_570 = arith.constant 144 : index
      %get3A_571 = tpu.vector_load %arg4[%get3A_569, %get3A_570] {strides = array<i32>} : memref<32x768xf32, #tpu.memory_space<vmem>>, vector<1x16xf32>,
      %get3A_572 = vector.shape_cast %get3A_571 : vector<1x16xf32> to vector<16xf32>
      %add3A_573 = arith.addf %scan3A_486, %get3A_572 : vector<16xf32>
      %get3A_574 = arith.index_cast %scan3A_476 : i32 to index
      %get3A_575 = arith.constant 160 : index
      %get3A_576 = tpu.vector_load %arg4[%get3A_574, %get3A_575] {strides = array<i32>} : memref<32x768xf32, #tpu.memory_space<vmem>>, vector<1x16xf32>,
      %get3A_577 = vector.shape_cast %get3A_576 : vector<1x16xf32> to vector<16xf32>
      %add3A_578 = arith.addf %scan3A_487, %get3A_577 : vector<16xf32>
      %get3A_579 = arith.index_cast %scan3A_476 : i32 to index
      %get3A_580 = arith.constant 176 : index
      %get3A_581 = tpu.vector_load %arg4[%get3A_579, %get3A_580] {strides = array<i32>} : memref<32x768xf32, #tpu.memory_space<vmem>>, vector<1x16xf32>,
      %get3A_582 = vector.shape_cast %get3A_581 : vector<1x16xf32> to vector<16xf32>
      %add3A_583 = arith.addf %scan3A_488, %get3A_582 : vector<16xf32>
      %get3A_584 = arith.index_cast %scan3A_476 : i32 to index
      %get3A_585 = arith.constant 192 : index
      %get3A_586 = tpu.vector_load %arg4[%get3A_584, %get3A_585] {strides = array<i32>} : memref<32x768xf32, #tpu.memory_space<vmem>>, vector<1x16xf32>,
      %get3A_587 = vector.shape_cast %get3A_586 : vector<1x16xf32> to vector<16xf32>
      %add3A_588 = arith.addf %scan3A_489, %get3A_587 : vector<16xf32>
      %get3A_589 = arith.index_cast %scan3A_476 : i32 to index
      %get3A_590 = arith.constant 208 : index
      %get3A_591 = tpu.vector_load %arg4[%get3A_589, %get3A_590] {strides = array<i32>} : memref<32x768xf32, #tpu.memory_space<vmem>>, vector<1x16xf32>,
      %get3A_592 = vector.shape_cast %get3A_591 : vector<1x16xf32> to vector<16xf32>
      %add3A_593 = arith.addf %scan3A_490, %get3A_592 : vector<16xf32>
      %get3A_594 = arith.index_cast %scan3A_476 : i32 to index
      %get3A_595 = arith.constant 224 : index
      %get3A_596 = tpu.vector_load %arg4[%get3A_594, %get3A_595] {strides = array<i32>} : memref<32x768xf32, #tpu.memory_space<vmem>>, vector<1x16xf32>,
      %get3A_597 = vector.shape_cast %get3A_596 : vector<1x16xf32> to vector<16xf32>
      %add3A_598 = arith.addf %scan3A_491, %get3A_597 : vector<16xf32>
      %get3A_599 = arith.index_cast %scan3A_476 : i32 to index
      %get3A_600 = arith.constant 240 : index
      %get3A_601 = tpu.vector_load %arg4[%get3A_599, %get3A_600] {strides = array<i32>} : memref<32x768xf32, #tpu.memory_space<vmem>>, vector<1x16xf32>,
      %get3A_602 = vector.shape_cast %get3A_601 : vector<1x16xf32> to vector<16xf32>
      %add3A_603 = arith.addf %scan3A_492, %get3A_602 : vector<16xf32>
      %get3A_604 = arith.index_cast %scan3A_476 : i32 to index
      %get3A_605 = arith.constant 256 : index
      %get3A_606 = tpu.vector_load %arg4[%get3A_604, %get3A_605] {strides = array<i32>} : memref<32x768xf32, #tpu.memory_space<vmem>>, vector<1x16xf32>,
      %get3A_607 = vector.shape_cast %get3A_606 : vector<1x16xf32> to vector<16xf32>
      %add3A_608 = arith.addf %scan3A_493, %get3A_607 : vector<16xf32>
      %get3A_609 = arith.index_cast %scan3A_476 : i32 to index
      %get3A_610 = arith.constant 272 : index
      %get3A_611 = tpu.vector_load %arg4[%get3A_609, %get3A_610] {strides = array<i32>} : memref<32x768xf32, #tpu.memory_space<vmem>>, vector<1x16xf32>,
      %get3A_612 = vector.shape_cast %get3A_611 : vector<1x16xf32> to vector<16xf32>
      %add3A_613 = arith.addf %scan3A_494, %get3A_612 : vector<16xf32>
      %get3A_614 = arith.index_cast %scan3A_476 : i32 to index
      %get3A_615 = arith.constant 288 : index
      %get3A_616 = tpu.vector_load %arg4[%get3A_614, %get3A_615] {strides = array<i32>} : memref<32x768xf32, #tpu.memory_space<vmem>>, vector<1x16xf32>,
      %get3A_617 = vector.shape_cast %get3A_616 : vector<1x16xf32> to vector<16xf32>
      %add3A_618 = arith.addf %scan3A_495, %get3A_617 : vector<16xf32>
      %get3A_619 = arith.index_cast %scan3A_476 : i32 to index
      %get3A_620 = arith.constant 304 : index
      %get3A_621 = tpu.vector_load %arg4[%get3A_619, %get3A_620] {strides = array<i32>} : memref<32x768xf32, #tpu.memory_space<vmem>>, vector<1x16xf32>,
      %get3A_622 = vector.shape_cast %get3A_621 : vector<1x16xf32> to vector<16xf32>
      %add3A_623 = arith.addf %scan3A_496, %get3A_622 : vector<16xf32>
      %get3A_624 = arith.index_cast %scan3A_476 : i32 to index
      %get3A_625 = arith.constant 320 : index
      %get3A_626 = tpu.vector_load %arg4[%get3A_624, %get3A_625] {strides = array<i32>} : memref<32x768xf32, #tpu.memory_space<vmem>>, vector<1x16xf32>,
      %get3A_627 = vector.shape_cast %get3A_626 : vector<1x16xf32> to vector<16xf32>
      %add3A_628 = arith.addf %scan3A_497, %get3A_627 : vector<16xf32>
      %get3A_629 = arith.index_cast %scan3A_476 : i32 to index
      %get3A_630 = arith.constant 336 : index
      %get3A_631 = tpu.vector_load %arg4[%get3A_629, %get3A_630] {strides = array<i32>} : memref<32x768xf32, #tpu.memory_space<vmem>>, vector<1x16xf32>,
      %get3A_632 = vector.shape_cast %get3A_631 : vector<1x16xf32> to vector<16xf32>
      %add3A_633 = arith.addf %scan3A_498, %get3A_632 : vector<16xf32>
      %get3A_634 = arith.index_cast %scan3A_476 : i32 to index
      %get3A_635 = arith.constant 352 : index
      %get3A_636 = tpu.vector_load %arg4[%get3A_634, %get3A_635] {strides = array<i32>} : memref<32x768xf32, #tpu.memory_space<vmem>>, vector<1x16xf32>,
      %get3A_637 = vector.shape_cast %get3A_636 : vector<1x16xf32> to vector<16xf32>
      %add3A_638 = arith.addf %scan3A_499, %get3A_637 : vector<16xf32>
      %get3A_639 = arith.index_cast %scan3A_476 : i32 to index
      %get3A_640 = arith.constant 368 : index
      %get3A_641 = tpu.vector_load %arg4[%get3A_639, %get3A_640] {strides = array<i32>} : memref<32x768xf32, #tpu.memory_space<vmem>>, vector<1x16xf32>,
      %get3A_642 = vector.shape_cast %get3A_641 : vector<1x16xf32> to vector<16xf32>
      %add3A_643 = arith.addf %scan3A_500, %get3A_642 : vector<16xf32>
      %get3A_644 = arith.index_cast %scan3A_476 : i32 to index
      %get3A_645 = arith.constant 384 : index
      %get3A_646 = tpu.vector_load %arg4[%get3A_644, %get3A_645] {strides = array<i32>} : memref<32x768xf32, #tpu.memory_space<vmem>>, vector<1x16xf32>,
      %get3A_647 = vector.shape_cast %get3A_646 : vector<1x16xf32> to vector<16xf32>
      %add3A_648 = arith.addf %scan3A_501, %get3A_647 : vector<16xf32>
      %get3A_649 = arith.index_cast %scan3A_476 : i32 to index
      %get3A_650 = arith.constant 400 : index
      %get3A_651 = tpu.vector_load %arg4[%get3A_649, %get3A_650] {strides = array<i32>} : memref<32x768xf32, #tpu.memory_space<vmem>>, vector<1x16xf32>,
      %get3A_652 = vector.shape_cast %get3A_651 : vector<1x16xf32> to vector<16xf32>
      %add3A_653 = arith.addf %scan3A_502, %get3A_652 : vector<16xf32>
      %get3A_654 = arith.index_cast %scan3A_476 : i32 to index
      %get3A_655 = arith.constant 416 : index
      %get3A_656 = tpu.vector_load %arg4[%get3A_654, %get3A_655] {strides = array<i32>} : memref<32x768xf32, #tpu.memory_space<vmem>>, vector<1x16xf32>,
      %get3A_657 = vector.shape_cast %get3A_656 : vector<1x16xf32> to vector<16xf32>
      %add3A_658 = arith.addf %scan3A_503, %get3A_657 : vector<16xf32>
      %get3A_659 = arith.index_cast %scan3A_476 : i32 to index
      %get3A_660 = arith.constant 432 : index
      %get3A_661 = tpu.vector_load %arg4[%get3A_659, %get3A_660] {strides = array<i32>} : memref<32x768xf32, #tpu.memory_space<vmem>>, vector<1x16xf32>,
      %get3A_662 = vector.shape_cast %get3A_661 : vector<1x16xf32> to vector<16xf32>
      %add3A_663 = arith.addf %scan3A_504, %get3A_662 : vector<16xf32>
      %get3A_664 = arith.index_cast %scan3A_476 : i32 to index
      %get3A_665 = arith.constant 448 : index
      %get3A_666 = tpu.vector_load %arg4[%get3A_664, %get3A_665] {strides = array<i32>} : memref<32x768xf32, #tpu.memory_space<vmem>>, vector<1x16xf32>,
      %get3A_667 = vector.shape_cast %get3A_666 : vector<1x16xf32> to vector<16xf32>
      %add3A_668 = arith.addf %scan3A_505, %get3A_667 : vector<16xf32>
      %get3A_669 = arith.index_cast %scan3A_476 : i32 to index
      %get3A_670 = arith.constant 464 : index
      %get3A_671 = tpu.vector_load %arg4[%get3A_669, %get3A_670] {strides = array<i32>} : memref<32x768xf32, #tpu.memory_space<vmem>>, vector<1x16xf32>,
      %get3A_672 = vector.shape_cast %get3A_671 : vector<1x16xf32> to vector<16xf32>
      %add3A_673 = arith.addf %scan3A_506, %get3A_672 : vector<16xf32>
      %get3A_674 = arith.index_cast %scan3A_476 : i32 to index
      %get3A_675 = arith.constant 480 : index
      %get3A_676 = tpu.vector_load %arg4[%get3A_674, %get3A_675] {strides = array<i32>} : memref<32x768xf32, #tpu.memory_space<vmem>>, vector<1x16xf32>,
      %get3A_677 = vector.shape_cast %get3A_676 : vector<1x16xf32> to vector<16xf32>
      %add3A_678 = arith.addf %scan3A_507, %get3A_677 : vector<16xf32>
      %get3A_679 = arith.index_cast %scan3A_476 : i32 to index
      %get3A_680 = arith.constant 496 : index
      %get3A_681 = tpu.vector_load %arg4[%get3A_679, %get3A_680] {strides = array<i32>} : memref<32x768xf32, #tpu.memory_space<vmem>>, vector<1x16xf32>,
      %get3A_682 = vector.shape_cast %get3A_681 : vector<1x16xf32> to vector<16xf32>
      %add3A_683 = arith.addf %scan3A_508, %get3A_682 : vector<16xf32>
      %get3A_684 = arith.index_cast %scan3A_476 : i32 to index
      %get3A_685 = arith.constant 512 : index
      %get3A_686 = tpu.vector_load %arg4[%get3A_684, %get3A_685] {strides = array<i32>} : memref<32x768xf32, #tpu.memory_space<vmem>>, vector<1x16xf32>,
      %get3A_687 = vector.shape_cast %get3A_686 : vector<1x16xf32> to vector<16xf32>
      %add3A_688 = arith.addf %scan3A_509, %get3A_687 : vector<16xf32>
      %get3A_689 = arith.index_cast %scan3A_476 : i32 to index
      %get3A_690 = arith.constant 528 : index
      %get3A_691 = tpu.vector_load %arg4[%get3A_689, %get3A_690] {strides = array<i32>} : memref<32x768xf32, #tpu.memory_space<vmem>>, vector<1x16xf32>,
      %get3A_692 = vector.shape_cast %get3A_691 : vector<1x16xf32> to vector<16xf32>
      %add3A_693 = arith.addf %scan3A_510, %get3A_692 : vector<16xf32>
      %get3A_694 = arith.index_cast %scan3A_476 : i32 to index
      %get3A_695 = arith.constant 544 : index
      %get3A_696 = tpu.vector_load %arg4[%get3A_694, %get3A_695] {strides = array<i32>} : memref<32x768xf32, #tpu.memory_space<vmem>>, vector<1x16xf32>,
      %get3A_697 = vector.shape_cast %get3A_696 : vector<1x16xf32> to vector<16xf32>
      %add3A_698 = arith.addf %scan3A_511, %get3A_697 : vector<16xf32>
      %get3A_699 = arith.index_cast %scan3A_476 : i32 to index
      %get3A_700 = arith.constant 560 : index
      %get3A_701 = tpu.vector_load %arg4[%get3A_699, %get3A_700] {strides = array<i32>} : memref<32x768xf32, #tpu.memory_space<vmem>>, vector<1x16xf32>,
      %get3A_702 = vector.shape_cast %get3A_701 : vector<1x16xf32> to vector<16xf32>
      %add3A_703 = arith.addf %scan3A_512, %get3A_702 : vector<16xf32>
      %get3A_704 = arith.index_cast %scan3A_476 : i32 to index
      %get3A_705 = arith.constant 576 : index
      %get3A_706 = tpu.vector_load %arg4[%get3A_704, %get3A_705] {strides = array<i32>} : memref<32x768xf32, #tpu.memory_space<vmem>>, vector<1x16xf32>,
      %get3A_707 = vector.shape_cast %get3A_706 : vector<1x16xf32> to vector<16xf32>
      %add3A_708 = arith.addf %scan3A_513, %get3A_707 : vector<16xf32>
      %get3A_709 = arith.index_cast %scan3A_476 : i32 to index
      %get3A_710 = arith.constant 592 : index
      %get3A_711 = tpu.vector_load %arg4[%get3A_709, %get3A_710] {strides = array<i32>} : memref<32x768xf32, #tpu.memory_space<vmem>>, vector<1x16xf32>,
      %get3A_712 = vector.shape_cast %get3A_711 : vector<1x16xf32> to vector<16xf32>
      %add3A_713 = arith.addf %scan3A_514, %get3A_712 : vector<16xf32>
      %get3A_714 = arith.index_cast %scan3A_476 : i32 to index
      %get3A_715 = arith.constant 608 : index
      %get3A_716 = tpu.vector_load %arg4[%get3A_714, %get3A_715] {strides = array<i32>} : memref<32x768xf32, #tpu.memory_space<vmem>>, vector<1x16xf32>,
      %get3A_717 = vector.shape_cast %get3A_716 : vector<1x16xf32> to vector<16xf32>
      %add3A_718 = arith.addf %scan3A_515, %get3A_717 : vector<16xf32>
      %get3A_719 = arith.index_cast %scan3A_476 : i32 to index
      %get3A_720 = arith.constant 624 : index
      %get3A_721 = tpu.vector_load %arg4[%get3A_719, %get3A_720] {strides = array<i32>} : memref<32x768xf32, #tpu.memory_space<vmem>>, vector<1x16xf32>,
      %get3A_722 = vector.shape_cast %get3A_721 : vector<1x16xf32> to vector<16xf32>
      %add3A_723 = arith.addf %scan3A_516, %get3A_722 : vector<16xf32>
      %get3A_724 = arith.index_cast %scan3A_476 : i32 to index
      %get3A_725 = arith.constant 640 : index
      %get3A_726 = tpu.vector_load %arg4[%get3A_724, %get3A_725] {strides = array<i32>} : memref<32x768xf32, #tpu.memory_space<vmem>>, vector<1x16xf32>,
      %get3A_727 = vector.shape_cast %get3A_726 : vector<1x16xf32> to vector<16xf32>
      %add3A_728 = arith.addf %scan3A_517, %get3A_727 : vector<16xf32>
      %get3A_729 = arith.index_cast %scan3A_476 : i32 to index
      %get3A_730 = arith.constant 656 : index
      %get3A_731 = tpu.vector_load %arg4[%get3A_729, %get3A_730] {strides = array<i32>} : memref<32x768xf32, #tpu.memory_space<vmem>>, vector<1x16xf32>,
      %get3A_732 = vector.shape_cast %get3A_731 : vector<1x16xf32> to vector<16xf32>
      %add3A_733 = arith.addf %scan3A_518, %get3A_732 : vector<16xf32>
      %get3A_734 = arith.index_cast %scan3A_476 : i32 to index
      %get3A_735 = arith.constant 672 : index
      %get3A_736 = tpu.vector_load %arg4[%get3A_734, %get3A_735] {strides = array<i32>} : memref<32x768xf32, #tpu.memory_space<vmem>>, vector<1x16xf32>,
      %get3A_737 = vector.shape_cast %get3A_736 : vector<1x16xf32> to vector<16xf32>
      %add3A_738 = arith.addf %scan3A_519, %get3A_737 : vector<16xf32>
      %get3A_739 = arith.index_cast %scan3A_476 : i32 to index
      %get3A_740 = arith.constant 688 : index
      %get3A_741 = tpu.vector_load %arg4[%get3A_739, %get3A_740] {strides = array<i32>} : memref<32x768xf32, #tpu.memory_space<vmem>>, vector<1x16xf32>,
      %get3A_742 = vector.shape_cast %get3A_741 : vector<1x16xf32> to vector<16xf32>
      %add3A_743 = arith.addf %scan3A_520, %get3A_742 : vector<16xf32>
      %get3A_744 = arith.index_cast %scan3A_476 : i32 to index
      %get3A_745 = arith.constant 704 : index
      %get3A_746 = tpu.vector_load %arg4[%get3A_744, %get3A_745] {strides = array<i32>} : memref<32x768xf32, #tpu.memory_space<vmem>>, vector<1x16xf32>,
      %get3A_747 = vector.shape_cast %get3A_746 : vector<1x16xf32> to vector<16xf32>
      %add3A_748 = arith.addf %scan3A_521, %get3A_747 : vector<16xf32>
      %get3A_749 = arith.index_cast %scan3A_476 : i32 to index
      %get3A_750 = arith.constant 720 : index
      %get3A_751 = tpu.vector_load %arg4[%get3A_749, %get3A_750] {strides = array<i32>} : memref<32x768xf32, #tpu.memory_space<vmem>>, vector<1x16xf32>,
      %get3A_752 = vector.shape_cast %get3A_751 : vector<1x16xf32> to vector<16xf32>
      %add3A_753 = arith.addf %scan3A_522, %get3A_752 : vector<16xf32>
      %get3A_754 = arith.index_cast %scan3A_476 : i32 to index
      %get3A_755 = arith.constant 736 : index
      %get3A_756 = tpu.vector_load %arg4[%get3A_754, %get3A_755] {strides = array<i32>} : memref<32x768xf32, #tpu.memory_space<vmem>>, vector<1x16xf32>,
      %get3A_757 = vector.shape_cast %get3A_756 : vector<1x16xf32> to vector<16xf32>
      %add3A_758 = arith.addf %scan3A_523, %get3A_757 : vector<16xf32>
      %get3A_759 = arith.index_cast %scan3A_476 : i32 to index
      %get3A_760 = arith.constant 752 : index
      %get3A_761 = tpu.vector_load %arg4[%get3A_759, %get3A_760] {strides = array<i32>} : memref<32x768xf32, #tpu.memory_space<vmem>>, vector<1x16xf32>,
      %get3A_762 = vector.shape_cast %get3A_761 : vector<1x16xf32> to vector<16xf32>
      %add3A_763 = arith.addf %scan3A_524, %get3A_762 : vector<16xf32>
      scf.yield %add3A_528, %add3A_533, %add3A_538, %add3A_543, %add3A_548, %add3A_553, %add3A_558, %add3A_563, %add3A_568, %add3A_573, %add3A_578, %add3A_583, %add3A_588, %add3A_593, %add3A_598, %add3A_603, %add3A_608, %add3A_613, %add3A_618, %add3A_623, %add3A_628, %add3A_633, %add3A_638, %add3A_643, %add3A_648, %add3A_653, %add3A_658, %add3A_663, %add3A_668, %add3A_673, %add3A_678, %add3A_683, %add3A_688, %add3A_693, %add3A_698, %add3A_703, %add3A_708, %add3A_713, %add3A_718, %add3A_723, %add3A_728, %add3A_733, %add3A_738, %add3A_743, %add3A_748, %add3A_753, %add3A_758, %add3A_763 : vector<16xf32>, vector<16xf32>, vector<16xf32>, vector<16xf32>, vector<16xf32>, vector<16xf32>, vector<16xf32>, vector<16xf32>, vector<16xf32>, vector<16xf32>, vector<16xf32>, vector<16xf32>, vector<16xf32>, vector<16xf32>, vector<16xf32>, vector<16xf32>, vector<16xf32>, vector<16xf32>, vector<16xf32>, vector<16xf32>, vector<16xf32>, vector<16xf32>, vector<16xf32>, vector<16xf32>, vector<16xf32>, vector<16xf32>, vector<16xf32>, vector<16xf32>, vector<16xf32>, vector<16xf32>, vector<16xf32>, vector<16xf32>, vector<16xf32>, vector<16xf32>, vector<16xf32>, vector<16xf32>, vector<16xf32>, vector<16xf32>, vector<16xf32>, vector<16xf32>, vector<16xf32>, vector<16xf32>, vector<16xf32>, vector<16xf32>, vector<16xf32>, vector<16xf32>, vector<16xf32>, vector<16xf32>
    }
    %scan3A_272 = arith.constant 32 : i32
    %dma_wait3A_273 = arith.constant 0 : i32
    %dma_wait3A_274 = tpu.memref_slice %arg2[%select_n3A, %add3A_254, %dma_wait3A_273] : memref<2x8192x768xf32, #tpu.memory_space<hbm>> -> memref<1x32x768xf32, #tpu.memory_space<hbm>>
    %dma_wait3A_275 = tpu.memref_squeeze %dma_wait3A_274 : memref<1x32x768xf32, #tpu.memory_space<hbm>> -> memref<32x768xf32, #tpu.memory_space<hbm>>
    %dma_wait3A_276 = arith.constant 0 : i32
    %dma_wait3A_277 = tpu.memref_slice %arg2[%select_n3A, %add3A_254, %dma_wait3A_276] : memref<2x8192x768xf32, #tpu.memory_space<hbm>> -> memref<1x32x768xf32, #tpu.memory_space<hbm>>
    %dma_wait3A_278 = tpu.memref_squeeze %dma_wait3A_277 : memref<1x32x768xf32, #tpu.memory_space<hbm>> -> memref<32x768xf32, #tpu.memory_space<hbm>>
    tpu.wait_dma2 semaphore(%arg8 : memref<!tpu.dma_semaphore, #tpu.memory_space<semaphore_mem>>) src(%dma_wait3A_278 : memref<32x768xf32, #tpu.memory_space<hbm>>) dst(%arg5 : memref<32x768xf32, #tpu.memory_space<vmem>>)
    %scan3A_279 = arith.constant 0 : i32
    %scan3A_280 = arith.constant 32 : i32
    %scan3A_281 = arith.addi %scan3A_279, %scan3A_280 : i32
    %scan3A_282 = arith.constant 1 : i32
    %scan3A_283:48 = scf.for %scan3A_476 = %scan3A_279 to %scan3A_281 step %scan3A_282 iter_args(%scan3A_477 = %scan3A_271#0, %scan3A_478 = %scan3A_271#1, %scan3A_479 = %scan3A_271#2, %scan3A_480 = %scan3A_271#3, %scan3A_481 = %scan3A_271#4, %scan3A_482 = %scan3A_271#5, %scan3A_483 = %scan3A_271#6, %scan3A_484 = %scan3A_271#7, %scan3A_485 = %scan3A_271#8, %scan3A_486 = %scan3A_271#9, %scan3A_487 = %scan3A_271#10, %scan3A_488 = %scan3A_271#11, %scan3A_489 = %scan3A_271#12, %scan3A_490 = %scan3A_271#13, %scan3A_491 = %scan3A_271#14, %scan3A_492 = %scan3A_271#15, %scan3A_493 = %scan3A_271#16, %scan3A_494 = %scan3A_271#17, %scan3A_495 = %scan3A_271#18, %scan3A_496 = %scan3A_271#19, %scan3A_497 = %scan3A_271#20, %scan3A_498 = %scan3A_271#21, %scan3A_499 = %scan3A_271#22, %scan3A_500 = %scan3A_271#23, %scan3A_501 = %scan3A_271#24, %scan3A_502 = %scan3A_271#25, %scan3A_503 = %scan3A_271#26, %scan3A_504 = %scan3A_271#27, %scan3A_505 = %scan3A_271#28, %scan3A_506 = %scan3A_271#29, %scan3A_507 = %scan3A_271#30, %scan3A_508 = %scan3A_271#31, %scan3A_509 = %scan3A_271#32, %scan3A_510 = %scan3A_271#33, %scan3A_511 = %scan3A_271#34, %scan3A_512 = %scan3A_271#35, %scan3A_513 = %scan3A_271#36, %scan3A_514 = %scan3A_271#37, %scan3A_515 = %scan3A_271#38, %scan3A_516 = %scan3A_271#39, %scan3A_517 = %scan3A_271#40, %scan3A_518 = %scan3A_271#41, %scan3A_519 = %scan3A_271#42, %scan3A_520 = %scan3A_271#43, %scan3A_521 = %scan3A_271#44, %scan3A_522 = %scan3A_271#45, %scan3A_523 = %scan3A_271#46, %scan3A_524 = %scan3A_271#47) -> (vector<16xf32>, vector<16xf32>, vector<16xf32>, vector<16xf32>, vector<16xf32>, vector<16xf32>, vector<16xf32>, vector<16xf32>, vector<16xf32>, vector<16xf32>, vector<16xf32>, vector<16xf32>, vector<16xf32>, vector<16xf32>, vector<16xf32>, vector<16xf32>, vector<16xf32>, vector<16xf32>, vector<16xf32>, vector<16xf32>, vector<16xf32>, vector<16xf32>, vector<16xf32>, vector<16xf32>, vector<16xf32>, vector<16xf32>, vector<16xf32>, vector<16xf32>, vector<16xf32>, vector<16xf32>, vector<16xf32>, vector<16xf32>, vector<16xf32>, vector<16xf32>, vector<16xf32>, vector<16xf32>, vector<16xf32>, vector<16xf32>, vector<16xf32>, vector<16xf32>, vector<16xf32>, vector<16xf32>, vector<16xf32>, vector<16xf32>, vector<16xf32>, vector<16xf32>, vector<16xf32>, vector<16xf32>)  : i32 {
      %get3A = arith.index_cast %scan3A_476 : i32 to index
      %get3A_525 = arith.constant 0 : index
      %get3A_526 = tpu.vector_load %arg5[%get3A, %get3A_525] {strides = array<i32>} : memref<32x768xf32, #tpu.memory_space<vmem>>, vector<1x16xf32>,
      %get3A_527 = vector.shape_cast %get3A_526 : vector<1x16xf32> to vector<16xf32>
      %add3A_528 = arith.addf %scan3A_477, %get3A_527 : vector<16xf32>
      %get3A_529 = arith.index_cast %scan3A_476 : i32 to index
      %get3A_530 = arith.constant 16 : index
      %get3A_531 = tpu.vector_load %arg5[%get3A_529, %get3A_530] {strides = array<i32>} : memref<32x768xf32, #tpu.memory_space<vmem>>, vector<1x16xf32>,
      %get3A_532 = vector.shape_cast %get3A_531 : vector<1x16xf32> to vector<16xf32>
      %add3A_533 = arith.addf %scan3A_478, %get3A_532 : vector<16xf32>
      %get3A_534 = arith.index_cast %scan3A_476 : i32 to index
      %get3A_535 = arith.constant 32 : index
      %get3A_536 = tpu.vector_load %arg5[%get3A_534, %get3A_535] {strides = array<i32>} : memref<32x768xf32, #tpu.memory_space<vmem>>, vector<1x16xf32>,
      %get3A_537 = vector.shape_cast %get3A_536 : vector<1x16xf32> to vector<16xf32>
      %add3A_538 = arith.addf %scan3A_479, %get3A_537 : vector<16xf32>
      %get3A_539 = arith.index_cast %scan3A_476 : i32 to index
      %get3A_540 = arith.constant 48 : index
      %get3A_541 = tpu.vector_load %arg5[%get3A_539, %get3A_540] {strides = array<i32>} : memref<32x768xf32, #tpu.memory_space<vmem>>, vector<1x16xf32>,
      %get3A_542 = vector.shape_cast %get3A_541 : vector<1x16xf32> to vector<16xf32>
      %add3A_543 = arith.addf %scan3A_480, %get3A_542 : vector<16xf32>
      %get3A_544 = arith.index_cast %scan3A_476 : i32 to index
      %get3A_545 = arith.constant 64 : index
      %get3A_546 = tpu.vector_load %arg5[%get3A_544, %get3A_545] {strides = array<i32>} : memref<32x768xf32, #tpu.memory_space<vmem>>, vector<1x16xf32>,
      %get3A_547 = vector.shape_cast %get3A_546 : vector<1x16xf32> to vector<16xf32>
      %add3A_548 = arith.addf %scan3A_481, %get3A_547 : vector<16xf32>
      %get3A_549 = arith.index_cast %scan3A_476 : i32 to index
      %get3A_550 = arith.constant 80 : index
      %get3A_551 = tpu.vector_load %arg5[%get3A_549, %get3A_550] {strides = array<i32>} : memref<32x768xf32, #tpu.memory_space<vmem>>, vector<1x16xf32>,
      %get3A_552 = vector.shape_cast %get3A_551 : vector<1x16xf32> to vector<16xf32>
      %add3A_553 = arith.addf %scan3A_482, %get3A_552 : vector<16xf32>
      %get3A_554 = arith.index_cast %scan3A_476 : i32 to index
      %get3A_555 = arith.constant 96 : index
      %get3A_556 = tpu.vector_load %arg5[%get3A_554, %get3A_555] {strides = array<i32>} : memref<32x768xf32, #tpu.memory_space<vmem>>, vector<1x16xf32>,
      %get3A_557 = vector.shape_cast %get3A_556 : vector<1x16xf32> to vector<16xf32>
      %add3A_558 = arith.addf %scan3A_483, %get3A_557 : vector<16xf32>
      %get3A_559 = arith.index_cast %scan3A_476 : i32 to index
      %get3A_560 = arith.constant 112 : index
      %get3A_561 = tpu.vector_load %arg5[%get3A_559, %get3A_560] {strides = array<i32>} : memref<32x768xf32, #tpu.memory_space<vmem>>, vector<1x16xf32>,
      %get3A_562 = vector.shape_cast %get3A_561 : vector<1x16xf32> to vector<16xf32>
      %add3A_563 = arith.addf %scan3A_484, %get3A_562 : vector<16xf32>
      %get3A_564 = arith.index_cast %scan3A_476 : i32 to index
      %get3A_565 = arith.constant 128 : index
      %get3A_566 = tpu.vector_load %arg5[%get3A_564, %get3A_565] {strides = array<i32>} : memref<32x768xf32, #tpu.memory_space<vmem>>, vector<1x16xf32>,
      %get3A_567 = vector.shape_cast %get3A_566 : vector<1x16xf32> to vector<16xf32>
      %add3A_568 = arith.addf %scan3A_485, %get3A_567 : vector<16xf32>
      %get3A_569 = arith.index_cast %scan3A_476 : i32 to index
      %get3A_570 = arith.constant 144 : index
      %get3A_571 = tpu.vector_load %arg5[%get3A_569, %get3A_570] {strides = array<i32>} : memref<32x768xf32, #tpu.memory_space<vmem>>, vector<1x16xf32>,
      %get3A_572 = vector.shape_cast %get3A_571 : vector<1x16xf32> to vector<16xf32>
      %add3A_573 = arith.addf %scan3A_486, %get3A_572 : vector<16xf32>
      %get3A_574 = arith.index_cast %scan3A_476 : i32 to index
      %get3A_575 = arith.constant 160 : index
      %get3A_576 = tpu.vector_load %arg5[%get3A_574, %get3A_575] {strides = array<i32>} : memref<32x768xf32, #tpu.memory_space<vmem>>, vector<1x16xf32>,
      %get3A_577 = vector.shape_cast %get3A_576 : vector<1x16xf32> to vector<16xf32>
      %add3A_578 = arith.addf %scan3A_487, %get3A_577 : vector<16xf32>
      %get3A_579 = arith.index_cast %scan3A_476 : i32 to index
      %get3A_580 = arith.constant 176 : index
      %get3A_581 = tpu.vector_load %arg5[%get3A_579, %get3A_580] {strides = array<i32>} : memref<32x768xf32, #tpu.memory_space<vmem>>, vector<1x16xf32>,
      %get3A_582 = vector.shape_cast %get3A_581 : vector<1x16xf32> to vector<16xf32>
      %add3A_583 = arith.addf %scan3A_488, %get3A_582 : vector<16xf32>
      %get3A_584 = arith.index_cast %scan3A_476 : i32 to index
      %get3A_585 = arith.constant 192 : index
      %get3A_586 = tpu.vector_load %arg5[%get3A_584, %get3A_585] {strides = array<i32>} : memref<32x768xf32, #tpu.memory_space<vmem>>, vector<1x16xf32>,
      %get3A_587 = vector.shape_cast %get3A_586 : vector<1x16xf32> to vector<16xf32>
      %add3A_588 = arith.addf %scan3A_489, %get3A_587 : vector<16xf32>
      %get3A_589 = arith.index_cast %scan3A_476 : i32 to index
      %get3A_590 = arith.constant 208 : index
      %get3A_591 = tpu.vector_load %arg5[%get3A_589, %get3A_590] {strides = array<i32>} : memref<32x768xf32, #tpu.memory_space<vmem>>, vector<1x16xf32>,
      %get3A_592 = vector.shape_cast %get3A_591 : vector<1x16xf32> to vector<16xf32>
      %add3A_593 = arith.addf %scan3A_490, %get3A_592 : vector<16xf32>
      %get3A_594 = arith.index_cast %scan3A_476 : i32 to index
      %get3A_595 = arith.constant 224 : index
      %get3A_596 = tpu.vector_load %arg5[%get3A_594, %get3A_595] {strides = array<i32>} : memref<32x768xf32, #tpu.memory_space<vmem>>, vector<1x16xf32>,
      %get3A_597 = vector.shape_cast %get3A_596 : vector<1x16xf32> to vector<16xf32>
      %add3A_598 = arith.addf %scan3A_491, %get3A_597 : vector<16xf32>
      %get3A_599 = arith.index_cast %scan3A_476 : i32 to index
      %get3A_600 = arith.constant 240 : index
      %get3A_601 = tpu.vector_load %arg5[%get3A_599, %get3A_600] {strides = array<i32>} : memref<32x768xf32, #tpu.memory_space<vmem>>, vector<1x16xf32>,
      %get3A_602 = vector.shape_cast %get3A_601 : vector<1x16xf32> to vector<16xf32>
      %add3A_603 = arith.addf %scan3A_492, %get3A_602 : vector<16xf32>
      %get3A_604 = arith.index_cast %scan3A_476 : i32 to index
      %get3A_605 = arith.constant 256 : index
      %get3A_606 = tpu.vector_load %arg5[%get3A_604, %get3A_605] {strides = array<i32>} : memref<32x768xf32, #tpu.memory_space<vmem>>, vector<1x16xf32>,
      %get3A_607 = vector.shape_cast %get3A_606 : vector<1x16xf32> to vector<16xf32>
      %add3A_608 = arith.addf %scan3A_493, %get3A_607 : vector<16xf32>
      %get3A_609 = arith.index_cast %scan3A_476 : i32 to index
      %get3A_610 = arith.constant 272 : index
      %get3A_611 = tpu.vector_load %arg5[%get3A_609, %get3A_610] {strides = array<i32>} : memref<32x768xf32, #tpu.memory_space<vmem>>, vector<1x16xf32>,
      %get3A_612 = vector.shape_cast %get3A_611 : vector<1x16xf32> to vector<16xf32>
      %add3A_613 = arith.addf %scan3A_494, %get3A_612 : vector<16xf32>
      %get3A_614 = arith.index_cast %scan3A_476 : i32 to index
      %get3A_615 = arith.constant 288 : index
      %get3A_616 = tpu.vector_load %arg5[%get3A_614, %get3A_615] {strides = array<i32>} : memref<32x768xf32, #tpu.memory_space<vmem>>, vector<1x16xf32>,
      %get3A_617 = vector.shape_cast %get3A_616 : vector<1x16xf32> to vector<16xf32>
      %add3A_618 = arith.addf %scan3A_495, %get3A_617 : vector<16xf32>
      %get3A_619 = arith.index_cast %scan3A_476 : i32 to index
      %get3A_620 = arith.constant 304 : index
      %get3A_621 = tpu.vector_load %arg5[%get3A_619, %get3A_620] {strides = array<i32>} : memref<32x768xf32, #tpu.memory_space<vmem>>, vector<1x16xf32>,
      %get3A_622 = vector.shape_cast %get3A_621 : vector<1x16xf32> to vector<16xf32>
      %add3A_623 = arith.addf %scan3A_496, %get3A_622 : vector<16xf32>
      %get3A_624 = arith.index_cast %scan3A_476 : i32 to index
      %get3A_625 = arith.constant 320 : index
      %get3A_626 = tpu.vector_load %arg5[%get3A_624, %get3A_625] {strides = array<i32>} : memref<32x768xf32, #tpu.memory_space<vmem>>, vector<1x16xf32>,
      %get3A_627 = vector.shape_cast %get3A_626 : vector<1x16xf32> to vector<16xf32>
      %add3A_628 = arith.addf %scan3A_497, %get3A_627 : vector<16xf32>
      %get3A_629 = arith.index_cast %scan3A_476 : i32 to index
      %get3A_630 = arith.constant 336 : index
      %get3A_631 = tpu.vector_load %arg5[%get3A_629, %get3A_630] {strides = array<i32>} : memref<32x768xf32, #tpu.memory_space<vmem>>, vector<1x16xf32>,
      %get3A_632 = vector.shape_cast %get3A_631 : vector<1x16xf32> to vector<16xf32>
      %add3A_633 = arith.addf %scan3A_498, %get3A_632 : vector<16xf32>
      %get3A_634 = arith.index_cast %scan3A_476 : i32 to index
      %get3A_635 = arith.constant 352 : index
      %get3A_636 = tpu.vector_load %arg5[%get3A_634, %get3A_635] {strides = array<i32>} : memref<32x768xf32, #tpu.memory_space<vmem>>, vector<1x16xf32>,
      %get3A_637 = vector.shape_cast %get3A_636 : vector<1x16xf32> to vector<16xf32>
      %add3A_638 = arith.addf %scan3A_499, %get3A_637 : vector<16xf32>
      %get3A_639 = arith.index_cast %scan3A_476 : i32 to index
      %get3A_640 = arith.constant 368 : index
      %get3A_641 = tpu.vector_load %arg5[%get3A_639, %get3A_640] {strides = array<i32>} : memref<32x768xf32, #tpu.memory_space<vmem>>, vector<1x16xf32>,
      %get3A_642 = vector.shape_cast %get3A_641 : vector<1x16xf32> to vector<16xf32>
      %add3A_643 = arith.addf %scan3A_500, %get3A_642 : vector<16xf32>
      %get3A_644 = arith.index_cast %scan3A_476 : i32 to index
      %get3A_645 = arith.constant 384 : index
      %get3A_646 = tpu.vector_load %arg5[%get3A_644, %get3A_645] {strides = array<i32>} : memref<32x768xf32, #tpu.memory_space<vmem>>, vector<1x16xf32>,
      %get3A_647 = vector.shape_cast %get3A_646 : vector<1x16xf32> to vector<16xf32>
      %add3A_648 = arith.addf %scan3A_501, %get3A_647 : vector<16xf32>
      %get3A_649 = arith.index_cast %scan3A_476 : i32 to index
      %get3A_650 = arith.constant 400 : index
      %get3A_651 = tpu.vector_load %arg5[%get3A_649, %get3A_650] {strides = array<i32>} : memref<32x768xf32, #tpu.memory_space<vmem>>, vector<1x16xf32>,
      %get3A_652 = vector.shape_cast %get3A_651 : vector<1x16xf32> to vector<16xf32>
      %add3A_653 = arith.addf %scan3A_502, %get3A_652 : vector<16xf32>
      %get3A_654 = arith.index_cast %scan3A_476 : i32 to index
      %get3A_655 = arith.constant 416 : index
      %get3A_656 = tpu.vector_load %arg5[%get3A_654, %get3A_655] {strides = array<i32>} : memref<32x768xf32, #tpu.memory_space<vmem>>, vector<1x16xf32>,
      %get3A_657 = vector.shape_cast %get3A_656 : vector<1x16xf32> to vector<16xf32>
      %add3A_658 = arith.addf %scan3A_503, %get3A_657 : vector<16xf32>
      %get3A_659 = arith.index_cast %scan3A_476 : i32 to index
      %get3A_660 = arith.constant 432 : index
      %get3A_661 = tpu.vector_load %arg5[%get3A_659, %get3A_660] {strides = array<i32>} : memref<32x768xf32, #tpu.memory_space<vmem>>, vector<1x16xf32>,
      %get3A_662 = vector.shape_cast %get3A_661 : vector<1x16xf32> to vector<16xf32>
      %add3A_663 = arith.addf %scan3A_504, %get3A_662 : vector<16xf32>
      %get3A_664 = arith.index_cast %scan3A_476 : i32 to index
      %get3A_665 = arith.constant 448 : index
      %get3A_666 = tpu.vector_load %arg5[%get3A_664, %get3A_665] {strides = array<i32>} : memref<32x768xf32, #tpu.memory_space<vmem>>, vector<1x16xf32>,
      %get3A_667 = vector.shape_cast %get3A_666 : vector<1x16xf32> to vector<16xf32>
      %add3A_668 = arith.addf %scan3A_505, %get3A_667 : vector<16xf32>
      %get3A_669 = arith.index_cast %scan3A_476 : i32 to index
      %get3A_670 = arith.constant 464 : index
      %get3A_671 = tpu.vector_load %arg5[%get3A_669, %get3A_670] {strides = array<i32>} : memref<32x768xf32, #tpu.memory_space<vmem>>, vector<1x16xf32>,
      %get3A_672 = vector.shape_cast %get3A_671 : vector<1x16xf32> to vector<16xf32>
      %add3A_673 = arith.addf %scan3A_506, %get3A_672 : vector<16xf32>
      %get3A_674 = arith.index_cast %scan3A_476 : i32 to index
      %get3A_675 = arith.constant 480 : index
      %get3A_676 = tpu.vector_load %arg5[%get3A_674, %get3A_675] {strides = array<i32>} : memref<32x768xf32, #tpu.memory_space<vmem>>, vector<1x16xf32>,
      %get3A_677 = vector.shape_cast %get3A_676 : vector<1x16xf32> to vector<16xf32>
      %add3A_678 = arith.addf %scan3A_507, %get3A_677 : vector<16xf32>
      %get3A_679 = arith.index_cast %scan3A_476 : i32 to index
      %get3A_680 = arith.constant 496 : index
      %get3A_681 = tpu.vector_load %arg5[%get3A_679, %get3A_680] {strides = array<i32>} : memref<32x768xf32, #tpu.memory_space<vmem>>, vector<1x16xf32>,
      %get3A_682 = vector.shape_cast %get3A_681 : vector<1x16xf32> to vector<16xf32>
      %add3A_683 = arith.addf %scan3A_508, %get3A_682 : vector<16xf32>
      %get3A_684 = arith.index_cast %scan3A_476 : i32 to index
      %get3A_685 = arith.constant 512 : index
      %get3A_686 = tpu.vector_load %arg5[%get3A_684, %get3A_685] {strides = array<i32>} : memref<32x768xf32, #tpu.memory_space<vmem>>, vector<1x16xf32>,
      %get3A_687 = vector.shape_cast %get3A_686 : vector<1x16xf32> to vector<16xf32>
      %add3A_688 = arith.addf %scan3A_509, %get3A_687 : vector<16xf32>
      %get3A_689 = arith.index_cast %scan3A_476 : i32 to index
      %get3A_690 = arith.constant 528 : index
      %get3A_691 = tpu.vector_load %arg5[%get3A_689, %get3A_690] {strides = array<i32>} : memref<32x768xf32, #tpu.memory_space<vmem>>, vector<1x16xf32>,
      %get3A_692 = vector.shape_cast %get3A_691 : vector<1x16xf32> to vector<16xf32>
      %add3A_693 = arith.addf %scan3A_510, %get3A_692 : vector<16xf32>
      %get3A_694 = arith.index_cast %scan3A_476 : i32 to index
      %get3A_695 = arith.constant 544 : index
      %get3A_696 = tpu.vector_load %arg5[%get3A_694, %get3A_695] {strides = array<i32>} : memref<32x768xf32, #tpu.memory_space<vmem>>, vector<1x16xf32>,
      %get3A_697 = vector.shape_cast %get3A_696 : vector<1x16xf32> to vector<16xf32>
      %add3A_698 = arith.addf %scan3A_511, %get3A_697 : vector<16xf32>
      %get3A_699 = arith.index_cast %scan3A_476 : i32 to index
      %get3A_700 = arith.constant 560 : index
      %get3A_701 = tpu.vector_load %arg5[%get3A_699, %get3A_700] {strides = array<i32>} : memref<32x768xf32, #tpu.memory_space<vmem>>, vector<1x16xf32>,
      %get3A_702 = vector.shape_cast %get3A_701 : vector<1x16xf32> to vector<16xf32>
      %add3A_703 = arith.addf %scan3A_512, %get3A_702 : vector<16xf32>
      %get3A_704 = arith.index_cast %scan3A_476 : i32 to index
      %get3A_705 = arith.constant 576 : index
      %get3A_706 = tpu.vector_load %arg5[%get3A_704, %get3A_705] {strides = array<i32>} : memref<32x768xf32, #tpu.memory_space<vmem>>, vector<1x16xf32>,
      %get3A_707 = vector.shape_cast %get3A_706 : vector<1x16xf32> to vector<16xf32>
      %add3A_708 = arith.addf %scan3A_513, %get3A_707 : vector<16xf32>
      %get3A_709 = arith.index_cast %scan3A_476 : i32 to index
      %get3A_710 = arith.constant 592 : index
      %get3A_711 = tpu.vector_load %arg5[%get3A_709, %get3A_710] {strides = array<i32>} : memref<32x768xf32, #tpu.memory_space<vmem>>, vector<1x16xf32>,
      %get3A_712 = vector.shape_cast %get3A_711 : vector<1x16xf32> to vector<16xf32>
      %add3A_713 = arith.addf %scan3A_514, %get3A_712 : vector<16xf32>
      %get3A_714 = arith.index_cast %scan3A_476 : i32 to index
      %get3A_715 = arith.constant 608 : index
      %get3A_716 = tpu.vector_load %arg5[%get3A_714, %get3A_715] {strides = array<i32>} : memref<32x768xf32, #tpu.memory_space<vmem>>, vector<1x16xf32>,
      %get3A_717 = vector.shape_cast %get3A_716 : vector<1x16xf32> to vector<16xf32>
      %add3A_718 = arith.addf %scan3A_515, %get3A_717 : vector<16xf32>
      %get3A_719 = arith.index_cast %scan3A_476 : i32 to index
      %get3A_720 = arith.constant 624 : index
      %get3A_721 = tpu.vector_load %arg5[%get3A_719, %get3A_720] {strides = array<i32>} : memref<32x768xf32, #tpu.memory_space<vmem>>, vector<1x16xf32>,
      %get3A_722 = vector.shape_cast %get3A_721 : vector<1x16xf32> to vector<16xf32>
      %add3A_723 = arith.addf %scan3A_516, %get3A_722 : vector<16xf32>
      %get3A_724 = arith.index_cast %scan3A_476 : i32 to index
      %get3A_725 = arith.constant 640 : index
      %get3A_726 = tpu.vector_load %arg5[%get3A_724, %get3A_725] {strides = array<i32>} : memref<32x768xf32, #tpu.memory_space<vmem>>, vector<1x16xf32>,
      %get3A_727 = vector.shape_cast %get3A_726 : vector<1x16xf32> to vector<16xf32>
      %add3A_728 = arith.addf %scan3A_517, %get3A_727 : vector<16xf32>
      %get3A_729 = arith.index_cast %scan3A_476 : i32 to index
      %get3A_730 = arith.constant 656 : index
      %get3A_731 = tpu.vector_load %arg5[%get3A_729, %get3A_730] {strides = array<i32>} : memref<32x768xf32, #tpu.memory_space<vmem>>, vector<1x16xf32>,
      %get3A_732 = vector.shape_cast %get3A_731 : vector<1x16xf32> to vector<16xf32>
      %add3A_733 = arith.addf %scan3A_518, %get3A_732 : vector<16xf32>
      %get3A_734 = arith.index_cast %scan3A_476 : i32 to index
      %get3A_735 = arith.constant 672 : index
      %get3A_736 = tpu.vector_load %arg5[%get3A_734, %get3A_735] {strides = array<i32>} : memref<32x768xf32, #tpu.memory_space<vmem>>, vector<1x16xf32>,
      %get3A_737 = vector.shape_cast %get3A_736 : vector<1x16xf32> to vector<16xf32>
      %add3A_738 = arith.addf %scan3A_519, %get3A_737 : vector<16xf32>
      %get3A_739 = arith.index_cast %scan3A_476 : i32 to index
      %get3A_740 = arith.constant 688 : index
      %get3A_741 = tpu.vector_load %arg5[%get3A_739, %get3A_740] {strides = array<i32>} : memref<32x768xf32, #tpu.memory_space<vmem>>, vector<1x16xf32>,
      %get3A_742 = vector.shape_cast %get3A_741 : vector<1x16xf32> to vector<16xf32>
      %add3A_743 = arith.addf %scan3A_520, %get3A_742 : vector<16xf32>
      %get3A_744 = arith.index_cast %scan3A_476 : i32 to index
      %get3A_745 = arith.constant 704 : index
      %get3A_746 = tpu.vector_load %arg5[%get3A_744, %get3A_745] {strides = array<i32>} : memref<32x768xf32, #tpu.memory_space<vmem>>, vector<1x16xf32>,
      %get3A_747 = vector.shape_cast %get3A_746 : vector<1x16xf32> to vector<16xf32>
      %add3A_748 = arith.addf %scan3A_521, %get3A_747 : vector<16xf32>
      %get3A_749 = arith.index_cast %scan3A_476 : i32 to index
      %get3A_750 = arith.constant 720 : index
      %get3A_751 = tpu.vector_load %arg5[%get3A_749, %get3A_750] {strides = array<i32>} : memref<32x768xf32, #tpu.memory_space<vmem>>, vector<1x16xf32>,
      %get3A_752 = vector.shape_cast %get3A_751 : vector<1x16xf32> to vector<16xf32>
      %add3A_753 = arith.addf %scan3A_522, %get3A_752 : vector<16xf32>
      %get3A_754 = arith.index_cast %scan3A_476 : i32 to index
      %get3A_755 = arith.constant 736 : index
      %get3A_756 = tpu.vector_load %arg5[%get3A_754, %get3A_755] {strides = array<i32>} : memref<32x768xf32, #tpu.memory_space<vmem>>, vector<1x16xf32>,
      %get3A_757 = vector.shape_cast %get3A_756 : vector<1x16xf32> to vector<16xf32>
      %add3A_758 = arith.addf %scan3A_523, %get3A_757 : vector<16xf32>
      %get3A_759 = arith.index_cast %scan3A_476 : i32 to index
      %get3A_760 = arith.constant 752 : index
      %get3A_761 = tpu.vector_load %arg5[%get3A_759, %get3A_760] {strides = array<i32>} : memref<32x768xf32, #tpu.memory_space<vmem>>, vector<1x16xf32>,
      %get3A_762 = vector.shape_cast %get3A_761 : vector<1x16xf32> to vector<16xf32>
      %add3A_763 = arith.addf %scan3A_524, %get3A_762 : vector<16xf32>
      scf.yield %add3A_528, %add3A_533, %add3A_538, %add3A_543, %add3A_548, %add3A_553, %add3A_558, %add3A_563, %add3A_568, %add3A_573, %add3A_578, %add3A_583, %add3A_588, %add3A_593, %add3A_598, %add3A_603, %add3A_608, %add3A_613, %add3A_618, %add3A_623, %add3A_628, %add3A_633, %add3A_638, %add3A_643, %add3A_648, %add3A_653, %add3A_658, %add3A_663, %add3A_668, %add3A_673, %add3A_678, %add3A_683, %add3A_688, %add3A_693, %add3A_698, %add3A_703, %add3A_708, %add3A_713, %add3A_718, %add3A_723, %add3A_728, %add3A_733, %add3A_738, %add3A_743, %add3A_748, %add3A_753, %add3A_758, %add3A_763 : vector<16xf32>, vector<16xf32>, vector<16xf32>, vector<16xf32>, vector<16xf32>, vector<16xf32>, vector<16xf32>, vector<16xf32>, vector<16xf32>, vector<16xf32>, vector<16xf32>, vector<16xf32>, vector<16xf32>, vector<16xf32>, vector<16xf32>, vector<16xf32>, vector<16xf32>, vector<16xf32>, vector<16xf32>, vector<16xf32>, vector<16xf32>, vector<16xf32>, vector<16xf32>, vector<16xf32>, vector<16xf32>, vector<16xf32>, vector<16xf32>, vector<16xf32>, vector<16xf32>, vector<16xf32>, vector<16xf32>, vector<16xf32>, vector<16xf32>, vector<16xf32>, vector<16xf32>, vector<16xf32>, vector<16xf32>, vector<16xf32>, vector<16xf32>, vector<16xf32>, vector<16xf32>, vector<16xf32>, vector<16xf32>, vector<16xf32>, vector<16xf32>, vector<16xf32>, vector<16xf32>, vector<16xf32>
    }
    %scan3A_284 = arith.constant 32 : i32
    %swap3A = arith.constant 0 : index
    %swap3A_285 = tpu.vector_load %arg6[%swap3A] {strides = array<i32>} : memref<768xf32, #tpu.memory_space<vmem>>, vector<16xf32>,
    %swap3A_286 = vector.shape_cast %swap3A_285 : vector<16xf32> to vector<16xf32>
    %swap3A_287 = vector.shape_cast %scan3A_283#0 : vector<16xf32> to vector<16xf32>
    tpu.vector_store %arg6[%swap3A], %swap3A_287 {strides = array<i32>} : memref<768xf32, #tpu.memory_space<vmem>>, vector<16xf32>,
    %swap3A_288 = arith.constant 16 : index
    %swap3A_289 = tpu.vector_load %arg6[%swap3A_288] {strides = array<i32>} : memref<768xf32, #tpu.memory_space<vmem>>, vector<16xf32>,
    %swap3A_290 = vector.shape_cast %swap3A_289 : vector<16xf32> to vector<16xf32>
    %swap3A_291 = vector.shape_cast %scan3A_283#1 : vector<16xf32> to vector<16xf32>
    tpu.vector_store %arg6[%swap3A_288], %swap3A_291 {strides = array<i32>} : memref<768xf32, #tpu.memory_space<vmem>>, vector<16xf32>,
    %swap3A_292 = arith.constant 32 : index
    %swap3A_293 = tpu.vector_load %arg6[%swap3A_292] {strides = array<i32>} : memref<768xf32, #tpu.memory_space<vmem>>, vector<16xf32>,
    %swap3A_294 = vector.shape_cast %swap3A_293 : vector<16xf32> to vector<16xf32>
    %swap3A_295 = vector.shape_cast %scan3A_283#2 : vector<16xf32> to vector<16xf32>
    tpu.vector_store %arg6[%swap3A_292], %swap3A_295 {strides = array<i32>} : memref<768xf32, #tpu.memory_space<vmem>>, vector<16xf32>,
    %swap3A_296 = arith.constant 48 : index
    %swap3A_297 = tpu.vector_load %arg6[%swap3A_296] {strides = array<i32>} : memref<768xf32, #tpu.memory_space<vmem>>, vector<16xf32>,
    %swap3A_298 = vector.shape_cast %swap3A_297 : vector<16xf32> to vector<16xf32>
    %swap3A_299 = vector.shape_cast %scan3A_283#3 : vector<16xf32> to vector<16xf32>
    tpu.vector_store %arg6[%swap3A_296], %swap3A_299 {strides = array<i32>} : memref<768xf32, #tpu.memory_space<vmem>>, vector<16xf32>,
    %swap3A_300 = arith.constant 64 : index
    %swap3A_301 = tpu.vector_load %arg6[%swap3A_300] {strides = array<i32>} : memref<768xf32, #tpu.memory_space<vmem>>, vector<16xf32>,
    %swap3A_302 = vector.shape_cast %swap3A_301 : vector<16xf32> to vector<16xf32>
    %swap3A_303 = vector.shape_cast %scan3A_283#4 : vector<16xf32> to vector<16xf32>
    tpu.vector_store %arg6[%swap3A_300], %swap3A_303 {strides = array<i32>} : memref<768xf32, #tpu.memory_space<vmem>>, vector<16xf32>,
    %swap3A_304 = arith.constant 80 : index
    %swap3A_305 = tpu.vector_load %arg6[%swap3A_304] {strides = array<i32>} : memref<768xf32, #tpu.memory_space<vmem>>, vector<16xf32>,
    %swap3A_306 = vector.shape_cast %swap3A_305 : vector<16xf32> to vector<16xf32>
    %swap3A_307 = vector.shape_cast %scan3A_283#5 : vector<16xf32> to vector<16xf32>
    tpu.vector_store %arg6[%swap3A_304], %swap3A_307 {strides = array<i32>} : memref<768xf32, #tpu.memory_space<vmem>>, vector<16xf32>,
    %swap3A_308 = arith.constant 96 : index
    %swap3A_309 = tpu.vector_load %arg6[%swap3A_308] {strides = array<i32>} : memref<768xf32, #tpu.memory_space<vmem>>, vector<16xf32>,
    %swap3A_310 = vector.shape_cast %swap3A_309 : vector<16xf32> to vector<16xf32>
    %swap3A_311 = vector.shape_cast %scan3A_283#6 : vector<16xf32> to vector<16xf32>
    tpu.vector_store %arg6[%swap3A_308], %swap3A_311 {strides = array<i32>} : memref<768xf32, #tpu.memory_space<vmem>>, vector<16xf32>,
    %swap3A_312 = arith.constant 112 : index
    %swap3A_313 = tpu.vector_load %arg6[%swap3A_312] {strides = array<i32>} : memref<768xf32, #tpu.memory_space<vmem>>, vector<16xf32>,
    %swap3A_314 = vector.shape_cast %swap3A_313 : vector<16xf32> to vector<16xf32>
    %swap3A_315 = vector.shape_cast %scan3A_283#7 : vector<16xf32> to vector<16xf32>
    tpu.vector_store %arg6[%swap3A_312], %swap3A_315 {strides = array<i32>} : memref<768xf32, #tpu.memory_space<vmem>>, vector<16xf32>,
    %swap3A_316 = arith.constant 128 : index
    %swap3A_317 = tpu.vector_load %arg6[%swap3A_316] {strides = array<i32>} : memref<768xf32, #tpu.memory_space<vmem>>, vector<16xf32>,
    %swap3A_318 = vector.shape_cast %swap3A_317 : vector<16xf32> to vector<16xf32>
    %swap3A_319 = vector.shape_cast %scan3A_283#8 : vector<16xf32> to vector<16xf32>
    tpu.vector_store %arg6[%swap3A_316], %swap3A_319 {strides = array<i32>} : memref<768xf32, #tpu.memory_space<vmem>>, vector<16xf32>,
    %swap3A_320 = arith.constant 144 : index
    %swap3A_321 = tpu.vector_load %arg6[%swap3A_320] {strides = array<i32>} : memref<768xf32, #tpu.memory_space<vmem>>, vector<16xf32>,
    %swap3A_322 = vector.shape_cast %swap3A_321 : vector<16xf32> to vector<16xf32>
    %swap3A_323 = vector.shape_cast %scan3A_283#9 : vector<16xf32> to vector<16xf32>
    tpu.vector_store %arg6[%swap3A_320], %swap3A_323 {strides = array<i32>} : memref<768xf32, #tpu.memory_space<vmem>>, vector<16xf32>,
    %swap3A_324 = arith.constant 160 : index
    %swap3A_325 = tpu.vector_load %arg6[%swap3A_324] {strides = array<i32>} : memref<768xf32, #tpu.memory_space<vmem>>, vector<16xf32>,
    %swap3A_326 = vector.shape_cast %swap3A_325 : vector<16xf32> to vector<16xf32>
    %swap3A_327 = vector.shape_cast %scan3A_283#10 : vector<16xf32> to vector<16xf32>
    tpu.vector_store %arg6[%swap3A_324], %swap3A_327 {strides = array<i32>} : memref<768xf32, #tpu.memory_space<vmem>>, vector<16xf32>,
    %swap3A_328 = arith.constant 176 : index
    %swap3A_329 = tpu.vector_load %arg6[%swap3A_328] {strides = array<i32>} : memref<768xf32, #tpu.memory_space<vmem>>, vector<16xf32>,
    %swap3A_330 = vector.shape_cast %swap3A_329 : vector<16xf32> to vector<16xf32>
    %swap3A_331 = vector.shape_cast %scan3A_283#11 : vector<16xf32> to vector<16xf32>
    tpu.vector_store %arg6[%swap3A_328], %swap3A_331 {strides = array<i32>} : memref<768xf32, #tpu.memory_space<vmem>>, vector<16xf32>,
    %swap3A_332 = arith.constant 192 : index
    %swap3A_333 = tpu.vector_load %arg6[%swap3A_332] {strides = array<i32>} : memref<768xf32, #tpu.memory_space<vmem>>, vector<16xf32>,
    %swap3A_334 = vector.shape_cast %swap3A_333 : vector<16xf32> to vector<16xf32>
    %swap3A_335 = vector.shape_cast %scan3A_283#12 : vector<16xf32> to vector<16xf32>
    tpu.vector_store %arg6[%swap3A_332], %swap3A_335 {strides = array<i32>} : memref<768xf32, #tpu.memory_space<vmem>>, vector<16xf32>,
    %swap3A_336 = arith.constant 208 : index
    %swap3A_337 = tpu.vector_load %arg6[%swap3A_336] {strides = array<i32>} : memref<768xf32, #tpu.memory_space<vmem>>, vector<16xf32>,
    %swap3A_338 = vector.shape_cast %swap3A_337 : vector<16xf32> to vector<16xf32>
    %swap3A_339 = vector.shape_cast %scan3A_283#13 : vector<16xf32> to vector<16xf32>
    tpu.vector_store %arg6[%swap3A_336], %swap3A_339 {strides = array<i32>} : memref<768xf32, #tpu.memory_space<vmem>>, vector<16xf32>,
    %swap3A_340 = arith.constant 224 : index
    %swap3A_341 = tpu.vector_load %arg6[%swap3A_340] {strides = array<i32>} : memref<768xf32, #tpu.memory_space<vmem>>, vector<16xf32>,
    %swap3A_342 = vector.shape_cast %swap3A_341 : vector<16xf32> to vector<16xf32>
    %swap3A_343 = vector.shape_cast %scan3A_283#14 : vector<16xf32> to vector<16xf32>
    tpu.vector_store %arg6[%swap3A_340], %swap3A_343 {strides = array<i32>} : memref<768xf32, #tpu.memory_space<vmem>>, vector<16xf32>,
    %swap3A_344 = arith.constant 240 : index
    %swap3A_345 = tpu.vector_load %arg6[%swap3A_344] {strides = array<i32>} : memref<768xf32, #tpu.memory_space<vmem>>, vector<16xf32>,
    %swap3A_346 = vector.shape_cast %swap3A_345 : vector<16xf32> to vector<16xf32>
    %swap3A_347 = vector.shape_cast %scan3A_283#15 : vector<16xf32> to vector<16xf32>
    tpu.vector_store %arg6[%swap3A_344], %swap3A_347 {strides = array<i32>} : memref<768xf32, #tpu.memory_space<vmem>>, vector<16xf32>,
    %swap3A_348 = arith.constant 256 : index
    %swap3A_349 = tpu.vector_load %arg6[%swap3A_348] {strides = array<i32>} : memref<768xf32, #tpu.memory_space<vmem>>, vector<16xf32>,
    %swap3A_350 = vector.shape_cast %swap3A_349 : vector<16xf32> to vector<16xf32>
    %swap3A_351 = vector.shape_cast %scan3A_283#16 : vector<16xf32> to vector<16xf32>
    tpu.vector_store %arg6[%swap3A_348], %swap3A_351 {strides = array<i32>} : memref<768xf32, #tpu.memory_space<vmem>>, vector<16xf32>,
    %swap3A_352 = arith.constant 272 : index
    %swap3A_353 = tpu.vector_load %arg6[%swap3A_352] {strides = array<i32>} : memref<768xf32, #tpu.memory_space<vmem>>, vector<16xf32>,
    %swap3A_354 = vector.shape_cast %swap3A_353 : vector<16xf32> to vector<16xf32>
    %swap3A_355 = vector.shape_cast %scan3A_283#17 : vector<16xf32> to vector<16xf32>
    tpu.vector_store %arg6[%swap3A_352], %swap3A_355 {strides = array<i32>} : memref<768xf32, #tpu.memory_space<vmem>>, vector<16xf32>,
    %swap3A_356 = arith.constant 288 : index
    %swap3A_357 = tpu.vector_load %arg6[%swap3A_356] {strides = array<i32>} : memref<768xf32, #tpu.memory_space<vmem>>, vector<16xf32>,
    %swap3A_358 = vector.shape_cast %swap3A_357 : vector<16xf32> to vector<16xf32>
    %swap3A_359 = vector.shape_cast %scan3A_283#18 : vector<16xf32> to vector<16xf32>
    tpu.vector_store %arg6[%swap3A_356], %swap3A_359 {strides = array<i32>} : memref<768xf32, #tpu.memory_space<vmem>>, vector<16xf32>,
    %swap3A_360 = arith.constant 304 : index
    %swap3A_361 = tpu.vector_load %arg6[%swap3A_360] {strides = array<i32>} : memref<768xf32, #tpu.memory_space<vmem>>, vector<16xf32>,
    %swap3A_362 = vector.shape_cast %swap3A_361 : vector<16xf32> to vector<16xf32>
    %swap3A_363 = vector.shape_cast %scan3A_283#19 : vector<16xf32> to vector<16xf32>
    tpu.vector_store %arg6[%swap3A_360], %swap3A_363 {strides = array<i32>} : memref<768xf32, #tpu.memory_space<vmem>>, vector<16xf32>,
    %swap3A_364 = arith.constant 320 : index
    %swap3A_365 = tpu.vector_load %arg6[%swap3A_364] {strides = array<i32>} : memref<768xf32, #tpu.memory_space<vmem>>, vector<16xf32>,
    %swap3A_366 = vector.shape_cast %swap3A_365 : vector<16xf32> to vector<16xf32>
    %swap3A_367 = vector.shape_cast %scan3A_283#20 : vector<16xf32> to vector<16xf32>
    tpu.vector_store %arg6[%swap3A_364], %swap3A_367 {strides = array<i32>} : memref<768xf32, #tpu.memory_space<vmem>>, vector<16xf32>,
    %swap3A_368 = arith.constant 336 : index
    %swap3A_369 = tpu.vector_load %arg6[%swap3A_368] {strides = array<i32>} : memref<768xf32, #tpu.memory_space<vmem>>, vector<16xf32>,
    %swap3A_370 = vector.shape_cast %swap3A_369 : vector<16xf32> to vector<16xf32>
    %swap3A_371 = vector.shape_cast %scan3A_283#21 : vector<16xf32> to vector<16xf32>
    tpu.vector_store %arg6[%swap3A_368], %swap3A_371 {strides = array<i32>} : memref<768xf32, #tpu.memory_space<vmem>>, vector<16xf32>,
    %swap3A_372 = arith.constant 352 : index
    %swap3A_373 = tpu.vector_load %arg6[%swap3A_372] {strides = array<i32>} : memref<768xf32, #tpu.memory_space<vmem>>, vector<16xf32>,
    %swap3A_374 = vector.shape_cast %swap3A_373 : vector<16xf32> to vector<16xf32>
    %swap3A_375 = vector.shape_cast %scan3A_283#22 : vector<16xf32> to vector<16xf32>
    tpu.vector_store %arg6[%swap3A_372], %swap3A_375 {strides = array<i32>} : memref<768xf32, #tpu.memory_space<vmem>>, vector<16xf32>,
    %swap3A_376 = arith.constant 368 : index
    %swap3A_377 = tpu.vector_load %arg6[%swap3A_376] {strides = array<i32>} : memref<768xf32, #tpu.memory_space<vmem>>, vector<16xf32>,
    %swap3A_378 = vector.shape_cast %swap3A_377 : vector<16xf32> to vector<16xf32>
    %swap3A_379 = vector.shape_cast %scan3A_283#23 : vector<16xf32> to vector<16xf32>
    tpu.vector_store %arg6[%swap3A_376], %swap3A_379 {strides = array<i32>} : memref<768xf32, #tpu.memory_space<vmem>>, vector<16xf32>,
    %swap3A_380 = arith.constant 384 : index
    %swap3A_381 = tpu.vector_load %arg6[%swap3A_380] {strides = array<i32>} : memref<768xf32, #tpu.memory_space<vmem>>, vector<16xf32>,
    %swap3A_382 = vector.shape_cast %swap3A_381 : vector<16xf32> to vector<16xf32>
    %swap3A_383 = vector.shape_cast %scan3A_283#24 : vector<16xf32> to vector<16xf32>
    tpu.vector_store %arg6[%swap3A_380], %swap3A_383 {strides = array<i32>} : memref<768xf32, #tpu.memory_space<vmem>>, vector<16xf32>,
    %swap3A_384 = arith.constant 400 : index
    %swap3A_385 = tpu.vector_load %arg6[%swap3A_384] {strides = array<i32>} : memref<768xf32, #tpu.memory_space<vmem>>, vector<16xf32>,
    %swap3A_386 = vector.shape_cast %swap3A_385 : vector<16xf32> to vector<16xf32>
    %swap3A_387 = vector.shape_cast %scan3A_283#25 : vector<16xf32> to vector<16xf32>
    tpu.vector_store %arg6[%swap3A_384], %swap3A_387 {strides = array<i32>} : memref<768xf32, #tpu.memory_space<vmem>>, vector<16xf32>,
    %swap3A_388 = arith.constant 416 : index
    %swap3A_389 = tpu.vector_load %arg6[%swap3A_388] {strides = array<i32>} : memref<768xf32, #tpu.memory_space<vmem>>, vector<16xf32>,
    %swap3A_390 = vector.shape_cast %swap3A_389 : vector<16xf32> to vector<16xf32>
    %swap3A_391 = vector.shape_cast %scan3A_283#26 : vector<16xf32> to vector<16xf32>
    tpu.vector_store %arg6[%swap3A_388], %swap3A_391 {strides = array<i32>} : memref<768xf32, #tpu.memory_space<vmem>>, vector<16xf32>,
    %swap3A_392 = arith.constant 432 : index
    %swap3A_393 = tpu.vector_load %arg6[%swap3A_392] {strides = array<i32>} : memref<768xf32, #tpu.memory_space<vmem>>, vector<16xf32>,
    %swap3A_394 = vector.shape_cast %swap3A_393 : vector<16xf32> to vector<16xf32>
    %swap3A_395 = vector.shape_cast %scan3A_283#27 : vector<16xf32> to vector<16xf32>
    tpu.vector_store %arg6[%swap3A_392], %swap3A_395 {strides = array<i32>} : memref<768xf32, #tpu.memory_space<vmem>>, vector<16xf32>,
    %swap3A_396 = arith.constant 448 : index
    %swap3A_397 = tpu.vector_load %arg6[%swap3A_396] {strides = array<i32>} : memref<768xf32, #tpu.memory_space<vmem>>, vector<16xf32>,
    %swap3A_398 = vector.shape_cast %swap3A_397 : vector<16xf32> to vector<16xf32>
    %swap3A_399 = vector.shape_cast %scan3A_283#28 : vector<16xf32> to vector<16xf32>
    tpu.vector_store %arg6[%swap3A_396], %swap3A_399 {strides = array<i32>} : memref<768xf32, #tpu.memory_space<vmem>>, vector<16xf32>,
    %swap3A_400 = arith.constant 464 : index
    %swap3A_401 = tpu.vector_load %arg6[%swap3A_400] {strides = array<i32>} : memref<768xf32, #tpu.memory_space<vmem>>, vector<16xf32>,
    %swap3A_402 = vector.shape_cast %swap3A_401 : vector<16xf32> to vector<16xf32>
    %swap3A_403 = vector.shape_cast %scan3A_283#29 : vector<16xf32> to vector<16xf32>
    tpu.vector_store %arg6[%swap3A_400], %swap3A_403 {strides = array<i32>} : memref<768xf32, #tpu.memory_space<vmem>>, vector<16xf32>,
    %swap3A_404 = arith.constant 480 : index
    %swap3A_405 = tpu.vector_load %arg6[%swap3A_404] {strides = array<i32>} : memref<768xf32, #tpu.memory_space<vmem>>, vector<16xf32>,
    %swap3A_406 = vector.shape_cast %swap3A_405 : vector<16xf32> to vector<16xf32>
    %swap3A_407 = vector.shape_cast %scan3A_283#30 : vector<16xf32> to vector<16xf32>
    tpu.vector_store %arg6[%swap3A_404], %swap3A_407 {strides = array<i32>} : memref<768xf32, #tpu.memory_space<vmem>>, vector<16xf32>,
    %swap3A_408 = arith.constant 496 : index
    %swap3A_409 = tpu.vector_load %arg6[%swap3A_408] {strides = array<i32>} : memref<768xf32, #tpu.memory_space<vmem>>, vector<16xf32>,
    %swap3A_410 = vector.shape_cast %swap3A_409 : vector<16xf32> to vector<16xf32>
    %swap3A_411 = vector.shape_cast %scan3A_283#31 : vector<16xf32> to vector<16xf32>
    tpu.vector_store %arg6[%swap3A_408], %swap3A_411 {strides = array<i32>} : memref<768xf32, #tpu.memory_space<vmem>>, vector<16xf32>,
    %swap3A_412 = arith.constant 512 : index
    %swap3A_413 = tpu.vector_load %arg6[%swap3A_412] {strides = array<i32>} : memref<768xf32, #tpu.memory_space<vmem>>, vector<16xf32>,
    %swap3A_414 = vector.shape_cast %swap3A_413 : vector<16xf32> to vector<16xf32>
    %swap3A_415 = vector.shape_cast %scan3A_283#32 : vector<16xf32> to vector<16xf32>
    tpu.vector_store %arg6[%swap3A_412], %swap3A_415 {strides = array<i32>} : memref<768xf32, #tpu.memory_space<vmem>>, vector<16xf32>,
    %swap3A_416 = arith.constant 528 : index
    %swap3A_417 = tpu.vector_load %arg6[%swap3A_416] {strides = array<i32>} : memref<768xf32, #tpu.memory_space<vmem>>, vector<16xf32>,
    %swap3A_418 = vector.shape_cast %swap3A_417 : vector<16xf32> to vector<16xf32>
    %swap3A_419 = vector.shape_cast %scan3A_283#33 : vector<16xf32> to vector<16xf32>
    tpu.vector_store %arg6[%swap3A_416], %swap3A_419 {strides = array<i32>} : memref<768xf32, #tpu.memory_space<vmem>>, vector<16xf32>,
    %swap3A_420 = arith.constant 544 : index
    %swap3A_421 = tpu.vector_load %arg6[%swap3A_420] {strides = array<i32>} : memref<768xf32, #tpu.memory_space<vmem>>, vector<16xf32>,
    %swap3A_422 = vector.shape_cast %swap3A_421 : vector<16xf32> to vector<16xf32>
    %swap3A_423 = vector.shape_cast %scan3A_283#34 : vector<16xf32> to vector<16xf32>
    tpu.vector_store %arg6[%swap3A_420], %swap3A_423 {strides = array<i32>} : memref<768xf32, #tpu.memory_space<vmem>>, vector<16xf32>,
    %swap3A_424 = arith.constant 560 : index
    %swap3A_425 = tpu.vector_load %arg6[%swap3A_424] {strides = array<i32>} : memref<768xf32, #tpu.memory_space<vmem>>, vector<16xf32>,
    %swap3A_426 = vector.shape_cast %swap3A_425 : vector<16xf32> to vector<16xf32>
    %swap3A_427 = vector.shape_cast %scan3A_283#35 : vector<16xf32> to vector<16xf32>
    tpu.vector_store %arg6[%swap3A_424], %swap3A_427 {strides = array<i32>} : memref<768xf32, #tpu.memory_space<vmem>>, vector<16xf32>,
    %swap3A_428 = arith.constant 576 : index
    %swap3A_429 = tpu.vector_load %arg6[%swap3A_428] {strides = array<i32>} : memref<768xf32, #tpu.memory_space<vmem>>, vector<16xf32>,
    %swap3A_430 = vector.shape_cast %swap3A_429 : vector<16xf32> to vector<16xf32>
    %swap3A_431 = vector.shape_cast %scan3A_283#36 : vector<16xf32> to vector<16xf32>
    tpu.vector_store %arg6[%swap3A_428], %swap3A_431 {strides = array<i32>} : memref<768xf32, #tpu.memory_space<vmem>>, vector<16xf32>,
    %swap3A_432 = arith.constant 592 : index
    %swap3A_433 = tpu.vector_load %arg6[%swap3A_432] {strides = array<i32>} : memref<768xf32, #tpu.memory_space<vmem>>, vector<16xf32>,
    %swap3A_434 = vector.shape_cast %swap3A_433 : vector<16xf32> to vector<16xf32>
    %swap3A_435 = vector.shape_cast %scan3A_283#37 : vector<16xf32> to vector<16xf32>
    tpu.vector_store %arg6[%swap3A_432], %swap3A_435 {strides = array<i32>} : memref<768xf32, #tpu.memory_space<vmem>>, vector<16xf32>,
    %swap3A_436 = arith.constant 608 : index
    %swap3A_437 = tpu.vector_load %arg6[%swap3A_436] {strides = array<i32>} : memref<768xf32, #tpu.memory_space<vmem>>, vector<16xf32>,
    %swap3A_438 = vector.shape_cast %swap3A_437 : vector<16xf32> to vector<16xf32>
    %swap3A_439 = vector.shape_cast %scan3A_283#38 : vector<16xf32> to vector<16xf32>
    tpu.vector_store %arg6[%swap3A_436], %swap3A_439 {strides = array<i32>} : memref<768xf32, #tpu.memory_space<vmem>>, vector<16xf32>,
    %swap3A_440 = arith.constant 624 : index
    %swap3A_441 = tpu.vector_load %arg6[%swap3A_440] {strides = array<i32>} : memref<768xf32, #tpu.memory_space<vmem>>, vector<16xf32>,
    %swap3A_442 = vector.shape_cast %swap3A_441 : vector<16xf32> to vector<16xf32>
    %swap3A_443 = vector.shape_cast %scan3A_283#39 : vector<16xf32> to vector<16xf32>
    tpu.vector_store %arg6[%swap3A_440], %swap3A_443 {strides = array<i32>} : memref<768xf32, #tpu.memory_space<vmem>>, vector<16xf32>,
    %swap3A_444 = arith.constant 640 : index
    %swap3A_445 = tpu.vector_load %arg6[%swap3A_444] {strides = array<i32>} : memref<768xf32, #tpu.memory_space<vmem>>, vector<16xf32>,
    %swap3A_446 = vector.shape_cast %swap3A_445 : vector<16xf32> to vector<16xf32>
    %swap3A_447 = vector.shape_cast %scan3A_283#40 : vector<16xf32> to vector<16xf32>
    tpu.vector_store %arg6[%swap3A_444], %swap3A_447 {strides = array<i32>} : memref<768xf32, #tpu.memory_space<vmem>>, vector<16xf32>,
    %swap3A_448 = arith.constant 656 : index
    %swap3A_449 = tpu.vector_load %arg6[%swap3A_448] {strides = array<i32>} : memref<768xf32, #tpu.memory_space<vmem>>, vector<16xf32>,
    %swap3A_450 = vector.shape_cast %swap3A_449 : vector<16xf32> to vector<16xf32>
    %swap3A_451 = vector.shape_cast %scan3A_283#41 : vector<16xf32> to vector<16xf32>
    tpu.vector_store %arg6[%swap3A_448], %swap3A_451 {strides = array<i32>} : memref<768xf32, #tpu.memory_space<vmem>>, vector<16xf32>,
    %swap3A_452 = arith.constant 672 : index
    %swap3A_453 = tpu.vector_load %arg6[%swap3A_452] {strides = array<i32>} : memref<768xf32, #tpu.memory_space<vmem>>, vector<16xf32>,
    %swap3A_454 = vector.shape_cast %swap3A_453 : vector<16xf32> to vector<16xf32>
    %swap3A_455 = vector.shape_cast %scan3A_283#42 : vector<16xf32> to vector<16xf32>
    tpu.vector_store %arg6[%swap3A_452], %swap3A_455 {strides = array<i32>} : memref<768xf32, #tpu.memory_space<vmem>>, vector<16xf32>,
    %swap3A_456 = arith.constant 688 : index
    %swap3A_457 = tpu.vector_load %arg6[%swap3A_456] {strides = array<i32>} : memref<768xf32, #tpu.memory_space<vmem>>, vector<16xf32>,
    %swap3A_458 = vector.shape_cast %swap3A_457 : vector<16xf32> to vector<16xf32>
    %swap3A_459 = vector.shape_cast %scan3A_283#43 : vector<16xf32> to vector<16xf32>
    tpu.vector_store %arg6[%swap3A_456], %swap3A_459 {strides = array<i32>} : memref<768xf32, #tpu.memory_space<vmem>>, vector<16xf32>,
    %swap3A_460 = arith.constant 704 : index
    %swap3A_461 = tpu.vector_load %arg6[%swap3A_460] {strides = array<i32>} : memref<768xf32, #tpu.memory_space<vmem>>, vector<16xf32>,
    %swap3A_462 = vector.shape_cast %swap3A_461 : vector<16xf32> to vector<16xf32>
    %swap3A_463 = vector.shape_cast %scan3A_283#44 : vector<16xf32> to vector<16xf32>
    tpu.vector_store %arg6[%swap3A_460], %swap3A_463 {strides = array<i32>} : memref<768xf32, #tpu.memory_space<vmem>>, vector<16xf32>,
    %swap3A_464 = arith.constant 720 : index
    %swap3A_465 = tpu.vector_load %arg6[%swap3A_464] {strides = array<i32>} : memref<768xf32, #tpu.memory_space<vmem>>, vector<16xf32>,
    %swap3A_466 = vector.shape_cast %swap3A_465 : vector<16xf32> to vector<16xf32>
    %swap3A_467 = vector.shape_cast %scan3A_283#45 : vector<16xf32> to vector<16xf32>
    tpu.vector_store %arg6[%swap3A_464], %swap3A_467 {strides = array<i32>} : memref<768xf32, #tpu.memory_space<vmem>>, vector<16xf32>,
    %swap3A_468 = arith.constant 736 : index
    %swap3A_469 = tpu.vector_load %arg6[%swap3A_468] {strides = array<i32>} : memref<768xf32, #tpu.memory_space<vmem>>, vector<16xf32>,
    %swap3A_470 = vector.shape_cast %swap3A_469 : vector<16xf32> to vector<16xf32>
    %swap3A_471 = vector.shape_cast %scan3A_283#46 : vector<16xf32> to vector<16xf32>
    tpu.vector_store %arg6[%swap3A_468], %swap3A_471 {strides = array<i32>} : memref<768xf32, #tpu.memory_space<vmem>>, vector<16xf32>,
    %swap3A_472 = arith.constant 752 : index
    %swap3A_473 = tpu.vector_load %arg6[%swap3A_472] {strides = array<i32>} : memref<768xf32, #tpu.memory_space<vmem>>, vector<16xf32>,
    %swap3A_474 = vector.shape_cast %swap3A_473 : vector<16xf32> to vector<16xf32>
    %swap3A_475 = vector.shape_cast %scan3A_283#47 : vector<16xf32> to vector<16xf32>
    tpu.vector_store %arg6[%swap3A_472], %swap3A_475 {strides = array<i32>} : memref<768xf32, #tpu.memory_space<vmem>>, vector<16xf32>,
    "tpu.region"() ({
      %run_scoped3A = tpu.sem_alloc : memref<!tpu.dma_semaphore, #tpu.memory_space<semaphore_mem>>
      %dma_start3A_476 = arith.constant 0 : i32
      %dma_start3A_477 = tpu.memref_slice %arg3[%select_n3A, %select_n3A_30, %dma_start3A_476] : memref<2x16x768xf32, #tpu.memory_space<hbm>> -> memref<1x1x768xf32, #tpu.memory_space<hbm>>
      %dma_start3A_478 = tpu.memref_squeeze %dma_start3A_477 : memref<1x1x768xf32, #tpu.memory_space<hbm>> -> memref<768xf32, #tpu.memory_space<hbm>>
      %dma_start3A_479 = arith.constant 0 : i32
      %dma_start3A_480 = tpu.memref_slice %arg3[%select_n3A, %select_n3A_30, %dma_start3A_479] : memref<2x16x768xf32, #tpu.memory_space<hbm>> -> memref<1x1x768xf32, #tpu.memory_space<hbm>>
      %dma_start3A_481 = tpu.memref_squeeze %dma_start3A_480 : memref<1x1x768xf32, #tpu.memory_space<hbm>> -> memref<768xf32, #tpu.memory_space<hbm>>
      tpu.enqueue_dma source(%arg6 : memref<768xf32, #tpu.memory_space<vmem>>) target(%dma_start3A_481 : memref<768xf32, #tpu.memory_space<hbm>>) target_semaphore(%run_scoped3A : memref<!tpu.dma_semaphore, #tpu.memory_space<semaphore_mem>>)
      %dma_wait3A_482 = arith.constant 0 : i32
      %dma_wait3A_483 = tpu.memref_slice %arg3[%select_n3A, %select_n3A_30, %dma_wait3A_482] : memref<2x16x768xf32, #tpu.memory_space<hbm>> -> memref<1x1x768xf32, #tpu.memory_space<hbm>>
      %dma_wait3A_484 = tpu.memref_squeeze %dma_wait3A_483 : memref<1x1x768xf32, #tpu.memory_space<hbm>> -> memref<768xf32, #tpu.memory_space<hbm>>
      %dma_wait3A_485 = arith.constant 0 : i32
      %dma_wait3A_486 = tpu.memref_slice %arg3[%select_n3A, %select_n3A_30, %dma_wait3A_485] : memref<2x16x768xf32, #tpu.memory_space<hbm>> -> memref<1x1x768xf32, #tpu.memory_space<hbm>>
      %dma_wait3A_487 = tpu.memref_squeeze %dma_wait3A_486 : memref<1x1x768xf32, #tpu.memory_space<hbm>> -> memref<768xf32, #tpu.memory_space<hbm>>
      tpu.wait_dma2 semaphore(%run_scoped3A : memref<!tpu.dma_semaphore, #tpu.memory_space<semaphore_mem>>) src(%arg6 : memref<768xf32, #tpu.memory_space<vmem>>) dst(%dma_wait3A_487 : memref<768xf32, #tpu.memory_space<hbm>>)
      tpu.yield
    }) : () -> ()
    return
  }
}

module attributes {stable_mosaic.version = 14 : i64} {
  func.func @_tc_mean_kernel(%arg0: i32, %arg1: memref<2x1024x768xf32, #tpu.memory_space<vmem>>, %arg2: memref<2x768xf32, #tpu.memory_space<vmem>>, %arg3: memref<2x768xf32, #tpu.memory_space<vmem>>) attributes {dimension_semantics = [#tpu.dimension_semantics<arbitrary>], iteration_bounds = array<i64: 4>, scalar_prefetch = 0 : i64, scratch_operands = 1 : i64, tpu.core_type = #tpu.core_type<tc>, window_params = [{transform_indices = @transform_0, window_bounds = array<i64: 2, 1024, 768>}, {pipeline_mode = #tpu.pipeline_mode<synchronous>, transform_indices = @transform_1, window_bounds = array<i64: 2, 768>}]} {
    %eq3A = arith.constant 0 : i32
    %eq3A_0 = arith.cmpi eq, %arg0, %eq3A : i32
    %convert_element_type3A = arith.extui %eq3A_0 : i1 to i32
    %cond3A = arith.constant 0 : i32
    %cond3A_1 = arith.cmpi ne, %convert_element_type3A, %cond3A : i32
    scf.if %cond3A_1 {
      %broadcast_in_dim3A = arith.constant 0.000000e+00 : f32
      %broadcast_in_dim3A_16 = vector.broadcast %broadcast_in_dim3A : f32 to vector<2x768xf32>
      %swap3A_17 = arith.constant 0 : index
      %swap3A_18 = arith.constant 0 : index
      %swap3A_19 = vector.load %arg3[%swap3A_17, %swap3A_18] : memref<2x768xf32, #tpu.memory_space<vmem>>, vector<2x768xf32>
      tpu.vector_store %arg3[%swap3A_17, %swap3A_18], %broadcast_in_dim3A_16 {strides = array<i32>} : memref<2x768xf32, #tpu.memory_space<vmem>>, vector<2x768xf32>,
    } else {
    }
    %get3A = arith.constant 0 : index
    %get3A_2 = arith.constant 0 : index
    %get3A_3 = vector.load %arg3[%get3A, %get3A_2] : memref<2x768xf32, #tpu.memory_space<vmem>>, vector<2x768xf32>
    %get3A_4 = arith.constant 0 : index
    %get3A_5 = arith.constant 0 : index
    %get3A_6 = arith.constant 0 : index
    %get3A_7 = vector.load %arg1[%get3A_4, %get3A_5, %get3A_6] : memref<2x1024x768xf32, #tpu.memory_space<vmem>>, vector<2x1024x768xf32>
    %reduce_sum3A = arith.constant dense<0.000000e+00> : vector<2x768xf32>
    %reduce_sum3A_8 = vector.multi_reduction <add>, %get3A_7, %reduce_sum3A [1] : vector<2x1024x768xf32> to vector<2x768xf32>
    %add3A = arith.addf %get3A_3, %reduce_sum3A_8 : vector<2x768xf32>
    %swap3A = arith.constant 0 : index
    %swap3A_9 = arith.constant 0 : index
    %swap3A_10 = vector.load %arg3[%swap3A, %swap3A_9] : memref<2x768xf32, #tpu.memory_space<vmem>>, vector<2x768xf32>
    tpu.vector_store %arg3[%swap3A, %swap3A_9], %add3A {strides = array<i32>} : memref<2x768xf32, #tpu.memory_space<vmem>>, vector<2x768xf32>,
    %eq3A_11 = arith.constant 3 : i32
    %eq3A_12 = arith.cmpi eq, %arg0, %eq3A_11 : i32
    %convert_element_type3A_13 = arith.extui %eq3A_12 : i1 to i32
    %cond3A_14 = arith.constant 0 : i32
    %cond3A_15 = arith.cmpi ne, %convert_element_type3A_13, %cond3A_14 : i32
    scf.if %cond3A_15 {
      %get3A_16 = arith.constant 0 : index
      %get3A_17 = arith.constant 0 : index
      %get3A_18 = vector.load %arg3[%get3A_16, %get3A_17] : memref<2x768xf32, #tpu.memory_space<vmem>>, vector<2x768xf32>
      %swap3A_19 = arith.constant 0 : index
      %swap3A_20 = arith.constant 0 : index
      %swap3A_21 = vector.load %arg2[%swap3A_19, %swap3A_20] : memref<2x768xf32, #tpu.memory_space<vmem>>, vector<2x768xf32>
      tpu.vector_store %arg2[%swap3A_19, %swap3A_20], %get3A_18 {strides = array<i32>} : memref<2x768xf32, #tpu.memory_space<vmem>>, vector<2x768xf32>,
    } else {
    }
    return
  }
  func.func @transform_0(%arg0: i32) -> (i32, i32, i32) {
    %c0_i32 = arith.constant 0 : i32
    %c0_i32_0 = arith.constant 0 : i32
    %c0_i32_1 = arith.constant 0 : i32
    return %c0_i32, %arg0, %c0_i32_0 : i32, i32, i32
  }
  func.func @transform_1(%arg0: i32) -> (i32, i32) {
    %c0_i32 = arith.constant 0 : i32
    %c0_i32_0 = arith.constant 0 : i32
    %c0_i32_1 = arith.constant 0 : i32
    return %c0_i32, %c0_i32_0 : i32, i32
  }
}

module attributes {stable_mosaic.version = 14 : i64} {
  func.func @_combine_kernel(%arg0: i32, %arg1: memref<2x768xf32, #tpu.memory_space<vmem>>, %arg2: memref<2x16x768xf32, #tpu.memory_space<vmem>>, %arg3: memref<768x384xf32, #tpu.memory_space<vmem>>, %arg4: memref<1x384xf32, #tpu.memory_space<vmem>>, %arg5: memref<384x8xf32, #tpu.memory_space<vmem>>, %arg6: memref<1x8xf32, #tpu.memory_space<vmem>>, %arg7: memref<8x3xf32, #tpu.memory_space<vmem>>, %arg8: memref<2x512x768xf32, #tpu.memory_space<vmem>>, %arg9: memref<2x512x768xf32, #tpu.memory_space<vmem>>, %arg10: memref<2x512x768xf32, #tpu.memory_space<vmem>>, %arg11: memref<2x512x768xf32, #tpu.memory_space<vmem>>, %arg12: memref<2x8xf32, #tpu.memory_space<vmem>>, %arg13: memref<2x2xi32, #tpu.memory_space<vmem>>, %arg14: memref<2x3xf32, #tpu.memory_space<vmem>>) attributes {dimension_semantics = [#tpu.dimension_semantics<arbitrary>], iteration_bounds = array<i64: 16>, scalar_prefetch = 0 : i64, scratch_operands = 1 : i64, tpu.core_type = #tpu.core_type<tc>, window_params = [{pipeline_mode = #tpu.pipeline_mode<synchronous>, transform_indices = @transform_0, window_bounds = array<i64: 2, 768>}, {pipeline_mode = #tpu.pipeline_mode<synchronous>, transform_indices = @transform_1, window_bounds = array<i64: 2, 16, 768>}, {pipeline_mode = #tpu.pipeline_mode<synchronous>, transform_indices = @transform_2, window_bounds = array<i64: 768, 384>}, {pipeline_mode = #tpu.pipeline_mode<synchronous>, transform_indices = @transform_3, window_bounds = array<i64: 1, 384>}, {pipeline_mode = #tpu.pipeline_mode<synchronous>, transform_indices = @transform_4, window_bounds = array<i64: 384, 8>}, {pipeline_mode = #tpu.pipeline_mode<synchronous>, transform_indices = @transform_5, window_bounds = array<i64: 1, 8>}, {pipeline_mode = #tpu.pipeline_mode<synchronous>, transform_indices = @transform_6, window_bounds = array<i64: 8, 3>}, {transform_indices = @transform_7, window_bounds = array<i64: 2, 512, 768>}, {transform_indices = @transform_8, window_bounds = array<i64: 2, 512, 768>}, {transform_indices = @transform_9, window_bounds = array<i64: 2, 512, 768>}, {transform_indices = @transform_10, window_bounds = array<i64: 2, 512, 768>}, {pipeline_mode = #tpu.pipeline_mode<synchronous>, transform_indices = @transform_11, window_bounds = array<i64: 2, 8>}, {pipeline_mode = #tpu.pipeline_mode<synchronous>, transform_indices = @transform_12, window_bounds = array<i64: 2, 2>}]} {
    %eq3A = arith.constant 0 : i32
    %eq3A_0 = arith.cmpi eq, %arg0, %eq3A : i32
    %convert_element_type3A = arith.extui %eq3A_0 : i1 to i32
    %cond3A = arith.constant 0 : i32
    %cond3A_1 = arith.cmpi ne, %convert_element_type3A, %cond3A : i32
    scf.if %cond3A_1 {
      %get3A_29 = arith.constant 0 : index
      %get3A_30 = arith.constant 0 : index
      %get3A_31 = vector.load %arg1[%get3A_29, %get3A_30] : memref<2x768xf32, #tpu.memory_space<vmem>>, vector<2x768xf32>
      %get3A_32 = arith.constant 0 : index
      %get3A_33 = arith.constant 0 : index
      %get3A_34 = arith.constant 0 : index
      %get3A_35 = vector.load %arg2[%get3A_32, %get3A_33, %get3A_34] : memref<2x16x768xf32, #tpu.memory_space<vmem>>, vector<2x16x768xf32>
      %reduce_sum3A = arith.constant dense<0.000000e+00> : vector<2x768xf32>
      %reduce_sum3A_36 = vector.multi_reduction <add>, %get3A_35, %reduce_sum3A [1] : vector<2x16x768xf32> to vector<2x768xf32>
      %add3A_37 = arith.addf %get3A_31, %reduce_sum3A_36 : vector<2x768xf32>
      %mul3A_38 = arith.constant 1.22070313E-4 : f32
      %mul3A_39 = vector.broadcast %mul3A_38 : f32 to vector<2x768xf32>
      %mul3A_40 = arith.mulf %add3A_37, %mul3A_39 : vector<2x768xf32>
      %get3A_41 = arith.constant 0 : index
      %get3A_42 = arith.constant 0 : index
      %get3A_43 = vector.load %arg3[%get3A_41, %get3A_42] : memref<768x384xf32, #tpu.memory_space<vmem>>, vector<768x384xf32>
      %dot_general3A = arith.constant dense<0.000000e+00> : vector<2x384xf32>
      %dot_general3A_44 = tpu.matmul %mul3A_40, %get3A_43, %dot_general3A {dimension_numbers = #tpu.dot_dimension_numbers<[1], [0], [0], [1], [0, 0, 1, 1], [], []>, transpose_lhs_hint = false} : vector<2x768xf32>, vector<768x384xf32>, vector<2x384xf32> -> vector<2x384xf32>
      %get3A_45 = arith.constant 0 : index
      %get3A_46 = arith.constant 0 : index
      %get3A_47 = vector.load %arg4[%get3A_45, %get3A_46] : memref<1x384xf32, #tpu.memory_space<vmem>>, vector<1x384xf32>
      %add3A_48 = vector.broadcast %get3A_47 : vector<1x384xf32> to vector<2x384xf32>
      %add3A_49 = arith.addf %dot_general3A_44, %add3A_48 : vector<2x384xf32>
      %max3A = arith.constant 0.000000e+00 : f32
      %max3A_50 = vector.broadcast %max3A : f32 to vector<2x384xf32>
      %max3A_51 = arith.maximumf %add3A_49, %max3A_50 : vector<2x384xf32>
      %get3A_52 = arith.constant 0 : index
      %get3A_53 = arith.constant 0 : index
      %get3A_54 = vector.load %arg5[%get3A_52, %get3A_53] : memref<384x8xf32, #tpu.memory_space<vmem>>, vector<384x8xf32>
      %dot_general3A_55 = arith.constant dense<0.000000e+00> : vector<2x8xf32>
      %dot_general3A_56 = tpu.matmul %max3A_51, %get3A_54, %dot_general3A_55 {dimension_numbers = #tpu.dot_dimension_numbers<[1], [0], [0], [1], [0, 0, 1, 1], [], []>, transpose_lhs_hint = false} : vector<2x384xf32>, vector<384x8xf32>, vector<2x8xf32> -> vector<2x8xf32>
      %get3A_57 = arith.constant 0 : index
      %get3A_58 = arith.constant 0 : index
      %get3A_59 = vector.load %arg6[%get3A_57, %get3A_58] : memref<1x8xf32, #tpu.memory_space<vmem>>, vector<1x8xf32>
      %add3A_60 = vector.broadcast %get3A_59 : vector<1x8xf32> to vector<2x8xf32>
      %add3A_61 = arith.addf %dot_general3A_56, %add3A_60 : vector<2x8xf32>
      %reduce_max3A = arith.constant dense<0xFF800000> : vector<2xf32>
      %reduce_max3A_62 = vector.multi_reduction <maximumf>, %add3A_61, %reduce_max3A [1] : vector<2x8xf32> to vector<2xf32>
      %broadcast_in_dim3A = vector.shape_cast %reduce_max3A_62 : vector<2xf32> to vector<2x1xf32>
      %sub3A = vector.broadcast %broadcast_in_dim3A : vector<2x1xf32> to vector<2x8xf32>
      %sub3A_63 = arith.subf %add3A_61, %sub3A : vector<2x8xf32>
      %exp3A = math.exp %sub3A_63 : vector<2x8xf32>
      %reduce_sum3A_64 = arith.constant dense<0.000000e+00> : vector<2xf32>
      %reduce_sum3A_65 = vector.multi_reduction <add>, %exp3A, %reduce_sum3A_64 [1] : vector<2x8xf32> to vector<2xf32>
      %broadcast_in_dim3A_66 = vector.shape_cast %reduce_sum3A_65 : vector<2xf32> to vector<2x1xf32>
      %div3A = vector.broadcast %broadcast_in_dim3A_66 : vector<2x1xf32> to vector<2x8xf32>
      %div3A_67 = arith.divf %exp3A, %div3A : vector<2x8xf32>
      %swap3A_68 = arith.constant 0 : index
      %swap3A_69 = arith.constant 0 : index
      %swap3A_70 = vector.load %arg12[%swap3A_68, %swap3A_69] : memref<2x8xf32, #tpu.memory_space<vmem>>, vector<2x8xf32>
      tpu.vector_store %arg12[%swap3A_68, %swap3A_69], %div3A_67 {strides = array<i32>} : memref<2x8xf32, #tpu.memory_space<vmem>>, vector<2x8xf32>,
      %iota3A = tpu.iota {dimensions = array<i32: 1>} : vector<2x8xi32>
      %reduce_max3A_71 = arith.constant dense<0xFF800000> : vector<2xf32>
      %reduce_max3A_72 = vector.multi_reduction <maximumf>, %div3A_67, %reduce_max3A_71 [1] : vector<2x8xf32> to vector<2xf32>
      %broadcast_in_dim3A_73 = vector.shape_cast %reduce_max3A_72 : vector<2xf32> to vector<2x1xf32>
      %eq3A_74 = vector.broadcast %broadcast_in_dim3A_73 : vector<2x1xf32> to vector<2x8xf32>
      %eq3A_75 = arith.cmpf oeq, %div3A_67, %eq3A_74 : vector<2x8xf32>
      %jit3A = arith.constant 8 : i32
      %broadcast_in_dim3A_76 = vector.broadcast %jit3A : i32 to vector<2x8xi32>
      %select_n3A = arith.select %eq3A_75, %iota3A, %broadcast_in_dim3A_76 : vector<2x8xi1>, vector<2x8xi32>
      %reduce_min3A = arith.constant dense<2147483647> : vector<2xi32>
      %reduce_min3A_77 = vector.multi_reduction <minsi>, %select_n3A, %reduce_min3A [1] : vector<2x8xi32> to vector<2xi32>
      %broadcast_in_dim3A_78 = vector.shape_cast %reduce_min3A_77 : vector<2xi32> to vector<2x1xi32>
      %eq3A_79 = vector.broadcast %broadcast_in_dim3A_78 : vector<2x1xi32> to vector<2x8xi32>
      %eq3A_80 = arith.cmpi eq, %iota3A, %eq3A_79 : vector<2x8xi32>
      %jit3A_81 = arith.constant -1.000000e+00 : f32
      %broadcast_in_dim3A_82 = vector.broadcast %jit3A_81 : f32 to vector<2x8xf32>
      %select_n3A_83 = arith.select %eq3A_80, %broadcast_in_dim3A_82, %div3A_67 : vector<2x8xi1>, vector<2x8xf32>
      %reduce_max3A_84 = arith.constant dense<0xFF800000> : vector<2xf32>
      %reduce_max3A_85 = vector.multi_reduction <maximumf>, %select_n3A_83, %reduce_max3A_84 [1] : vector<2x8xf32> to vector<2xf32>
      %broadcast_in_dim3A_86 = vector.shape_cast %reduce_max3A_85 : vector<2xf32> to vector<2x1xf32>
      %eq3A_87 = vector.broadcast %broadcast_in_dim3A_86 : vector<2x1xf32> to vector<2x8xf32>
      %eq3A_88 = arith.cmpf oeq, %select_n3A_83, %eq3A_87 : vector<2x8xf32>
      %jit3A_89 = arith.constant 8 : i32
      %broadcast_in_dim3A_90 = vector.broadcast %jit3A_89 : i32 to vector<2x8xi32>
      %select_n3A_91 = arith.select %eq3A_88, %iota3A, %broadcast_in_dim3A_90 : vector<2x8xi1>, vector<2x8xi32>
      %reduce_min3A_92 = arith.constant dense<2147483647> : vector<2xi32>
      %reduce_min3A_93 = vector.multi_reduction <minsi>, %select_n3A_91, %reduce_min3A_92 [1] : vector<2x8xi32> to vector<2xi32>
      %broadcast_in_dim3A_94 = vector.shape_cast %reduce_min3A_93 : vector<2xi32> to vector<2x1xi32>
      %iota3A_95 = tpu.iota {dimensions = array<i32: 1>} : vector<2x2xi32>
      %eq3A_96 = arith.constant 0 : i32
      %eq3A_97 = vector.broadcast %eq3A_96 : i32 to vector<2x2xi32>
      %eq3A_98 = arith.cmpi eq, %iota3A_95, %eq3A_97 : vector<2x2xi32>
      %broadcast_in_dim3A_99 = vector.shape_cast %broadcast_in_dim3A_78 : vector<2x1xi32> to vector<2x1xi32>
      %broadcast_in_dim3A_100 = vector.broadcast %broadcast_in_dim3A_99 : vector<2x1xi32> to vector<2x2xi32>
      %broadcast_in_dim3A_101 = vector.shape_cast %broadcast_in_dim3A_94 : vector<2x1xi32> to vector<2x1xi32>
      %broadcast_in_dim3A_102 = vector.broadcast %broadcast_in_dim3A_101 : vector<2x1xi32> to vector<2x2xi32>
      %select_n3A_103 = arith.select %eq3A_98, %broadcast_in_dim3A_100, %broadcast_in_dim3A_102 : vector<2x2xi1>, vector<2x2xi32>
      %swap3A_104 = arith.constant 0 : index
      %swap3A_105 = arith.constant 0 : index
      %swap3A_106 = vector.load %arg13[%swap3A_104, %swap3A_105] : memref<2x2xi32, #tpu.memory_space<vmem>>, vector<2x2xi32>
      tpu.vector_store %arg13[%swap3A_104, %swap3A_105], %select_n3A_103 {strides = array<i32>} : memref<2x2xi32, #tpu.memory_space<vmem>>, vector<2x2xi32>,
      %add3A_107 = arith.addf %broadcast_in_dim3A_73, %broadcast_in_dim3A_86 : vector<2x1xf32>
      %div3A_108 = arith.divf %broadcast_in_dim3A_73, %add3A_107 : vector<2x1xf32>
      %div3A_109 = arith.divf %broadcast_in_dim3A_86, %add3A_107 : vector<2x1xf32>
      %eq3A_110 = vector.broadcast %broadcast_in_dim3A_78 : vector<2x1xi32> to vector<2x8xi32>
      %eq3A_111 = arith.cmpi eq, %iota3A, %eq3A_110 : vector<2x8xi32>
      %convert_element_type3A_112 = arith.extui %eq3A_111 : vector<2x8xi1> to vector<2x8xi32>
      %convert_element_type3A_113 = arith.sitofp %convert_element_type3A_112 : vector<2x8xi32> to vector<2x8xf32>
      %eq3A_114 = vector.broadcast %broadcast_in_dim3A_94 : vector<2x1xi32> to vector<2x8xi32>
      %eq3A_115 = arith.cmpi eq, %iota3A, %eq3A_114 : vector<2x8xi32>
      %convert_element_type3A_116 = arith.extui %eq3A_115 : vector<2x8xi1> to vector<2x8xi32>
      %convert_element_type3A_117 = arith.sitofp %convert_element_type3A_116 : vector<2x8xi32> to vector<2x8xf32>
      %get3A_118 = arith.constant 0 : index
      %get3A_119 = arith.constant 0 : index
      %get3A_120 = vector.load %arg7[%get3A_118, %get3A_119] : memref<8x3xf32, #tpu.memory_space<vmem>>, vector<8x3xf32>
      %dot_general3A_121 = arith.constant dense<0.000000e+00> : vector<2x3xf32>
      %dot_general3A_122 = tpu.matmul %convert_element_type3A_113, %get3A_120, %dot_general3A_121 {dimension_numbers = #tpu.dot_dimension_numbers<[1], [0], [0], [1], [0, 0, 1, 1], [], []>, transpose_lhs_hint = false} : vector<2x8xf32>, vector<8x3xf32>, vector<2x3xf32> -> vector<2x3xf32>
      %dot_general3A_123 = arith.constant dense<0.000000e+00> : vector<2x3xf32>
      %dot_general3A_124 = tpu.matmul %convert_element_type3A_117, %get3A_120, %dot_general3A_123 {dimension_numbers = #tpu.dot_dimension_numbers<[1], [0], [0], [1], [0, 0, 1, 1], [], []>, transpose_lhs_hint = false} : vector<2x8xf32>, vector<8x3xf32>, vector<2x3xf32> -> vector<2x3xf32>
      %reduce_max3A_125 = arith.constant dense<0xFF800000> : vector<2xf32>
      %reduce_max3A_126 = vector.multi_reduction <maximumf>, %dot_general3A_122, %reduce_max3A_125 [1] : vector<2x3xf32> to vector<2xf32>
      %broadcast_in_dim3A_127 = vector.shape_cast %reduce_max3A_126 : vector<2xf32> to vector<2x1xf32>
      %sub3A_128 = vector.broadcast %broadcast_in_dim3A_127 : vector<2x1xf32> to vector<2x3xf32>
      %sub3A_129 = arith.subf %dot_general3A_122, %sub3A_128 : vector<2x3xf32>
      %exp3A_130 = math.exp %sub3A_129 : vector<2x3xf32>
      %reduce_sum3A_131 = arith.constant dense<0.000000e+00> : vector<2xf32>
      %reduce_sum3A_132 = vector.multi_reduction <add>, %exp3A_130, %reduce_sum3A_131 [1] : vector<2x3xf32> to vector<2xf32>
      %broadcast_in_dim3A_133 = vector.shape_cast %reduce_sum3A_132 : vector<2xf32> to vector<2x1xf32>
      %div3A_134 = vector.broadcast %broadcast_in_dim3A_133 : vector<2x1xf32> to vector<2x3xf32>
      %div3A_135 = arith.divf %exp3A_130, %div3A_134 : vector<2x3xf32>
      %reduce_max3A_136 = arith.constant dense<0xFF800000> : vector<2xf32>
      %reduce_max3A_137 = vector.multi_reduction <maximumf>, %dot_general3A_124, %reduce_max3A_136 [1] : vector<2x3xf32> to vector<2xf32>
      %broadcast_in_dim3A_138 = vector.shape_cast %reduce_max3A_137 : vector<2xf32> to vector<2x1xf32>
      %sub3A_139 = vector.broadcast %broadcast_in_dim3A_138 : vector<2x1xf32> to vector<2x3xf32>
      %sub3A_140 = arith.subf %dot_general3A_124, %sub3A_139 : vector<2x3xf32>
      %exp3A_141 = math.exp %sub3A_140 : vector<2x3xf32>
      %reduce_sum3A_142 = arith.constant dense<0.000000e+00> : vector<2xf32>
      %reduce_sum3A_143 = vector.multi_reduction <add>, %exp3A_141, %reduce_sum3A_142 [1] : vector<2x3xf32> to vector<2xf32>
      %broadcast_in_dim3A_144 = vector.shape_cast %reduce_sum3A_143 : vector<2xf32> to vector<2x1xf32>
      %div3A_145 = vector.broadcast %broadcast_in_dim3A_144 : vector<2x1xf32> to vector<2x3xf32>
      %div3A_146 = arith.divf %exp3A_141, %div3A_145 : vector<2x3xf32>
      %mul3A_147 = vector.broadcast %div3A_108 : vector<2x1xf32> to vector<2x3xf32>
      %mul3A_148 = arith.mulf %mul3A_147, %div3A_135 : vector<2x3xf32>
      %mul3A_149 = vector.broadcast %div3A_109 : vector<2x1xf32> to vector<2x3xf32>
      %mul3A_150 = arith.mulf %mul3A_149, %div3A_146 : vector<2x3xf32>
      %add3A_151 = arith.addf %mul3A_148, %mul3A_150 : vector<2x3xf32>
      %swap3A_152 = arith.constant 0 : index
      %swap3A_153 = arith.constant 0 : index
      %swap3A_154 = vector.load %arg14[%swap3A_152, %swap3A_153] : memref<2x3xf32, #tpu.memory_space<vmem>>, vector<2x3xf32>
      tpu.vector_store %arg14[%swap3A_152, %swap3A_153], %add3A_151 {strides = array<i32>} : memref<2x3xf32, #tpu.memory_space<vmem>>, vector<2x3xf32>,
    } else {
    }
    %get3A = arith.constant 0 : index
    %get3A_2 = arith.constant 0 : index
    %get3A_3 = vector.load %arg14[%get3A, %get3A_2] : memref<2x3xf32, #tpu.memory_space<vmem>>, vector<2x3xf32>
    %slice3A = vector.extract_strided_slice %get3A_3 {offsets = [0, 0], sizes = [2, 1], strides = [1, 1]} : vector<2x3xf32> to vector<2x1xf32>
    %reshape3A = vector.shape_cast %slice3A : vector<2x1xf32> to vector<2x1x1xf32>
    %slice3A_4 = vector.extract_strided_slice %get3A_3 {offsets = [0, 1], sizes = [2, 1], strides = [1, 1]} : vector<2x3xf32> to vector<2x1xf32>
    %reshape3A_5 = vector.shape_cast %slice3A_4 : vector<2x1xf32> to vector<2x1x1xf32>
    %slice3A_6 = vector.extract_strided_slice %get3A_3 {offsets = [0, 2], sizes = [2, 1], strides = [1, 1]} : vector<2x3xf32> to vector<2x1xf32>
    %reshape3A_7 = vector.shape_cast %slice3A_6 : vector<2x1xf32> to vector<2x1x1xf32>
    %get3A_8 = arith.constant 0 : index
    %get3A_9 = arith.constant 0 : index
    %get3A_10 = arith.constant 0 : index
    %get3A_11 = vector.load %arg8[%get3A_8, %get3A_9, %get3A_10] : memref<2x512x768xf32, #tpu.memory_space<vmem>>, vector<2x512x768xf32>
    %mul3A = vector.broadcast %reshape3A : vector<2x1x1xf32> to vector<2x512x768xf32>
    %mul3A_12 = arith.mulf %mul3A, %get3A_11 : vector<2x512x768xf32>
    %get3A_13 = arith.constant 0 : index
    %get3A_14 = arith.constant 0 : index
    %get3A_15 = arith.constant 0 : index
    %get3A_16 = vector.load %arg9[%get3A_13, %get3A_14, %get3A_15] : memref<2x512x768xf32, #tpu.memory_space<vmem>>, vector<2x512x768xf32>
    %mul3A_17 = vector.broadcast %reshape3A_5 : vector<2x1x1xf32> to vector<2x512x768xf32>
    %mul3A_18 = arith.mulf %mul3A_17, %get3A_16 : vector<2x512x768xf32>
    %add3A = arith.addf %mul3A_12, %mul3A_18 : vector<2x512x768xf32>
    %get3A_19 = arith.constant 0 : index
    %get3A_20 = arith.constant 0 : index
    %get3A_21 = arith.constant 0 : index
    %get3A_22 = vector.load %arg10[%get3A_19, %get3A_20, %get3A_21] : memref<2x512x768xf32, #tpu.memory_space<vmem>>, vector<2x512x768xf32>
    %mul3A_23 = vector.broadcast %reshape3A_7 : vector<2x1x1xf32> to vector<2x512x768xf32>
    %mul3A_24 = arith.mulf %mul3A_23, %get3A_22 : vector<2x512x768xf32>
    %add3A_25 = arith.addf %add3A, %mul3A_24 : vector<2x512x768xf32>
    %swap3A = arith.constant 0 : index
    %swap3A_26 = arith.constant 0 : index
    %swap3A_27 = arith.constant 0 : index
    %swap3A_28 = vector.load %arg11[%swap3A, %swap3A_26, %swap3A_27] : memref<2x512x768xf32, #tpu.memory_space<vmem>>, vector<2x512x768xf32>
    tpu.vector_store %arg11[%swap3A, %swap3A_26, %swap3A_27], %add3A_25 {strides = array<i32>} : memref<2x512x768xf32, #tpu.memory_space<vmem>>, vector<2x512x768xf32>,
    return
  }
  func.func @transform_0(%arg0: i32) -> (i32, i32) {
    %c0_i32 = arith.constant 0 : i32
    %c0_i32_0 = arith.constant 0 : i32
    %c0_i32_1 = arith.constant 0 : i32
    return %c0_i32, %c0_i32_0 : i32, i32
  }
  func.func @transform_1(%arg0: i32) -> (i32, i32, i32) {
    %c0_i32 = arith.constant 0 : i32
    %c0_i32_0 = arith.constant 0 : i32
    %c0_i32_1 = arith.constant 0 : i32
    %c0_i32_2 = arith.constant 0 : i32
    return %c0_i32, %c0_i32_0, %c0_i32_1 : i32, i32, i32
  }
  func.func @transform_2(%arg0: i32) -> (i32, i32) {
    %c0_i32 = arith.constant 0 : i32
    %c0_i32_0 = arith.constant 0 : i32
    %c0_i32_1 = arith.constant 0 : i32
    return %c0_i32, %c0_i32_0 : i32, i32
  }
  func.func @transform_3(%arg0: i32) -> (i32, i32) {
    %c0_i32 = arith.constant 0 : i32
    %c0_i32_0 = arith.constant 0 : i32
    %c0_i32_1 = arith.constant 0 : i32
    return %c0_i32, %c0_i32_0 : i32, i32
  }
  func.func @transform_4(%arg0: i32) -> (i32, i32) {
    %c0_i32 = arith.constant 0 : i32
    %c0_i32_0 = arith.constant 0 : i32
    %c0_i32_1 = arith.constant 0 : i32
    return %c0_i32, %c0_i32_0 : i32, i32
  }
  func.func @transform_5(%arg0: i32) -> (i32, i32) {
    %c0_i32 = arith.constant 0 : i32
    %c0_i32_0 = arith.constant 0 : i32
    %c0_i32_1 = arith.constant 0 : i32
    return %c0_i32, %c0_i32_0 : i32, i32
  }
  func.func @transform_6(%arg0: i32) -> (i32, i32) {
    %c0_i32 = arith.constant 0 : i32
    %c0_i32_0 = arith.constant 0 : i32
    %c0_i32_1 = arith.constant 0 : i32
    return %c0_i32, %c0_i32_0 : i32, i32
  }
  func.func @transform_7(%arg0: i32) -> (i32, i32, i32) {
    %c0_i32 = arith.constant 0 : i32
    %c0_i32_0 = arith.constant 0 : i32
    %c0_i32_1 = arith.constant 0 : i32
    return %c0_i32, %arg0, %c0_i32_0 : i32, i32, i32
  }
  func.func @transform_8(%arg0: i32) -> (i32, i32, i32) {
    %c0_i32 = arith.constant 0 : i32
    %c0_i32_0 = arith.constant 0 : i32
    %c0_i32_1 = arith.constant 0 : i32
    return %c0_i32, %arg0, %c0_i32_0 : i32, i32, i32
  }
  func.func @transform_9(%arg0: i32) -> (i32, i32, i32) {
    %c0_i32 = arith.constant 0 : i32
    %c0_i32_0 = arith.constant 0 : i32
    %c0_i32_1 = arith.constant 0 : i32
    return %c0_i32, %arg0, %c0_i32_0 : i32, i32, i32
  }
  func.func @transform_10(%arg0: i32) -> (i32, i32, i32) {
    %c0_i32 = arith.constant 0 : i32
    %c0_i32_0 = arith.constant 0 : i32
    %c0_i32_1 = arith.constant 0 : i32
    return %c0_i32, %arg0, %c0_i32_0 : i32, i32, i32
  }
  func.func @transform_11(%arg0: i32) -> (i32, i32) {
    %c0_i32 = arith.constant 0 : i32
    %c0_i32_0 = arith.constant 0 : i32
    %c0_i32_1 = arith.constant 0 : i32
    return %c0_i32, %c0_i32_0 : i32, i32
  }
  func.func @transform_12(%arg0: i32) -> (i32, i32) {
    %c0_i32 = arith.constant 0 : i32
    %c0_i32_0 = arith.constant 0 : i32
    %c0_i32_1 = arith.constant 0 : i32
    return %c0_i32, %c0_i32_0 : i32, i32
  }
}

</mosaic_0001>

<sc_bundles>
// kernel: kernel.5.cloned.1.call-start
scs
__scs_entry_jumppad:
0x0: {  	(pc) =	sbr.rel $0x88, $3  }
0x1: {  	(tag) =	ssettag $0x0;
	lr =	simm.s32 $0x1  }
0x2: {  	[smem:$0x3F98] =	sst lr;
	_ =	strace $0xD0000000  }
0x3: {  	_ = 	snop  }
0x4: {  	_ = 	snop  }
0x5: {  	_ = 	snop  }
0x6: {  	_ = 	snop  }
0x7: {  	_ = 	snop  }
__scs_overlays_trampoline_lowered:
0x8: {  	[smem:$0x3FA7] =	sst s0  }
0x9: {  	[smem:$0x3FA8] =	sst s1  }
0xa: {  	[smem:$0x3FA9] =	sst s2  }
0xb: {  	[smem:$0x3FAA] =	sst s3  }
0xc: {  	[smem:$0x3FAB] =	sst s4  }
0xd: {  	[smem:$0x3FAC] =	sst s5  }
0xe: {  	[smem:$0x3FAD] =	sst s6  }
0xf: {  	[smem:$0x3FAE] =	sst s7  }
0x10: {  	[smem:$0x3FAF] =	sst s8  }
0x11: {  	[smem:$0x3FB0] =	sst s9;
	s0 =	simm.s32 @!p0 $0x0  }
0x12: {  	s1 =	sld [smem:$0x3F96];
	s0 =	simm.s32 @p0 $0x1  }
0x13: {  	[smem:$0x3FB1] =	sst s0;
	s0 =	simm.s32 @!p1 $0x0  }
0x14: {  	s2 =	sld [smem:$0x3F95];
	s0 =	simm.s32 @p1 $0x1  }
0x15: {  	[smem:$0x3FB2] =	sst s0;
	s0 =	simm.s32 @!p2 $0x0  }
0x16: {  	s3 =	sld [smem:$0x3FDB];
	s0 =	simm.s32 @p2 $0x1  }
0x17: {  	s4 =	simm.s32 $0x1BF5;
	[smem:$0x3FB4] =	sst s0  }
0x18: {  	s0 =	sld [smem:$0x3F97];
	_ =	swait.ge [sflag:s4], $0x0  }
0x19: {  	s7 =	sld [smem:$0x3F98]  }
0x1a: {  	s8 =	sadd.s32 $0xFFFFE003, lr  }
0x1b: {  	s9 =	sadd.s32 $0xFFFFFEF7, lr;
	s5 =	simm.s32 $0xFFFFFFFF;
	p2 =	slt.u32 s8, $0xFFFFF086  }
0x1c: {  	p1 =	slt.u32 s9, $0xF7A;
	s5 =	simm.s32 @!p2 $0x0  }
0x1d: {  	s5 =	simm.s32 @p1 $0x1;
	p0 =	seq.s32 s7, s2  }
0x1e: {  	s7 =	smul.u32 @!p0 $0xF7A, s2;
	p2 =	seq.s32 @!p0 s5, $0x0  }
0x1f: {  	s9 =	smul.u32 $0xF7A, s1;
	s8 =	simm.s32 @!p0 $0x1BF5;
	p2 =	por !p2, p0  }
0x20: {  	[sflag:s8] =	ssyncset.s32 @!p0 $0xFFFFF086;
	s6 =	sadd.s32 @!p0 s3, s7;
	s7 =	simm.s32 @!p0 $0x108  }
0x21: {  	s3 =	sadd.s32 s3, s9;
	s6 =	sadd.s32 @!p0 $0x88, s6;
	s7 =	simm.s32 @p2 $0x1082  }
0x22: {  	[simem:s7], [sflag:s8] =	dma.local @!p0 [hbm:s6], $0xF7A  }
0x23: {  	s9 =	sor.u32 $0xD0000000, s2;
	s6 =	simm.s32 $0x108;
	_ =	swait.ge @!p0 [sflag:s8], $0x0  }
0x24: {  	s3 =	sadd.s32 $0x88, s3;
	s6 =	simm.s32 @!p1 $0x1082;
	[sflag:s4] =	ssyncset.s32 $0xFFFFF086  }
0x25: {  	[simem:s6], [sflag:s4] =	dma.local [hbm:s3], $0xF7A  }
0x26: {  	[smem:$0x3F98] =	sst s1;
	(tag) =	ssettag s2;
	_ =	strace s9  }
0x27: {  	s1 =	sld [smem:$0x3FA8]  }
0x28: {  	s2 =	sld [smem:$0x3FA9]  }
0x29: {  	s4 =	sld [smem:$0x3FAB]  }
0x2a: {  	p0 =	seq.s32 s5, $0x0;
	s5 =	sld [smem:$0x3FAC]  }
0x2b: {  	s6 =	sld [smem:$0x3FAD]  }
0x2c: {  	s7 =	sld [smem:$0x3FAE]  }
0x2d: {  	s3 =	simm.s32 $0x108;
	s8 =	sld [smem:$0x3FAF]  }
0x2e: {  	s3 =	simm.s32 @!p0 $0x1082;
	s9 =	sld [smem:$0x3FB0]  }
0x2f: {  	lr =	sadd.s32 s0, s3;
	s0 =	sld [smem:$0x3FA7]  }
0x30: {  	s3 =	sld [smem:$0x3FAA]  }
0x31: {  	[smem:$0x3FB3] =	sst s10  }
0x32: {  	s10 =	sld [smem:$0x3FB1];
	_ =	sdelay $0x3  }
0x33: {  	p0 =	seq.s32 s10, $0x1;
	s10 =	sld [smem:$0x3FB3];
	_ =	sdelay $0x3  }
0x34: {  	[smem:$0x3FB3] =	sst s10  }
0x35: {  	s10 =	sld [smem:$0x3FB2];
	_ =	sdelay $0x3  }
0x36: {  	p1 =	seq.s32 s10, $0x1;
	s10 =	sld [smem:$0x3FB3];
	_ =	sdelay $0x3  }
0x37: {  	[smem:$0x3FB3] =	sst s10  }
0x38: {  	s10 =	sld [smem:$0x3FB4]  }
0x39: {  	_ = 	snop;
	(pc) =	sbr.ind lr, $3  }
0x3a: {  	_ = 	snop  }
0x3b: {  	_ = 	snop  }
0x3c: {  	p2 =	seq.s32 s10, $0x1;
	s10 =	sld [smem:$0x3FB3]  }
0x3d: {  	_ =	shalt  }
0x3e: {  	_ =	shalt  }
0x3f: {  	_ =	shalt  }
0x40: {  	_ =	shalt  }
0x41: {  	_ =	shalt  }
0x42: {  	_ =	shalt  }
0x43: {  	_ =	shalt  }
0x44: {  	_ =	shalt  }
0x45: {  	_ =	shalt  }
0x46: {  	_ =	shalt  }
0x47: {  	_ =	shalt  }
0x48: {  	_ =	shalt  }
0x49: {  	_ =	shalt  }
0x4a: {  	_ =	shalt  }
0x4b: {  	_ =	shalt  }
0x4c: {  	_ =	shalt  }
0x4d: {  	_ =	shalt  }
0x4e: {  	_ =	shalt  }
0x4f: {  	_ =	shalt  }
0x50: {  	_ =	shalt  }
0x51: {  	_ =	shalt  }
0x52: {  	_ =	shalt  }
0x53: {  	_ =	shalt  }
0x54: {  	_ =	shalt  }
0x55: {  	_ =	shalt  }
0x56: {  	_ =	shalt  }
0x57: {  	_ =	shalt  }
0x58: {  	_ =	shalt  }
0x59: {  	_ =	shalt  }
0x5a: {  	_ =	shalt  }
0x5b: {  	_ =	shalt  }
0x5c: {  	_ =	shalt  }
0x5d: {  	_ =	shalt  }
0x5e: {  	_ =	shalt  }
0x5f: {  	_ =	shalt  }
0x60: {  	_ =	shalt  }
0x61: {  	_ =	shalt  }
0x62: {  	_ =	shalt  }
0x63: {  	_ =	shalt  }
0x64: {  	_ =	shalt  }
0x65: {  	_ =	shalt  }
0x66: {  	_ =	shalt  }
0x67: {  	_ =	shalt  }
0x68: {  	_ =	shalt  }
0x69: {  	_ =	shalt  }
0x6a: {  	_ =	shalt  }
0x6b: {  	_ =	shalt  }
0x6c: {  	_ =	shalt  }
0x6d: {  	_ =	shalt  }
0x6e: {  	_ =	shalt  }
0x6f: {  	_ =	shalt  }
0x70: {  	_ =	shalt  }
0x71: {  	_ =	shalt  }
0x72: {  	_ =	shalt  }
0x73: {  	_ =	shalt  }
0x74: {  	_ =	shalt  }
0x75: {  	_ =	shalt  }
0x76: {  	_ =	shalt  }
0x77: {  	_ =	shalt  }
0x78: {  	_ =	shalt  }
0x79: {  	_ =	shalt  }
0x7a: {  	_ =	shalt  }
0x7b: {  	_ =	shalt  }
0x7c: {  	_ =	shalt  }
0x7d: {  	_ =	shalt  }
0x7e: {  	_ =	shalt  }
0x7f: {  	_ =	shalt  }
0x80: {  	_ =	shalt  }
0x81: {  	_ =	shalt  }
0x82: {  	_ =	shalt  }
0x83: {  	_ =	shalt  }
0x84: {  	_ =	shalt  }
0x85: {  	_ =	shalt  }
0x86: {  	_ =	shalt  }
0x87: {  	_ =	shalt  }
.Lfunc_end0:
.L_simem_size_0:
called_computation_lowered:
.L_overlay_start_0:
0x88: {  	s2 =	sld [smem:$0x3FD9]  }
0x89: {  	s3 =	sld [smem:$0x3FFE];
	_ =	sdelay $0x1  }
0x8a: {  	s1 =	srdreg.scid  }
0x8b: {  	s0 =	sand.u32 $0x1, s1  }
0x8c: {  	s15 =	sshll.u32 s0, $0xA;
	s2 =	sadd.s32 s3, s2  }
0x8d: {  	s2 =	sadd.s32 s2, s15  }
0x8e: {  	[smem:$0x3FBF] =	sst s2  }
0x8f: {  	_ = 	snop  }
0x90: {  	s2 =	sld [smem:$0x3FD0];
	_ =	sdelay $0x2  }
0x91: {  	s4 =	simm.s32 $0xA;
	s5 =	simm.s32 $0x10;
	s16 =	sld [smem:$0x3FC9]  }
0x92: {  	[smem:s5], [sflag:s4] =	dma.local [hbm:s2], $0x1  }
0x93: {  	_ =	swait.eq [sflag:s4], $0x1  }
0x94: {  	[sflag:s4] =	ssyncset.done $0x0  }
0x95: {  	[sflag:s4] =	ssyncadd.s32 $0xFFFFFFFF  }
0x96: {  	s17 =	sld [smem:$0x13];
	(tm) =	ssettm $0x1  }
0x97: {  	s18 =	sld [smem:$0x3FFB];
	_ =	sdelay $0x3  }
0x98: {  	_ =	strace s18  }
0x99: {  	s4 =	sld [smem:$0x3FFC];
	_ =	sdelay $0x3  }
0x9a: {  	_ =	strace s4  }
0x9b: {  	s4 =	sld [smem:$0x3FFD];
	_ =	sdelay $0x3  }
0x9c: {  	_ =	strace s4  }
0x9d: {  	_ =	strace $0x8FFFFFFF  }
0x9e: {  	s19 =	sld [smem:$0x3FDB];
	_ =	sdelay $0x1  }
0x9f: {  	s20 =	simm.s32 $_scs_section_size  }
0xa0: {  	s6 =	simm.s32 $_size__tile_overlayer_lowered;
	s7 =	simm.s32 $_tile_overlayer_lowered  }
0xa1: {  	s23 =	simm.s32 $0x1BFF;
	s22 =	sshll.u32 s7, $0x1;
	s4 =	sadd.s32 s20, s19  }
0xa2: {  	s8 =	simm.s32 $0x0;
	s21 =	sshll.u32 s6, $0x1;
	s6 =	sadd.s32 s22, s4  }
0xa3: {  	[timem:s8], [sflag:s23] =	dma.local [hbm:s6], s21  }
0xa4: {  	_ =	swait.ge [sflag:s23], s21  }
0xa5: {  	s5 =	ssub.s32 $0x0, s21;
	[sflag:s23] =	ssyncset.done $0x0  }
0xa6: {  	[sflag:s23] =	ssyncadd.s32 s5;
	_ =	sdelay $0x1  }
0xa7: {  	s24 =	simm.s32 $0x1B8B  }
0xa8: {  	_ =	swait.ge [sflag:s24], $0x1  }
0xa9: {  	[sflag:s24] =	ssyncset.done $0x0  }
0xaa: {  	s25 =	simm.s32 $0x1B8E;
	[sflag:s24] =	ssyncadd.s32 $0xFFFFFFFF  }
0xab: {  	s26 =	simm.s32 $execute0_lowered;
	[smem:$0x3FD2] =	sst s25  }
0xac: {  	s5 =	sshll.u32 s26, $0x1;
	_ =	strace $0x80000046;
	[dreg:$0x1] =	wrdreg $0xFFFFFFFF  }
0xad: {  	s28 =	simm.s32 $_size_execute0_lowered;
	s4 =	sadd.s32 s4, s5;
	[dreg:$0x0] =	wrdreg $0x0  }
0xae: {  	s5 =	sshll.u32 s28, $0x1;
	[dreg:$0x2] =	wrdreg s4  }
0xaf: {  	[dreg:$0x3] =	wrdreg s5  }
0xb0: {  	[dreg:$0x4] =	wrdreg $0xC0  }
0xb1: {  	_ =	task [dreg:s8], $0x5FFFF  }
0xb2: {  	[dreg:$0x1] =	wrdreg $0xFFFFFFFF  }
0xb3: {  	[dreg:$0x0] =	wrdreg $0x60  }
0xb4: {  	[dreg:$0x2] =	wrdreg s16  }
0xb5: {  	[dreg:$0x3] =	wrdreg s17  }
0xb6: {  	[dreg:$0x4] =	wrdreg $0x9  }
0xb7: {  	_ =	task.clear_ibuf [dreg:s8], $0x5FFFF;
	_ =	strace $0x90000046  }
0xb8: {  	s29 =	simm.s32 $0x9;
	_ =	strace $0x80000048  }
0xb9: {  	_ =	swait.ge [sflag:s29], $0x1  }
0xba: {  	[sflag:s29] =	ssyncadd.s32 $0xFFFFFFFF  }
0xbb: {  	_ =	strace $0x90000048  }
0xbc: {  	_ =	sfence  }
0xbd: {  	s30 =	sld [smem:$0x0];
	_ =	sdelay $0x2  }
0xbe: {  	s31 =	sshll.u32 s1, $0xD;
	s1 =	sshrl.u32 s1, $0x2  }
0xbf: {  	s3 =	sand.u32 $0x4000, s31;
	s1 =	sadd.s32 s1, s30  }
0xc0: {  	s0 =	sor.u32 s3, s0;
	s1 =	sshll.u32 s1, $0x11  }
0xc1: {  	s0 =	sor.u32 s1, s0  }
0xc2: {  	s0 =	sadd.s32 $0x8F2B, s0  }
0xc3: {  	[sflag:s0] =	ssyncadd.remote.s32 $0x1  }
0xc4: {  	_ =	sfence.sel $0xFFFF  }
0xc5: {  	[dreg:$0x0] =	wrdreg $0xFFFFFFFF;
	(pc) =	sbr.abs _section_cstart, $3  }
0xc6: {  	[dreg:$0x1] =	wrdreg $0xFFFFFFFF  }
0xc7: {  	_ =	task.clear_ibuf [dreg:s8], $0x2FFFF;
	_ =	strace $0x9FFFFFFF  }
0xc8: {  	(tm) =	ssettm $0x7FFFFFFF  }
0xc9: {  	_ =	shalt  }
tec
execute0_lowered:
.L_overlay_start_1:
0x0: {  	(tag) =	ssettag $0x1  }
0x1: {  	s0 =	stileid.u32;
	s3 =	rddreg [dreg:$0x0]  }
0x2: {  	s1 =	srdreg.scid;
	s11 =	rddreg [dreg:$0x1];
	s14 =	simm.s32 $0x1  }
0x3: {  	s15 =	simm.s32 $0x2;
	s16 =	simm.s32 $0x80;
	s17 =	simm.s32 $0x400  }
0x4: {  	s18 =	simm.s32 $0xC000;
	s19 =	simm.s32 $0x3;
	s20 =	simm.s32 $0x0  }
0x5: {  	s2 =	sshll.u32 s0, $0x1;
	s4 =	sand.u32 $0x1, s1;
	s5 =	sshrl.u32 s0, $0x3  }
0x6: {  	s1 =	rddreg [dreg:$0x2];
	s6 =	sand.u32 $0xE, s2;
	s8 =	smul.u32 $0x600000, s5  }
0x7: {  	s2 =	simm.s32 $0x0;
	s5 =	smul.u32 $0x3000, s5;
	s7 =	sor.u32 s4, s6  }
0x8: {  	[smem:$0x7FF] =	sst s2;
	s6 =	sshrl.u32 s6, $0x3;
	s9 =	smul.u32 $0x30000, s7  }
0x9: {  	s4 =	ssub.s32 $0x2, s4;
	_ =	strace $0x80000047;
	s6 =	smul.u32 $0x1800, s6  }
0xa: {  	s29 =	sshrl.u32 s4, $0x1;
	s7 =	sshll.u32 s7, $0x7;
	s8 =	sadd.s32 s8, s9  }
0xb: {  	s7 =	sand.u32 $0x380, s7;
	s30 =	sadd.s32 s5, s6;
	s8 =	sshrl.u32 s8, $0x3  }
0xc: {  	s12 =	ssub.s32 s4, s29;
	s31 =	sor.u32 s7, s30;
	s10 =	sadd.s32 s3, s8  }
0xd: {  	s12 =	smax.u32 s12, $0x1;
	s13 =	sshrl.u32 s31, $0x3;
	s3 =	sadd.s32 $0x60000, s10  }
0xe: {  	s4 =	sadd.s32 $0x60C00, s10;
	s5 =	sadd.s32 $0x61800, s10;
	s6 =	sadd.s32 $0x62400, s10  }
0xf: {  	s7 =	sadd.s32 $0x63000, s10;
	s8 =	sadd.s32 $0x63C00, s10;
	s9 =	sadd.s32 $0x64800, s10  }
0x10: {  	s10 =	sadd.s32 $0x65400, s10;
	s11 =	sadd.s32 s11, s13;
	s13 =	simm.s32 $0x6000  }
.LBB2_1:
0x11: {  	[tilespmem:s2], [sflag:$0x1] =	stream.linear.gather [hbm4b:s3+s2], $0x6000, $0x38;
	[tilespmem:$0xC300] =	vst v63  }
0x12: {  	s21 =	simm.s32 $0x0  }
0x13: {  	s21 =	smul.u32 $0x6000, s21  }
0x14: {  	[tilespmem:s13], [sflag:$0x2] =	stream.linear.gather [hbm4b:s4+s2], $0x6000, $0x38;
	[tilespmem:$0xC300] =	vst v63  }
0x15: {  	_ =	swait.ge [sflag:s14], $0x6000  }
0x16: {  	s22 =	sand.u32 $0x380, s2;
	s21 =	sshra.s32 s21, $0x2;
	[sflag:s14] =	ssyncset.done $0x0  }
0x17: {  	s21 =	sor.u32 s22, s21;
	[sflag:s14] =	ssyncadd.s32 $0xFFFFA000  }
0x18: {  	v0 =	vld [tilespmem:s21+$0x1470]  }
0x19: {  	v1 =	vld [tilespmem:s21+$0x0]  }
0x1a: {  	v2 =	vld [tilespmem:s21+$0x10]  }
0x1b: {  	v3 =	vld [tilespmem:s21+$0x20]  }
0x1c: {  	v6 =	vld [tilespmem:s21+$0x30]  }
0x1d: {  	v7 =	vld [tilespmem:s21+$0x40]  }
0x1e: {  	v8 =	vld [tilespmem:s21+$0x50]  }
0x1f: {  	v9 =	vld [tilespmem:s21+$0x60]  }
0x20: {  	v10 =	vld [tilespmem:s21+$0x70]  }
0x21: {  	v11 =	vld [tilespmem:s21+$0x400]  }
0x22: {  	v12 =	vld [tilespmem:s21+$0x410]  }
0x23: {  	v13 =	vld [tilespmem:s21+$0x420]  }
0x24: {  	v14 =	vld [tilespmem:s21+$0x430]  }
0x25: {  	v15 =	vld [tilespmem:s21+$0x440]  }
0x26: {  	v16 =	vld [tilespmem:s21+$0x450]  }
0x27: {  	v17 =	vld [tilespmem:s21+$0x460]  }
0x28: {  	v18 =	vld [tilespmem:s21+$0x470]  }
0x29: {  	v19 =	vld [tilespmem:s21+$0x800]  }
0x2a: {  	v20 =	vld [tilespmem:s21+$0x810]  }
0x2b: {  	v21 =	vld [tilespmem:s21+$0x820]  }
0x2c: {  	v22 =	vld [tilespmem:s21+$0x830]  }
0x2d: {  	v34 =	vld [tilespmem:s21+$0x840]  }
0x2e: {  	v35 =	vld [tilespmem:s21+$0x850]  }
0x2f: {  	v39 =	vimm.f32 $0.0e+00;
	v36 =	vld [tilespmem:s21+$0x860]  }
0x30: {  	v37 =	vld [tilespmem:s21+$0xC30];
	v23 =	vadd.f32 v0, v39;
	v4 =	vadd.f32 v1, v39  }
0x31: {  	v38 =	vld [tilespmem:s21+$0xC40];
	v24 =	vadd.f32 v2, v39;
	v5 =	vadd.f32 v3, v39  }
0x32: {  	v40 =	vld [tilespmem:s21+$0xC50];
	v25 =	vadd.f32 v6, v39;
	v6 =	vadd.f32 v7, v39  }
0x33: {  	v41 =	vld [tilespmem:s21+$0xC60];
	v26 =	vadd.f32 v8, v39;
	v7 =	vadd.f32 v9, v39  }
0x34: {  	v42 =	vld [tilespmem:s21+$0xC70];
	v27 =	vadd.f32 v10, v39;
	v8 =	vadd.f32 v11, v39  }
0x35: {  	v43 =	vld [tilespmem:s21+$0x1020];
	v28 =	vadd.f32 v12, v39;
	v9 =	vadd.f32 v13, v39  }
0x36: {  	v44 =	vld [tilespmem:s21+$0x1030];
	v29 =	vadd.f32 v14, v39;
	v10 =	vadd.f32 v15, v39  }
0x37: {  	v0 =	vld [tilespmem:s21+$0x870];
	v30 =	vadd.f32 v16, v39;
	v11 =	vadd.f32 v17, v39  }
0x38: {  	v1 =	vld [tilespmem:s21+$0xC00];
	v31 =	vadd.f32 v18, v39;
	v12 =	vadd.f32 v19, v39  }
0x39: {  	v3 =	vld [tilespmem:s21+$0xC20];
	v32 =	vadd.f32 v20, v39;
	v13 =	vadd.f32 v21, v39  }
0x3a: {  	v2 =	vld [tilespmem:s21+$0xC10];
	v33 =	vadd.f32 v22, v39;
	v14 =	vadd.f32 v34, v39  }
0x3b: {  	v21 =	vld [tilespmem:s21+$0x1000];
	v34 =	vadd.f32 v35, v39;
	v15 =	vadd.f32 v36, v39  }
0x3c: {  	v22 =	vld [tilespmem:s21+$0x1010];
	v37 =	vadd.f32 v37, v39;
	v18 =	vadd.f32 v38, v39  }
0x3d: {  	v46 =	vimm.f32 $0.0e+00;
	v45 =	vld [tilespmem:s21+$0x1050];
	v38 =	vadd.f32 v40, v39;
	v19 =	vadd.f32 v41, v39  }
0x3e: {  	v47 =	vimm.f32 $0.0e+00;
	v20 =	vadd.f32 v42, v39;
	v17 =	vadd.f32 v3, v39;
	v3 =	vld [tilespmem:s21+$0x1040]  }
0x3f: {  	v49 =	vld [tilespmem:s21+$0x1060];
	v41 =	vimm.f32 $0.0e+00;
	v35 =	vadd.f32 v0, v39;
	v16 =	vadd.f32 v1, v39  }
0x40: {  	v50 =	vld [tilespmem:s21+$0x1070];
	v42 =	vimm.f32 $0.0e+00;
	v36 =	vadd.f32 v2, v39;
	v0 =	vadd.f32 v21, v39  }
0x41: {  	v48 =	vld [tilespmem:s21+$0x1400];
	v40 =	vimm.f32 $0.0e+00;
	v1 =	vadd.f32 v22, v39;
	v2 =	vadd.f32 v43, v39  }
0x42: {  	v51 =	vld [tilespmem:s21+$0x1410];
	v21 =	vadd.f32 v44, v39;
	v22 =	vadd.f32 v45, v39;
	v44 =	vimm.f32 $0.0e+00  }
0x43: {  	s24 =	simm.s32 $0x0;
	s23 =	simm.s32 $0x2;
	s22 =	simm.s32 $0x0;
	v52 =	vld [tilespmem:s21+$0x1420];
	v45 =	vimm.f32 $0.0e+00;
	v43 =	vimm.f32 $0.0e+00;
	v3 =	vadd.f32 v3, v39  }
.LBB2_2:
0x44: {  	p0 =	sne.s32 s23, $0x1F;
	s24 =	smul.u32 $0x6000, s24;
	v39 =	vadd.f32 v49, v39;
	v49 =	vld [tilespmem:s21+$0x1430]  }
0x45: {  	s22 =	sadd.s32 $0x80, s22;
	v44 =	vadd.f32 v50, v44;
	v50 =	vld [tilespmem:s21+$0x1440]  }
0x46: {  	s25 =	sand.u32 $0x380, s22;
	s24 =	sshra.s32 s24, $0x2;
	v41 =	vadd.f32 v48, v41;
	v48 =	vld [tilespmem:s21+$0x1450]  }
0x47: {  	v45 =	vadd.f32 v51, v45;
	v51 =	vld [tilespmem:s21+$0x1460];
	s21 =	sor.u32 s25, s24  }
0x48: {  	v53 =	vld [tilespmem:s21+$0x1470];
	v42 =	vadd.f32 v52, v42  }
0x49: {  	v52 =	vld [tilespmem:s21+$0x0];
	v43 =	vadd.f32 v49, v43  }
0x4a: {  	v49 =	vld [tilespmem:s21+$0x10];
	v46 =	vadd.f32 v50, v46  }
0x4b: {  	v50 =	vld [tilespmem:s21+$0x20];
	v47 =	vadd.f32 v48, v47  }
0x4c: {  	v48 =	vld [tilespmem:s21+$0x30];
	v40 =	vadd.f32 v51, v40  }
0x4d: {  	v51 =	vld [tilespmem:s21+$0x40];
	v23 =	vadd.f32 v53, v23  }
0x4e: {  	v4 =	vadd.f32 v52, v4;
	v52 =	vld [tilespmem:s21+$0x50]  }
0x4f: {  	v24 =	vadd.f32 v49, v24;
	v49 =	vld [tilespmem:s21+$0x60]  }
0x50: {  	v5 =	vadd.f32 v50, v5;
	v50 =	vld [tilespmem:s21+$0x70]  }
0x51: {  	v25 =	vadd.f32 v48, v25;
	v48 =	vld [tilespmem:s21+$0x400]  }
0x52: {  	v6 =	vadd.f32 v51, v6;
	v51 =	vld [tilespmem:s21+$0x410]  }
0x53: {  	v26 =	vadd.f32 v52, v26;
	v52 =	vld [tilespmem:s21+$0x420]  }
0x54: {  	v7 =	vadd.f32 v49, v7;
	v49 =	vld [tilespmem:s21+$0x430]  }
0x55: {  	v27 =	vadd.f32 v50, v27;
	v50 =	vld [tilespmem:s21+$0x440]  }
0x56: {  	v8 =	vadd.f32 v48, v8;
	v48 =	vld [tilespmem:s21+$0x450]  }
0x57: {  	v28 =	vadd.f32 v51, v28;
	v51 =	vld [tilespmem:s21+$0x460]  }
0x58: {  	v9 =	vadd.f32 v52, v9;
	v52 =	vld [tilespmem:s21+$0x470]  }
0x59: {  	v29 =	vadd.f32 v49, v29;
	v49 =	vld [tilespmem:s21+$0x800]  }
0x5a: {  	v10 =	vadd.f32 v50, v10;
	v50 =	vld [tilespmem:s21+$0x810]  }
0x5b: {  	v30 =	vadd.f32 v48, v30;
	v48 =	vld [tilespmem:s21+$0x820]  }
0x5c: {  	v11 =	vadd.f32 v51, v11;
	v51 =	vld [tilespmem:s21+$0x830]  }
0x5d: {  	v31 =	vadd.f32 v52, v31;
	v52 =	vld [tilespmem:s21+$0x840]  }
0x5e: {  	v12 =	vadd.f32 v49, v12;
	v49 =	vld [tilespmem:s21+$0x850]  }
0x5f: {  	v32 =	vadd.f32 v50, v32;
	v50 =	vld [tilespmem:s21+$0x860]  }
0x60: {  	v13 =	vadd.f32 v48, v13;
	v48 =	vld [tilespmem:s21+$0x870]  }
0x61: {  	v33 =	vadd.f32 v51, v33;
	v51 =	vld [tilespmem:s21+$0xC00]  }
0x62: {  	v14 =	vadd.f32 v52, v14;
	v52 =	vld [tilespmem:s21+$0xC10]  }
0x63: {  	v34 =	vadd.f32 v49, v34;
	v49 =	vld [tilespmem:s21+$0xC20]  }
0x64: {  	v15 =	vadd.f32 v50, v15;
	v50 =	vld [tilespmem:s21+$0xC30]  }
0x65: {  	v35 =	vadd.f32 v48, v35;
	v48 =	vld [tilespmem:s21+$0xC40]  }
0x66: {  	v16 =	vadd.f32 v51, v16;
	v51 =	vld [tilespmem:s21+$0xC50]  }
0x67: {  	v36 =	vadd.f32 v52, v36;
	v52 =	vld [tilespmem:s21+$0xC60]  }
0x68: {  	v17 =	vadd.f32 v49, v17;
	v49 =	vld [tilespmem:s21+$0xC70]  }
0x69: {  	v37 =	vadd.f32 v50, v37;
	v50 =	vld [tilespmem:s21+$0x1000]  }
0x6a: {  	v18 =	vadd.f32 v48, v18;
	v48 =	vld [tilespmem:s21+$0x1010]  }
0x6b: {  	v38 =	vadd.f32 v51, v38;
	v51 =	vld [tilespmem:s21+$0x1020]  }
0x6c: {  	v19 =	vadd.f32 v52, v19;
	v52 =	vld [tilespmem:s21+$0x1030]  }
0x6d: {  	v20 =	vadd.f32 v49, v20;
	v53 =	vld [tilespmem:s21+$0x1040]  }
0x6e: {  	v0 =	vadd.f32 v50, v0;
	v54 =	vld [tilespmem:s21+$0x1050]  }
.Ltmp0:
0x6f: {  	v1 =	vadd.f32 v48, v1;
	v49 =	vld [tilespmem:s21+$0x1060];
	(pc) =	sbr.rel @p0 .LBB2_2-.Ltmp0, $4  }
0x70: {  	v2 =	vadd.f32 v51, v2;
	v50 =	vld [tilespmem:s21+$0x1070]  }
0x71: {  	v21 =	vadd.f32 v52, v21;
	v48 =	vld [tilespmem:s21+$0x1400]  }
0x72: {  	v3 =	vadd.f32 v53, v3;
	v51 =	vld [tilespmem:s21+$0x1410]  }
0x73: {  	s24 =	sshrl.u32 s23, $0x3;
	s23 =	sadd.s32 $0x1, s23;
	v22 =	vadd.f32 v54, v22;
	v52 =	vld [tilespmem:s21+$0x1420]  }
0x74: {  	s23 =	smul.u32 $0x6000, s24  }
0x75: {  	s22 =	sadd.s32 $0x80, s22  }
0x76: {  	s22 =	sand.u32 $0x380, s22;
	s23 =	sshra.s32 s23, $0x2  }
0x77: {  	s22 =	sor.u32 s22, s23  }
0x78: {  	v62 =	vld [tilespmem:s22+$0x40];
	_ =	sdelay $0x4  }
0x79: {  	[tilespmem:$0x1FC50] =	vst v62;
	v62 =	vld [tilespmem:s22+$0x60];
	_ =	sdelay $0x4  }
0x7a: {  	[tilespmem:$0x1FC60] =	vst v62;
	v62 =	vld [tilespmem:s22+$0x70];
	_ =	sdelay $0x4  }
0x7b: {  	[tilespmem:$0x1FC70] =	vst v62;
	v62 =	vld [tilespmem:s22+$0x400];
	_ =	sdelay $0x4  }
0x7c: {  	[tilespmem:$0x1FC80] =	vst v62;
	v62 =	vld [tilespmem:s22+$0x410];
	_ =	sdelay $0x4  }
0x7d: {  	[tilespmem:$0x1FC90] =	vst v62;
	v62 =	vld [tilespmem:s22+$0x420];
	_ =	sdelay $0x4  }
0x7e: {  	[tilespmem:$0x1FCA0] =	vst v62;
	v62 =	vld [tilespmem:s22+$0x430];
	_ =	sdelay $0x4  }
0x7f: {  	[tilespmem:$0x1FCB0] =	vst v62;
	v62 =	vld [tilespmem:s22+$0x440];
	_ =	sdelay $0x4  }
0x80: {  	[tilespmem:$0x1FCC0] =	vst v62;
	v62 =	vld [tilespmem:s22+$0x450];
	_ =	sdelay $0x4  }
0x81: {  	[tilespmem:$0x1FCD0] =	vst v62;
	v62 =	vld [tilespmem:s22+$0x460];
	_ =	sdelay $0x4  }
0x82: {  	[tilespmem:$0x1FCE0] =	vst v62;
	v62 =	vld [tilespmem:s22+$0x470];
	_ =	sdelay $0x4  }
0x83: {  	[tilespmem:$0x1FCF0] =	vst v62;
	v62 =	vld [tilespmem:s22+$0x800];
	_ =	sdelay $0x4  }
0x84: {  	[tilespmem:$0x1FD00] =	vst v62;
	v62 =	vld [tilespmem:s22+$0x810];
	_ =	sdelay $0x4  }
0x85: {  	[tilespmem:$0x1FD10] =	vst v62;
	v62 =	vld [tilespmem:s22+$0x820];
	_ =	sdelay $0x4  }
0x86: {  	[tilespmem:$0x1FD20] =	vst v62;
	v62 =	vld [tilespmem:s22+$0x830];
	_ =	sdelay $0x4  }
0x87: {  	[tilespmem:$0x1FD30] =	vst v62;
	v62 =	vld [tilespmem:s22+$0x840];
	_ =	sdelay $0x4  }
0x88: {  	[tilespmem:$0x1FD40] =	vst v62;
	v62 =	vld [tilespmem:s22+$0x850];
	_ =	sdelay $0x4  }
0x89: {  	[tilespmem:$0x1FD50] =	vst v62;
	v62 =	vld [tilespmem:s22+$0x860];
	_ =	sdelay $0x4  }
0x8a: {  	[tilespmem:$0x1FD60] =	vst v62;
	v62 =	vld [tilespmem:s22+$0x870];
	_ =	sdelay $0x4  }
0x8b: {  	[tilespmem:$0x1FD70] =	vst v62;
	v62 =	vld [tilespmem:s22+$0xC00];
	_ =	sdelay $0x4  }
0x8c: {  	[tilespmem:$0x1FD80] =	vst v62;
	v62 =	vld [tilespmem:s22+$0xC10];
	_ =	sdelay $0x4  }
0x8d: {  	[tilespmem:$0x1FD90] =	vst v62;
	v62 =	vld [tilespmem:s22+$0xC20];
	_ =	sdelay $0x4  }
0x8e: {  	[tilespmem:$0x1FDA0] =	vst v62;
	v62 =	vld [tilespmem:s22+$0xC30];
	_ =	sdelay $0x4  }
0x8f: {  	[tilespmem:$0x1FDB0] =	vst v62;
	v62 =	vld [tilespmem:s22+$0xC40];
	_ =	sdelay $0x4  }
0x90: {  	[tilespmem:$0x1FDC0] =	vst v62;
	v62 =	vld [tilespmem:s22+$0xC50];
	_ =	sdelay $0x4  }
0x91: {  	[tilespmem:$0x1FDD0] =	vst v62;
	v62 =	vld [tilespmem:s22+$0xC60];
	_ =	sdelay $0x4  }
0x92: {  	[tilespmem:$0x1FDE0] =	vst v62;
	v62 =	vld [tilespmem:s22+$0xC70];
	_ =	sdelay $0x4  }
0x93: {  	[tilespmem:$0x1FDF0] =	vst v62;
	v62 =	vld [tilespmem:s22+$0x1000];
	_ =	sdelay $0x4  }
0x94: {  	[tilespmem:$0x1FE00] =	vst v62;
	v62 =	vld [tilespmem:s22+$0x1010];
	_ =	sdelay $0x4  }
0x95: {  	[tilespmem:$0x1FE10] =	vst v62;
	v62 =	vld [tilespmem:s22+$0x1020];
	_ =	sdelay $0x4  }
0x96: {  	[tilespmem:$0x1FE20] =	vst v62;
	v62 =	vld [tilespmem:s22+$0x1030];
	_ =	sdelay $0x4  }
0x97: {  	[tilespmem:$0x1FE30] =	vst v62;
	v62 =	vld [tilespmem:s22+$0x1040];
	_ =	sdelay $0x4  }
0x98: {  	[tilespmem:$0x1FE40] =	vst v62;
	v62 =	vld [tilespmem:s22+$0x1050];
	_ =	sdelay $0x4  }
0x99: {  	[tilespmem:$0x1FE50] =	vst v62;
	v62 =	vld [tilespmem:s22+$0x1060];
	_ =	sdelay $0x4  }
0x9a: {  	[tilespmem:$0x1FE60] =	vst v62;
	v62 =	vld [tilespmem:s22+$0x1070];
	_ =	sdelay $0x4  }
0x9b: {  	[tilespmem:$0x1FE80] =	vst v62;
	v62 =	vld [tilespmem:s22+$0x1400];
	_ =	sdelay $0x4  }
0x9c: {  	[tilespmem:$0x1FE90] =	vst v62;
	v62 =	vld [tilespmem:s22+$0x1410];
	_ =	sdelay $0x4  }
0x9d: {  	[tilespmem:$0x1FEB0] =	vst v62;
	v62 =	vld [tilespmem:s22+$0x1420];
	_ =	sdelay $0x4  }
0x9e: {  	[tilespmem:$0x1FEC0] =	vst v62;
	v62 =	vld [tilespmem:s22+$0x1430];
	_ =	sdelay $0x4  }
0x9f: {  	[tilespmem:$0x1FEE0] =	vst v62;
	v62 =	vld [tilespmem:s22+$0x1440];
	_ =	sdelay $0x2  }
0xa0: {  	v53 =	vld [tilespmem:s21+$0x1430]  }
0xa1: {  	v54 =	vld [tilespmem:s21+$0x1440]  }
0xa2: {  	[tilespmem:$0x1FF00] =	vst v62;
	v62 =	vld [tilespmem:s22+$0x1450]  }
0xa3: {  	v55 =	vld [tilespmem:s21+$0x1450]  }
0xa4: {  	v56 =	vld [tilespmem:s21+$0x1460]  }
0xa5: {  	v57 =	vld [tilespmem:s22+$0x1470]  }
0xa6: {  	v60 =	vld [tilespmem:s22+$0x20]  }
0xa7: {  	[tilespmem:$0x1FF10] =	vst v62;
	v62 =	vld [tilespmem:s22+$0x1460]  }
0xa8: {  	v39 =	vadd.f32 v49, v39;
	v58 =	vld [tilespmem:s22+$0x0]  }
0xa9: {  	v44 =	vadd.f32 v50, v44;
	v50 =	vadd.f32 v48, v41;
	v59 =	vld [tilespmem:s22+$0x10]  }
0xaa: {  	s21 =	simm.s32 $0x0;
	[tilespmem:$0x1FE70] =	vst v39;
	v61 =	vld [tilespmem:s22+$0x30]  }
0xab: {  	[tilespmem:$0x1FEA0] =	vst v50;
	v63 =	vld [tilespmem:s22+$0x50];
	[tilespmem:s21], [sflag:$0x1] =	stream.linear.gather [hbm4b:s5+s21], $0x6000, $0x38  }
0xac: {  	v5 =	vadd.f32 v60, v5;
	[tilespmem:$0x1FF30] =	vst v62  }
0xad: {  	_ =	swait.ge [sflag:s15], $0x6000  }
0xae: {  	[tilespmem:$0x1FF60] =	vst v5;
	v5 =	vld [tilespmem:$0x1FC50];
	_ =	sdelay $0x4  }
0xaf: {  	v5 =	vadd.f32 v5, v6;
	v6 =	vld [tilespmem:$0x1FC80];
	_ =	sdelay $0x4  }
0xb0: {  	v4 =	vadd.f32 v58, v4;
	v58 =	vadd.f32 v6, v8;
	v8 =	vld [tilespmem:$0x1FCC0];
	_ =	sdelay $0x4  }
0xb1: {  	v60 =	vadd.f32 v8, v10;
	v10 =	vld [tilespmem:$0x1FD00];
	_ =	sdelay $0x2  }
0xb2: {  	v62 =	vadd.f32 v55, v47;
	_ =	sdelay $0x1  }
0xb3: {  	[tilespmem:$0x1FF20] =	vst v62;
	v62 =	vadd.f32 v10, v12;
	v12 =	vld [tilespmem:$0x1FD40];
	_ =	sdelay $0x4  }
0xb4: {  	v41 =	vadd.f32 v12, v14;
	v14 =	vld [tilespmem:$0x1FD80];
	_ =	sdelay $0x4  }
0xb5: {  	v49 =	vadd.f32 v14, v16;
	v16 =	vld [tilespmem:$0x1FDC0];
	_ =	sdelay $0x4  }
0xb6: {  	v45 =	vadd.f32 v51, v45;
	v51 =	vadd.f32 v16, v18;
	v18 =	vld [tilespmem:$0x1FE00];
	_ =	sdelay $0x4  }
0xb7: {  	s30 =	simm.s32 $0x0;
	v0 =	vadd.f32 v18, v0  }
0xb8: {  	s22 =	smul.u32 $0x6000, s30  }
0xb9: {  	[tilespmem:$0x1FFA0] =	vst v0;
	v0 =	vld [tilespmem:$0x1FE10]  }
0xba: {  	s31 =	sand.u32 $0x380, s21;
	v53 =	vadd.f32 v53, v43;
	s22 =	sshra.s32 s22, $0x2;
	[sflag:s15] =	ssyncset.done $0x0  }
0xbb: {  	s22 =	sor.u32 s31, s22;
	[sflag:s15] =	ssyncadd.s32 $0xFFFFA000  }
0xbc: {  	v23 =	vadd.f32 v57, v23;
	[tilespmem:$0x1FEF0] =	vst v53;
	v53 =	vld [tilespmem:s22+$0x7470]  }
0xbd: {  	v39 =	vadd.f32 v54, v46;
	v54 =	vld [tilespmem:s22+$0x6000]  }
0xbe: {  	[tilespmem:$0x1FF40] =	vst v23;
	v55 =	vld [tilespmem:s22+$0x6010];
	v0 =	vadd.f32 v0, v1  }
0xbf: {  	v52 =	vadd.f32 v52, v42;
	[tilespmem:$0x1FF70] =	vst v5;
	v5 =	vld [tilespmem:$0x1FC60]  }
0xc0: {  	v23 =	vadd.f32 v59, v24;
	[tilespmem:$0x1FFB0] =	vst v0;
	v0 =	vld [tilespmem:$0x1FE20]  }
0xc1: {  	[tilespmem:$0x1FED0] =	vst v52;
	v52 =	vadd.f32 v56, v40;
	v56 =	vld [tilespmem:s22+$0x6020]  }
0xc2: {  	[tilespmem:$0x1FF50] =	vst v23;
	v23 =	vld [tilespmem:s22+$0x6850]  }
0xc3: {  	v24 =	vld [tilespmem:s22+$0x6860]  }
0xc4: {  	v6 =	vld [tilespmem:$0x1FC90]  }
0xc5: {  	v57 =	vadd.f32 v5, v7;
	v5 =	vld [tilespmem:$0x1FC70];
	v0 =	vadd.f32 v0, v2  }
0xc6: {  	v7 =	vld [tilespmem:$0x1FCA0]  }
0xc7: {  	[tilespmem:$0x1FFC0] =	vst v0;
	v0 =	vld [tilespmem:$0x1FE30]  }
0xc8: {  	v8 =	vld [tilespmem:$0x1FCD0]  }
0xc9: {  	v28 =	vadd.f32 v6, v28;
	v6 =	vld [tilespmem:s22+$0x6040]  }
0xca: {  	v27 =	vadd.f32 v5, v27;
	v5 =	vld [tilespmem:s22+$0x6030]  }
0xcb: {  	v59 =	vadd.f32 v7, v9;
	v7 =	vld [tilespmem:$0x1FCB0]  }
0xcc: {  	v9 =	vld [tilespmem:$0x1FCE0];
	v0 =	vadd.f32 v0, v21  }
0xcd: {  	v30 =	vadd.f32 v8, v30;
	v8 =	vld [tilespmem:s22+$0x6060]  }
0xce: {  	[tilespmem:$0x1FFD0] =	vst v0;
	v0 =	vld [tilespmem:$0x1FE40]  }
0xcf: {  	v10 =	vld [tilespmem:$0x1FD10]  }
0xd0: {  	v29 =	vadd.f32 v7, v29;
	v7 =	vld [tilespmem:s22+$0x6050]  }
0xd1: {  	v25 =	vadd.f32 v61, v25;
	v61 =	vadd.f32 v9, v11;
	v9 =	vld [tilespmem:$0x1FCF0]  }
0xd2: {  	v11 =	vld [tilespmem:$0x1FD20]  }
0xd3: {  	v5 =	vadd.f32 v5, v25;
	v25 =	vld [tilespmem:$0x1FF70];
	v0 =	vadd.f32 v0, v3  }
0xd4: {  	v32 =	vadd.f32 v10, v32;
	v10 =	vld [tilespmem:s22+$0x6400]  }
0xd5: {  	[tilespmem:$0x1FFE0] =	vst v0;
	v0 =	vld [tilespmem:$0x1FE50]  }
0xd6: {  	v12 =	vld [tilespmem:$0x1FD50]  }
0xd7: {  	v8 =	vadd.f32 v8, v57;
	v57 =	vld [tilespmem:s22+$0x6C40]  }
0xd8: {  	v31 =	vadd.f32 v9, v31;
	v9 =	vld [tilespmem:s22+$0x6070]  }
0xd9: {  	v26 =	vadd.f32 v63, v26;
	v63 =	vadd.f32 v11, v13;
	v11 =	vld [tilespmem:$0x1FD30]  }
0xda: {  	v13 =	vld [tilespmem:$0x1FD60];
	v0 =	vadd.f32 v0, v22  }
0xdb: {  	v1 =	vld [tilespmem:$0x1FE70]  }
0xdc: {  	[tilespmem:$0x1FFF0] =	vst v0;
	v0 =	vld [tilespmem:$0x1FE60]  }
0xdd: {  	v34 =	vadd.f32 v12, v34;
	v12 =	vld [tilespmem:s22+$0x6420]  }
0xde: {  	v14 =	vld [tilespmem:$0x1FD90]  }
0xdf: {  	v10 =	vadd.f32 v10, v58;
	v58 =	vld [tilespmem:s22+$0x6C50]  }
0xe0: {  	v33 =	vadd.f32 v11, v33;
	v11 =	vld [tilespmem:s22+$0x6410]  }
0xe1: {  	v42 =	vadd.f32 v0, v1;
	v0 =	vld [tilespmem:$0x1FE80]  }
0xe2: {  	v48 =	vadd.f32 v13, v15;
	v13 =	vld [tilespmem:$0x1FD70]  }
0xe3: {  	v15 =	vld [tilespmem:$0x1FDA0]  }
0xe4: {  	v36 =	vadd.f32 v14, v36;
	v14 =	vld [tilespmem:s22+$0x6440]  }
0xe5: {  	v1 =	vld [tilespmem:$0x1FEA0]  }
0xe6: {  	v43 =	vadd.f32 v0, v44;
	v0 =	vld [tilespmem:$0x1FE90]  }
0xe7: {  	v16 =	vld [tilespmem:$0x1FDD0]  }
0xe8: {  	v12 =	vadd.f32 v12, v59;
	v59 =	vld [tilespmem:s22+$0x6C60]  }
0xe9: {  	v35 =	vadd.f32 v13, v35;
	v13 =	vld [tilespmem:s22+$0x6430]  }
0xea: {  	v50 =	vadd.f32 v15, v17;
	v15 =	vld [tilespmem:$0x1FDB0]  }
0xeb: {  	v44 =	vadd.f32 v0, v1;
	v0 =	vld [tilespmem:$0x1FEB0]  }
0xec: {  	v17 =	vld [tilespmem:$0x1FDE0]  }
0xed: {  	v38 =	vadd.f32 v16, v38;
	v16 =	vld [tilespmem:s22+$0x6460]  }
0xee: {  	v18 =	vld [tilespmem:s22+$0x6800]  }
0xef: {  	v1 =	vld [tilespmem:$0x1FED0]  }
0xf0: {  	v45 =	vadd.f32 v0, v45;
	v0 =	vld [tilespmem:$0x1FEC0]  }
0xf1: {  	v14 =	vadd.f32 v14, v60;
	v60 =	vld [tilespmem:s22+$0x6C70]  }
0xf2: {  	v37 =	vadd.f32 v15, v37;
	v15 =	vld [tilespmem:s22+$0x6450];
	v17 =	vadd.f32 v17, v19  }
0xf3: {  	v19 =	vld [tilespmem:s22+$0x6810]  }
0xf4: {  	[tilespmem:$0x1FF80] =	vst v17;
	v17 =	vld [tilespmem:$0x1FDF0]  }
0xf5: {  	v46 =	vadd.f32 v0, v1;
	v0 =	vld [tilespmem:$0x1FEE0]  }
0xf6: {  	v1 =	vld [tilespmem:$0x1FEF0]  }
0xf7: {  	v16 =	vadd.f32 v16, v61;
	v61 =	vld [tilespmem:s22+$0x7000]  }
0xf8: {  	v18 =	vadd.f32 v18, v62;
	v62 =	vld [tilespmem:s22+$0x7010]  }
0xf9: {  	v2 =	vadd.f32 v54, v4;
	v4 =	vld [tilespmem:$0x1FF60]  }
0xfa: {  	v17 =	vadd.f32 v17, v20;
	v20 =	vld [tilespmem:s22+$0x6820]  }
0xfb: {  	v47 =	vadd.f32 v0, v1;
	v0 =	vld [tilespmem:$0x1FF00]  }
0xfc: {  	[tilespmem:$0x1FF90] =	vst v17;
	v17 =	vld [tilespmem:s22+$0x6470]  }
0xfd: {  	v15 =	vadd.f32 v15, v30;
	v30 =	vadd.f32 v57, v51;
	v57 =	vld [tilespmem:$0x1FF90]  }
0xfe: {  	v4 =	vadd.f32 v56, v4;
	v56 =	vld [tilespmem:s22+$0x6C30]  }
0xff: {  	v1 =	vld [tilespmem:$0x1FF20]  }
0x100: {  	v39 =	vadd.f32 v0, v39;
	v0 =	vld [tilespmem:$0x1FF10]  }
0x101: {  	v54 =	vld [tilespmem:s22+$0x6C10]  }
0x102: {  	v20 =	vadd.f32 v20, v63;
	v63 =	vld [tilespmem:s22+$0x7040]  }
0x103: {  	v17 =	vadd.f32 v17, v31;
	v31 =	vadd.f32 v58, v38;
	v58 =	vld [tilespmem:$0x1FFA0]  }
0x104: {  	v13 =	vadd.f32 v13, v29;
	v29 =	vadd.f32 v56, v37;
	v56 =	vld [tilespmem:$0x1FF80]  }
0x105: {  	v40 =	vadd.f32 v0, v1;
	v0 =	vld [tilespmem:$0x1FF30]  }
0x106: {  	v9 =	vadd.f32 v9, v27;
	v27 =	vadd.f32 v54, v36;
	v54 =	vld [tilespmem:s22+$0x7050]  }
0x107: {  	v21 =	vld [tilespmem:s22+$0x6830]  }
0x108: {  	v23 =	vadd.f32 v23, v34;
	v34 =	vadd.f32 v61, v58;
	v61 =	vld [tilespmem:$0x1FFD0]  }
0x109: {  	v19 =	vadd.f32 v19, v32;
	v32 =	vadd.f32 v59, v56;
	v59 =	vld [tilespmem:$0x1FFB0]  }
0x10a: {  	v0 =	vadd.f32 v0, v52;
	v52 =	vld [tilespmem:s22+$0x6870]  }
0x10b: {  	v3 =	vld [tilespmem:$0x1FF50]  }
0x10c: {  	v22 =	vld [tilespmem:s22+$0x6840]  }
0x10d: {  	v6 =	vadd.f32 v6, v25;
	v1 =	vld [tilespmem:$0x1FF40]  }
0x10e: {  	v21 =	vadd.f32 v21, v33;
	v33 =	vadd.f32 v60, v57;
	v60 =	vld [tilespmem:$0x1FFC0]  }
0x10f: {  	v25 =	vadd.f32 v52, v35;
	v35 =	vadd.f32 v62, v59;
	v62 =	vld [tilespmem:$0x1FFE0]  }
0x110: {  	v3 =	vadd.f32 v55, v3;
	v55 =	vld [tilespmem:s22+$0x6C20]  }
0x111: {  	v22 =	vadd.f32 v22, v41;
	v41 =	vld [tilespmem:s22+$0x7020]  }
0x112: {  	v1 =	vadd.f32 v53, v1;
	v53 =	vld [tilespmem:s22+$0x6C00]  }
0x113: {  	v52 =	vld [tilespmem:s22+$0x7030]  }
0x114: {  	v38 =	vadd.f32 v63, v62;
	v63 =	vld [tilespmem:$0x1FFF0]  }
0x115: {  	v24 =	vadd.f32 v24, v48;
	v48 =	vld [tilespmem:s22+$0x7060]  }
0x116: {  	v11 =	vadd.f32 v11, v28;
	v28 =	vadd.f32 v55, v50;
	v50 =	vld [tilespmem:s22+$0x7070]  }
0x117: {  	v7 =	vadd.f32 v7, v26;
	v26 =	vadd.f32 v53, v49;
	v49 =	vld [tilespmem:s22+$0x7400]  }
0x118: {  	v51 =	vld [tilespmem:s22+$0x7410];
	v36 =	vadd.f32 v41, v60  }
0x119: {  	s24 =	simm.s32 $0x0;
	s23 =	simm.s32 $0x2;
	v37 =	vadd.f32 v52, v61;
	v52 =	vld [tilespmem:s22+$0x7420];
	v41 =	vadd.f32 v54, v63  }
.LBB2_4:
0x11a: {  	p0 =	sne.s32 s23, $0x1F;
	s24 =	smul.u32 $0x6000, s24;
	v42 =	vadd.f32 v48, v42;
	v48 =	vld [tilespmem:s22+$0x7430]  }
0x11b: {  	s21 =	sadd.s32 $0x80, s21;
	v43 =	vadd.f32 v50, v43;
	v50 =	vld [tilespmem:s22+$0x7440]  }
0x11c: {  	s25 =	sand.u32 $0x380, s21;
	s24 =	sshra.s32 s24, $0x2;
	v44 =	vadd.f32 v49, v44;
	v49 =	vld [tilespmem:s22+$0x7450]  }
0x11d: {  	v45 =	vadd.f32 v51, v45;
	v51 =	vld [tilespmem:s22+$0x7460];
	s22 =	sor.u32 s25, s24  }
0x11e: {  	v53 =	vld [tilespmem:s22+$0x7470];
	v46 =	vadd.f32 v52, v46  }
0x11f: {  	v52 =	vld [tilespmem:s22+$0x6000];
	v47 =	vadd.f32 v48, v47  }
0x120: {  	v48 =	vld [tilespmem:s22+$0x6010];
	v39 =	vadd.f32 v50, v39  }
0x121: {  	v50 =	vld [tilespmem:s22+$0x6020];
	v40 =	vadd.f32 v49, v40  }
0x122: {  	v49 =	vld [tilespmem:s22+$0x6030];
	v0 =	vadd.f32 v51, v0  }
0x123: {  	v51 =	vld [tilespmem:s22+$0x6040];
	v1 =	vadd.f32 v53, v1  }
0x124: {  	v2 =	vadd.f32 v52, v2;
	v52 =	vld [tilespmem:s22+$0x6050]  }
0x125: {  	v3 =	vadd.f32 v48, v3;
	v48 =	vld [tilespmem:s22+$0x6060]  }
0x126: {  	v4 =	vadd.f32 v50, v4;
	v50 =	vld [tilespmem:s22+$0x6070]  }
0x127: {  	v5 =	vadd.f32 v49, v5;
	v49 =	vld [tilespmem:s22+$0x6400]  }
0x128: {  	v6 =	vadd.f32 v51, v6;
	v51 =	vld [tilespmem:s22+$0x6410]  }
0x129: {  	v7 =	vadd.f32 v52, v7;
	v52 =	vld [tilespmem:s22+$0x6420]  }
0x12a: {  	v8 =	vadd.f32 v48, v8;
	v48 =	vld [tilespmem:s22+$0x6430]  }
0x12b: {  	v9 =	vadd.f32 v50, v9;
	v50 =	vld [tilespmem:s22+$0x6440]  }
0x12c: {  	v10 =	vadd.f32 v49, v10;
	v49 =	vld [tilespmem:s22+$0x6450]  }
0x12d: {  	v11 =	vadd.f32 v51, v11;
	v51 =	vld [tilespmem:s22+$0x6460]  }
0x12e: {  	v12 =	vadd.f32 v52, v12;
	v52 =	vld [tilespmem:s22+$0x6470]  }
0x12f: {  	v13 =	vadd.f32 v48, v13;
	v48 =	vld [tilespmem:s22+$0x6800]  }
0x130: {  	v14 =	vadd.f32 v50, v14;
	v50 =	vld [tilespmem:s22+$0x6810]  }
0x131: {  	v15 =	vadd.f32 v49, v15;
	v49 =	vld [tilespmem:s22+$0x6820]  }
0x132: {  	v16 =	vadd.f32 v51, v16;
	v51 =	vld [tilespmem:s22+$0x6830]  }
0x133: {  	v17 =	vadd.f32 v52, v17;
	v52 =	vld [tilespmem:s22+$0x6840]  }
0x134: {  	v18 =	vadd.f32 v48, v18;
	v48 =	vld [tilespmem:s22+$0x6850]  }
0x135: {  	v19 =	vadd.f32 v50, v19;
	v50 =	vld [tilespmem:s22+$0x6860]  }
0x136: {  	v20 =	vadd.f32 v49, v20;
	v49 =	vld [tilespmem:s22+$0x6870]  }
0x137: {  	v21 =	vadd.f32 v51, v21;
	v51 =	vld [tilespmem:s22+$0x6C00]  }
0x138: {  	v22 =	vadd.f32 v52, v22;
	v52 =	vld [tilespmem:s22+$0x6C10]  }
0x139: {  	v23 =	vadd.f32 v48, v23;
	v48 =	vld [tilespmem:s22+$0x6C20]  }
0x13a: {  	v24 =	vadd.f32 v50, v24;
	v50 =	vld [tilespmem:s22+$0x6C30]  }
0x13b: {  	v25 =	vadd.f32 v49, v25;
	v49 =	vld [tilespmem:s22+$0x6C40]  }
0x13c: {  	v26 =	vadd.f32 v51, v26;
	v51 =	vld [tilespmem:s22+$0x6C50]  }
0x13d: {  	v27 =	vadd.f32 v52, v27;
	v52 =	vld [tilespmem:s22+$0x6C60]  }
0x13e: {  	v28 =	vadd.f32 v48, v28;
	v48 =	vld [tilespmem:s22+$0x6C70]  }
0x13f: {  	v29 =	vadd.f32 v50, v29;
	v50 =	vld [tilespmem:s22+$0x7000]  }
0x140: {  	v30 =	vadd.f32 v49, v30;
	v49 =	vld [tilespmem:s22+$0x7010]  }
0x141: {  	v31 =	vadd.f32 v51, v31;
	v51 =	vld [tilespmem:s22+$0x7020]  }
0x142: {  	v32 =	vadd.f32 v52, v32;
	v52 =	vld [tilespmem:s22+$0x7030]  }
0x143: {  	v33 =	vadd.f32 v48, v33;
	v53 =	vld [tilespmem:s22+$0x7040]  }
0x144: {  	v34 =	vadd.f32 v50, v34;
	v54 =	vld [tilespmem:s22+$0x7050]  }
.Ltmp1:
0x145: {  	v35 =	vadd.f32 v49, v35;
	v48 =	vld [tilespmem:s22+$0x7060];
	(pc) =	sbr.rel @p0 .LBB2_4-.Ltmp1, $4  }
0x146: {  	v36 =	vadd.f32 v51, v36;
	v50 =	vld [tilespmem:s22+$0x7070]  }
0x147: {  	v37 =	vadd.f32 v52, v37;
	v49 =	vld [tilespmem:s22+$0x7400]  }
0x148: {  	v38 =	vadd.f32 v53, v38;
	v51 =	vld [tilespmem:s22+$0x7410]  }
0x149: {  	s24 =	sshrl.u32 s23, $0x3;
	s23 =	sadd.s32 $0x1, s23;
	v41 =	vadd.f32 v54, v41;
	v52 =	vld [tilespmem:s22+$0x7420]  }
0x14a: {  	s23 =	smul.u32 $0x6000, s24  }
0x14b: {  	s21 =	sadd.s32 $0x80, s21  }
0x14c: {  	s21 =	sand.u32 $0x380, s21;
	s23 =	sshra.s32 s23, $0x2  }
0x14d: {  	s23 =	sor.u32 s21, s23  }
0x14e: {  	v62 =	vld [tilespmem:s23+$0x6040];
	_ =	sdelay $0x4  }
0x14f: {  	[tilespmem:$0x1F920] =	vst v62;
	v62 =	vld [tilespmem:s23+$0x6060];
	_ =	sdelay $0x4  }
0x150: {  	[tilespmem:$0x1F930] =	vst v62;
	v62 =	vld [tilespmem:s23+$0x6070];
	_ =	sdelay $0x4  }
0x151: {  	[tilespmem:$0x1F940] =	vst v62;
	v62 =	vld [tilespmem:s23+$0x6400];
	_ =	sdelay $0x4  }
0x152: {  	[tilespmem:$0x1F950] =	vst v62;
	v62 =	vld [tilespmem:s23+$0x6410];
	_ =	sdelay $0x4  }
0x153: {  	[tilespmem:$0x1F960] =	vst v62;
	v62 =	vld [tilespmem:s23+$0x6420];
	_ =	sdelay $0x4  }
0x154: {  	[tilespmem:$0x1F970] =	vst v62;
	v62 =	vld [tilespmem:s23+$0x6430];
	_ =	sdelay $0x4  }
0x155: {  	[tilespmem:$0x1F980] =	vst v62;
	v62 =	vld [tilespmem:s23+$0x6440];
	_ =	sdelay $0x4  }
0x156: {  	[tilespmem:$0x1F990] =	vst v62;
	v62 =	vld [tilespmem:s23+$0x6450];
	_ =	sdelay $0x4  }
0x157: {  	[tilespmem:$0x1F9A0] =	vst v62;
	v62 =	vld [tilespmem:s23+$0x6460];
	_ =	sdelay $0x4  }
0x158: {  	[tilespmem:$0x1F9B0] =	vst v62;
	v62 =	vld [tilespmem:s23+$0x6470];
	_ =	sdelay $0x4  }
0x159: {  	[tilespmem:$0x1F9C0] =	vst v62;
	v62 =	vld [tilespmem:s23+$0x6800];
	_ =	sdelay $0x4  }
0x15a: {  	[tilespmem:$0x1F9D0] =	vst v62;
	v62 =	vld [tilespmem:s23+$0x6810];
	_ =	sdelay $0x4  }
0x15b: {  	[tilespmem:$0x1F9E0] =	vst v62;
	v62 =	vld [tilespmem:s23+$0x6820];
	_ =	sdelay $0x4  }
0x15c: {  	[tilespmem:$0x1F9F0] =	vst v62;
	v62 =	vld [tilespmem:s23+$0x6830];
	_ =	sdelay $0x4  }
0x15d: {  	[tilespmem:$0x1FA00] =	vst v62;
	v62 =	vld [tilespmem:s23+$0x6840];
	_ =	sdelay $0x4  }
0x15e: {  	[tilespmem:$0x1FA10] =	vst v62;
	v62 =	vld [tilespmem:s23+$0x6850];
	_ =	sdelay $0x4  }
0x15f: {  	[tilespmem:$0x1FA20] =	vst v62;
	v62 =	vld [tilespmem:s23+$0x6860];
	_ =	sdelay $0x4  }
0x160: {  	[tilespmem:$0x1FA30] =	vst v62;
	v62 =	vld [tilespmem:s23+$0x6870];
	_ =	sdelay $0x4  }
0x161: {  	[tilespmem:$0x1FA40] =	vst v62;
	v62 =	vld [tilespmem:s23+$0x6C00];
	_ =	sdelay $0x4  }
0x162: {  	[tilespmem:$0x1FA50] =	vst v62;
	v62 =	vld [tilespmem:s23+$0x6C10];
	_ =	sdelay $0x4  }
0x163: {  	[tilespmem:$0x1FA60] =	vst v62;
	v62 =	vld [tilespmem:s23+$0x6C20];
	_ =	sdelay $0x4  }
0x164: {  	[tilespmem:$0x1FA70] =	vst v62;
	v62 =	vld [tilespmem:s23+$0x6C30];
	_ =	sdelay $0x4  }
0x165: {  	[tilespmem:$0x1FA80] =	vst v62;
	v62 =	vld [tilespmem:s23+$0x6C40];
	_ =	sdelay $0x4  }
0x166: {  	[tilespmem:$0x1FA90] =	vst v62;
	v62 =	vld [tilespmem:s23+$0x6C50];
	_ =	sdelay $0x4  }
0x167: {  	[tilespmem:$0x1FAA0] =	vst v62;
	v62 =	vld [tilespmem:s23+$0x6C60];
	_ =	sdelay $0x4  }
0x168: {  	[tilespmem:$0x1FAB0] =	vst v62;
	v62 =	vld [tilespmem:s23+$0x6C70];
	_ =	sdelay $0x4  }
0x169: {  	[tilespmem:$0x1FAC0] =	vst v62;
	v62 =	vld [tilespmem:s23+$0x7000];
	_ =	sdelay $0x4  }
0x16a: {  	[tilespmem:$0x1FAD0] =	vst v62;
	v62 =	vld [tilespmem:s23+$0x7010];
	_ =	sdelay $0x4  }
0x16b: {  	[tilespmem:$0x1FAE0] =	vst v62;
	v62 =	vld [tilespmem:s23+$0x7020];
	_ =	sdelay $0x4  }
0x16c: {  	[tilespmem:$0x1FAF0] =	vst v62;
	v62 =	vld [tilespmem:s23+$0x7030];
	_ =	sdelay $0x4  }
0x16d: {  	[tilespmem:$0x1FB00] =	vst v62;
	v62 =	vld [tilespmem:s23+$0x7040];
	_ =	sdelay $0x4  }
0x16e: {  	[tilespmem:$0x1FB10] =	vst v62;
	v62 =	vld [tilespmem:s23+$0x7050];
	_ =	sdelay $0x4  }
0x16f: {  	[tilespmem:$0x1FB20] =	vst v62;
	v62 =	vld [tilespmem:s23+$0x7060];
	_ =	sdelay $0x4  }
0x170: {  	[tilespmem:$0x1FB30] =	vst v62;
	v62 =	vld [tilespmem:s23+$0x7070];
	_ =	sdelay $0x4  }
0x171: {  	[tilespmem:$0x1FB40] =	vst v62;
	v62 =	vld [tilespmem:s23+$0x7400];
	_ =	sdelay $0x4  }
0x172: {  	[tilespmem:$0x1FB50] =	vst v62;
	v62 =	vld [tilespmem:s23+$0x7410];
	_ =	sdelay $0x4  }
0x173: {  	[tilespmem:$0x1FB60] =	vst v62;
	v62 =	vld [tilespmem:s23+$0x7420];
	_ =	sdelay $0x4  }
0x174: {  	[tilespmem:$0x1FB70] =	vst v62;
	v62 =	vld [tilespmem:s23+$0x7430];
	_ =	sdelay $0x4  }
0x175: {  	[tilespmem:$0x1FB80] =	vst v62;
	v62 =	vld [tilespmem:s23+$0x7440];
	_ =	sdelay $0x2  }
0x176: {  	v53 =	vld [tilespmem:s22+$0x7430]  }
0x177: {  	v54 =	vld [tilespmem:s22+$0x7440]  }
0x178: {  	[tilespmem:$0x1FB90] =	vst v62;
	v62 =	vld [tilespmem:s23+$0x7450]  }
0x179: {  	v55 =	vld [tilespmem:s22+$0x7450]  }
0x17a: {  	v56 =	vld [tilespmem:s22+$0x7460]  }
0x17b: {  	v57 =	vld [tilespmem:s23+$0x7470]  }
0x17c: {  	v58 =	vld [tilespmem:s23+$0x6000]  }
0x17d: {  	[tilespmem:$0x1FBA0] =	vst v62;
	v62 =	vld [tilespmem:s23+$0x7460]  }
0x17e: {  	v59 =	vld [tilespmem:s23+$0x6010]  }
0x17f: {  	v63 =	vld [tilespmem:s23+$0x6050]  }
0x180: {  	s21 =	simm.s32 $0x0;
	v60 =	vld [tilespmem:s23+$0x6020]  }
0x181: {  	v61 =	vld [tilespmem:s23+$0x6030];
	[tilespmem:s13], [sflag:$0x2] =	stream.linear.gather [hbm4b:s6+s21], $0x6000, $0x38  }
0x182: {  	[tilespmem:$0x1FBB0] =	vst v62  }
0x183: {  	_ =	swait.ge [sflag:s14], $0x6000  }
0x184: {  	v7 =	vadd.f32 v63, v7;
	v63 =	vld [tilespmem:$0x1F940];
	_ =	sdelay $0x4  }
0x185: {  	v9 =	vadd.f32 v63, v9;
	v63 =	vld [tilespmem:$0x1F9C0];
	_ =	sdelay $0x4  }
0x186: {  	v17 =	vadd.f32 v63, v17;
	_ =	sdelay $0x1  }
0x187: {  	[tilespmem:$0x1FBC0] =	vst v17;
	v17 =	vld [tilespmem:$0x1F9D0];
	_ =	sdelay $0x4  }
0x188: {  	v17 =	vadd.f32 v17, v18;
	_ =	sdelay $0x1  }
0x189: {  	[tilespmem:$0x1FBD0] =	vst v17;
	v17 =	vld [tilespmem:$0x1F9E0];
	_ =	sdelay $0x4  }
0x18a: {  	v17 =	vadd.f32 v17, v19;
	_ =	sdelay $0x1  }
0x18b: {  	[tilespmem:$0x1FBE0] =	vst v17;
	v17 =	vld [tilespmem:$0x1F9F0]  }
0x18c: {  	v5 =	vadd.f32 v61, v5;
	v61 =	vld [tilespmem:$0x1F920]  }
0x18d: {  	v62 =	vld [tilespmem:$0x1F930]  }
0x18e: {  	v0 =	vadd.f32 v56, v0;
	v56 =	vld [tilespmem:$0x1F950]  }
0x18f: {  	s30 =	simm.s32 $0x0;
	v1 =	vadd.f32 v57, v1;
	v57 =	vld [tilespmem:$0x1F960]  }
0x190: {  	s22 =	smul.u32 $0x6000, s30;
	v2 =	vadd.f32 v58, v2;
	v58 =	vld [tilespmem:$0x1F970];
	v17 =	vadd.f32 v17, v20  }
0x191: {  	v3 =	vadd.f32 v59, v3;
	v59 =	vld [tilespmem:$0x1F980]  }
0x192: {  	s22 =	sshra.s32 s22, $0x2;
	s31 =	sand.u32 $0x380, s21;
	[sflag:s14] =	ssyncset.done $0x0;
	[tilespmem:$0x1FBF0] =	vst v17;
	v17 =	vld [tilespmem:$0x1FA00]  }
0x193: {  	s22 =	sor.u32 s31, s22;
	v4 =	vadd.f32 v60, v4;
	v60 =	vld [tilespmem:$0x1F990];
	[sflag:s14] =	ssyncadd.s32 $0xFFFFA000  }
0x194: {  	v42 =	vadd.f32 v48, v42;
	v48 =	vld [tilespmem:s22+$0x1470]  }
0x195: {  	v44 =	vadd.f32 v49, v44;
	v49 =	vld [tilespmem:s22+$0x0]  }
0x196: {  	v43 =	vadd.f32 v50, v43;
	v50 =	vld [tilespmem:s22+$0x10]  }
0x197: {  	v45 =	vadd.f32 v51, v45;
	v51 =	vld [tilespmem:s22+$0x20];
	v17 =	vadd.f32 v17, v21  }
0x198: {  	v46 =	vadd.f32 v52, v46;
	v52 =	vld [tilespmem:s22+$0x30]  }
0x199: {  	[tilespmem:$0x1FC00] =	vst v17;
	v17 =	vld [tilespmem:$0x1FA10]  }
0x19a: {  	v47 =	vadd.f32 v53, v47;
	v53 =	vld [tilespmem:s22+$0x40]  }
0x19b: {  	v39 =	vadd.f32 v54, v39;
	v54 =	vld [tilespmem:s22+$0x50]  }
0x19c: {  	v40 =	vadd.f32 v55, v40;
	v55 =	vld [tilespmem:s22+$0x60]  }
0x19d: {  	v6 =	vadd.f32 v61, v6;
	v61 =	vld [tilespmem:$0x1F9A0]  }
0x19e: {  	v8 =	vadd.f32 v62, v8;
	v62 =	vld [tilespmem:$0x1F9B0];
	v17 =	vadd.f32 v17, v22  }
0x19f: {  	v10 =	vadd.f32 v56, v10;
	v56 =	vld [tilespmem:s22+$0x70]  }
0x1a0: {  	[tilespmem:$0x1FC10] =	vst v17;
	v17 =	vld [tilespmem:$0x1FA20]  }
0x1a1: {  	v11 =	vadd.f32 v57, v11;
	v57 =	vld [tilespmem:s22+$0x400]  }
0x1a2: {  	v12 =	vadd.f32 v58, v12;
	v58 =	vld [tilespmem:s22+$0x410]  }
0x1a3: {  	v13 =	vadd.f32 v59, v13;
	v59 =	vld [tilespmem:s22+$0x420]  }
0x1a4: {  	v14 =	vadd.f32 v60, v14;
	v60 =	vld [tilespmem:s22+$0x430]  }
0x1a5: {  	v1 =	vadd.f32 v48, v1;
	v48 =	vld [tilespmem:s22+$0x870];
	v17 =	vadd.f32 v17, v23  }
0x1a6: {  	v2 =	vadd.f32 v49, v2;
	v49 =	vld [tilespmem:s22+$0xC00]  }
0x1a7: {  	[tilespmem:$0x1FC20] =	vst v17;
	v17 =	vld [tilespmem:$0x1FA30]  }
0x1a8: {  	v3 =	vadd.f32 v50, v3;
	v50 =	vld [tilespmem:s22+$0xC10]  }
0x1a9: {  	v4 =	vadd.f32 v51, v4;
	v51 =	vld [tilespmem:s22+$0xC20]  }
0x1aa: {  	v5 =	vadd.f32 v52, v5;
	v52 =	vld [tilespmem:s22+$0xC30]  }
0x1ab: {  	v6 =	vadd.f32 v53, v6;
	v53 =	vld [tilespmem:s22+$0xC40]  }
0x1ac: {  	v18 =	vld [tilespmem:$0x1FAD0];
	v17 =	vadd.f32 v17, v24  }
0x1ad: {  	v15 =	vadd.f32 v61, v15;
	v61 =	vld [tilespmem:s22+$0x440]  }
0x1ae: {  	[tilespmem:$0x1FC30] =	vst v17;
	v17 =	vld [tilespmem:$0x1FA40]  }
0x1af: {  	v16 =	vadd.f32 v62, v16;
	v62 =	vld [tilespmem:s22+$0x450]  }
0x1b0: {  	v63 =	vld [tilespmem:s22+$0x460]  }
0x1b1: {  	v34 =	vadd.f32 v18, v34;
	v18 =	vld [tilespmem:$0x1FAE0]  }
0x1b2: {  	v19 =	vld [tilespmem:$0x1FAF0]  }
0x1b3: {  	v25 =	vadd.f32 v17, v25;
	v17 =	vld [tilespmem:$0x1FA50]  }
0x1b4: {  	v9 =	vadd.f32 v56, v9;
	v56 =	vld [tilespmem:$0x1FBC0]  }
0x1b5: {  	v10 =	vadd.f32 v57, v10;
	v57 =	vld [tilespmem:$0x1FBD0]  }
0x1b6: {  	v35 =	vadd.f32 v18, v35;
	v18 =	vld [tilespmem:s22+$0x800]  }
0x1b7: {  	v36 =	vadd.f32 v19, v36;
	v19 =	vld [tilespmem:$0x1FB00]  }
0x1b8: {  	v26 =	vadd.f32 v17, v26;
	v17 =	vld [tilespmem:$0x1FA60]  }
0x1b9: {  	v20 =	vld [tilespmem:$0x1FB10]  }
0x1ba: {  	v11 =	vadd.f32 v58, v11;
	v58 =	vld [tilespmem:$0x1FBE0]  }
0x1bb: {  	v18 =	vadd.f32 v18, v57;
	v57 =	vld [tilespmem:s22+$0x1000]  }
0x1bc: {  	v37 =	vadd.f32 v19, v37;
	v19 =	vld [tilespmem:s22+$0x810]  }
0x1bd: {  	v27 =	vadd.f32 v17, v27;
	v17 =	vld [tilespmem:$0x1FA70]  }
0x1be: {  	v38 =	vadd.f32 v20, v38;
	v20 =	vld [tilespmem:$0x1FB20]  }
0x1bf: {  	v12 =	vadd.f32 v59, v12;
	v59 =	vld [tilespmem:$0x1FBF0]  }
0x1c0: {  	v21 =	vld [tilespmem:$0x1FB30]  }
0x1c1: {  	v19 =	vadd.f32 v19, v58;
	v58 =	vld [tilespmem:s22+$0x1010]  }
0x1c2: {  	v28 =	vadd.f32 v17, v28;
	v17 =	vld [tilespmem:$0x1FA80]  }
0x1c3: {  	v20 =	vadd.f32 v20, v41;
	v41 =	vld [tilespmem:$0x1FBB0]  }
0x1c4: {  	v13 =	vadd.f32 v60, v13;
	v60 =	vld [tilespmem:$0x1FC00]  }
0x1c5: {  	v42 =	vadd.f32 v21, v42;
	v21 =	vld [tilespmem:$0x1FB40]  }
0x1c6: {  	[tilespmem:$0x1FC40] =	vst v20;
	v20 =	vld [tilespmem:s22+$0x820]  }
0x1c7: {  	v29 =	vadd.f32 v17, v29;
	v17 =	vld [tilespmem:$0x1FA90]  }
0x1c8: {  	v22 =	vld [tilespmem:$0x1FB50]  }
0x1c9: {  	v0 =	vadd.f32 v41, v0;
	v41 =	vld [tilespmem:s22+$0x1040]  }
0x1ca: {  	v43 =	vadd.f32 v21, v43;
	v21 =	vld [tilespmem:s22+$0x830]  }
0x1cb: {  	v23 =	vld [tilespmem:$0x1FB70]  }
0x1cc: {  	v30 =	vadd.f32 v17, v30;
	v17 =	vld [tilespmem:$0x1FAA0]  }
0x1cd: {  	v14 =	vadd.f32 v61, v14;
	v61 =	vld [tilespmem:$0x1FC10]  }
0x1ce: {  	v24 =	vld [tilespmem:$0x1FB90]  }
0x1cf: {  	v20 =	vadd.f32 v20, v59;
	v59 =	vld [tilespmem:s22+$0x1020]  }
0x1d0: {  	v46 =	vadd.f32 v23, v46;
	v23 =	vld [tilespmem:$0x1FB80]  }
0x1d1: {  	v31 =	vadd.f32 v17, v31;
	v17 =	vld [tilespmem:$0x1FAB0]  }
0x1d2: {  	v44 =	vadd.f32 v22, v44;
	v22 =	vld [tilespmem:$0x1FB60]  }
0x1d3: {  	v39 =	vadd.f32 v24, v39;
	v24 =	vld [tilespmem:$0x1FBA0]  }
0x1d4: {  	v15 =	vadd.f32 v62, v15;
	v62 =	vld [tilespmem:$0x1FC20]  }
0x1d5: {  	v47 =	vadd.f32 v23, v47;
	v23 =	vld [tilespmem:s22+$0x850]  }
0x1d6: {  	v32 =	vadd.f32 v17, v32;
	v17 =	vld [tilespmem:$0x1FAC0]  }
0x1d7: {  	v16 =	vadd.f32 v63, v16;
	v63 =	vld [tilespmem:$0x1FC30]  }
0x1d8: {  	v40 =	vadd.f32 v24, v40;
	v24 =	vld [tilespmem:s22+$0x860]  }
0x1d9: {  	v21 =	vadd.f32 v21, v60;
	v60 =	vld [tilespmem:s22+$0x1030]  }
0x1da: {  	v45 =	vadd.f32 v22, v45;
	v22 =	vld [tilespmem:s22+$0x840]  }
0x1db: {  	v7 =	vadd.f32 v54, v7;
	v33 =	vadd.f32 v17, v33;
	v17 =	vld [tilespmem:s22+$0x470]  }
0x1dc: {  	v8 =	vadd.f32 v55, v8;
	v23 =	vadd.f32 v23, v62;
	v62 =	vld [tilespmem:s22+$0x1050]  }
0x1dd: {  	v34 =	vadd.f32 v57, v34;
	v24 =	vadd.f32 v24, v63;
	v63 =	vld [tilespmem:$0x1FC40]  }
0x1de: {  	v54 =	vld [tilespmem:s22+$0xC50];
	v35 =	vadd.f32 v58, v35;
	v38 =	vadd.f32 v41, v38  }
0x1df: {  	v55 =	vld [tilespmem:s22+$0xC60];
	v36 =	vadd.f32 v59, v36;
	v37 =	vadd.f32 v60, v37  }
0x1e0: {  	v22 =	vadd.f32 v22, v61;
	v17 =	vadd.f32 v17, v56;
	v56 =	vld [tilespmem:s22+$0xC70]  }
0x1e1: {  	v25 =	vadd.f32 v48, v25;
	v48 =	vld [tilespmem:s22+$0x1060];
	v26 =	vadd.f32 v49, v26  }
0x1e2: {  	v27 =	vadd.f32 v50, v27;
	v50 =	vld [tilespmem:s22+$0x1070];
	v41 =	vadd.f32 v62, v63  }
0x1e3: {  	v49 =	vld [tilespmem:s22+$0x1400];
	v28 =	vadd.f32 v51, v28;
	v29 =	vadd.f32 v52, v29  }
0x1e4: {  	v51 =	vld [tilespmem:s22+$0x1410];
	v30 =	vadd.f32 v53, v30;
	v31 =	vadd.f32 v54, v31  }
0x1e5: {  	s24 =	simm.s32 $0x0;
	s23 =	simm.s32 $0x2;
	v52 =	vld [tilespmem:s22+$0x1420];
	v32 =	vadd.f32 v55, v32;
	v33 =	vadd.f32 v56, v33  }
.LBB2_6:
0x1e6: {  	p0 =	sne.s32 s23, $0x1F;
	s24 =	smul.u32 $0x6000, s24;
	v42 =	vadd.f32 v48, v42;
	v48 =	vld [tilespmem:s22+$0x1430]  }
0x1e7: {  	s21 =	sadd.s32 $0x80, s21;
	v43 =	vadd.f32 v50, v43;
	v50 =	vld [tilespmem:s22+$0x1440]  }
0x1e8: {  	s25 =	sand.u32 $0x380, s21;
	s24 =	sshra.s32 s24, $0x2;
	v44 =	vadd.f32 v49, v44;
	v49 =	vld [tilespmem:s22+$0x1450]  }
0x1e9: {  	v45 =	vadd.f32 v51, v45;
	v51 =	vld [tilespmem:s22+$0x1460];
	s22 =	sor.u32 s25, s24  }
0x1ea: {  	v53 =	vld [tilespmem:s22+$0x1470];
	v46 =	vadd.f32 v52, v46  }
0x1eb: {  	v52 =	vld [tilespmem:s22+$0x0];
	v47 =	vadd.f32 v48, v47  }
0x1ec: {  	v48 =	vld [tilespmem:s22+$0x10];
	v39 =	vadd.f32 v50, v39  }
0x1ed: {  	v50 =	vld [tilespmem:s22+$0x20];
	v40 =	vadd.f32 v49, v40  }
0x1ee: {  	v49 =	vld [tilespmem:s22+$0x30];
	v0 =	vadd.f32 v51, v0  }
0x1ef: {  	v51 =	vld [tilespmem:s22+$0x40];
	v1 =	vadd.f32 v53, v1  }
0x1f0: {  	v2 =	vadd.f32 v52, v2;
	v52 =	vld [tilespmem:s22+$0x50]  }
0x1f1: {  	v3 =	vadd.f32 v48, v3;
	v48 =	vld [tilespmem:s22+$0x60]  }
0x1f2: {  	v4 =	vadd.f32 v50, v4;
	v50 =	vld [tilespmem:s22+$0x70]  }
0x1f3: {  	v5 =	vadd.f32 v49, v5;
	v49 =	vld [tilespmem:s22+$0x400]  }
0x1f4: {  	v6 =	vadd.f32 v51, v6;
	v51 =	vld [tilespmem:s22+$0x410]  }
0x1f5: {  	v7 =	vadd.f32 v52, v7;
	v52 =	vld [tilespmem:s22+$0x420]  }
0x1f6: {  	v8 =	vadd.f32 v48, v8;
	v48 =	vld [tilespmem:s22+$0x430]  }
0x1f7: {  	v9 =	vadd.f32 v50, v9;
	v50 =	vld [tilespmem:s22+$0x440]  }
0x1f8: {  	v10 =	vadd.f32 v49, v10;
	v49 =	vld [tilespmem:s22+$0x450]  }
0x1f9: {  	v11 =	vadd.f32 v51, v11;
	v51 =	vld [tilespmem:s22+$0x460]  }
0x1fa: {  	v12 =	vadd.f32 v52, v12;
	v52 =	vld [tilespmem:s22+$0x470]  }
0x1fb: {  	v13 =	vadd.f32 v48, v13;
	v48 =	vld [tilespmem:s22+$0x800]  }
0x1fc: {  	v14 =	vadd.f32 v50, v14;
	v50 =	vld [tilespmem:s22+$0x810]  }
0x1fd: {  	v15 =	vadd.f32 v49, v15;
	v49 =	vld [tilespmem:s22+$0x820]  }
0x1fe: {  	v16 =	vadd.f32 v51, v16;
	v51 =	vld [tilespmem:s22+$0x830]  }
0x1ff: {  	v17 =	vadd.f32 v52, v17;
	v52 =	vld [tilespmem:s22+$0x840]  }
0x200: {  	v18 =	vadd.f32 v48, v18;
	v48 =	vld [tilespmem:s22+$0x850]  }
0x201: {  	v19 =	vadd.f32 v50, v19;
	v50 =	vld [tilespmem:s22+$0x860]  }
0x202: {  	v20 =	vadd.f32 v49, v20;
	v49 =	vld [tilespmem:s22+$0x870]  }
0x203: {  	v21 =	vadd.f32 v51, v21;
	v51 =	vld [tilespmem:s22+$0xC00]  }
0x204: {  	v22 =	vadd.f32 v52, v22;
	v52 =	vld [tilespmem:s22+$0xC10]  }
0x205: {  	v23 =	vadd.f32 v48, v23;
	v48 =	vld [tilespmem:s22+$0xC20]  }
0x206: {  	v24 =	vadd.f32 v50, v24;
	v50 =	vld [tilespmem:s22+$0xC30]  }
0x207: {  	v25 =	vadd.f32 v49, v25;
	v49 =	vld [tilespmem:s22+$0xC40]  }
0x208: {  	v26 =	vadd.f32 v51, v26;
	v51 =	vld [tilespmem:s22+$0xC50]  }
0x209: {  	v27 =	vadd.f32 v52, v27;
	v52 =	vld [tilespmem:s22+$0xC60]  }
0x20a: {  	v28 =	vadd.f32 v48, v28;
	v48 =	vld [tilespmem:s22+$0xC70]  }
0x20b: {  	v29 =	vadd.f32 v50, v29;
	v50 =	vld [tilespmem:s22+$0x1000]  }
0x20c: {  	v30 =	vadd.f32 v49, v30;
	v49 =	vld [tilespmem:s22+$0x1010]  }
0x20d: {  	v31 =	vadd.f32 v51, v31;
	v51 =	vld [tilespmem:s22+$0x1020]  }
0x20e: {  	v32 =	vadd.f32 v52, v32;
	v52 =	vld [tilespmem:s22+$0x1030]  }
0x20f: {  	v33 =	vadd.f32 v48, v33;
	v53 =	vld [tilespmem:s22+$0x1040]  }
0x210: {  	v34 =	vadd.f32 v50, v34;
	v54 =	vld [tilespmem:s22+$0x1050]  }
.Ltmp2:
0x211: {  	v35 =	vadd.f32 v49, v35;
	v48 =	vld [tilespmem:s22+$0x1060];
	(pc) =	sbr.rel @p0 .LBB2_6-.Ltmp2, $4  }
0x212: {  	v36 =	vadd.f32 v51, v36;
	v50 =	vld [tilespmem:s22+$0x1070]  }
0x213: {  	v37 =	vadd.f32 v52, v37;
	v49 =	vld [tilespmem:s22+$0x1400]  }
0x214: {  	v38 =	vadd.f32 v53, v38;
	v51 =	vld [tilespmem:s22+$0x1410]  }
0x215: {  	s24 =	sshrl.u32 s23, $0x3;
	s23 =	sadd.s32 $0x1, s23;
	v41 =	vadd.f32 v54, v41;
	v52 =	vld [tilespmem:s22+$0x1420]  }
0x216: {  	s23 =	smul.u32 $0x6000, s24  }
0x217: {  	s21 =	sadd.s32 $0x80, s21  }
0x218: {  	s21 =	sand.u32 $0x380, s21;
	s23 =	sshra.s32 s23, $0x2  }
0x219: {  	s23 =	sor.u32 s21, s23  }
0x21a: {  	v62 =	vld [tilespmem:s23+$0x40];
	_ =	sdelay $0x4  }
0x21b: {  	[tilespmem:$0x1F5F0] =	vst v62;
	v62 =	vld [tilespmem:s23+$0x60];
	_ =	sdelay $0x4  }
0x21c: {  	[tilespmem:$0x1F600] =	vst v62;
	v62 =	vld [tilespmem:s23+$0x70];
	_ =	sdelay $0x4  }
0x21d: {  	[tilespmem:$0x1F610] =	vst v62;
	v62 =	vld [tilespmem:s23+$0x400];
	_ =	sdelay $0x4  }
0x21e: {  	[tilespmem:$0x1F620] =	vst v62;
	v62 =	vld [tilespmem:s23+$0x410];
	_ =	sdelay $0x4  }
0x21f: {  	[tilespmem:$0x1F630] =	vst v62;
	v62 =	vld [tilespmem:s23+$0x420];
	_ =	sdelay $0x4  }
0x220: {  	[tilespmem:$0x1F640] =	vst v62;
	v62 =	vld [tilespmem:s23+$0x430];
	_ =	sdelay $0x4  }
0x221: {  	[tilespmem:$0x1F650] =	vst v62;
	v62 =	vld [tilespmem:s23+$0x440];
	_ =	sdelay $0x4  }
0x222: {  	[tilespmem:$0x1F660] =	vst v62;
	v62 =	vld [tilespmem:s23+$0x450];
	_ =	sdelay $0x4  }
0x223: {  	[tilespmem:$0x1F670] =	vst v62;
	v62 =	vld [tilespmem:s23+$0x460];
	_ =	sdelay $0x4  }
0x224: {  	[tilespmem:$0x1F680] =	vst v62;
	v62 =	vld [tilespmem:s23+$0x470];
	_ =	sdelay $0x4  }
0x225: {  	[tilespmem:$0x1F690] =	vst v62;
	v62 =	vld [tilespmem:s23+$0x800];
	_ =	sdelay $0x4  }
0x226: {  	[tilespmem:$0x1F6A0] =	vst v62;
	v62 =	vld [tilespmem:s23+$0x810];
	_ =	sdelay $0x4  }
0x227: {  	[tilespmem:$0x1F6B0] =	vst v62;
	v62 =	vld [tilespmem:s23+$0x820];
	_ =	sdelay $0x4  }
0x228: {  	[tilespmem:$0x1F6C0] =	vst v62;
	v62 =	vld [tilespmem:s23+$0x830];
	_ =	sdelay $0x4  }
0x229: {  	[tilespmem:$0x1F6D0] =	vst v62;
	v62 =	vld [tilespmem:s23+$0x840];
	_ =	sdelay $0x4  }
0x22a: {  	[tilespmem:$0x1F6E0] =	vst v62;
	v62 =	vld [tilespmem:s23+$0x850];
	_ =	sdelay $0x4  }
0x22b: {  	[tilespmem:$0x1F6F0] =	vst v62;
	v62 =	vld [tilespmem:s23+$0x860];
	_ =	sdelay $0x4  }
0x22c: {  	[tilespmem:$0x1F700] =	vst v62;
	v62 =	vld [tilespmem:s23+$0x870];
	_ =	sdelay $0x4  }
0x22d: {  	[tilespmem:$0x1F710] =	vst v62;
	v62 =	vld [tilespmem:s23+$0xC00];
	_ =	sdelay $0x4  }
0x22e: {  	[tilespmem:$0x1F720] =	vst v62;
	v62 =	vld [tilespmem:s23+$0xC10];
	_ =	sdelay $0x4  }
0x22f: {  	[tilespmem:$0x1F730] =	vst v62;
	v62 =	vld [tilespmem:s23+$0xC20];
	_ =	sdelay $0x4  }
0x230: {  	[tilespmem:$0x1F740] =	vst v62;
	v62 =	vld [tilespmem:s23+$0xC30];
	_ =	sdelay $0x4  }
0x231: {  	[tilespmem:$0x1F750] =	vst v62;
	v62 =	vld [tilespmem:s23+$0xC40];
	_ =	sdelay $0x4  }
0x232: {  	[tilespmem:$0x1F760] =	vst v62;
	v62 =	vld [tilespmem:s23+$0xC50];
	_ =	sdelay $0x4  }
0x233: {  	[tilespmem:$0x1F770] =	vst v62;
	v62 =	vld [tilespmem:s23+$0xC60];
	_ =	sdelay $0x4  }
0x234: {  	[tilespmem:$0x1F780] =	vst v62;
	v62 =	vld [tilespmem:s23+$0xC70];
	_ =	sdelay $0x4  }
0x235: {  	[tilespmem:$0x1F790] =	vst v62;
	v62 =	vld [tilespmem:s23+$0x1000];
	_ =	sdelay $0x4  }
0x236: {  	[tilespmem:$0x1F7A0] =	vst v62;
	v62 =	vld [tilespmem:s23+$0x1010];
	_ =	sdelay $0x4  }
0x237: {  	[tilespmem:$0x1F7B0] =	vst v62;
	v62 =	vld [tilespmem:s23+$0x1020];
	_ =	sdelay $0x4  }
0x238: {  	[tilespmem:$0x1F7C0] =	vst v62;
	v62 =	vld [tilespmem:s23+$0x1030];
	_ =	sdelay $0x4  }
0x239: {  	[tilespmem:$0x1F7D0] =	vst v62;
	v62 =	vld [tilespmem:s23+$0x1040];
	_ =	sdelay $0x4  }
0x23a: {  	[tilespmem:$0x1F7E0] =	vst v62;
	v62 =	vld [tilespmem:s23+$0x1050];
	_ =	sdelay $0x4  }
0x23b: {  	[tilespmem:$0x1F7F0] =	vst v62;
	v62 =	vld [tilespmem:s23+$0x1060];
	_ =	sdelay $0x4  }
0x23c: {  	[tilespmem:$0x1F800] =	vst v62;
	v62 =	vld [tilespmem:s23+$0x1070];
	_ =	sdelay $0x4  }
0x23d: {  	[tilespmem:$0x1F810] =	vst v62;
	v62 =	vld [tilespmem:s23+$0x1400];
	_ =	sdelay $0x4  }
0x23e: {  	[tilespmem:$0x1F820] =	vst v62;
	v62 =	vld [tilespmem:s23+$0x1410];
	_ =	sdelay $0x4  }
0x23f: {  	[tilespmem:$0x1F830] =	vst v62;
	v62 =	vld [tilespmem:s23+$0x1420];
	_ =	sdelay $0x4  }
0x240: {  	[tilespmem:$0x1F840] =	vst v62;
	v62 =	vld [tilespmem:s23+$0x1430];
	_ =	sdelay $0x4  }
0x241: {  	[tilespmem:$0x1F850] =	vst v62;
	v62 =	vld [tilespmem:s23+$0x1440];
	_ =	sdelay $0x2  }
0x242: {  	v53 =	vld [tilespmem:s22+$0x1430]  }
0x243: {  	v54 =	vld [tilespmem:s22+$0x1440]  }
0x244: {  	[tilespmem:$0x1F860] =	vst v62;
	v62 =	vld [tilespmem:s23+$0x1450]  }
0x245: {  	v55 =	vld [tilespmem:s22+$0x1450]  }
0x246: {  	v56 =	vld [tilespmem:s22+$0x1460]  }
0x247: {  	v57 =	vld [tilespmem:s23+$0x1470]  }
0x248: {  	v58 =	vld [tilespmem:s23+$0x0]  }
0x249: {  	[tilespmem:$0x1F870] =	vst v62;
	v62 =	vld [tilespmem:s23+$0x1460]  }
0x24a: {  	v59 =	vld [tilespmem:s23+$0x10]  }
0x24b: {  	v63 =	vld [tilespmem:s23+$0x50]  }
0x24c: {  	s21 =	simm.s32 $0x0;
	v60 =	vld [tilespmem:s23+$0x20]  }
0x24d: {  	v61 =	vld [tilespmem:s23+$0x30];
	[tilespmem:s21], [sflag:$0x1] =	stream.linear.gather [hbm4b:s7+s21], $0x6000, $0x38  }
0x24e: {  	[tilespmem:$0x1F880] =	vst v62  }
0x24f: {  	_ =	swait.ge [sflag:s15], $0x6000  }
0x250: {  	v7 =	vadd.f32 v63, v7;
	v63 =	vld [tilespmem:$0x1F610];
	_ =	sdelay $0x4  }
0x251: {  	v9 =	vadd.f32 v63, v9;
	v63 =	vld [tilespmem:$0x1F690];
	_ =	sdelay $0x4  }
0x252: {  	v17 =	vadd.f32 v63, v17;
	_ =	sdelay $0x1  }
0x253: {  	[tilespmem:$0x1F890] =	vst v17;
	v17 =	vld [tilespmem:$0x1F6A0];
	_ =	sdelay $0x4  }
0x254: {  	v17 =	vadd.f32 v17, v18;
	_ =	sdelay $0x1  }
0x255: {  	[tilespmem:$0x1F8A0] =	vst v17;
	v17 =	vld [tilespmem:$0x1F6B0];
	_ =	sdelay $0x4  }
0x256: {  	v17 =	vadd.f32 v17, v19;
	_ =	sdelay $0x1  }
0x257: {  	[tilespmem:$0x1F8B0] =	vst v17;
	v17 =	vld [tilespmem:$0x1F6C0]  }
0x258: {  	v5 =	vadd.f32 v61, v5;
	v61 =	vld [tilespmem:$0x1F5F0]  }
0x259: {  	v62 =	vld [tilespmem:$0x1F600]  }
0x25a: {  	v0 =	vadd.f32 v56, v0;
	v56 =	vld [tilespmem:$0x1F620]  }
0x25b: {  	s30 =	simm.s32 $0x0;
	v1 =	vadd.f32 v57, v1;
	v57 =	vld [tilespmem:$0x1F630]  }
0x25c: {  	s22 =	smul.u32 $0x6000, s30;
	v2 =	vadd.f32 v58, v2;
	v58 =	vld [tilespmem:$0x1F640];
	v17 =	vadd.f32 v17, v20  }
0x25d: {  	v3 =	vadd.f32 v59, v3;
	v59 =	vld [tilespmem:$0x1F650]  }
0x25e: {  	s22 =	sshra.s32 s22, $0x2;
	s31 =	sand.u32 $0x380, s21;
	[sflag:s15] =	ssyncset.done $0x0;
	[tilespmem:$0x1F8C0] =	vst v17;
	v17 =	vld [tilespmem:$0x1F6D0]  }
0x25f: {  	s22 =	sor.u32 s31, s22;
	v4 =	vadd.f32 v60, v4;
	v60 =	vld [tilespmem:$0x1F660];
	[sflag:s15] =	ssyncadd.s32 $0xFFFFA000  }
0x260: {  	v42 =	vadd.f32 v48, v42;
	v48 =	vld [tilespmem:s22+$0x7470]  }
0x261: {  	v44 =	vadd.f32 v49, v44;
	v49 =	vld [tilespmem:s22+$0x6000]  }
0x262: {  	v43 =	vadd.f32 v50, v43;
	v50 =	vld [tilespmem:s22+$0x6010]  }
0x263: {  	v45 =	vadd.f32 v51, v45;
	v51 =	vld [tilespmem:s22+$0x6020];
	v17 =	vadd.f32 v17, v21  }
0x264: {  	v46 =	vadd.f32 v52, v46;
	v52 =	vld [tilespmem:s22+$0x6030]  }
0x265: {  	[tilespmem:$0x1F8D0] =	vst v17;
	v17 =	vld [tilespmem:$0x1F6E0]  }
0x266: {  	v47 =	vadd.f32 v53, v47;
	v53 =	vld [tilespmem:s22+$0x6040]  }
0x267: {  	v39 =	vadd.f32 v54, v39;
	v54 =	vld [tilespmem:s22+$0x6050]  }
0x268: {  	v40 =	vadd.f32 v55, v40;
	v55 =	vld [tilespmem:s22+$0x6060]  }
0x269: {  	v6 =	vadd.f32 v61, v6;
	v61 =	vld [tilespmem:$0x1F670]  }
0x26a: {  	v8 =	vadd.f32 v62, v8;
	v62 =	vld [tilespmem:$0x1F680];
	v17 =	vadd.f32 v17, v22  }
0x26b: {  	v10 =	vadd.f32 v56, v10;
	v56 =	vld [tilespmem:s22+$0x6070]  }
0x26c: {  	[tilespmem:$0x1F8E0] =	vst v17;
	v17 =	vld [tilespmem:$0x1F6F0]  }
0x26d: {  	v11 =	vadd.f32 v57, v11;
	v57 =	vld [tilespmem:s22+$0x6400]  }
0x26e: {  	v12 =	vadd.f32 v58, v12;
	v58 =	vld [tilespmem:s22+$0x6410]  }
0x26f: {  	v13 =	vadd.f32 v59, v13;
	v59 =	vld [tilespmem:s22+$0x6420]  }
0x270: {  	v14 =	vadd.f32 v60, v14;
	v60 =	vld [tilespmem:s22+$0x6430]  }
0x271: {  	v1 =	vadd.f32 v48, v1;
	v48 =	vld [tilespmem:s22+$0x6870];
	v17 =	vadd.f32 v17, v23  }
0x272: {  	v2 =	vadd.f32 v49, v2;
	v49 =	vld [tilespmem:s22+$0x6C00]  }
0x273: {  	[tilespmem:$0x1F8F0] =	vst v17;
	v17 =	vld [tilespmem:$0x1F700]  }
0x274: {  	v3 =	vadd.f32 v50, v3;
	v50 =	vld [tilespmem:s22+$0x6C10]  }
0x275: {  	v4 =	vadd.f32 v51, v4;
	v51 =	vld [tilespmem:s22+$0x6C20]  }
0x276: {  	v5 =	vadd.f32 v52, v5;
	v52 =	vld [tilespmem:s22+$0x6C30]  }
0x277: {  	v6 =	vadd.f32 v53, v6;
	v53 =	vld [tilespmem:s22+$0x6C40]  }
0x278: {  	v18 =	vld [tilespmem:$0x1F7A0];
	v17 =	vadd.f32 v17, v24  }
0x279: {  	v15 =	vadd.f32 v61, v15;
	v61 =	vld [tilespmem:s22+$0x6440]  }
0x27a: {  	[tilespmem:$0x1F900] =	vst v17;
	v17 =	vld [tilespmem:$0x1F710]  }
0x27b: {  	v16 =	vadd.f32 v62, v16;
	v62 =	vld [tilespmem:s22+$0x6450]  }
0x27c: {  	v63 =	vld [tilespmem:s22+$0x6460]  }
0x27d: {  	v34 =	vadd.f32 v18, v34;
	v18 =	vld [tilespmem:$0x1F7B0]  }
0x27e: {  	v19 =	vld [tilespmem:$0x1F7C0]  }
0x27f: {  	v25 =	vadd.f32 v17, v25;
	v17 =	vld [tilespmem:$0x1F720]  }
0x280: {  	v9 =	vadd.f32 v56, v9;
	v56 =	vld [tilespmem:$0x1F890]  }
0x281: {  	v10 =	vadd.f32 v57, v10;
	v57 =	vld [tilespmem:$0x1F8A0]  }
0x282: {  	v35 =	vadd.f32 v18, v35;
	v18 =	vld [tilespmem:s22+$0x6800]  }
0x283: {  	v36 =	vadd.f32 v19, v36;
	v19 =	vld [tilespmem:$0x1F7D0]  }
0x284: {  	v26 =	vadd.f32 v17, v26;
	v17 =	vld [tilespmem:$0x1F730]  }
0x285: {  	v20 =	vld [tilespmem:$0x1F7E0]  }
0x286: {  	v11 =	vadd.f32 v58, v11;
	v58 =	vld [tilespmem:$0x1F8B0]  }
0x287: {  	v18 =	vadd.f32 v18, v57;
	v57 =	vld [tilespmem:s22+$0x7000]  }
0x288: {  	v37 =	vadd.f32 v19, v37;
	v19 =	vld [tilespmem:s22+$0x6810]  }
0x289: {  	v27 =	vadd.f32 v17, v27;
	v17 =	vld [tilespmem:$0x1F740]  }
0x28a: {  	v38 =	vadd.f32 v20, v38;
	v20 =	vld [tilespmem:$0x1F7F0]  }
0x28b: {  	v12 =	vadd.f32 v59, v12;
	v59 =	vld [tilespmem:$0x1F8C0]  }
0x28c: {  	v21 =	vld [tilespmem:$0x1F800]  }
0x28d: {  	v19 =	vadd.f32 v19, v58;
	v58 =	vld [tilespmem:s22+$0x7010]  }
0x28e: {  	v28 =	vadd.f32 v17, v28;
	v17 =	vld [tilespmem:$0x1F750]  }
0x28f: {  	v20 =	vadd.f32 v20, v41;
	v41 =	vld [tilespmem:$0x1F880]  }
0x290: {  	v13 =	vadd.f32 v60, v13;
	v60 =	vld [tilespmem:$0x1F8D0]  }
0x291: {  	v42 =	vadd.f32 v21, v42;
	v21 =	vld [tilespmem:$0x1F810]  }
0x292: {  	[tilespmem:$0x1F910] =	vst v20;
	v20 =	vld [tilespmem:s22+$0x6820]  }
0x293: {  	v29 =	vadd.f32 v17, v29;
	v17 =	vld [tilespmem:$0x1F760]  }
0x294: {  	v22 =	vld [tilespmem:$0x1F820]  }
0x295: {  	v0 =	vadd.f32 v41, v0;
	v41 =	vld [tilespmem:s22+$0x7040]  }
0x296: {  	v43 =	vadd.f32 v21, v43;
	v21 =	vld [tilespmem:s22+$0x6830]  }
0x297: {  	v23 =	vld [tilespmem:$0x1F840]  }
0x298: {  	v30 =	vadd.f32 v17, v30;
	v17 =	vld [tilespmem:$0x1F770]  }
0x299: {  	v14 =	vadd.f32 v61, v14;
	v61 =	vld [tilespmem:$0x1F8E0]  }
0x29a: {  	v24 =	vld [tilespmem:$0x1F860]  }
0x29b: {  	v20 =	vadd.f32 v20, v59;
	v59 =	vld [tilespmem:s22+$0x7020]  }
0x29c: {  	v46 =	vadd.f32 v23, v46;
	v23 =	vld [tilespmem:$0x1F850]  }
0x29d: {  	v31 =	vadd.f32 v17, v31;
	v17 =	vld [tilespmem:$0x1F780]  }
0x29e: {  	v44 =	vadd.f32 v22, v44;
	v22 =	vld [tilespmem:$0x1F830]  }
0x29f: {  	v39 =	vadd.f32 v24, v39;
	v24 =	vld [tilespmem:$0x1F870]  }
0x2a0: {  	v15 =	vadd.f32 v62, v15;
	v62 =	vld [tilespmem:$0x1F8F0]  }
0x2a1: {  	v47 =	vadd.f32 v23, v47;
	v23 =	vld [tilespmem:s22+$0x6850]  }
0x2a2: {  	v32 =	vadd.f32 v17, v32;
	v17 =	vld [tilespmem:$0x1F790]  }
0x2a3: {  	v16 =	vadd.f32 v63, v16;
	v63 =	vld [tilespmem:$0x1F900]  }
0x2a4: {  	v40 =	vadd.f32 v24, v40;
	v24 =	vld [tilespmem:s22+$0x6860]  }
0x2a5: {  	v21 =	vadd.f32 v21, v60;
	v60 =	vld [tilespmem:s22+$0x7030]  }
0x2a6: {  	v45 =	vadd.f32 v22, v45;
	v22 =	vld [tilespmem:s22+$0x6840]  }
0x2a7: {  	v7 =	vadd.f32 v54, v7;
	v33 =	vadd.f32 v17, v33;
	v17 =	vld [tilespmem:s22+$0x6470]  }
0x2a8: {  	v8 =	vadd.f32 v55, v8;
	v23 =	vadd.f32 v23, v62;
	v62 =	vld [tilespmem:s22+$0x7050]  }
0x2a9: {  	v34 =	vadd.f32 v57, v34;
	v24 =	vadd.f32 v24, v63;
	v63 =	vld [tilespmem:$0x1F910]  }
0x2aa: {  	v54 =	vld [tilespmem:s22+$0x6C50];
	v35 =	vadd.f32 v58, v35;
	v38 =	vadd.f32 v41, v38  }
0x2ab: {  	v55 =	vld [tilespmem:s22+$0x6C60];
	v36 =	vadd.f32 v59, v36;
	v37 =	vadd.f32 v60, v37  }
0x2ac: {  	v22 =	vadd.f32 v22, v61;
	v17 =	vadd.f32 v17, v56;
	v56 =	vld [tilespmem:s22+$0x6C70]  }
0x2ad: {  	v25 =	vadd.f32 v48, v25;
	v48 =	vld [tilespmem:s22+$0x7060];
	v26 =	vadd.f32 v49, v26  }
0x2ae: {  	v27 =	vadd.f32 v50, v27;
	v50 =	vld [tilespmem:s22+$0x7070];
	v41 =	vadd.f32 v62, v63  }
0x2af: {  	v49 =	vld [tilespmem:s22+$0x7400];
	v28 =	vadd.f32 v51, v28;
	v29 =	vadd.f32 v52, v29  }
0x2b0: {  	v51 =	vld [tilespmem:s22+$0x7410];
	v30 =	vadd.f32 v53, v30;
	v31 =	vadd.f32 v54, v31  }
0x2b1: {  	s24 =	simm.s32 $0x0;
	s23 =	simm.s32 $0x2;
	v52 =	vld [tilespmem:s22+$0x7420];
	v32 =	vadd.f32 v55, v32;
	v33 =	vadd.f32 v56, v33  }
.LBB2_8:
0x2b2: {  	p0 =	sne.s32 s23, $0x1F;
	s24 =	smul.u32 $0x6000, s24;
	v42 =	vadd.f32 v48, v42;
	v48 =	vld [tilespmem:s22+$0x7430]  }
0x2b3: {  	s21 =	sadd.s32 $0x80, s21;
	v43 =	vadd.f32 v50, v43;
	v50 =	vld [tilespmem:s22+$0x7440]  }
0x2b4: {  	s25 =	sand.u32 $0x380, s21;
	s24 =	sshra.s32 s24, $0x2;
	v44 =	vadd.f32 v49, v44;
	v49 =	vld [tilespmem:s22+$0x7450]  }
0x2b5: {  	v45 =	vadd.f32 v51, v45;
	v51 =	vld [tilespmem:s22+$0x7460];
	s22 =	sor.u32 s25, s24  }
0x2b6: {  	v53 =	vld [tilespmem:s22+$0x7470];
	v46 =	vadd.f32 v52, v46  }
0x2b7: {  	v52 =	vld [tilespmem:s22+$0x6000];
	v47 =	vadd.f32 v48, v47  }
0x2b8: {  	v48 =	vld [tilespmem:s22+$0x6010];
	v39 =	vadd.f32 v50, v39  }
0x2b9: {  	v50 =	vld [tilespmem:s22+$0x6020];
	v40 =	vadd.f32 v49, v40  }
0x2ba: {  	v49 =	vld [tilespmem:s22+$0x6030];
	v0 =	vadd.f32 v51, v0  }
0x2bb: {  	v51 =	vld [tilespmem:s22+$0x6040];
	v1 =	vadd.f32 v53, v1  }
0x2bc: {  	v2 =	vadd.f32 v52, v2;
	v52 =	vld [tilespmem:s22+$0x6050]  }
0x2bd: {  	v3 =	vadd.f32 v48, v3;
	v48 =	vld [tilespmem:s22+$0x6060]  }
0x2be: {  	v4 =	vadd.f32 v50, v4;
	v50 =	vld [tilespmem:s22+$0x6070]  }
0x2bf: {  	v5 =	vadd.f32 v49, v5;
	v49 =	vld [tilespmem:s22+$0x6400]  }
0x2c0: {  	v6 =	vadd.f32 v51, v6;
	v51 =	vld [tilespmem:s22+$0x6410]  }
0x2c1: {  	v7 =	vadd.f32 v52, v7;
	v52 =	vld [tilespmem:s22+$0x6420]  }
0x2c2: {  	v8 =	vadd.f32 v48, v8;
	v48 =	vld [tilespmem:s22+$0x6430]  }
0x2c3: {  	v9 =	vadd.f32 v50, v9;
	v50 =	vld [tilespmem:s22+$0x6440]  }
0x2c4: {  	v10 =	vadd.f32 v49, v10;
	v49 =	vld [tilespmem:s22+$0x6450]  }
0x2c5: {  	v11 =	vadd.f32 v51, v11;
	v51 =	vld [tilespmem:s22+$0x6460]  }
0x2c6: {  	v12 =	vadd.f32 v52, v12;
	v52 =	vld [tilespmem:s22+$0x6470]  }
0x2c7: {  	v13 =	vadd.f32 v48, v13;
	v48 =	vld [tilespmem:s22+$0x6800]  }
0x2c8: {  	v14 =	vadd.f32 v50, v14;
	v50 =	vld [tilespmem:s22+$0x6810]  }
0x2c9: {  	v15 =	vadd.f32 v49, v15;
	v49 =	vld [tilespmem:s22+$0x6820]  }
0x2ca: {  	v16 =	vadd.f32 v51, v16;
	v51 =	vld [tilespmem:s22+$0x6830]  }
0x2cb: {  	v17 =	vadd.f32 v52, v17;
	v52 =	vld [tilespmem:s22+$0x6840]  }
0x2cc: {  	v18 =	vadd.f32 v48, v18;
	v48 =	vld [tilespmem:s22+$0x6850]  }
0x2cd: {  	v19 =	vadd.f32 v50, v19;
	v50 =	vld [tilespmem:s22+$0x6860]  }
0x2ce: {  	v20 =	vadd.f32 v49, v20;
	v49 =	vld [tilespmem:s22+$0x6870]  }
0x2cf: {  	v21 =	vadd.f32 v51, v21;
	v51 =	vld [tilespmem:s22+$0x6C00]  }
0x2d0: {  	v22 =	vadd.f32 v52, v22;
	v52 =	vld [tilespmem:s22+$0x6C10]  }
0x2d1: {  	v23 =	vadd.f32 v48, v23;
	v48 =	vld [tilespmem:s22+$0x6C20]  }
0x2d2: {  	v24 =	vadd.f32 v50, v24;
	v50 =	vld [tilespmem:s22+$0x6C30]  }
0x2d3: {  	v25 =	vadd.f32 v49, v25;
	v49 =	vld [tilespmem:s22+$0x6C40]  }
0x2d4: {  	v26 =	vadd.f32 v51, v26;
	v51 =	vld [tilespmem:s22+$0x6C50]  }
0x2d5: {  	v27 =	vadd.f32 v52, v27;
	v52 =	vld [tilespmem:s22+$0x6C60]  }
0x2d6: {  	v28 =	vadd.f32 v48, v28;
	v48 =	vld [tilespmem:s22+$0x6C70]  }
0x2d7: {  	v29 =	vadd.f32 v50, v29;
	v50 =	vld [tilespmem:s22+$0x7000]  }
0x2d8: {  	v30 =	vadd.f32 v49, v30;
	v49 =	vld [tilespmem:s22+$0x7010]  }
0x2d9: {  	v31 =	vadd.f32 v51, v31;
	v51 =	vld [tilespmem:s22+$0x7020]  }
0x2da: {  	v32 =	vadd.f32 v52, v32;
	v52 =	vld [tilespmem:s22+$0x7030]  }
0x2db: {  	v33 =	vadd.f32 v48, v33;
	v53 =	vld [tilespmem:s22+$0x7040]  }
0x2dc: {  	v34 =	vadd.f32 v50, v34;
	v54 =	vld [tilespmem:s22+$0x7050]  }
.Ltmp3:
0x2dd: {  	v35 =	vadd.f32 v49, v35;
	v48 =	vld [tilespmem:s22+$0x7060];
	(pc) =	sbr.rel @p0 .LBB2_8-.Ltmp3, $4  }
0x2de: {  	v36 =	vadd.f32 v51, v36;
	v50 =	vld [tilespmem:s22+$0x7070]  }
0x2df: {  	v37 =	vadd.f32 v52, v37;
	v49 =	vld [tilespmem:s22+$0x7400]  }
0x2e0: {  	v38 =	vadd.f32 v53, v38;
	v51 =	vld [tilespmem:s22+$0x7410]  }
0x2e1: {  	s24 =	sshrl.u32 s23, $0x3;
	s23 =	sadd.s32 $0x1, s23;
	v41 =	vadd.f32 v54, v41;
	v52 =	vld [tilespmem:s22+$0x7420]  }
0x2e2: {  	s23 =	smul.u32 $0x6000, s24  }
0x2e3: {  	s21 =	sadd.s32 $0x80, s21  }
0x2e4: {  	s21 =	sand.u32 $0x380, s21;
	s23 =	sshra.s32 s23, $0x2  }
0x2e5: {  	s23 =	sor.u32 s21, s23  }
0x2e6: {  	v62 =	vld [tilespmem:s23+$0x6040];
	_ =	sdelay $0x4  }
0x2e7: {  	[tilespmem:$0x1F2C0] =	vst v62;
	v62 =	vld [tilespmem:s23+$0x6060];
	_ =	sdelay $0x4  }
0x2e8: {  	[tilespmem:$0x1F2D0] =	vst v62;
	v62 =	vld [tilespmem:s23+$0x6070];
	_ =	sdelay $0x4  }
0x2e9: {  	[tilespmem:$0x1F2E0] =	vst v62;
	v62 =	vld [tilespmem:s23+$0x6400];
	_ =	sdelay $0x4  }
0x2ea: {  	[tilespmem:$0x1F2F0] =	vst v62;
	v62 =	vld [tilespmem:s23+$0x6410];
	_ =	sdelay $0x4  }
0x2eb: {  	[tilespmem:$0x1F300] =	vst v62;
	v62 =	vld [tilespmem:s23+$0x6420];
	_ =	sdelay $0x4  }
0x2ec: {  	[tilespmem:$0x1F310] =	vst v62;
	v62 =	vld [tilespmem:s23+$0x6430];
	_ =	sdelay $0x4  }
0x2ed: {  	[tilespmem:$0x1F320] =	vst v62;
	v62 =	vld [tilespmem:s23+$0x6440];
	_ =	sdelay $0x4  }
0x2ee: {  	[tilespmem:$0x1F330] =	vst v62;
	v62 =	vld [tilespmem:s23+$0x6450];
	_ =	sdelay $0x4  }
0x2ef: {  	[tilespmem:$0x1F340] =	vst v62;
	v62 =	vld [tilespmem:s23+$0x6460];
	_ =	sdelay $0x4  }
0x2f0: {  	[tilespmem:$0x1F350] =	vst v62;
	v62 =	vld [tilespmem:s23+$0x6470];
	_ =	sdelay $0x4  }
0x2f1: {  	[tilespmem:$0x1F360] =	vst v62;
	v62 =	vld [tilespmem:s23+$0x6800];
	_ =	sdelay $0x4  }
0x2f2: {  	[tilespmem:$0x1F370] =	vst v62;
	v62 =	vld [tilespmem:s23+$0x6810];
	_ =	sdelay $0x4  }
0x2f3: {  	[tilespmem:$0x1F380] =	vst v62;
	v62 =	vld [tilespmem:s23+$0x6820];
	_ =	sdelay $0x4  }
0x2f4: {  	[tilespmem:$0x1F390] =	vst v62;
	v62 =	vld [tilespmem:s23+$0x6830];
	_ =	sdelay $0x4  }
0x2f5: {  	[tilespmem:$0x1F3A0] =	vst v62;
	v62 =	vld [tilespmem:s23+$0x6840];
	_ =	sdelay $0x4  }
0x2f6: {  	[tilespmem:$0x1F3B0] =	vst v62;
	v62 =	vld [tilespmem:s23+$0x6850];
	_ =	sdelay $0x4  }
0x2f7: {  	[tilespmem:$0x1F3C0] =	vst v62;
	v62 =	vld [tilespmem:s23+$0x6860];
	_ =	sdelay $0x4  }
0x2f8: {  	[tilespmem:$0x1F3D0] =	vst v62;
	v62 =	vld [tilespmem:s23+$0x6870];
	_ =	sdelay $0x4  }
0x2f9: {  	[tilespmem:$0x1F3E0] =	vst v62;
	v62 =	vld [tilespmem:s23+$0x6C00];
	_ =	sdelay $0x4  }
0x2fa: {  	[tilespmem:$0x1F3F0] =	vst v62;
	v62 =	vld [tilespmem:s23+$0x6C10];
	_ =	sdelay $0x4  }
0x2fb: {  	[tilespmem:$0x1F400] =	vst v62;
	v62 =	vld [tilespmem:s23+$0x6C20];
	_ =	sdelay $0x4  }
0x2fc: {  	[tilespmem:$0x1F410] =	vst v62;
	v62 =	vld [tilespmem:s23+$0x6C30];
	_ =	sdelay $0x4  }
0x2fd: {  	[tilespmem:$0x1F420] =	vst v62;
	v62 =	vld [tilespmem:s23+$0x6C40];
	_ =	sdelay $0x4  }
0x2fe: {  	[tilespmem:$0x1F430] =	vst v62;
	v62 =	vld [tilespmem:s23+$0x6C50];
	_ =	sdelay $0x4  }
0x2ff: {  	[tilespmem:$0x1F440] =	vst v62;
	v62 =	vld [tilespmem:s23+$0x6C60];
	_ =	sdelay $0x4  }
0x300: {  	[tilespmem:$0x1F450] =	vst v62;
	v62 =	vld [tilespmem:s23+$0x6C70];
	_ =	sdelay $0x4  }
0x301: {  	[tilespmem:$0x1F460] =	vst v62;
	v62 =	vld [tilespmem:s23+$0x7000];
	_ =	sdelay $0x4  }
0x302: {  	[tilespmem:$0x1F470] =	vst v62;
	v62 =	vld [tilespmem:s23+$0x7010];
	_ =	sdelay $0x4  }
0x303: {  	[tilespmem:$0x1F480] =	vst v62;
	v62 =	vld [tilespmem:s23+$0x7020];
	_ =	sdelay $0x4  }
0x304: {  	[tilespmem:$0x1F490] =	vst v62;
	v62 =	vld [tilespmem:s23+$0x7030];
	_ =	sdelay $0x4  }
0x305: {  	[tilespmem:$0x1F4A0] =	vst v62;
	v62 =	vld [tilespmem:s23+$0x7040];
	_ =	sdelay $0x4  }
0x306: {  	[tilespmem:$0x1F4B0] =	vst v62;
	v62 =	vld [tilespmem:s23+$0x7050];
	_ =	sdelay $0x4  }
0x307: {  	[tilespmem:$0x1F4C0] =	vst v62;
	v62 =	vld [tilespmem:s23+$0x7060];
	_ =	sdelay $0x4  }
0x308: {  	[tilespmem:$0x1F4D0] =	vst v62;
	v62 =	vld [tilespmem:s23+$0x7070];
	_ =	sdelay $0x4  }
0x309: {  	[tilespmem:$0x1F4E0] =	vst v62;
	v62 =	vld [tilespmem:s23+$0x7400];
	_ =	sdelay $0x4  }
0x30a: {  	[tilespmem:$0x1F4F0] =	vst v62;
	v62 =	vld [tilespmem:s23+$0x7410];
	_ =	sdelay $0x4  }
0x30b: {  	[tilespmem:$0x1F500] =	vst v62;
	v62 =	vld [tilespmem:s23+$0x7420];
	_ =	sdelay $0x4  }
0x30c: {  	[tilespmem:$0x1F510] =	vst v62;
	v62 =	vld [tilespmem:s23+$0x7430];
	_ =	sdelay $0x4  }
0x30d: {  	[tilespmem:$0x1F520] =	vst v62;
	v62 =	vld [tilespmem:s23+$0x7440];
	_ =	sdelay $0x2  }
0x30e: {  	v53 =	vld [tilespmem:s22+$0x7430]  }
0x30f: {  	v54 =	vld [tilespmem:s22+$0x7440]  }
0x310: {  	[tilespmem:$0x1F530] =	vst v62;
	v62 =	vld [tilespmem:s23+$0x7450]  }
0x311: {  	v55 =	vld [tilespmem:s22+$0x7450]  }
0x312: {  	v56 =	vld [tilespmem:s22+$0x7460]  }
0x313: {  	v57 =	vld [tilespmem:s23+$0x7470]  }
0x314: {  	v58 =	vld [tilespmem:s23+$0x6000]  }
0x315: {  	[tilespmem:$0x1F540] =	vst v62;
	v62 =	vld [tilespmem:s23+$0x7460]  }
0x316: {  	v59 =	vld [tilespmem:s23+$0x6010]  }
0x317: {  	v63 =	vld [tilespmem:s23+$0x6050]  }
0x318: {  	s21 =	simm.s32 $0x0;
	v60 =	vld [tilespmem:s23+$0x6020]  }
0x319: {  	v61 =	vld [tilespmem:s23+$0x6030];
	[tilespmem:s13], [sflag:$0x2] =	stream.linear.gather [hbm4b:s8+s21], $0x6000, $0x38  }
0x31a: {  	[tilespmem:$0x1F550] =	vst v62  }
0x31b: {  	_ =	swait.ge [sflag:s14], $0x6000  }
0x31c: {  	v7 =	vadd.f32 v63, v7;
	v63 =	vld [tilespmem:$0x1F2E0];
	_ =	sdelay $0x4  }
0x31d: {  	v9 =	vadd.f32 v63, v9;
	v63 =	vld [tilespmem:$0x1F360];
	_ =	sdelay $0x4  }
0x31e: {  	v17 =	vadd.f32 v63, v17;
	_ =	sdelay $0x1  }
0x31f: {  	[tilespmem:$0x1F560] =	vst v17;
	v17 =	vld [tilespmem:$0x1F370];
	_ =	sdelay $0x4  }
0x320: {  	v17 =	vadd.f32 v17, v18;
	_ =	sdelay $0x1  }
0x321: {  	[tilespmem:$0x1F570] =	vst v17;
	v17 =	vld [tilespmem:$0x1F380];
	_ =	sdelay $0x4  }
0x322: {  	v17 =	vadd.f32 v17, v19;
	_ =	sdelay $0x1  }
0x323: {  	[tilespmem:$0x1F580] =	vst v17;
	v17 =	vld [tilespmem:$0x1F390]  }
0x324: {  	v5 =	vadd.f32 v61, v5;
	v61 =	vld [tilespmem:$0x1F2C0]  }
0x325: {  	v62 =	vld [tilespmem:$0x1F2D0]  }
0x326: {  	v0 =	vadd.f32 v56, v0;
	v56 =	vld [tilespmem:$0x1F2F0]  }
0x327: {  	s30 =	simm.s32 $0x0;
	v1 =	vadd.f32 v57, v1;
	v57 =	vld [tilespmem:$0x1F300]  }
0x328: {  	s22 =	smul.u32 $0x6000, s30;
	v2 =	vadd.f32 v58, v2;
	v58 =	vld [tilespmem:$0x1F310];
	v17 =	vadd.f32 v17, v20  }
0x329: {  	v3 =	vadd.f32 v59, v3;
	v59 =	vld [tilespmem:$0x1F320]  }
0x32a: {  	s22 =	sshra.s32 s22, $0x2;
	s31 =	sand.u32 $0x380, s21;
	[sflag:s14] =	ssyncset.done $0x0;
	[tilespmem:$0x1F590] =	vst v17;
	v17 =	vld [tilespmem:$0x1F3A0]  }
0x32b: {  	s22 =	sor.u32 s31, s22;
	v4 =	vadd.f32 v60, v4;
	v60 =	vld [tilespmem:$0x1F330];
	[sflag:s14] =	ssyncadd.s32 $0xFFFFA000  }
0x32c: {  	v42 =	vadd.f32 v48, v42;
	v48 =	vld [tilespmem:s22+$0x1470]  }
0x32d: {  	v44 =	vadd.f32 v49, v44;
	v49 =	vld [tilespmem:s22+$0x0]  }
0x32e: {  	v43 =	vadd.f32 v50, v43;
	v50 =	vld [tilespmem:s22+$0x10]  }
0x32f: {  	v45 =	vadd.f32 v51, v45;
	v51 =	vld [tilespmem:s22+$0x20];
	v17 =	vadd.f32 v17, v21  }
0x330: {  	v46 =	vadd.f32 v52, v46;
	v52 =	vld [tilespmem:s22+$0x30]  }
0x331: {  	[tilespmem:$0x1F5A0] =	vst v17;
	v17 =	vld [tilespmem:$0x1F3B0]  }
0x332: {  	v47 =	vadd.f32 v53, v47;
	v53 =	vld [tilespmem:s22+$0x40]  }
0x333: {  	v39 =	vadd.f32 v54, v39;
	v54 =	vld [tilespmem:s22+$0x50]  }
0x334: {  	v40 =	vadd.f32 v55, v40;
	v55 =	vld [tilespmem:s22+$0x60]  }
0x335: {  	v6 =	vadd.f32 v61, v6;
	v61 =	vld [tilespmem:$0x1F340]  }
0x336: {  	v8 =	vadd.f32 v62, v8;
	v62 =	vld [tilespmem:$0x1F350];
	v17 =	vadd.f32 v17, v22  }
0x337: {  	v10 =	vadd.f32 v56, v10;
	v56 =	vld [tilespmem:s22+$0x70]  }
0x338: {  	[tilespmem:$0x1F5B0] =	vst v17;
	v17 =	vld [tilespmem:$0x1F3C0]  }
0x339: {  	v11 =	vadd.f32 v57, v11;
	v57 =	vld [tilespmem:s22+$0x400]  }
0x33a: {  	v12 =	vadd.f32 v58, v12;
	v58 =	vld [tilespmem:s22+$0x410]  }
0x33b: {  	v13 =	vadd.f32 v59, v13;
	v59 =	vld [tilespmem:s22+$0x420]  }
0x33c: {  	v14 =	vadd.f32 v60, v14;
	v60 =	vld [tilespmem:s22+$0x430]  }
0x33d: {  	v1 =	vadd.f32 v48, v1;
	v48 =	vld [tilespmem:s22+$0x870];
	v17 =	vadd.f32 v17, v23  }
0x33e: {  	v2 =	vadd.f32 v49, v2;
	v49 =	vld [tilespmem:s22+$0xC00]  }
0x33f: {  	[tilespmem:$0x1F5C0] =	vst v17;
	v17 =	vld [tilespmem:$0x1F3D0]  }
0x340: {  	v3 =	vadd.f32 v50, v3;
	v50 =	vld [tilespmem:s22+$0xC10]  }
0x341: {  	v4 =	vadd.f32 v51, v4;
	v51 =	vld [tilespmem:s22+$0xC20]  }
0x342: {  	v5 =	vadd.f32 v52, v5;
	v52 =	vld [tilespmem:s22+$0xC30]  }
0x343: {  	v6 =	vadd.f32 v53, v6;
	v53 =	vld [tilespmem:s22+$0xC40]  }
0x344: {  	v18 =	vld [tilespmem:$0x1F470];
	v17 =	vadd.f32 v17, v24  }
0x345: {  	v15 =	vadd.f32 v61, v15;
	v61 =	vld [tilespmem:s22+$0x440]  }
0x346: {  	[tilespmem:$0x1F5D0] =	vst v17;
	v17 =	vld [tilespmem:$0x1F3E0]  }
0x347: {  	v16 =	vadd.f32 v62, v16;
	v62 =	vld [tilespmem:s22+$0x450]  }
0x348: {  	v63 =	vld [tilespmem:s22+$0x460]  }
0x349: {  	v34 =	vadd.f32 v18, v34;
	v18 =	vld [tilespmem:$0x1F480]  }
0x34a: {  	v19 =	vld [tilespmem:$0x1F490]  }
0x34b: {  	v25 =	vadd.f32 v17, v25;
	v17 =	vld [tilespmem:$0x1F3F0]  }
0x34c: {  	v9 =	vadd.f32 v56, v9;
	v56 =	vld [tilespmem:$0x1F560]  }
0x34d: {  	v10 =	vadd.f32 v57, v10;
	v57 =	vld [tilespmem:$0x1F570]  }
0x34e: {  	v35 =	vadd.f32 v18, v35;
	v18 =	vld [tilespmem:s22+$0x800]  }
0x34f: {  	v36 =	vadd.f32 v19, v36;
	v19 =	vld [tilespmem:$0x1F4A0]  }
0x350: {  	v26 =	vadd.f32 v17, v26;
	v17 =	vld [tilespmem:$0x1F400]  }
0x351: {  	v20 =	vld [tilespmem:$0x1F4B0]  }
0x352: {  	v11 =	vadd.f32 v58, v11;
	v58 =	vld [tilespmem:$0x1F580]  }
0x353: {  	v18 =	vadd.f32 v18, v57;
	v57 =	vld [tilespmem:s22+$0x1000]  }
0x354: {  	v37 =	vadd.f32 v19, v37;
	v19 =	vld [tilespmem:s22+$0x810]  }
0x355: {  	v27 =	vadd.f32 v17, v27;
	v17 =	vld [tilespmem:$0x1F410]  }
0x356: {  	v38 =	vadd.f32 v20, v38;
	v20 =	vld [tilespmem:$0x1F4C0]  }
0x357: {  	v12 =	vadd.f32 v59, v12;
	v59 =	vld [tilespmem:$0x1F590]  }
0x358: {  	v21 =	vld [tilespmem:$0x1F4D0]  }
0x359: {  	v19 =	vadd.f32 v19, v58;
	v58 =	vld [tilespmem:s22+$0x1010]  }
0x35a: {  	v28 =	vadd.f32 v17, v28;
	v17 =	vld [tilespmem:$0x1F420]  }
0x35b: {  	v20 =	vadd.f32 v20, v41;
	v41 =	vld [tilespmem:$0x1F550]  }
0x35c: {  	v13 =	vadd.f32 v60, v13;
	v60 =	vld [tilespmem:$0x1F5A0]  }
0x35d: {  	v42 =	vadd.f32 v21, v42;
	v21 =	vld [tilespmem:$0x1F4E0]  }
0x35e: {  	[tilespmem:$0x1F5E0] =	vst v20;
	v20 =	vld [tilespmem:s22+$0x820]  }
0x35f: {  	v29 =	vadd.f32 v17, v29;
	v17 =	vld [tilespmem:$0x1F430]  }
0x360: {  	v22 =	vld [tilespmem:$0x1F4F0]  }
0x361: {  	v0 =	vadd.f32 v41, v0;
	v41 =	vld [tilespmem:s22+$0x1040]  }
0x362: {  	v43 =	vadd.f32 v21, v43;
	v21 =	vld [tilespmem:s22+$0x830]  }
0x363: {  	v23 =	vld [tilespmem:$0x1F510]  }
0x364: {  	v30 =	vadd.f32 v17, v30;
	v17 =	vld [tilespmem:$0x1F440]  }
0x365: {  	v14 =	vadd.f32 v61, v14;
	v61 =	vld [tilespmem:$0x1F5B0]  }
0x366: {  	v24 =	vld [tilespmem:$0x1F530]  }
0x367: {  	v20 =	vadd.f32 v20, v59;
	v59 =	vld [tilespmem:s22+$0x1020]  }
0x368: {  	v46 =	vadd.f32 v23, v46;
	v23 =	vld [tilespmem:$0x1F520]  }
0x369: {  	v31 =	vadd.f32 v17, v31;
	v17 =	vld [tilespmem:$0x1F450]  }
0x36a: {  	v44 =	vadd.f32 v22, v44;
	v22 =	vld [tilespmem:$0x1F500]  }
0x36b: {  	v39 =	vadd.f32 v24, v39;
	v24 =	vld [tilespmem:$0x1F540]  }
0x36c: {  	v15 =	vadd.f32 v62, v15;
	v62 =	vld [tilespmem:$0x1F5C0]  }
0x36d: {  	v47 =	vadd.f32 v23, v47;
	v23 =	vld [tilespmem:s22+$0x850]  }
0x36e: {  	v32 =	vadd.f32 v17, v32;
	v17 =	vld [tilespmem:$0x1F460]  }
0x36f: {  	v16 =	vadd.f32 v63, v16;
	v63 =	vld [tilespmem:$0x1F5D0]  }
0x370: {  	v40 =	vadd.f32 v24, v40;
	v24 =	vld [tilespmem:s22+$0x860]  }
0x371: {  	v21 =	vadd.f32 v21, v60;
	v60 =	vld [tilespmem:s22+$0x1030]  }
0x372: {  	v45 =	vadd.f32 v22, v45;
	v22 =	vld [tilespmem:s22+$0x840]  }
0x373: {  	v7 =	vadd.f32 v54, v7;
	v33 =	vadd.f32 v17, v33;
	v17 =	vld [tilespmem:s22+$0x470]  }
0x374: {  	v8 =	vadd.f32 v55, v8;
	v23 =	vadd.f32 v23, v62;
	v62 =	vld [tilespmem:s22+$0x1050]  }
0x375: {  	v34 =	vadd.f32 v57, v34;
	v24 =	vadd.f32 v24, v63;
	v63 =	vld [tilespmem:$0x1F5E0]  }
0x376: {  	v54 =	vld [tilespmem:s22+$0xC50];
	v35 =	vadd.f32 v58, v35;
	v38 =	vadd.f32 v41, v38  }
0x377: {  	v55 =	vld [tilespmem:s22+$0xC60];
	v36 =	vadd.f32 v59, v36;
	v37 =	vadd.f32 v60, v37  }
0x378: {  	v22 =	vadd.f32 v22, v61;
	v17 =	vadd.f32 v17, v56;
	v56 =	vld [tilespmem:s22+$0xC70]  }
0x379: {  	v25 =	vadd.f32 v48, v25;
	v48 =	vld [tilespmem:s22+$0x1060];
	v26 =	vadd.f32 v49, v26  }
0x37a: {  	v27 =	vadd.f32 v50, v27;
	v50 =	vld [tilespmem:s22+$0x1070];
	v41 =	vadd.f32 v62, v63  }
0x37b: {  	v49 =	vld [tilespmem:s22+$0x1400];
	v28 =	vadd.f32 v51, v28;
	v29 =	vadd.f32 v52, v29  }
0x37c: {  	v51 =	vld [tilespmem:s22+$0x1410];
	v30 =	vadd.f32 v53, v30;
	v31 =	vadd.f32 v54, v31  }
0x37d: {  	s24 =	simm.s32 $0x0;
	s23 =	simm.s32 $0x2;
	v52 =	vld [tilespmem:s22+$0x1420];
	v32 =	vadd.f32 v55, v32;
	v33 =	vadd.f32 v56, v33  }
.LBB2_10:
0x37e: {  	p0 =	sne.s32 s23, $0x1F;
	s24 =	smul.u32 $0x6000, s24;
	v42 =	vadd.f32 v48, v42;
	v48 =	vld [tilespmem:s22+$0x1430]  }
0x37f: {  	s21 =	sadd.s32 $0x80, s21;
	v43 =	vadd.f32 v50, v43;
	v50 =	vld [tilespmem:s22+$0x1440]  }
0x380: {  	s25 =	sand.u32 $0x380, s21;
	s24 =	sshra.s32 s24, $0x2;
	v44 =	vadd.f32 v49, v44;
	v49 =	vld [tilespmem:s22+$0x1450]  }
0x381: {  	v45 =	vadd.f32 v51, v45;
	v51 =	vld [tilespmem:s22+$0x1460];
	s22 =	sor.u32 s25, s24  }
0x382: {  	v53 =	vld [tilespmem:s22+$0x1470];
	v46 =	vadd.f32 v52, v46  }
0x383: {  	v52 =	vld [tilespmem:s22+$0x0];
	v47 =	vadd.f32 v48, v47  }
0x384: {  	v48 =	vld [tilespmem:s22+$0x10];
	v39 =	vadd.f32 v50, v39  }
0x385: {  	v50 =	vld [tilespmem:s22+$0x20];
	v40 =	vadd.f32 v49, v40  }
0x386: {  	v49 =	vld [tilespmem:s22+$0x30];
	v0 =	vadd.f32 v51, v0  }
0x387: {  	v51 =	vld [tilespmem:s22+$0x40];
	v1 =	vadd.f32 v53, v1  }
0x388: {  	v2 =	vadd.f32 v52, v2;
	v52 =	vld [tilespmem:s22+$0x50]  }
0x389: {  	v3 =	vadd.f32 v48, v3;
	v48 =	vld [tilespmem:s22+$0x60]  }
0x38a: {  	v4 =	vadd.f32 v50, v4;
	v50 =	vld [tilespmem:s22+$0x70]  }
0x38b: {  	v5 =	vadd.f32 v49, v5;
	v49 =	vld [tilespmem:s22+$0x400]  }
0x38c: {  	v6 =	vadd.f32 v51, v6;
	v51 =	vld [tilespmem:s22+$0x410]  }
0x38d: {  	v7 =	vadd.f32 v52, v7;
	v52 =	vld [tilespmem:s22+$0x420]  }
0x38e: {  	v8 =	vadd.f32 v48, v8;
	v48 =	vld [tilespmem:s22+$0x430]  }
0x38f: {  	v9 =	vadd.f32 v50, v9;
	v50 =	vld [tilespmem:s22+$0x440]  }
0x390: {  	v10 =	vadd.f32 v49, v10;
	v49 =	vld [tilespmem:s22+$0x450]  }
0x391: {  	v11 =	vadd.f32 v51, v11;
	v51 =	vld [tilespmem:s22+$0x460]  }
0x392: {  	v12 =	vadd.f32 v52, v12;
	v52 =	vld [tilespmem:s22+$0x470]  }
0x393: {  	v13 =	vadd.f32 v48, v13;
	v48 =	vld [tilespmem:s22+$0x800]  }
0x394: {  	v14 =	vadd.f32 v50, v14;
	v50 =	vld [tilespmem:s22+$0x810]  }
0x395: {  	v15 =	vadd.f32 v49, v15;
	v49 =	vld [tilespmem:s22+$0x820]  }
0x396: {  	v16 =	vadd.f32 v51, v16;
	v51 =	vld [tilespmem:s22+$0x830]  }
0x397: {  	v17 =	vadd.f32 v52, v17;
	v52 =	vld [tilespmem:s22+$0x840]  }
0x398: {  	v18 =	vadd.f32 v48, v18;
	v48 =	vld [tilespmem:s22+$0x850]  }
0x399: {  	v19 =	vadd.f32 v50, v19;
	v50 =	vld [tilespmem:s22+$0x860]  }
0x39a: {  	v20 =	vadd.f32 v49, v20;
	v49 =	vld [tilespmem:s22+$0x870]  }
0x39b: {  	v21 =	vadd.f32 v51, v21;
	v51 =	vld [tilespmem:s22+$0xC00]  }
0x39c: {  	v22 =	vadd.f32 v52, v22;
	v52 =	vld [tilespmem:s22+$0xC10]  }
0x39d: {  	v23 =	vadd.f32 v48, v23;
	v48 =	vld [tilespmem:s22+$0xC20]  }
0x39e: {  	v24 =	vadd.f32 v50, v24;
	v50 =	vld [tilespmem:s22+$0xC30]  }
0x39f: {  	v25 =	vadd.f32 v49, v25;
	v49 =	vld [tilespmem:s22+$0xC40]  }
0x3a0: {  	v26 =	vadd.f32 v51, v26;
	v51 =	vld [tilespmem:s22+$0xC50]  }
0x3a1: {  	v27 =	vadd.f32 v52, v27;
	v52 =	vld [tilespmem:s22+$0xC60]  }
0x3a2: {  	v28 =	vadd.f32 v48, v28;
	v48 =	vld [tilespmem:s22+$0xC70]  }
0x3a3: {  	v29 =	vadd.f32 v50, v29;
	v50 =	vld [tilespmem:s22+$0x1000]  }
0x3a4: {  	v30 =	vadd.f32 v49, v30;
	v49 =	vld [tilespmem:s22+$0x1010]  }
0x3a5: {  	v31 =	vadd.f32 v51, v31;
	v51 =	vld [tilespmem:s22+$0x1020]  }
0x3a6: {  	v32 =	vadd.f32 v52, v32;
	v52 =	vld [tilespmem:s22+$0x1030]  }
0x3a7: {  	v33 =	vadd.f32 v48, v33;
	v53 =	vld [tilespmem:s22+$0x1040]  }
0x3a8: {  	v34 =	vadd.f32 v50, v34;
	v54 =	vld [tilespmem:s22+$0x1050]  }
.Ltmp4:
0x3a9: {  	v35 =	vadd.f32 v49, v35;
	v48 =	vld [tilespmem:s22+$0x1060];
	(pc) =	sbr.rel @p0 .LBB2_10-.Ltmp4, $4  }
0x3aa: {  	v36 =	vadd.f32 v51, v36;
	v50 =	vld [tilespmem:s22+$0x1070]  }
0x3ab: {  	v37 =	vadd.f32 v52, v37;
	v49 =	vld [tilespmem:s22+$0x1400]  }
0x3ac: {  	v38 =	vadd.f32 v53, v38;
	v51 =	vld [tilespmem:s22+$0x1410]  }
0x3ad: {  	s24 =	sshrl.u32 s23, $0x3;
	s23 =	sadd.s32 $0x1, s23;
	v41 =	vadd.f32 v54, v41;
	v52 =	vld [tilespmem:s22+$0x1420]  }
0x3ae: {  	s23 =	smul.u32 $0x6000, s24  }
0x3af: {  	s21 =	sadd.s32 $0x80, s21  }
0x3b0: {  	s21 =	sand.u32 $0x380, s21;
	s23 =	sshra.s32 s23, $0x2  }
0x3b1: {  	s23 =	sor.u32 s21, s23  }
0x3b2: {  	v62 =	vld [tilespmem:s23+$0x40];
	_ =	sdelay $0x4  }
0x3b3: {  	[tilespmem:$0x1EF90] =	vst v62;
	v62 =	vld [tilespmem:s23+$0x60];
	_ =	sdelay $0x4  }
0x3b4: {  	[tilespmem:$0x1EFA0] =	vst v62;
	v62 =	vld [tilespmem:s23+$0x70];
	_ =	sdelay $0x4  }
0x3b5: {  	[tilespmem:$0x1EFB0] =	vst v62;
	v62 =	vld [tilespmem:s23+$0x400];
	_ =	sdelay $0x4  }
0x3b6: {  	[tilespmem:$0x1EFC0] =	vst v62;
	v62 =	vld [tilespmem:s23+$0x410];
	_ =	sdelay $0x4  }
0x3b7: {  	[tilespmem:$0x1EFD0] =	vst v62;
	v62 =	vld [tilespmem:s23+$0x420];
	_ =	sdelay $0x4  }
0x3b8: {  	[tilespmem:$0x1EFE0] =	vst v62;
	v62 =	vld [tilespmem:s23+$0x430];
	_ =	sdelay $0x4  }
0x3b9: {  	[tilespmem:$0x1EFF0] =	vst v62;
	v62 =	vld [tilespmem:s23+$0x440];
	_ =	sdelay $0x4  }
0x3ba: {  	[tilespmem:$0x1F000] =	vst v62;
	v62 =	vld [tilespmem:s23+$0x450];
	_ =	sdelay $0x4  }
0x3bb: {  	[tilespmem:$0x1F010] =	vst v62;
	v62 =	vld [tilespmem:s23+$0x460];
	_ =	sdelay $0x4  }
0x3bc: {  	[tilespmem:$0x1F020] =	vst v62;
	v62 =	vld [tilespmem:s23+$0x470];
	_ =	sdelay $0x4  }
0x3bd: {  	[tilespmem:$0x1F030] =	vst v62;
	v62 =	vld [tilespmem:s23+$0x800];
	_ =	sdelay $0x4  }
0x3be: {  	[tilespmem:$0x1F040] =	vst v62;
	v62 =	vld [tilespmem:s23+$0x810];
	_ =	sdelay $0x4  }
0x3bf: {  	[tilespmem:$0x1F050] =	vst v62;
	v62 =	vld [tilespmem:s23+$0x820];
	_ =	sdelay $0x4  }
0x3c0: {  	[tilespmem:$0x1F060] =	vst v62;
	v62 =	vld [tilespmem:s23+$0x830];
	_ =	sdelay $0x4  }
0x3c1: {  	[tilespmem:$0x1F070] =	vst v62;
	v62 =	vld [tilespmem:s23+$0x840];
	_ =	sdelay $0x4  }
0x3c2: {  	[tilespmem:$0x1F080] =	vst v62;
	v62 =	vld [tilespmem:s23+$0x850];
	_ =	sdelay $0x4  }
0x3c3: {  	[tilespmem:$0x1F090] =	vst v62;
	v62 =	vld [tilespmem:s23+$0x860];
	_ =	sdelay $0x4  }
0x3c4: {  	[tilespmem:$0x1F0A0] =	vst v62;
	v62 =	vld [tilespmem:s23+$0x870];
	_ =	sdelay $0x4  }
0x3c5: {  	[tilespmem:$0x1F0B0] =	vst v62;
	v62 =	vld [tilespmem:s23+$0xC00];
	_ =	sdelay $0x4  }
0x3c6: {  	[tilespmem:$0x1F0C0] =	vst v62;
	v62 =	vld [tilespmem:s23+$0xC10];
	_ =	sdelay $0x4  }
0x3c7: {  	[tilespmem:$0x1F0D0] =	vst v62;
	v62 =	vld [tilespmem:s23+$0xC20];
	_ =	sdelay $0x4  }
0x3c8: {  	[tilespmem:$0x1F0E0] =	vst v62;
	v62 =	vld [tilespmem:s23+$0xC30];
	_ =	sdelay $0x4  }
0x3c9: {  	[tilespmem:$0x1F0F0] =	vst v62;
	v62 =	vld [tilespmem:s23+$0xC40];
	_ =	sdelay $0x4  }
0x3ca: {  	[tilespmem:$0x1F100] =	vst v62;
	v62 =	vld [tilespmem:s23+$0xC50];
	_ =	sdelay $0x4  }
0x3cb: {  	[tilespmem:$0x1F110] =	vst v62;
	v62 =	vld [tilespmem:s23+$0xC60];
	_ =	sdelay $0x4  }
0x3cc: {  	[tilespmem:$0x1F120] =	vst v62;
	v62 =	vld [tilespmem:s23+$0xC70];
	_ =	sdelay $0x4  }
0x3cd: {  	[tilespmem:$0x1F130] =	vst v62;
	v62 =	vld [tilespmem:s23+$0x1000];
	_ =	sdelay $0x4  }
0x3ce: {  	[tilespmem:$0x1F140] =	vst v62;
	v62 =	vld [tilespmem:s23+$0x1010];
	_ =	sdelay $0x4  }
0x3cf: {  	[tilespmem:$0x1F150] =	vst v62;
	v62 =	vld [tilespmem:s23+$0x1020];
	_ =	sdelay $0x4  }
0x3d0: {  	[tilespmem:$0x1F160] =	vst v62;
	v62 =	vld [tilespmem:s23+$0x1030];
	_ =	sdelay $0x4  }
0x3d1: {  	[tilespmem:$0x1F170] =	vst v62;
	v62 =	vld [tilespmem:s23+$0x1040];
	_ =	sdelay $0x4  }
0x3d2: {  	[tilespmem:$0x1F180] =	vst v62;
	v62 =	vld [tilespmem:s23+$0x1050];
	_ =	sdelay $0x4  }
0x3d3: {  	[tilespmem:$0x1F190] =	vst v62;
	v62 =	vld [tilespmem:s23+$0x1060];
	_ =	sdelay $0x4  }
0x3d4: {  	[tilespmem:$0x1F1A0] =	vst v62;
	v62 =	vld [tilespmem:s23+$0x1070];
	_ =	sdelay $0x4  }
0x3d5: {  	[tilespmem:$0x1F1B0] =	vst v62;
	v62 =	vld [tilespmem:s23+$0x1400];
	_ =	sdelay $0x4  }
0x3d6: {  	[tilespmem:$0x1F1C0] =	vst v62;
	v62 =	vld [tilespmem:s23+$0x1410];
	_ =	sdelay $0x4  }
0x3d7: {  	[tilespmem:$0x1F1D0] =	vst v62;
	v62 =	vld [tilespmem:s23+$0x1420];
	_ =	sdelay $0x4  }
0x3d8: {  	[tilespmem:$0x1F1E0] =	vst v62;
	v62 =	vld [tilespmem:s23+$0x1430];
	_ =	sdelay $0x4  }
0x3d9: {  	[tilespmem:$0x1F1F0] =	vst v62;
	v62 =	vld [tilespmem:s23+$0x1440];
	_ =	sdelay $0x2  }
0x3da: {  	v53 =	vld [tilespmem:s22+$0x1430]  }
0x3db: {  	v54 =	vld [tilespmem:s22+$0x1440]  }
0x3dc: {  	[tilespmem:$0x1F200] =	vst v62;
	v62 =	vld [tilespmem:s23+$0x1450]  }
0x3dd: {  	v55 =	vld [tilespmem:s22+$0x1450]  }
0x3de: {  	v56 =	vld [tilespmem:s22+$0x1460]  }
0x3df: {  	v57 =	vld [tilespmem:s23+$0x1470]  }
0x3e0: {  	v58 =	vld [tilespmem:s23+$0x0]  }
0x3e1: {  	[tilespmem:$0x1F210] =	vst v62;
	v62 =	vld [tilespmem:s23+$0x1460]  }
0x3e2: {  	v59 =	vld [tilespmem:s23+$0x10]  }
0x3e3: {  	v63 =	vld [tilespmem:s23+$0x50]  }
0x3e4: {  	s21 =	simm.s32 $0x0;
	v60 =	vld [tilespmem:s23+$0x20]  }
0x3e5: {  	v61 =	vld [tilespmem:s23+$0x30];
	[tilespmem:s21], [sflag:$0x1] =	stream.linear.gather [hbm4b:s9+s21], $0x6000, $0x38  }
0x3e6: {  	[tilespmem:$0x1F220] =	vst v62  }
0x3e7: {  	_ =	swait.ge [sflag:s15], $0x6000  }
0x3e8: {  	v7 =	vadd.f32 v63, v7;
	v63 =	vld [tilespmem:$0x1EFB0];
	_ =	sdelay $0x4  }
0x3e9: {  	v9 =	vadd.f32 v63, v9;
	v63 =	vld [tilespmem:$0x1F030];
	_ =	sdelay $0x4  }
0x3ea: {  	v17 =	vadd.f32 v63, v17;
	_ =	sdelay $0x1  }
0x3eb: {  	[tilespmem:$0x1F230] =	vst v17;
	v17 =	vld [tilespmem:$0x1F040];
	_ =	sdelay $0x4  }
0x3ec: {  	v17 =	vadd.f32 v17, v18;
	_ =	sdelay $0x1  }
0x3ed: {  	[tilespmem:$0x1F240] =	vst v17;
	v17 =	vld [tilespmem:$0x1F050];
	_ =	sdelay $0x4  }
0x3ee: {  	v17 =	vadd.f32 v17, v19;
	_ =	sdelay $0x1  }
0x3ef: {  	[tilespmem:$0x1F250] =	vst v17;
	v17 =	vld [tilespmem:$0x1F060]  }
0x3f0: {  	v5 =	vadd.f32 v61, v5;
	v61 =	vld [tilespmem:$0x1EF90]  }
0x3f1: {  	v62 =	vld [tilespmem:$0x1EFA0]  }
0x3f2: {  	v0 =	vadd.f32 v56, v0;
	v56 =	vld [tilespmem:$0x1EFC0]  }
0x3f3: {  	s30 =	simm.s32 $0x0;
	v1 =	vadd.f32 v57, v1;
	v57 =	vld [tilespmem:$0x1EFD0]  }
0x3f4: {  	s22 =	smul.u32 $0x6000, s30;
	v2 =	vadd.f32 v58, v2;
	v58 =	vld [tilespmem:$0x1EFE0];
	v17 =	vadd.f32 v17, v20  }
0x3f5: {  	v3 =	vadd.f32 v59, v3;
	v59 =	vld [tilespmem:$0x1EFF0]  }
0x3f6: {  	s22 =	sshra.s32 s22, $0x2;
	s31 =	sand.u32 $0x380, s21;
	[sflag:s15] =	ssyncset.done $0x0;
	[tilespmem:$0x1F260] =	vst v17;
	v17 =	vld [tilespmem:$0x1F070]  }
0x3f7: {  	s22 =	sor.u32 s31, s22;
	v4 =	vadd.f32 v60, v4;
	v60 =	vld [tilespmem:$0x1F000];
	[sflag:s15] =	ssyncadd.s32 $0xFFFFA000  }
0x3f8: {  	v42 =	vadd.f32 v48, v42;
	v48 =	vld [tilespmem:s22+$0x7470]  }
0x3f9: {  	v44 =	vadd.f32 v49, v44;
	v49 =	vld [tilespmem:s22+$0x6000]  }
0x3fa: {  	v43 =	vadd.f32 v50, v43;
	v50 =	vld [tilespmem:s22+$0x6010]  }
0x3fb: {  	v45 =	vadd.f32 v51, v45;
	v51 =	vld [tilespmem:s22+$0x6020];
	v17 =	vadd.f32 v17, v21  }
0x3fc: {  	v46 =	vadd.f32 v52, v46;
	v52 =	vld [tilespmem:s22+$0x6030]  }
0x3fd: {  	[tilespmem:$0x1F270] =	vst v17;
	v17 =	vld [tilespmem:$0x1F080]  }
0x3fe: {  	v47 =	vadd.f32 v53, v47;
	v53 =	vld [tilespmem:s22+$0x6040]  }
0x3ff: {  	v39 =	vadd.f32 v54, v39;
	v54 =	vld [tilespmem:s22+$0x6050]  }
0x400: {  	v40 =	vadd.f32 v55, v40;
	v55 =	vld [tilespmem:s22+$0x6060]  }
0x401: {  	v6 =	vadd.f32 v61, v6;
	v61 =	vld [tilespmem:$0x1F010]  }
0x402: {  	v8 =	vadd.f32 v62, v8;
	v62 =	vld [tilespmem:$0x1F020];
	v17 =	vadd.f32 v17, v22  }
0x403: {  	v10 =	vadd.f32 v56, v10;
	v56 =	vld [tilespmem:s22+$0x6070]  }
0x404: {  	[tilespmem:$0x1F280] =	vst v17;
	v17 =	vld [tilespmem:$0x1F090]  }
0x405: {  	v11 =	vadd.f32 v57, v11;
	v57 =	vld [tilespmem:s22+$0x6400]  }
0x406: {  	v12 =	vadd.f32 v58, v12;
	v58 =	vld [tilespmem:s22+$0x6410]  }
0x407: {  	v13 =	vadd.f32 v59, v13;
	v59 =	vld [tilespmem:s22+$0x6420]  }
0x408: {  	v14 =	vadd.f32 v60, v14;
	v60 =	vld [tilespmem:s22+$0x6430]  }
0x409: {  	v1 =	vadd.f32 v48, v1;
	v48 =	vld [tilespmem:s22+$0x6870];
	v17 =	vadd.f32 v17, v23  }
0x40a: {  	v2 =	vadd.f32 v49, v2;
	v49 =	vld [tilespmem:s22+$0x6C00]  }
0x40b: {  	[tilespmem:$0x1F290] =	vst v17;
	v17 =	vld [tilespmem:$0x1F0A0]  }
0x40c: {  	v3 =	vadd.f32 v50, v3;
	v50 =	vld [tilespmem:s22+$0x6C10]  }
0x40d: {  	v4 =	vadd.f32 v51, v4;
	v51 =	vld [tilespmem:s22+$0x6C20]  }
0x40e: {  	v5 =	vadd.f32 v52, v5;
	v52 =	vld [tilespmem:s22+$0x6C30]  }
0x40f: {  	v6 =	vadd.f32 v53, v6;
	v53 =	vld [tilespmem:s22+$0x6C40]  }
0x410: {  	v18 =	vld [tilespmem:$0x1F140];
	v17 =	vadd.f32 v17, v24  }
0x411: {  	v15 =	vadd.f32 v61, v15;
	v61 =	vld [tilespmem:s22+$0x6440]  }
0x412: {  	[tilespmem:$0x1F2A0] =	vst v17;
	v17 =	vld [tilespmem:$0x1F0B0]  }
0x413: {  	v16 =	vadd.f32 v62, v16;
	v62 =	vld [tilespmem:s22+$0x6450]  }
0x414: {  	v63 =	vld [tilespmem:s22+$0x6460]  }
0x415: {  	v34 =	vadd.f32 v18, v34;
	v18 =	vld [tilespmem:$0x1F150]  }
0x416: {  	v19 =	vld [tilespmem:$0x1F160]  }
0x417: {  	v25 =	vadd.f32 v17, v25;
	v17 =	vld [tilespmem:$0x1F0C0]  }
0x418: {  	v9 =	vadd.f32 v56, v9;
	v56 =	vld [tilespmem:$0x1F230]  }
0x419: {  	v10 =	vadd.f32 v57, v10;
	v57 =	vld [tilespmem:$0x1F240]  }
0x41a: {  	v35 =	vadd.f32 v18, v35;
	v18 =	vld [tilespmem:s22+$0x6800]  }
0x41b: {  	v36 =	vadd.f32 v19, v36;
	v19 =	vld [tilespmem:$0x1F170]  }
0x41c: {  	v26 =	vadd.f32 v17, v26;
	v17 =	vld [tilespmem:$0x1F0D0]  }
0x41d: {  	v20 =	vld [tilespmem:$0x1F180]  }
0x41e: {  	v11 =	vadd.f32 v58, v11;
	v58 =	vld [tilespmem:$0x1F250]  }
0x41f: {  	v18 =	vadd.f32 v18, v57;
	v57 =	vld [tilespmem:s22+$0x7000]  }
0x420: {  	v37 =	vadd.f32 v19, v37;
	v19 =	vld [tilespmem:s22+$0x6810]  }
0x421: {  	v27 =	vadd.f32 v17, v27;
	v17 =	vld [tilespmem:$0x1F0E0]  }
0x422: {  	v38 =	vadd.f32 v20, v38;
	v20 =	vld [tilespmem:$0x1F190]  }
0x423: {  	v12 =	vadd.f32 v59, v12;
	v59 =	vld [tilespmem:$0x1F260]  }
0x424: {  	v21 =	vld [tilespmem:$0x1F1A0]  }
0x425: {  	v19 =	vadd.f32 v19, v58;
	v58 =	vld [tilespmem:s22+$0x7010]  }
0x426: {  	v28 =	vadd.f32 v17, v28;
	v17 =	vld [tilespmem:$0x1F0F0]  }
0x427: {  	v20 =	vadd.f32 v20, v41;
	v41 =	vld [tilespmem:$0x1F220]  }
0x428: {  	v13 =	vadd.f32 v60, v13;
	v60 =	vld [tilespmem:$0x1F270]  }
0x429: {  	v42 =	vadd.f32 v21, v42;
	v21 =	vld [tilespmem:$0x1F1B0]  }
0x42a: {  	[tilespmem:$0x1F2B0] =	vst v20;
	v20 =	vld [tilespmem:s22+$0x6820]  }
0x42b: {  	v29 =	vadd.f32 v17, v29;
	v17 =	vld [tilespmem:$0x1F100]  }
0x42c: {  	v22 =	vld [tilespmem:$0x1F1C0]  }
0x42d: {  	v0 =	vadd.f32 v41, v0;
	v41 =	vld [tilespmem:s22+$0x7040]  }
0x42e: {  	v43 =	vadd.f32 v21, v43;
	v21 =	vld [tilespmem:s22+$0x6830]  }
0x42f: {  	v23 =	vld [tilespmem:$0x1F1E0]  }
0x430: {  	v30 =	vadd.f32 v17, v30;
	v17 =	vld [tilespmem:$0x1F110]  }
0x431: {  	v14 =	vadd.f32 v61, v14;
	v61 =	vld [tilespmem:$0x1F280]  }
0x432: {  	v24 =	vld [tilespmem:$0x1F200]  }
0x433: {  	v20 =	vadd.f32 v20, v59;
	v59 =	vld [tilespmem:s22+$0x7020]  }
0x434: {  	v46 =	vadd.f32 v23, v46;
	v23 =	vld [tilespmem:$0x1F1F0]  }
0x435: {  	v31 =	vadd.f32 v17, v31;
	v17 =	vld [tilespmem:$0x1F120]  }
0x436: {  	v44 =	vadd.f32 v22, v44;
	v22 =	vld [tilespmem:$0x1F1D0]  }
0x437: {  	v39 =	vadd.f32 v24, v39;
	v24 =	vld [tilespmem:$0x1F210]  }
0x438: {  	v15 =	vadd.f32 v62, v15;
	v62 =	vld [tilespmem:$0x1F290]  }
0x439: {  	v47 =	vadd.f32 v23, v47;
	v23 =	vld [tilespmem:s22+$0x6850]  }
0x43a: {  	v32 =	vadd.f32 v17, v32;
	v17 =	vld [tilespmem:$0x1F130]  }
0x43b: {  	v16 =	vadd.f32 v63, v16;
	v63 =	vld [tilespmem:$0x1F2A0]  }
0x43c: {  	v40 =	vadd.f32 v24, v40;
	v24 =	vld [tilespmem:s22+$0x6860]  }
0x43d: {  	v21 =	vadd.f32 v21, v60;
	v60 =	vld [tilespmem:s22+$0x7030]  }
0x43e: {  	v45 =	vadd.f32 v22, v45;
	v22 =	vld [tilespmem:s22+$0x6840]  }
0x43f: {  	v7 =	vadd.f32 v54, v7;
	v33 =	vadd.f32 v17, v33;
	v17 =	vld [tilespmem:s22+$0x6470]  }
0x440: {  	v8 =	vadd.f32 v55, v8;
	v23 =	vadd.f32 v23, v62;
	v62 =	vld [tilespmem:s22+$0x7050]  }
0x441: {  	v34 =	vadd.f32 v57, v34;
	v24 =	vadd.f32 v24, v63;
	v63 =	vld [tilespmem:$0x1F2B0]  }
0x442: {  	v54 =	vld [tilespmem:s22+$0x6C50];
	v35 =	vadd.f32 v58, v35;
	v38 =	vadd.f32 v41, v38  }
0x443: {  	v55 =	vld [tilespmem:s22+$0x6C60];
	v36 =	vadd.f32 v59, v36;
	v37 =	vadd.f32 v60, v37  }
0x444: {  	v22 =	vadd.f32 v22, v61;
	v17 =	vadd.f32 v17, v56;
	v56 =	vld [tilespmem:s22+$0x6C70]  }
0x445: {  	v25 =	vadd.f32 v48, v25;
	v48 =	vld [tilespmem:s22+$0x7060];
	v26 =	vadd.f32 v49, v26  }
0x446: {  	v27 =	vadd.f32 v50, v27;
	v50 =	vld [tilespmem:s22+$0x7070];
	v41 =	vadd.f32 v62, v63  }
0x447: {  	v49 =	vld [tilespmem:s22+$0x7400];
	v28 =	vadd.f32 v51, v28;
	v29 =	vadd.f32 v52, v29  }
0x448: {  	v51 =	vld [tilespmem:s22+$0x7410];
	v30 =	vadd.f32 v53, v30;
	v31 =	vadd.f32 v54, v31  }
0x449: {  	s24 =	simm.s32 $0x0;
	s23 =	simm.s32 $0x2;
	v52 =	vld [tilespmem:s22+$0x7420];
	v32 =	vadd.f32 v55, v32;
	v33 =	vadd.f32 v56, v33  }
.LBB2_12:
0x44a: {  	p0 =	sne.s32 s23, $0x1F;
	s24 =	smul.u32 $0x6000, s24;
	v42 =	vadd.f32 v48, v42;
	v48 =	vld [tilespmem:s22+$0x7430]  }
0x44b: {  	s21 =	sadd.s32 $0x80, s21;
	v43 =	vadd.f32 v50, v43;
	v50 =	vld [tilespmem:s22+$0x7440]  }
0x44c: {  	s25 =	sand.u32 $0x380, s21;
	s24 =	sshra.s32 s24, $0x2;
	v44 =	vadd.f32 v49, v44;
	v49 =	vld [tilespmem:s22+$0x7450]  }
0x44d: {  	v45 =	vadd.f32 v51, v45;
	v51 =	vld [tilespmem:s22+$0x7460];
	s22 =	sor.u32 s25, s24  }
0x44e: {  	v53 =	vld [tilespmem:s22+$0x7470];
	v46 =	vadd.f32 v52, v46  }
0x44f: {  	v52 =	vld [tilespmem:s22+$0x6000];
	v47 =	vadd.f32 v48, v47  }
0x450: {  	v48 =	vld [tilespmem:s22+$0x6010];
	v39 =	vadd.f32 v50, v39  }
0x451: {  	v50 =	vld [tilespmem:s22+$0x6020];
	v40 =	vadd.f32 v49, v40  }
0x452: {  	v49 =	vld [tilespmem:s22+$0x6030];
	v0 =	vadd.f32 v51, v0  }
0x453: {  	v51 =	vld [tilespmem:s22+$0x6040];
	v1 =	vadd.f32 v53, v1  }
0x454: {  	v2 =	vadd.f32 v52, v2;
	v52 =	vld [tilespmem:s22+$0x6050]  }
0x455: {  	v3 =	vadd.f32 v48, v3;
	v48 =	vld [tilespmem:s22+$0x6060]  }
0x456: {  	v4 =	vadd.f32 v50, v4;
	v50 =	vld [tilespmem:s22+$0x6070]  }
0x457: {  	v5 =	vadd.f32 v49, v5;
	v49 =	vld [tilespmem:s22+$0x6400]  }
0x458: {  	v6 =	vadd.f32 v51, v6;
	v51 =	vld [tilespmem:s22+$0x6410]  }
0x459: {  	v7 =	vadd.f32 v52, v7;
	v52 =	vld [tilespmem:s22+$0x6420]  }
0x45a: {  	v8 =	vadd.f32 v48, v8;
	v48 =	vld [tilespmem:s22+$0x6430]  }
0x45b: {  	v9 =	vadd.f32 v50, v9;
	v50 =	vld [tilespmem:s22+$0x6440]  }
0x45c: {  	v10 =	vadd.f32 v49, v10;
	v49 =	vld [tilespmem:s22+$0x6450]  }
0x45d: {  	v11 =	vadd.f32 v51, v11;
	v51 =	vld [tilespmem:s22+$0x6460]  }
0x45e: {  	v12 =	vadd.f32 v52, v12;
	v52 =	vld [tilespmem:s22+$0x6470]  }
0x45f: {  	v13 =	vadd.f32 v48, v13;
	v48 =	vld [tilespmem:s22+$0x6800]  }
0x460: {  	v14 =	vadd.f32 v50, v14;
	v50 =	vld [tilespmem:s22+$0x6810]  }
0x461: {  	v15 =	vadd.f32 v49, v15;
	v49 =	vld [tilespmem:s22+$0x6820]  }
0x462: {  	v16 =	vadd.f32 v51, v16;
	v51 =	vld [tilespmem:s22+$0x6830]  }
0x463: {  	v17 =	vadd.f32 v52, v17;
	v52 =	vld [tilespmem:s22+$0x6840]  }
0x464: {  	v18 =	vadd.f32 v48, v18;
	v48 =	vld [tilespmem:s22+$0x6850]  }
0x465: {  	v19 =	vadd.f32 v50, v19;
	v50 =	vld [tilespmem:s22+$0x6860]  }
0x466: {  	v20 =	vadd.f32 v49, v20;
	v49 =	vld [tilespmem:s22+$0x6870]  }
0x467: {  	v21 =	vadd.f32 v51, v21;
	v51 =	vld [tilespmem:s22+$0x6C00]  }
0x468: {  	v22 =	vadd.f32 v52, v22;
	v52 =	vld [tilespmem:s22+$0x6C10]  }
0x469: {  	v23 =	vadd.f32 v48, v23;
	v48 =	vld [tilespmem:s22+$0x6C20]  }
0x46a: {  	v24 =	vadd.f32 v50, v24;
	v50 =	vld [tilespmem:s22+$0x6C30]  }
0x46b: {  	v25 =	vadd.f32 v49, v25;
	v49 =	vld [tilespmem:s22+$0x6C40]  }
0x46c: {  	v26 =	vadd.f32 v51, v26;
	v51 =	vld [tilespmem:s22+$0x6C50]  }
0x46d: {  	v27 =	vadd.f32 v52, v27;
	v52 =	vld [tilespmem:s22+$0x6C60]  }
0x46e: {  	v28 =	vadd.f32 v48, v28;
	v48 =	vld [tilespmem:s22+$0x6C70]  }
0x46f: {  	v29 =	vadd.f32 v50, v29;
	v50 =	vld [tilespmem:s22+$0x7000]  }
0x470: {  	v30 =	vadd.f32 v49, v30;
	v49 =	vld [tilespmem:s22+$0x7010]  }
0x471: {  	v31 =	vadd.f32 v51, v31;
	v51 =	vld [tilespmem:s22+$0x7020]  }
0x472: {  	v32 =	vadd.f32 v52, v32;
	v52 =	vld [tilespmem:s22+$0x7030]  }
0x473: {  	v33 =	vadd.f32 v48, v33;
	v53 =	vld [tilespmem:s22+$0x7040]  }
0x474: {  	v34 =	vadd.f32 v50, v34;
	v54 =	vld [tilespmem:s22+$0x7050]  }
.Ltmp5:
0x475: {  	v35 =	vadd.f32 v49, v35;
	v48 =	vld [tilespmem:s22+$0x7060];
	(pc) =	sbr.rel @p0 .LBB2_12-.Ltmp5, $4  }
0x476: {  	v36 =	vadd.f32 v51, v36;
	v50 =	vld [tilespmem:s22+$0x7070]  }
0x477: {  	v37 =	vadd.f32 v52, v37;
	v49 =	vld [tilespmem:s22+$0x7400]  }
0x478: {  	v38 =	vadd.f32 v53, v38;
	v51 =	vld [tilespmem:s22+$0x7410]  }
0x479: {  	s24 =	sshrl.u32 s23, $0x3;
	s23 =	sadd.s32 $0x1, s23;
	v41 =	vadd.f32 v54, v41;
	v52 =	vld [tilespmem:s22+$0x7420]  }
0x47a: {  	s23 =	smul.u32 $0x6000, s24  }
0x47b: {  	s21 =	sadd.s32 $0x80, s21  }
0x47c: {  	s21 =	sand.u32 $0x380, s21;
	s23 =	sshra.s32 s23, $0x2  }
0x47d: {  	s23 =	sor.u32 s21, s23  }
0x47e: {  	v62 =	vld [tilespmem:s23+$0x6040];
	_ =	sdelay $0x4  }
0x47f: {  	[tilespmem:$0x1EC40] =	vst v62;
	v62 =	vld [tilespmem:s23+$0x6060];
	_ =	sdelay $0x4  }
0x480: {  	[tilespmem:$0x1EC50] =	vst v62;
	v62 =	vld [tilespmem:s23+$0x6070];
	_ =	sdelay $0x4  }
0x481: {  	[tilespmem:$0x1EC60] =	vst v62;
	v62 =	vld [tilespmem:s23+$0x6400];
	_ =	sdelay $0x4  }
0x482: {  	[tilespmem:$0x1EC70] =	vst v62;
	v62 =	vld [tilespmem:s23+$0x6410];
	_ =	sdelay $0x4  }
0x483: {  	[tilespmem:$0x1EC80] =	vst v62;
	v62 =	vld [tilespmem:s23+$0x6420];
	_ =	sdelay $0x4  }
0x484: {  	[tilespmem:$0x1EC90] =	vst v62;
	v62 =	vld [tilespmem:s23+$0x6430];
	_ =	sdelay $0x4  }
0x485: {  	[tilespmem:$0x1ECA0] =	vst v62;
	v62 =	vld [tilespmem:s23+$0x6440];
	_ =	sdelay $0x4  }
0x486: {  	[tilespmem:$0x1ECB0] =	vst v62;
	v62 =	vld [tilespmem:s23+$0x6450];
	_ =	sdelay $0x4  }
0x487: {  	[tilespmem:$0x1ECC0] =	vst v62;
	v62 =	vld [tilespmem:s23+$0x6460];
	_ =	sdelay $0x4  }
0x488: {  	[tilespmem:$0x1ECD0] =	vst v62;
	v62 =	vld [tilespmem:s23+$0x6470];
	_ =	sdelay $0x4  }
0x489: {  	[tilespmem:$0x1ECE0] =	vst v62;
	v62 =	vld [tilespmem:s23+$0x6800];
	_ =	sdelay $0x4  }
0x48a: {  	[tilespmem:$0x1ECF0] =	vst v62;
	v62 =	vld [tilespmem:s23+$0x6810];
	_ =	sdelay $0x4  }
0x48b: {  	[tilespmem:$0x1ED00] =	vst v62;
	v62 =	vld [tilespmem:s23+$0x6820];
	_ =	sdelay $0x4  }
0x48c: {  	[tilespmem:$0x1ED10] =	vst v62;
	v62 =	vld [tilespmem:s23+$0x6830];
	_ =	sdelay $0x4  }
0x48d: {  	[tilespmem:$0x1ED20] =	vst v62;
	v62 =	vld [tilespmem:s23+$0x6840];
	_ =	sdelay $0x4  }
0x48e: {  	[tilespmem:$0x1ED30] =	vst v62;
	v62 =	vld [tilespmem:s23+$0x6850];
	_ =	sdelay $0x4  }
0x48f: {  	[tilespmem:$0x1ED40] =	vst v62;
	v62 =	vld [tilespmem:s23+$0x6860];
	_ =	sdelay $0x4  }
0x490: {  	[tilespmem:$0x1ED50] =	vst v62;
	v62 =	vld [tilespmem:s23+$0x6870];
	_ =	sdelay $0x4  }
0x491: {  	[tilespmem:$0x1ED60] =	vst v62;
	v62 =	vld [tilespmem:s23+$0x6C00];
	_ =	sdelay $0x4  }
0x492: {  	[tilespmem:$0x1ED70] =	vst v62;
	v62 =	vld [tilespmem:s23+$0x6C10];
	_ =	sdelay $0x4  }
0x493: {  	[tilespmem:$0x1ED80] =	vst v62;
	v62 =	vld [tilespmem:s23+$0x6C20];
	_ =	sdelay $0x4  }
0x494: {  	[tilespmem:$0x1ED90] =	vst v62;
	v62 =	vld [tilespmem:s23+$0x6C30];
	_ =	sdelay $0x4  }
0x495: {  	[tilespmem:$0x1EDA0] =	vst v62;
	v62 =	vld [tilespmem:s23+$0x6C40];
	_ =	sdelay $0x4  }
0x496: {  	[tilespmem:$0x1EDB0] =	vst v62;
	v62 =	vld [tilespmem:s23+$0x6C50];
	_ =	sdelay $0x4  }
0x497: {  	[tilespmem:$0x1EDC0] =	vst v62;
	v62 =	vld [tilespmem:s23+$0x6C60];
	_ =	sdelay $0x4  }
0x498: {  	[tilespmem:$0x1EDD0] =	vst v62;
	v62 =	vld [tilespmem:s23+$0x6C70];
	_ =	sdelay $0x4  }
0x499: {  	[tilespmem:$0x1EDE0] =	vst v62;
	v62 =	vld [tilespmem:s23+$0x7000];
	_ =	sdelay $0x4  }
0x49a: {  	[tilespmem:$0x1EDF0] =	vst v62;
	v62 =	vld [tilespmem:s23+$0x7010];
	_ =	sdelay $0x4  }
0x49b: {  	[tilespmem:$0x1EE00] =	vst v62;
	v62 =	vld [tilespmem:s23+$0x7020];
	_ =	sdelay $0x4  }
0x49c: {  	[tilespmem:$0x1EE10] =	vst v62;
	v62 =	vld [tilespmem:s23+$0x7030];
	_ =	sdelay $0x4  }
0x49d: {  	[tilespmem:$0x1EE20] =	vst v62;
	v62 =	vld [tilespmem:s23+$0x7040];
	_ =	sdelay $0x4  }
0x49e: {  	[tilespmem:$0x1EE30] =	vst v62;
	v62 =	vld [tilespmem:s23+$0x7050];
	_ =	sdelay $0x4  }
0x49f: {  	[tilespmem:$0x1EE40] =	vst v62;
	v62 =	vld [tilespmem:s23+$0x7060];
	_ =	sdelay $0x4  }
0x4a0: {  	[tilespmem:$0x1EE50] =	vst v62;
	v62 =	vld [tilespmem:s23+$0x7070];
	_ =	sdelay $0x4  }
0x4a1: {  	[tilespmem:$0x1EE60] =	vst v62;
	v62 =	vld [tilespmem:s23+$0x7400];
	_ =	sdelay $0x4  }
0x4a2: {  	[tilespmem:$0x1EE70] =	vst v62;
	v62 =	vld [tilespmem:s23+$0x7410];
	_ =	sdelay $0x4  }
0x4a3: {  	[tilespmem:$0x1EE80] =	vst v62;
	v62 =	vld [tilespmem:s23+$0x7420];
	_ =	sdelay $0x4  }
0x4a4: {  	[tilespmem:$0x1EE90] =	vst v62;
	v62 =	vld [tilespmem:s23+$0x7430];
	_ =	sdelay $0x4  }
0x4a5: {  	[tilespmem:$0x1EEB0] =	vst v62;
	v62 =	vld [tilespmem:s23+$0x7440];
	_ =	sdelay $0x2  }
0x4a6: {  	v53 =	vld [tilespmem:s22+$0x7430]  }
0x4a7: {  	v54 =	vld [tilespmem:s22+$0x7440]  }
0x4a8: {  	[tilespmem:$0x1EED0] =	vst v62;
	v62 =	vld [tilespmem:s23+$0x7450]  }
0x4a9: {  	v55 =	vld [tilespmem:s22+$0x7450]  }
0x4aa: {  	v56 =	vld [tilespmem:s22+$0x7460]  }
0x4ab: {  	v57 =	vld [tilespmem:s23+$0x7470]  }
0x4ac: {  	v58 =	vld [tilespmem:s23+$0x6000]  }
0x4ad: {  	[tilespmem:$0x1EEE0] =	vst v62;
	v62 =	vld [tilespmem:s23+$0x7460]  }
0x4ae: {  	v59 =	vld [tilespmem:s23+$0x6010]  }
0x4af: {  	v60 =	vld [tilespmem:s23+$0x6020]  }
0x4b0: {  	s21 =	simm.s32 $0x0;
	v61 =	vld [tilespmem:s23+$0x6030]  }
0x4b1: {  	v63 =	vld [tilespmem:s23+$0x6050];
	[tilespmem:s13], [sflag:$0x2] =	stream.linear.gather [hbm4b:s10+s21], $0x6000, $0x38  }
0x4b2: {  	[tilespmem:$0x1EEF0] =	vst v62  }
0x4b3: {  	_ =	swait.ge [sflag:s14], $0x6000  }
0x4b4: {  	v62 =	vld [tilespmem:$0x1ECC0];
	_ =	sdelay $0x4  }
0x4b5: {  	v42 =	vadd.f32 v48, v42;
	v48 =	vadd.f32 v62, v15;
	v15 =	vld [tilespmem:$0x1ECD0];
	_ =	sdelay $0x3  }
0x4b6: {  	v39 =	vadd.f32 v54, v39;
	v54 =	vld [tilespmem:$0x1EC40]  }
0x4b7: {  	v44 =	vadd.f32 v49, v44;
	v49 =	vadd.f32 v15, v16;
	v15 =	vld [tilespmem:$0x1ECE0]  }
0x4b8: {  	v40 =	vadd.f32 v55, v40;
	v55 =	vld [tilespmem:$0x1EC50]  }
0x4b9: {  	v0 =	vadd.f32 v56, v0;
	v56 =	vld [tilespmem:$0x1EC60]  }
0x4ba: {  	v1 =	vadd.f32 v57, v1;
	v57 =	vld [tilespmem:$0x1EC70]  }
0x4bb: {  	s30 =	simm.s32 $0x0;
	v2 =	vadd.f32 v58, v2;
	v58 =	vld [tilespmem:$0x1EC80]  }
0x4bc: {  	s22 =	smul.u32 $0x6000, s30;
	v3 =	vadd.f32 v59, v3;
	v59 =	vld [tilespmem:$0x1EC90];
	v15 =	vadd.f32 v15, v17  }
0x4bd: {  	v4 =	vadd.f32 v60, v4;
	v60 =	vld [tilespmem:$0x1ECA0]  }
0x4be: {  	s22 =	sshra.s32 s22, $0x2;
	s31 =	sand.u32 $0x380, s21;
	[sflag:s14] =	ssyncset.done $0x0;
	[tilespmem:$0x1EF00] =	vst v15;
	v15 =	vld [tilespmem:$0x1ECF0]  }
0x4bf: {  	s22 =	sor.u32 s31, s22;
	v5 =	vadd.f32 v61, v5;
	v61 =	vld [tilespmem:$0x1ECB0];
	[sflag:s14] =	ssyncadd.s32 $0xFFFFA000  }
0x4c0: {  	v43 =	vadd.f32 v50, v43;
	v50 =	vld [tilespmem:s22+$0x1470]  }
0x4c1: {  	v45 =	vadd.f32 v51, v45;
	v53 =	vadd.f32 v53, v47;
	v51 =	vld [tilespmem:s22+$0x0]  }
0x4c2: {  	v46 =	vadd.f32 v52, v46;
	v52 =	vld [tilespmem:s22+$0x10]  }
0x4c3: {  	[tilespmem:$0x1EEC0] =	vst v53;
	v53 =	vld [tilespmem:s22+$0x20];
	v15 =	vadd.f32 v15, v18  }
0x4c4: {  	v7 =	vadd.f32 v63, v7;
	v63 =	vld [tilespmem:s22+$0x440]  }
0x4c5: {  	[tilespmem:$0x1EF10] =	vst v15;
	v15 =	vld [tilespmem:$0x1ED00]  }
0x4c6: {  	v6 =	vadd.f32 v54, v6;
	v54 =	vld [tilespmem:s22+$0x30]  }
0x4c7: {  	v8 =	vadd.f32 v55, v8;
	v55 =	vld [tilespmem:s22+$0x40]  }
0x4c8: {  	v9 =	vadd.f32 v56, v9;
	v56 =	vld [tilespmem:s22+$0x50]  }
0x4c9: {  	v10 =	vadd.f32 v57, v10;
	v57 =	vld [tilespmem:s22+$0x60]  }
0x4ca: {  	v11 =	vadd.f32 v58, v11;
	v58 =	vld [tilespmem:s22+$0x70];
	v15 =	vadd.f32 v15, v19  }
0x4cb: {  	v12 =	vadd.f32 v59, v12;
	v59 =	vld [tilespmem:s22+$0x400]  }
0x4cc: {  	[tilespmem:$0x1EF20] =	vst v15;
	v15 =	vld [tilespmem:$0x1ED10]  }
0x4cd: {  	v13 =	vadd.f32 v60, v13;
	v60 =	vld [tilespmem:s22+$0x410]  }
0x4ce: {  	v14 =	vadd.f32 v61, v14;
	v61 =	vld [tilespmem:s22+$0x420]  }
0x4cf: {  	v62 =	vld [tilespmem:s22+$0x430]  }
0x4d0: {  	v1 =	vadd.f32 v50, v1;
	v50 =	vld [tilespmem:s22+$0x870]  }
0x4d1: {  	v2 =	vadd.f32 v51, v2;
	v51 =	vld [tilespmem:s22+$0xC00];
	v15 =	vadd.f32 v15, v20  }
0x4d2: {  	v16 =	vld [tilespmem:$0x1EDB0]  }
0x4d3: {  	[tilespmem:$0x1EF30] =	vst v15;
	v15 =	vld [tilespmem:$0x1ED20]  }
0x4d4: {  	v3 =	vadd.f32 v52, v3;
	v52 =	vld [tilespmem:s22+$0xC10]  }
0x4d5: {  	v4 =	vadd.f32 v53, v4;
	v53 =	vld [tilespmem:s22+$0xC20]  }
0x4d6: {  	v5 =	vadd.f32 v54, v5;
	v54 =	vld [tilespmem:s22+$0xC30]  }
0x4d7: {  	v6 =	vadd.f32 v55, v6;
	v55 =	vld [tilespmem:s22+$0xC40]  }
0x4d8: {  	v30 =	vadd.f32 v16, v30;
	v16 =	vld [tilespmem:$0x1EDC0];
	v15 =	vadd.f32 v15, v21  }
0x4d9: {  	v17 =	vld [tilespmem:$0x1EDD0]  }
0x4da: {  	[tilespmem:$0x1EF40] =	vst v15;
	v15 =	vld [tilespmem:$0x1ED30]  }
0x4db: {  	v7 =	vadd.f32 v56, v7;
	v56 =	vld [tilespmem:s22+$0xC50]  }
0x4dc: {  	v8 =	vadd.f32 v57, v8;
	v57 =	vld [tilespmem:s22+$0xC70]  }
0x4dd: {  	v31 =	vadd.f32 v16, v31;
	v16 =	vld [tilespmem:s22+$0x460]  }
0x4de: {  	v32 =	vadd.f32 v17, v32;
	v17 =	vld [tilespmem:$0x1EDE0]  }
0x4df: {  	v18 =	vld [tilespmem:$0x1EDF0];
	v15 =	vadd.f32 v15, v22  }
0x4e0: {  	v19 =	vld [tilespmem:$0x1EE10]  }
0x4e1: {  	[tilespmem:$0x1EF50] =	vst v15;
	v15 =	vld [tilespmem:$0x1ED40]  }
0x4e2: {  	v14 =	vadd.f32 v63, v14;
	v63 =	vld [tilespmem:$0x1EF00]  }
0x4e3: {  	v33 =	vadd.f32 v17, v33;
	v17 =	vld [tilespmem:s22+$0x470]  }
0x4e4: {  	v34 =	vadd.f32 v18, v34;
	v18 =	vld [tilespmem:$0x1EE00]  }
0x4e5: {  	v16 =	vadd.f32 v16, v49;
	v49 =	vld [tilespmem:$0x1EF10]  }
0x4e6: {  	v36 =	vadd.f32 v19, v36;
	v19 =	vld [tilespmem:$0x1EE20];
	v15 =	vadd.f32 v15, v23  }
0x4e7: {  	v20 =	vld [tilespmem:$0x1EE30]  }
0x4e8: {  	[tilespmem:$0x1EF60] =	vst v15;
	v15 =	vld [tilespmem:$0x1ED50]  }
0x4e9: {  	v35 =	vadd.f32 v18, v35;
	v18 =	vld [tilespmem:s22+$0x800]  }
0x4ea: {  	v9 =	vadd.f32 v58, v9;
	v58 =	vld [tilespmem:$0x1EF20]  }
0x4eb: {  	v37 =	vadd.f32 v19, v37;
	v19 =	vld [tilespmem:s22+$0x810]  }
0x4ec: {  	v38 =	vadd.f32 v20, v38;
	v20 =	vld [tilespmem:$0x1EE40]  }
0x4ed: {  	v10 =	vadd.f32 v59, v10;
	v59 =	vld [tilespmem:$0x1EF30];
	v15 =	vadd.f32 v15, v24  }
0x4ee: {  	v21 =	vld [tilespmem:$0x1EE50]  }
0x4ef: {  	[tilespmem:$0x1EF70] =	vst v15;
	v15 =	vld [tilespmem:$0x1ED60]  }
0x4f0: {  	v19 =	vadd.f32 v19, v58;
	v58 =	vld [tilespmem:s22+$0x1000]  }
0x4f1: {  	v20 =	vadd.f32 v20, v41;
	v41 =	vld [tilespmem:$0x1EEF0]  }
0x4f2: {  	v11 =	vadd.f32 v60, v11;
	v60 =	vld [tilespmem:$0x1EF40]  }
0x4f3: {  	v23 =	vld [tilespmem:$0x1EE90]  }
0x4f4: {  	[tilespmem:$0x1EEA0] =	vst v46;
	v25 =	vadd.f32 v15, v25;
	v15 =	vld [tilespmem:$0x1ED70]  }
0x4f5: {  	v24 =	vld [tilespmem:$0x1EEA0]  }
0x4f6: {  	[tilespmem:$0x1EF80] =	vst v20;
	v20 =	vld [tilespmem:s22+$0x820]  }
0x4f7: {  	v46 =	vadd.f32 v21, v42;
	v21 =	vld [tilespmem:$0x1EE60]  }
0x4f8: {  	v22 =	vld [tilespmem:$0x1EE70]  }
0x4f9: {  	v26 =	vadd.f32 v15, v26;
	v15 =	vld [tilespmem:$0x1ED80]  }
0x4fa: {  	v42 =	vadd.f32 v23, v24;
	v23 =	vld [tilespmem:$0x1EEB0]  }
0x4fb: {  	v24 =	vld [tilespmem:$0x1EEC0]  }
0x4fc: {  	v0 =	vadd.f32 v41, v0;
	v41 =	vld [tilespmem:s22+$0x1030]  }
0x4fd: {  	v47 =	vadd.f32 v21, v43;
	v21 =	vld [tilespmem:s22+$0x830]  }
0x4fe: {  	v27 =	vadd.f32 v15, v27;
	v15 =	vld [tilespmem:$0x1ED90]  }
0x4ff: {  	v44 =	vadd.f32 v22, v44;
	v22 =	vld [tilespmem:$0x1EE80]  }
0x500: {  	v43 =	vadd.f32 v23, v24;
	v24 =	vld [tilespmem:$0x1EED0]  }
0x501: {  	v20 =	vadd.f32 v20, v59;
	v59 =	vld [tilespmem:s22+$0x1010]  }
0x502: {  	v12 =	vadd.f32 v61, v12;
	v61 =	vld [tilespmem:$0x1EF50]  }
0x503: {  	v28 =	vadd.f32 v15, v28;
	v15 =	vld [tilespmem:$0x1EDA0]  }
0x504: {  	v45 =	vadd.f32 v22, v45;
	v22 =	vld [tilespmem:s22+$0x840]  }
0x505: {  	v39 =	vadd.f32 v24, v39;
	v24 =	vld [tilespmem:$0x1EEE0]  }
0x506: {  	v13 =	vadd.f32 v62, v13;
	v62 =	vld [tilespmem:$0x1EF60]  }
0x507: {  	v17 =	vadd.f32 v17, v63;
	v63 =	vld [tilespmem:$0x1EF70]  }
0x508: {  	v29 =	vadd.f32 v15, v29;
	v15 =	vld [tilespmem:s22+$0x450]  }
0x509: {  	v23 =	vld [tilespmem:s22+$0x850]  }
0x50a: {  	v30 =	vadd.f32 v55, v30;
	v40 =	vadd.f32 v24, v40;
	v24 =	vld [tilespmem:s22+$0x860]  }
0x50b: {  	v31 =	vadd.f32 v56, v31;
	v21 =	vadd.f32 v21, v60;
	v60 =	vld [tilespmem:s22+$0x1020]  }
0x50c: {  	v33 =	vadd.f32 v57, v33;
	v22 =	vadd.f32 v22, v61;
	v61 =	vld [tilespmem:s22+$0x1040]  }
0x50d: {  	v18 =	vadd.f32 v18, v49;
	v15 =	vadd.f32 v15, v48;
	v48 =	vld [tilespmem:s22+$0xC60]  }
0x50e: {  	v34 =	vadd.f32 v58, v34;
	v23 =	vadd.f32 v23, v62;
	v62 =	vld [tilespmem:s22+$0x1050]  }
0x50f: {  	v37 =	vadd.f32 v41, v37;
	v24 =	vadd.f32 v24, v63;
	v63 =	vld [tilespmem:$0x1EF80]  }
0x510: {  	v49 =	vld [tilespmem:s22+$0x1060];
	v35 =	vadd.f32 v59, v35;
	v36 =	vadd.f32 v60, v36  }
0x511: {  	v38 =	vadd.f32 v61, v38;
	v26 =	vadd.f32 v51, v26;
	v51 =	vld [tilespmem:s22+$0x1070]  }
0x512: {  	v25 =	vadd.f32 v50, v25;
	v32 =	vadd.f32 v48, v32;
	v48 =	vld [tilespmem:s22+$0x1400]  }
0x513: {  	v50 =	vld [tilespmem:s22+$0x1410];
	v27 =	vadd.f32 v52, v27;
	v28 =	vadd.f32 v53, v28  }
0x514: {  	s24 =	simm.s32 $0x0;
	s23 =	simm.s32 $0x2;
	v52 =	vld [tilespmem:s22+$0x1420];
	v29 =	vadd.f32 v54, v29;
	v41 =	vadd.f32 v62, v63  }
.LBB2_14:
0x515: {  	p0 =	sne.s32 s23, $0x1F;
	s24 =	smul.u32 $0x6000, s24;
	v46 =	vadd.f32 v49, v46;
	v49 =	vld [tilespmem:s22+$0x1430]  }
0x516: {  	s21 =	sadd.s32 $0x80, s21;
	v47 =	vadd.f32 v51, v47;
	v51 =	vld [tilespmem:s22+$0x1440]  }
0x517: {  	s25 =	sand.u32 $0x380, s21;
	s24 =	sshra.s32 s24, $0x2;
	v44 =	vadd.f32 v48, v44;
	v48 =	vld [tilespmem:s22+$0x1450]  }
0x518: {  	v45 =	vadd.f32 v50, v45;
	v50 =	vld [tilespmem:s22+$0x1460];
	s22 =	sor.u32 s25, s24  }
0x519: {  	v53 =	vld [tilespmem:s22+$0x1470];
	v42 =	vadd.f32 v52, v42  }
0x51a: {  	v52 =	vld [tilespmem:s22+$0x0];
	v43 =	vadd.f32 v49, v43  }
0x51b: {  	v49 =	vld [tilespmem:s22+$0x10];
	v39 =	vadd.f32 v51, v39  }
0x51c: {  	v51 =	vld [tilespmem:s22+$0x20];
	v40 =	vadd.f32 v48, v40  }
0x51d: {  	v48 =	vld [tilespmem:s22+$0x30];
	v0 =	vadd.f32 v50, v0  }
0x51e: {  	v50 =	vld [tilespmem:s22+$0x40];
	v1 =	vadd.f32 v53, v1  }
0x51f: {  	v2 =	vadd.f32 v52, v2;
	v52 =	vld [tilespmem:s22+$0x50]  }
0x520: {  	v3 =	vadd.f32 v49, v3;
	v49 =	vld [tilespmem:s22+$0x60]  }
0x521: {  	v4 =	vadd.f32 v51, v4;
	v51 =	vld [tilespmem:s22+$0x70]  }
0x522: {  	v5 =	vadd.f32 v48, v5;
	v48 =	vld [tilespmem:s22+$0x400]  }
0x523: {  	v6 =	vadd.f32 v50, v6;
	v50 =	vld [tilespmem:s22+$0x410]  }
0x524: {  	v7 =	vadd.f32 v52, v7;
	v52 =	vld [tilespmem:s22+$0x420]  }
0x525: {  	v8 =	vadd.f32 v49, v8;
	v49 =	vld [tilespmem:s22+$0x430]  }
0x526: {  	v9 =	vadd.f32 v51, v9;
	v51 =	vld [tilespmem:s22+$0x440]  }
0x527: {  	v10 =	vadd.f32 v48, v10;
	v48 =	vld [tilespmem:s22+$0x450]  }
0x528: {  	v11 =	vadd.f32 v50, v11;
	v50 =	vld [tilespmem:s22+$0x460]  }
0x529: {  	v12 =	vadd.f32 v52, v12;
	v52 =	vld [tilespmem:s22+$0x470]  }
0x52a: {  	v13 =	vadd.f32 v49, v13;
	v49 =	vld [tilespmem:s22+$0x800]  }
0x52b: {  	v14 =	vadd.f32 v51, v14;
	v51 =	vld [tilespmem:s22+$0x810]  }
0x52c: {  	v15 =	vadd.f32 v48, v15;
	v48 =	vld [tilespmem:s22+$0x820]  }
0x52d: {  	v16 =	vadd.f32 v50, v16;
	v50 =	vld [tilespmem:s22+$0x830]  }
0x52e: {  	v17 =	vadd.f32 v52, v17;
	v52 =	vld [tilespmem:s22+$0x840]  }
0x52f: {  	v18 =	vadd.f32 v49, v18;
	v49 =	vld [tilespmem:s22+$0x850]  }
0x530: {  	v19 =	vadd.f32 v51, v19;
	v51 =	vld [tilespmem:s22+$0x860]  }
0x531: {  	v20 =	vadd.f32 v48, v20;
	v48 =	vld [tilespmem:s22+$0x870]  }
0x532: {  	v21 =	vadd.f32 v50, v21;
	v50 =	vld [tilespmem:s22+$0xC00]  }
0x533: {  	v22 =	vadd.f32 v52, v22;
	v52 =	vld [tilespmem:s22+$0xC10]  }
0x534: {  	v23 =	vadd.f32 v49, v23;
	v49 =	vld [tilespmem:s22+$0xC20]  }
0x535: {  	v24 =	vadd.f32 v51, v24;
	v51 =	vld [tilespmem:s22+$0xC30]  }
0x536: {  	v25 =	vadd.f32 v48, v25;
	v48 =	vld [tilespmem:s22+$0xC40]  }
0x537: {  	v26 =	vadd.f32 v50, v26;
	v50 =	vld [tilespmem:s22+$0xC50]  }
0x538: {  	v27 =	vadd.f32 v52, v27;
	v52 =	vld [tilespmem:s22+$0xC60]  }
0x539: {  	v28 =	vadd.f32 v49, v28;
	v49 =	vld [tilespmem:s22+$0xC70]  }
0x53a: {  	v29 =	vadd.f32 v51, v29;
	v51 =	vld [tilespmem:s22+$0x1000]  }
0x53b: {  	v30 =	vadd.f32 v48, v30;
	v48 =	vld [tilespmem:s22+$0x1010]  }
0x53c: {  	v31 =	vadd.f32 v50, v31;
	v50 =	vld [tilespmem:s22+$0x1020]  }
0x53d: {  	v32 =	vadd.f32 v52, v32;
	v52 =	vld [tilespmem:s22+$0x1030]  }
0x53e: {  	v33 =	vadd.f32 v49, v33;
	v53 =	vld [tilespmem:s22+$0x1040]  }
0x53f: {  	v34 =	vadd.f32 v51, v34;
	v54 =	vld [tilespmem:s22+$0x1050]  }
.Ltmp6:
0x540: {  	v35 =	vadd.f32 v48, v35;
	v49 =	vld [tilespmem:s22+$0x1060];
	(pc) =	sbr.rel @p0 .LBB2_14-.Ltmp6, $4  }
0x541: {  	v36 =	vadd.f32 v50, v36;
	v51 =	vld [tilespmem:s22+$0x1070]  }
0x542: {  	v37 =	vadd.f32 v52, v37;
	v48 =	vld [tilespmem:s22+$0x1400]  }
0x543: {  	v38 =	vadd.f32 v53, v38;
	v50 =	vld [tilespmem:s22+$0x1410]  }
0x544: {  	s24 =	sshrl.u32 s23, $0x3;
	s23 =	sadd.s32 $0x1, s23;
	v41 =	vadd.f32 v54, v41;
	v52 =	vld [tilespmem:s22+$0x1420]  }
0x545: {  	s23 =	smul.u32 $0x6000, s24  }
0x546: {  	s21 =	sadd.s32 $0x80, s21  }
0x547: {  	s21 =	sand.u32 $0x380, s21;
	s23 =	sshra.s32 s23, $0x2  }
0x548: {  	s21 =	sor.u32 s21, s23  }
0x549: {  	v62 =	vld [tilespmem:s21+$0x40];
	_ =	sdelay $0x4  }
0x54a: {  	[tilespmem:$0x1E810] =	vst v62;
	v62 =	vld [tilespmem:s21+$0x60];
	_ =	sdelay $0x4  }
0x54b: {  	[tilespmem:$0x1E820] =	vst v62;
	v62 =	vld [tilespmem:s21+$0x70];
	_ =	sdelay $0x4  }
0x54c: {  	[tilespmem:$0x1E830] =	vst v62;
	v62 =	vld [tilespmem:s21+$0x400];
	_ =	sdelay $0x4  }
0x54d: {  	[tilespmem:$0x1E840] =	vst v62;
	v62 =	vld [tilespmem:s21+$0x410];
	_ =	sdelay $0x4  }
0x54e: {  	[tilespmem:$0x1E850] =	vst v62;
	v62 =	vld [tilespmem:s21+$0x420];
	_ =	sdelay $0x4  }
0x54f: {  	[tilespmem:$0x1E860] =	vst v62;
	v62 =	vld [tilespmem:s21+$0x430];
	_ =	sdelay $0x4  }
0x550: {  	[tilespmem:$0x1E870] =	vst v62;
	v62 =	vld [tilespmem:s21+$0x440];
	_ =	sdelay $0x4  }
0x551: {  	[tilespmem:$0x1E880] =	vst v62;
	v62 =	vld [tilespmem:s21+$0x450];
	_ =	sdelay $0x4  }
0x552: {  	[tilespmem:$0x1E890] =	vst v62;
	v62 =	vld [tilespmem:s21+$0x460];
	_ =	sdelay $0x4  }
0x553: {  	[tilespmem:$0x1E8A0] =	vst v62;
	v62 =	vld [tilespmem:s21+$0x470];
	_ =	sdelay $0x4  }
0x554: {  	[tilespmem:$0x1E8B0] =	vst v62;
	v62 =	vld [tilespmem:s21+$0x800];
	_ =	sdelay $0x4  }
0x555: {  	[tilespmem:$0x1E8C0] =	vst v62;
	v62 =	vld [tilespmem:s21+$0x810];
	_ =	sdelay $0x4  }
0x556: {  	[tilespmem:$0x1E8D0] =	vst v62;
	v62 =	vld [tilespmem:s21+$0x820];
	_ =	sdelay $0x4  }
0x557: {  	[tilespmem:$0x1E8E0] =	vst v62;
	v62 =	vld [tilespmem:s21+$0x830];
	_ =	sdelay $0x4  }
0x558: {  	[tilespmem:$0x1E8F0] =	vst v62;
	v62 =	vld [tilespmem:s21+$0x840];
	_ =	sdelay $0x4  }
0x559: {  	[tilespmem:$0x1E900] =	vst v62;
	v62 =	vld [tilespmem:s21+$0x850];
	_ =	sdelay $0x4  }
0x55a: {  	[tilespmem:$0x1E910] =	vst v62;
	v62 =	vld [tilespmem:s21+$0x860];
	_ =	sdelay $0x4  }
0x55b: {  	[tilespmem:$0x1E920] =	vst v62;
	v62 =	vld [tilespmem:s21+$0x870];
	_ =	sdelay $0x4  }
0x55c: {  	[tilespmem:$0x1E930] =	vst v62;
	v62 =	vld [tilespmem:s21+$0xC00];
	_ =	sdelay $0x4  }
0x55d: {  	[tilespmem:$0x1E940] =	vst v62;
	v62 =	vld [tilespmem:s21+$0xC10];
	_ =	sdelay $0x4  }
0x55e: {  	[tilespmem:$0x1E950] =	vst v62;
	v62 =	vld [tilespmem:s21+$0xC20];
	_ =	sdelay $0x4  }
0x55f: {  	[tilespmem:$0x1E960] =	vst v62;
	v62 =	vld [tilespmem:s21+$0xC30];
	_ =	sdelay $0x4  }
0x560: {  	[tilespmem:$0x1E970] =	vst v62;
	v62 =	vld [tilespmem:s21+$0xC40];
	_ =	sdelay $0x4  }
0x561: {  	[tilespmem:$0x1E980] =	vst v62;
	v62 =	vld [tilespmem:s21+$0xC50];
	_ =	sdelay $0x4  }
0x562: {  	[tilespmem:$0x1E990] =	vst v62;
	v62 =	vld [tilespmem:s21+$0xC60];
	_ =	sdelay $0x4  }
0x563: {  	[tilespmem:$0x1E9A0] =	vst v62;
	v62 =	vld [tilespmem:s21+$0xC70];
	_ =	sdelay $0x4  }
0x564: {  	[tilespmem:$0x1E9B0] =	vst v62;
	v62 =	vld [tilespmem:s21+$0x1000];
	_ =	sdelay $0x4  }
0x565: {  	[tilespmem:$0x1E9C0] =	vst v62;
	v62 =	vld [tilespmem:s21+$0x1010];
	_ =	sdelay $0x4  }
0x566: {  	[tilespmem:$0x1E9D0] =	vst v62;
	v62 =	vld [tilespmem:s21+$0x1020];
	_ =	sdelay $0x4  }
0x567: {  	[tilespmem:$0x1E9E0] =	vst v62;
	v62 =	vld [tilespmem:s21+$0x1030];
	_ =	sdelay $0x4  }
0x568: {  	[tilespmem:$0x1E9F0] =	vst v62;
	v62 =	vld [tilespmem:s21+$0x1040];
	_ =	sdelay $0x4  }
0x569: {  	[tilespmem:$0x1EA00] =	vst v62;
	v62 =	vld [tilespmem:s21+$0x1050];
	_ =	sdelay $0x4  }
0x56a: {  	[tilespmem:$0x1EA10] =	vst v62;
	v62 =	vld [tilespmem:s21+$0x1060];
	_ =	sdelay $0x4  }
0x56b: {  	[tilespmem:$0x1EA20] =	vst v62;
	v62 =	vld [tilespmem:s21+$0x1070];
	_ =	sdelay $0x4  }
0x56c: {  	[tilespmem:$0x1EA40] =	vst v62;
	v62 =	vld [tilespmem:s21+$0x1400];
	_ =	sdelay $0x4  }
0x56d: {  	[tilespmem:$0x1EA60] =	vst v62;
	v62 =	vld [tilespmem:s21+$0x1410];
	_ =	sdelay $0x4  }
0x56e: {  	[tilespmem:$0x1EA80] =	vst v62;
	v62 =	vld [tilespmem:s21+$0x1420];
	_ =	sdelay $0x4  }
0x56f: {  	[tilespmem:$0x1EA90] =	vst v62;
	v62 =	vld [tilespmem:s21+$0x1430];
	_ =	sdelay $0x3  }
0x570: {  	v53 =	vld [tilespmem:s22+$0x1430]  }
0x571: {  	[tilespmem:$0x1EAA0] =	vst v62;
	v62 =	vld [tilespmem:s21+$0x1440]  }
0x572: {  	v54 =	vld [tilespmem:s22+$0x1440]  }
0x573: {  	v55 =	vld [tilespmem:s22+$0x1450]  }
0x574: {  	v56 =	vld [tilespmem:s22+$0x1460]  }
0x575: {  	v46 =	vadd.f32 v49, v46;
	v49 =	vadd.f32 v51, v47;
	v51 =	vld [tilespmem:s21+$0x1460]  }
0x576: {  	[tilespmem:$0x1EAB0] =	vst v62;
	v62 =	vld [tilespmem:s21+$0x1450]  }
0x577: {  	[tilespmem:$0x1EA30] =	vst v46;
	v44 =	vadd.f32 v48, v44;
	v57 =	vld [tilespmem:s21+$0x1470]  }
0x578: {  	[tilespmem:$0x1EA50] =	vst v49;
	v58 =	vld [tilespmem:s21+$0x0]  }
0x579: {  	v59 =	vld [tilespmem:s21+$0x10];
	[tilespmem:$0x1EA70] =	vst v44  }
0x57a: {  	v60 =	vld [tilespmem:s21+$0x20];
	[tilespmem:$0x1EAD0] =	vst v51  }
0x57b: {  	v61 =	vld [tilespmem:s21+$0x30];
	[tilespmem:$0x1EAC0] =	vst v62  }
0x57c: {  	v63 =	vld [tilespmem:s21+$0x50];
	_ =	swait.ge [sflag:s15], $0x6000  }
0x57d: {  	v48 =	vadd.f32 v57, v1;
	v1 =	vld [tilespmem:$0x1E810];
	_ =	sdelay $0x4  }
0x57e: {  	v57 =	vadd.f32 v1, v6;
	v1 =	vld [tilespmem:$0x1E820];
	_ =	sdelay $0x2  }
0x57f: {  	v47 =	vadd.f32 v50, v45  }
0x580: {  	v45 =	vadd.f32 v53, v43;
	v43 =	vadd.f32 v54, v39  }
0x581: {  	v54 =	vadd.f32 v60, v4;
	v60 =	vadd.f32 v1, v8;
	v1 =	vld [tilespmem:$0x1E830];
	_ =	sdelay $0x3  }
0x582: {  	v44 =	vadd.f32 v55, v40  }
0x583: {  	v55 =	vadd.f32 v61, v5;
	v61 =	vadd.f32 v1, v9;
	v1 =	vld [tilespmem:$0x1E840];
	_ =	sdelay $0x4  }
0x584: {  	v1 =	vadd.f32 v1, v10;
	_ =	sdelay $0x1  }
0x585: {  	[tilespmem:$0x1EAE0] =	vst v1;
	v1 =	vld [tilespmem:$0x1E850];
	_ =	sdelay $0x4  }
0x586: {  	v49 =	vadd.f32 v1, v11;
	v1 =	vld [tilespmem:$0x1E860];
	_ =	sdelay $0x4  }
0x587: {  	v1 =	vadd.f32 v1, v12;
	_ =	sdelay $0x1  }
0x588: {  	[tilespmem:$0x1EAF0] =	vst v1;
	v1 =	vld [tilespmem:$0x1E870];
	_ =	sdelay $0x4  }
0x589: {  	v1 =	vadd.f32 v1, v13;
	_ =	sdelay $0x1  }
0x58a: {  	[tilespmem:$0x1EB00] =	vst v1;
	v1 =	vld [tilespmem:$0x1E880];
	_ =	sdelay $0x4  }
0x58b: {  	v1 =	vadd.f32 v1, v14;
	_ =	sdelay $0x1  }
0x58c: {  	[tilespmem:$0x1EB10] =	vst v1;
	v1 =	vld [tilespmem:$0x1E890];
	_ =	sdelay $0x4  }
0x58d: {  	v1 =	vadd.f32 v1, v15;
	_ =	sdelay $0x1  }
0x58e: {  	[tilespmem:$0x1EB20] =	vst v1;
	v1 =	vld [tilespmem:$0x1E8A0];
	_ =	sdelay $0x4  }
0x58f: {  	v1 =	vadd.f32 v1, v16;
	_ =	sdelay $0x1  }
0x590: {  	[tilespmem:$0x1EB30] =	vst v1;
	v1 =	vld [tilespmem:$0x1E8B0];
	_ =	sdelay $0x4  }
0x591: {  	v1 =	vadd.f32 v1, v17;
	_ =	sdelay $0x1  }
0x592: {  	[tilespmem:$0x1EB40] =	vst v1;
	v1 =	vld [tilespmem:$0x1E8C0];
	_ =	sdelay $0x4  }
0x593: {  	v18 =	vadd.f32 v1, v18;
	v1 =	vld [tilespmem:$0x1E8D0];
	_ =	sdelay $0x4  }
0x594: {  	v19 =	vadd.f32 v1, v19;
	v1 =	vld [tilespmem:$0x1E8E0];
	_ =	sdelay $0x4  }
0x595: {  	v20 =	vadd.f32 v1, v20;
	v1 =	vld [tilespmem:$0x1E8F0];
	_ =	sdelay $0x4  }
0x596: {  	v21 =	vadd.f32 v1, v21;
	v1 =	vld [tilespmem:$0x1E900];
	_ =	sdelay $0x4  }
0x597: {  	v22 =	vadd.f32 v1, v22;
	v1 =	vld [tilespmem:$0x1E910];
	_ =	sdelay $0x4  }
0x598: {  	v23 =	vadd.f32 v1, v23;
	v1 =	vld [tilespmem:$0x1E920];
	_ =	sdelay $0x4  }
0x599: {  	v24 =	vadd.f32 v1, v24;
	v1 =	vld [tilespmem:$0x1E930];
	_ =	sdelay $0x4  }
0x59a: {  	v1 =	vadd.f32 v1, v25;
	_ =	sdelay $0x1  }
0x59b: {  	[tilespmem:$0x1EB50] =	vst v1;
	v1 =	vld [tilespmem:$0x1E940];
	_ =	sdelay $0x4  }
0x59c: {  	v1 =	vadd.f32 v1, v26;
	_ =	sdelay $0x1  }
0x59d: {  	[tilespmem:$0x1EB60] =	vst v1;
	v1 =	vld [tilespmem:$0x1E950];
	_ =	sdelay $0x4  }
0x59e: {  	v1 =	vadd.f32 v1, v27;
	_ =	sdelay $0x1  }
0x59f: {  	[tilespmem:$0x1EB70] =	vst v1;
	v1 =	vld [tilespmem:$0x1E960];
	_ =	sdelay $0x4  }
0x5a0: {  	v1 =	vadd.f32 v1, v28;
	_ =	sdelay $0x1  }
0x5a1: {  	[tilespmem:$0x1EB80] =	vst v1;
	v1 =	vld [tilespmem:$0x1E970];
	_ =	sdelay $0x4  }
0x5a2: {  	v1 =	vadd.f32 v1, v29;
	_ =	sdelay $0x1  }
0x5a3: {  	[tilespmem:$0x1EB90] =	vst v1;
	v1 =	vld [tilespmem:$0x1E980];
	_ =	sdelay $0x4  }
0x5a4: {  	v1 =	vadd.f32 v1, v30;
	_ =	sdelay $0x1  }
0x5a5: {  	[tilespmem:$0x1EBA0] =	vst v1;
	v1 =	vld [tilespmem:$0x1E990];
	_ =	sdelay $0x4  }
0x5a6: {  	v1 =	vadd.f32 v1, v31;
	_ =	sdelay $0x1  }
0x5a7: {  	[tilespmem:$0x1EBB0] =	vst v1;
	v1 =	vld [tilespmem:$0x1E9A0];
	_ =	sdelay $0x4  }
0x5a8: {  	v1 =	vadd.f32 v1, v32;
	_ =	sdelay $0x1  }
0x5a9: {  	[tilespmem:$0x1EBC0] =	vst v1;
	v1 =	vld [tilespmem:$0x1E9B0];
	_ =	sdelay $0x4  }
0x5aa: {  	v1 =	vadd.f32 v1, v33;
	_ =	sdelay $0x1  }
0x5ab: {  	[tilespmem:$0x1EBD0] =	vst v1;
	v1 =	vld [tilespmem:$0x1E9C0];
	_ =	sdelay $0x4  }
0x5ac: {  	v1 =	vadd.f32 v1, v34;
	_ =	sdelay $0x1  }
0x5ad: {  	[tilespmem:$0x1EBE0] =	vst v1;
	v1 =	vld [tilespmem:$0x1E9D0];
	_ =	sdelay $0x4  }
0x5ae: {  	v1 =	vadd.f32 v1, v35;
	_ =	sdelay $0x1  }
0x5af: {  	[tilespmem:$0x1EBF0] =	vst v1;
	v1 =	vld [tilespmem:$0x1E9E0];
	_ =	sdelay $0x4  }
0x5b0: {  	v1 =	vadd.f32 v1, v36;
	_ =	sdelay $0x1  }
0x5b1: {  	[tilespmem:$0x1EC00] =	vst v1;
	v1 =	vld [tilespmem:$0x1E9F0];
	_ =	sdelay $0x4  }
0x5b2: {  	v1 =	vadd.f32 v1, v37;
	_ =	sdelay $0x1  }
0x5b3: {  	[tilespmem:$0x1EC10] =	vst v1;
	v1 =	vld [tilespmem:$0x1EA00];
	_ =	sdelay $0x4  }
0x5b4: {  	v1 =	vadd.f32 v1, v38;
	_ =	sdelay $0x1  }
0x5b5: {  	[tilespmem:$0x1EC20] =	vst v1;
	v1 =	vld [tilespmem:$0x1EA10];
	_ =	sdelay $0x4  }
0x5b6: {  	v1 =	vadd.f32 v1, v41  }
0x5b7: {  	v51 =	vadd.f32 v58, v2;
	v2 =	vld [tilespmem:$0x1EA30]  }
0x5b8: {  	[tilespmem:$0x1EC30] =	vst v1;
	v1 =	vld [tilespmem:$0x1EA20];
	_ =	sdelay $0x4  }
0x5b9: {  	v9 =	vadd.f32 v1, v2;
	v1 =	vld [tilespmem:$0x1EA40]  }
0x5ba: {  	v2 =	vld [tilespmem:$0x1EA50];
	_ =	sdelay $0x4  }
0x5bb: {  	v8 =	vadd.f32 v1, v2;
	v1 =	vld [tilespmem:$0x1EA60]  }
0x5bc: {  	v2 =	vld [tilespmem:$0x1EA70];
	_ =	sdelay $0x4  }
0x5bd: {  	v58 =	vadd.f32 v63, v7;
	v7 =	vadd.f32 v1, v2;
	v1 =	vld [tilespmem:$0x1EA80];
	_ =	sdelay $0x3  }
0x5be: {  	s30 =	simm.s32 $0x0  }
0x5bf: {  	s22 =	smul.u32 $0x6000, s30;
	v6 =	vadd.f32 v1, v47;
	v1 =	vld [tilespmem:$0x1EA90]  }
0x5c0: {  	s21 =	simm.s32 $0x0  }
0x5c1: {  	s22 =	sshra.s32 s22, $0x2;
	s31 =	sand.u32 $0x380, s21;
	[sflag:s15] =	ssyncset.done $0x0  }
0x5c2: {  	v46 =	vadd.f32 v52, v42;
	s22 =	sor.u32 s31, s22;
	[sflag:s15] =	ssyncadd.s32 $0xFFFFA000  }
0x5c3: {  	v50 =	vld [tilespmem:s22+$0x7470]  }
0x5c4: {  	v5 =	vadd.f32 v1, v46;
	v1 =	vld [tilespmem:$0x1EAA0]  }
0x5c5: {  	v52 =	vadd.f32 v59, v3;
	v59 =	vld [tilespmem:s22+$0x6020]  }
0x5c6: {  	v62 =	vld [tilespmem:s22+$0x6030]  }
0x5c7: {  	v63 =	vld [tilespmem:s22+$0x6040]  }
0x5c8: {  	v42 =	vld [tilespmem:s22+$0x6050]  }
0x5c9: {  	v4 =	vadd.f32 v1, v45;
	v1 =	vld [tilespmem:$0x1EAB0]  }
0x5ca: {  	v40 =	vld [tilespmem:s22+$0x6060]  }
0x5cb: {  	v12 =	vld [tilespmem:s22+$0x6840]  }
0x5cc: {  	v17 =	vld [tilespmem:s22+$0x6400]  }
0x5cd: {  	v46 =	vadd.f32 v59, v54;
	v59 =	vld [tilespmem:$0x1EAE0]  }
0x5ce: {  	v3 =	vadd.f32 v1, v43;
	v1 =	vld [tilespmem:$0x1EAC0]  }
0x5cf: {  	v15 =	vld [tilespmem:s22+$0x6420]  }
0x5d0: {  	v30 =	vld [tilespmem:s22+$0x6800]  }
0x5d1: {  	v28 =	vld [tilespmem:s22+$0x6820];
	v41 =	vadd.f32 v42, v58  }
0x5d2: {  	v42 =	vadd.f32 v40, v60;
	v40 =	vadd.f32 v17, v59;
	v17 =	vld [tilespmem:$0x1EAF0]  }
0x5d3: {  	v2 =	vadd.f32 v1, v44;
	v1 =	vld [tilespmem:$0x1EAD0]  }
0x5d4: {  	v10 =	vld [tilespmem:s22+$0x6860]  }
0x5d5: {  	v0 =	vadd.f32 v56, v0;
	v26 =	vld [tilespmem:s22+$0x6440];
	v32 =	vadd.f32 v30, v18  }
0x5d6: {  	v30 =	vadd.f32 v28, v20;
	v28 =	vadd.f32 v12, v22;
	v12 =	vld [tilespmem:$0x1EB60]  }
0x5d7: {  	v38 =	vadd.f32 v15, v17;
	v17 =	vld [tilespmem:$0x1EB10]  }
0x5d8: {  	v1 =	vadd.f32 v1, v0;
	v0 =	vadd.f32 v50, v48;
	v50 =	vld [tilespmem:s22+$0x6C00]  }
0x5d9: {  	v13 =	vld [tilespmem:s22+$0x6830]  }
0x5da: {  	v27 =	vld [tilespmem:s22+$0x6450]  }
0x5db: {  	v43 =	vadd.f32 v62, v55;
	v62 =	vld [tilespmem:s22+$0x6C10]  }
0x5dc: {  	v36 =	vadd.f32 v26, v17;
	v17 =	vld [tilespmem:$0x1EB20]  }
0x5dd: {  	v26 =	vadd.f32 v10, v24;
	v24 =	vadd.f32 v50, v12;
	v12 =	vld [tilespmem:$0x1EB70]  }
0x5de: {  	v14 =	vld [tilespmem:s22+$0x6810]  }
0x5df: {  	v31 =	vld [tilespmem:s22+$0x6460]  }
0x5e0: {  	v44 =	vadd.f32 v63, v57;
	v57 =	vld [tilespmem:s22+$0x6C20]  }
0x5e1: {  	v33 =	vadd.f32 v27, v17;
	v17 =	vld [tilespmem:$0x1EB30]  }
0x5e2: {  	v27 =	vadd.f32 v13, v21;
	v21 =	vadd.f32 v62, v12;
	v12 =	vld [tilespmem:$0x1EB80]  }
0x5e3: {  	v16 =	vld [tilespmem:s22+$0x6410]  }
0x5e4: {  	v29 =	vld [tilespmem:s22+$0x6470]  }
0x5e5: {  	v58 =	vld [tilespmem:s22+$0x6C30]  }
0x5e6: {  	v34 =	vadd.f32 v31, v17;
	v17 =	vld [tilespmem:$0x1EB40]  }
0x5e7: {  	v22 =	vadd.f32 v57, v12;
	v12 =	vld [tilespmem:$0x1EB90];
	_ =	sdelay $0x1  }
0x5e8: {  	v25 =	vld [tilespmem:s22+$0x6430]  }
0x5e9: {  	v37 =	vadd.f32 v16, v49;
	v16 =	vld [tilespmem:s22+$0x6C40]  }
0x5ea: {  	v15 =	vld [tilespmem:$0x1EB00];
	v31 =	vadd.f32 v29, v17  }
0x5eb: {  	v29 =	vadd.f32 v14, v19;
	v19 =	vadd.f32 v58, v12;
	v12 =	vld [tilespmem:$0x1EBA0];
	_ =	sdelay $0x3  }
0x5ec: {  	v35 =	vadd.f32 v25, v15;
	v15 =	vld [tilespmem:s22+$0x6C50]  }
0x5ed: {  	v20 =	vadd.f32 v16, v12;
	v12 =	vld [tilespmem:$0x1EBB0];
	_ =	sdelay $0x2  }
0x5ee: {  	v39 =	vld [tilespmem:s22+$0x6070]  }
0x5ef: {  	v60 =	vld [tilespmem:s22+$0x6C60]  }
0x5f0: {  	v17 =	vadd.f32 v15, v12;
	v12 =	vld [tilespmem:$0x1EBC0];
	_ =	sdelay $0x3  }
0x5f1: {  	v39 =	vadd.f32 v39, v61;
	v61 =	vld [tilespmem:s22+$0x6C70]  }
0x5f2: {  	v18 =	vadd.f32 v60, v12;
	v12 =	vld [tilespmem:$0x1EBD0];
	_ =	sdelay $0x3  }
0x5f3: {  	v14 =	vld [tilespmem:s22+$0x7000]  }
0x5f4: {  	v15 =	vadd.f32 v61, v12;
	v12 =	vld [tilespmem:$0x1EBE0];
	_ =	sdelay $0x1  }
0x5f5: {  	v11 =	vld [tilespmem:s22+$0x6850];
	_ =	sdelay $0x1  }
0x5f6: {  	v13 =	vld [tilespmem:s22+$0x7010]  }
0x5f7: {  	v16 =	vadd.f32 v14, v12;
	v12 =	vld [tilespmem:$0x1EBF0];
	_ =	sdelay $0x1  }
0x5f8: {  	v25 =	vadd.f32 v11, v23;
	v11 =	vld [tilespmem:s22+$0x7020]  }
0x5f9: {  	v10 =	vld [tilespmem:$0x1EB50]  }
0x5fa: {  	v48 =	vld [tilespmem:s22+$0x6870]  }
0x5fb: {  	v13 =	vadd.f32 v13, v12;
	v12 =	vld [tilespmem:$0x1EC00];
	_ =	sdelay $0x3  }
0x5fc: {  	v23 =	vadd.f32 v48, v10;
	v10 =	vld [tilespmem:s22+$0x7030]  }
0x5fd: {  	v14 =	vadd.f32 v11, v12;
	v11 =	vld [tilespmem:$0x1EC10]  }
0x5fe: {  	v53 =	vld [tilespmem:s22+$0x6000]  }
0x5ff: {  	v56 =	vld [tilespmem:s22+$0x6010]  }
0x600: {  	v63 =	vld [tilespmem:s22+$0x7050]  }
0x601: {  	v62 =	vld [tilespmem:s22+$0x7040]  }
0x602: {  	v12 =	vadd.f32 v10, v11;
	v10 =	vld [tilespmem:$0x1EC20]  }
0x603: {  	v11 =	vld [tilespmem:$0x1EC30]  }
0x604: {  	v47 =	vadd.f32 v53, v51;
	v51 =	vld [tilespmem:s22+$0x7060]  }
0x605: {  	v45 =	vadd.f32 v56, v52;
	v52 =	vld [tilespmem:s22+$0x7070]  }
0x606: {  	v48 =	vld [tilespmem:s22+$0x7400]  }
0x607: {  	v49 =	vld [tilespmem:s22+$0x7410]  }
0x608: {  	s24 =	simm.s32 $0x0;
	s23 =	simm.s32 $0x2;
	v50 =	vld [tilespmem:s22+$0x7420];
	v10 =	vadd.f32 v62, v10;
	v11 =	vadd.f32 v63, v11  }
.LBB2_16:
0x609: {  	p0 =	sne.s32 s23, $0x1F;
	s24 =	smul.u32 $0x6000, s24;
	v9 =	vadd.f32 v51, v9;
	v51 =	vld [tilespmem:s22+$0x7430]  }
0x60a: {  	s21 =	sadd.s32 $0x80, s21;
	v8 =	vadd.f32 v52, v8;
	v52 =	vld [tilespmem:s22+$0x7440]  }
0x60b: {  	s25 =	sand.u32 $0x380, s21;
	s24 =	sshra.s32 s24, $0x2;
	v7 =	vadd.f32 v48, v7;
	v48 =	vld [tilespmem:s22+$0x7450]  }
0x60c: {  	v6 =	vadd.f32 v49, v6;
	v49 =	vld [tilespmem:s22+$0x7460];
	s22 =	sor.u32 s25, s24  }
0x60d: {  	v53 =	vld [tilespmem:s22+$0x7470];
	v5 =	vadd.f32 v50, v5  }
0x60e: {  	v50 =	vld [tilespmem:s22+$0x6000];
	v4 =	vadd.f32 v51, v4  }
0x60f: {  	v51 =	vld [tilespmem:s22+$0x6010];
	v3 =	vadd.f32 v52, v3  }
0x610: {  	v52 =	vld [tilespmem:s22+$0x6020];
	v2 =	vadd.f32 v48, v2  }
0x611: {  	v48 =	vld [tilespmem:s22+$0x6030];
	v1 =	vadd.f32 v49, v1  }
0x612: {  	v49 =	vld [tilespmem:s22+$0x6040];
	v0 =	vadd.f32 v53, v0  }
0x613: {  	v47 =	vadd.f32 v50, v47;
	v50 =	vld [tilespmem:s22+$0x6050]  }
0x614: {  	v45 =	vadd.f32 v51, v45;
	v51 =	vld [tilespmem:s22+$0x6060]  }
0x615: {  	v46 =	vadd.f32 v52, v46;
	v52 =	vld [tilespmem:s22+$0x6070]  }
0x616: {  	v43 =	vadd.f32 v48, v43;
	v48 =	vld [tilespmem:s22+$0x6400]  }
0x617: {  	v44 =	vadd.f32 v49, v44;
	v49 =	vld [tilespmem:s22+$0x6410]  }
0x618: {  	v41 =	vadd.f32 v50, v41;
	v50 =	vld [tilespmem:s22+$0x6420]  }
0x619: {  	v42 =	vadd.f32 v51, v42;
	v51 =	vld [tilespmem:s22+$0x6430]  }
0x61a: {  	v39 =	vadd.f32 v52, v39;
	v52 =	vld [tilespmem:s22+$0x6440]  }
0x61b: {  	v40 =	vadd.f32 v48, v40;
	v48 =	vld [tilespmem:s22+$0x6450]  }
0x61c: {  	v37 =	vadd.f32 v49, v37;
	v49 =	vld [tilespmem:s22+$0x6460]  }
0x61d: {  	v38 =	vadd.f32 v50, v38;
	v50 =	vld [tilespmem:s22+$0x6470]  }
0x61e: {  	v35 =	vadd.f32 v51, v35;
	v51 =	vld [tilespmem:s22+$0x6800]  }
0x61f: {  	v36 =	vadd.f32 v52, v36;
	v52 =	vld [tilespmem:s22+$0x6810]  }
0x620: {  	v33 =	vadd.f32 v48, v33;
	v48 =	vld [tilespmem:s22+$0x6820]  }
0x621: {  	v34 =	vadd.f32 v49, v34;
	v49 =	vld [tilespmem:s22+$0x6830]  }
0x622: {  	v31 =	vadd.f32 v50, v31;
	v50 =	vld [tilespmem:s22+$0x6840]  }
0x623: {  	v32 =	vadd.f32 v51, v32;
	v51 =	vld [tilespmem:s22+$0x6850]  }
0x624: {  	v29 =	vadd.f32 v52, v29;
	v52 =	vld [tilespmem:s22+$0x6860]  }
0x625: {  	v30 =	vadd.f32 v48, v30;
	v48 =	vld [tilespmem:s22+$0x6870]  }
0x626: {  	v27 =	vadd.f32 v49, v27;
	v49 =	vld [tilespmem:s22+$0x6C00]  }
0x627: {  	v28 =	vadd.f32 v50, v28;
	v50 =	vld [tilespmem:s22+$0x6C10]  }
0x628: {  	v25 =	vadd.f32 v51, v25;
	v51 =	vld [tilespmem:s22+$0x6C20]  }
0x629: {  	v26 =	vadd.f32 v52, v26;
	v52 =	vld [tilespmem:s22+$0x6C30]  }
0x62a: {  	v23 =	vadd.f32 v48, v23;
	v48 =	vld [tilespmem:s22+$0x6C40]  }
0x62b: {  	v24 =	vadd.f32 v49, v24;
	v49 =	vld [tilespmem:s22+$0x6C50]  }
0x62c: {  	v21 =	vadd.f32 v50, v21;
	v50 =	vld [tilespmem:s22+$0x6C60]  }
0x62d: {  	v22 =	vadd.f32 v51, v22;
	v51 =	vld [tilespmem:s22+$0x6C70]  }
0x62e: {  	v19 =	vadd.f32 v52, v19;
	v52 =	vld [tilespmem:s22+$0x7000]  }
0x62f: {  	v20 =	vadd.f32 v48, v20;
	v48 =	vld [tilespmem:s22+$0x7010]  }
0x630: {  	v17 =	vadd.f32 v49, v17;
	v49 =	vld [tilespmem:s22+$0x7020]  }
0x631: {  	v18 =	vadd.f32 v50, v18;
	v50 =	vld [tilespmem:s22+$0x7030]  }
0x632: {  	v15 =	vadd.f32 v51, v15;
	v53 =	vld [tilespmem:s22+$0x7040]  }
0x633: {  	v16 =	vadd.f32 v52, v16;
	v54 =	vld [tilespmem:s22+$0x7050]  }
.Ltmp7:
0x634: {  	v13 =	vadd.f32 v48, v13;
	v51 =	vld [tilespmem:s22+$0x7060];
	(pc) =	sbr.rel @p0 .LBB2_16-.Ltmp7, $4  }
0x635: {  	v14 =	vadd.f32 v49, v14;
	v52 =	vld [tilespmem:s22+$0x7070]  }
0x636: {  	v12 =	vadd.f32 v50, v12;
	v48 =	vld [tilespmem:s22+$0x7400]  }
0x637: {  	v10 =	vadd.f32 v53, v10;
	v49 =	vld [tilespmem:s22+$0x7410]  }
0x638: {  	s24 =	sshrl.u32 s23, $0x3;
	s23 =	sadd.s32 $0x1, s23;
	v11 =	vadd.f32 v54, v11;
	v50 =	vld [tilespmem:s22+$0x7420]  }
0x639: {  	s23 =	smul.u32 $0x6000, s24  }
0x63a: {  	s21 =	sadd.s32 $0x80, s21  }
0x63b: {  	s21 =	sand.u32 $0x380, s21;
	s23 =	sshra.s32 s23, $0x2  }
0x63c: {  	s21 =	sor.u32 s21, s23  }
0x63d: {  	v57 =	vld [tilespmem:s21+$0x6420];
	_ =	sdelay $0x4  }
0x63e: {  	[tilespmem:$0x1E590] =	vst v57;
	v57 =	vld [tilespmem:s21+$0x6430];
	_ =	sdelay $0x4  }
0x63f: {  	[tilespmem:$0x1E5A0] =	vst v57;
	v57 =	vld [tilespmem:s21+$0x6440];
	_ =	sdelay $0x4  }
0x640: {  	[tilespmem:$0x1E5B0] =	vst v57;
	v57 =	vld [tilespmem:s21+$0x6450];
	_ =	sdelay $0x4  }
0x641: {  	[tilespmem:$0x1E5C0] =	vst v57;
	v57 =	vld [tilespmem:s21+$0x6460];
	_ =	sdelay $0x4  }
0x642: {  	[tilespmem:$0x1E5D0] =	vst v57;
	v57 =	vld [tilespmem:s21+$0x6470];
	_ =	sdelay $0x4  }
0x643: {  	[tilespmem:$0x1E5E0] =	vst v57;
	v57 =	vld [tilespmem:s21+$0x6800];
	_ =	sdelay $0x4  }
0x644: {  	[tilespmem:$0x1E5F0] =	vst v57;
	v57 =	vld [tilespmem:s21+$0x6810];
	_ =	sdelay $0x4  }
0x645: {  	[tilespmem:$0x1E600] =	vst v57;
	v57 =	vld [tilespmem:s21+$0x6820];
	_ =	sdelay $0x4  }
0x646: {  	[tilespmem:$0x1E610] =	vst v57;
	v57 =	vld [tilespmem:s21+$0x6830];
	_ =	sdelay $0x4  }
0x647: {  	[tilespmem:$0x1E620] =	vst v57;
	v57 =	vld [tilespmem:s21+$0x6840];
	_ =	sdelay $0x4  }
0x648: {  	[tilespmem:$0x1E630] =	vst v57;
	v57 =	vld [tilespmem:s21+$0x6850];
	_ =	sdelay $0x4  }
0x649: {  	[tilespmem:$0x1E640] =	vst v57;
	v57 =	vld [tilespmem:s21+$0x6860];
	_ =	sdelay $0x4  }
0x64a: {  	[tilespmem:$0x1E650] =	vst v57;
	v57 =	vld [tilespmem:s21+$0x6870];
	_ =	sdelay $0x4  }
0x64b: {  	[tilespmem:$0x1E660] =	vst v57;
	v57 =	vld [tilespmem:s21+$0x6C00];
	_ =	sdelay $0x4  }
0x64c: {  	[tilespmem:$0x1E670] =	vst v57;
	v57 =	vld [tilespmem:s21+$0x6C10];
	_ =	sdelay $0x4  }
0x64d: {  	[tilespmem:$0x1E680] =	vst v57;
	v57 =	vld [tilespmem:s21+$0x6C20];
	_ =	sdelay $0x4  }
0x64e: {  	[tilespmem:$0x1E690] =	vst v57;
	v57 =	vld [tilespmem:s21+$0x6C30];
	_ =	sdelay $0x4  }
0x64f: {  	[tilespmem:$0x1E6A0] =	vst v57;
	v57 =	vld [tilespmem:s21+$0x6C40];
	_ =	sdelay $0x4  }
0x650: {  	[tilespmem:$0x1E6B0] =	vst v57;
	v57 =	vld [tilespmem:s21+$0x6C50];
	_ =	sdelay $0x4  }
0x651: {  	[tilespmem:$0x1E6C0] =	vst v57;
	v57 =	vld [tilespmem:s21+$0x6C60];
	_ =	sdelay $0x4  }
0x652: {  	[tilespmem:$0x1E6D0] =	vst v57;
	v57 =	vld [tilespmem:s21+$0x6C70];
	_ =	sdelay $0x4  }
0x653: {  	[tilespmem:$0x1E6E0] =	vst v57;
	v57 =	vld [tilespmem:s21+$0x7000];
	_ =	sdelay $0x4  }
0x654: {  	[tilespmem:$0x1E6F0] =	vst v57;
	v57 =	vld [tilespmem:s21+$0x7010];
	_ =	sdelay $0x4  }
0x655: {  	[tilespmem:$0x1E700] =	vst v57;
	v57 =	vld [tilespmem:s21+$0x7020];
	_ =	sdelay $0x4  }
0x656: {  	[tilespmem:$0x1E710] =	vst v57;
	v57 =	vld [tilespmem:s21+$0x7030];
	_ =	sdelay $0x4  }
0x657: {  	[tilespmem:$0x1E720] =	vst v57;
	v57 =	vld [tilespmem:s21+$0x7040];
	_ =	sdelay $0x4  }
0x658: {  	[tilespmem:$0x1E730] =	vst v57;
	v57 =	vld [tilespmem:s21+$0x7050];
	_ =	sdelay $0x4  }
0x659: {  	[tilespmem:$0x1E740] =	vst v57;
	v57 =	vld [tilespmem:s21+$0x7060];
	_ =	sdelay $0x4  }
0x65a: {  	[tilespmem:$0x1E750] =	vst v57;
	v57 =	vld [tilespmem:s21+$0x7070];
	_ =	sdelay $0x3  }
0x65b: {  	v53 =	vld [tilespmem:s22+$0x7430]  }
0x65c: {  	[tilespmem:$0x1E760] =	vst v57;
	v57 =	vld [tilespmem:s21+$0x7400]  }
0x65d: {  	v60 =	vld [tilespmem:s22+$0x7440]  }
0x65e: {  	v61 =	vld [tilespmem:s22+$0x7450]  }
0x65f: {  	v62 =	vld [tilespmem:s22+$0x7460]  }
0x660: {  	v63 =	vld [tilespmem:s21+$0x7470]  }
0x661: {  	[tilespmem:$0x1E770] =	vst v57;
	v57 =	vld [tilespmem:s21+$0x7410]  }
0x662: {  	v58 =	vld [tilespmem:s21+$0x6000]  }
0x663: {  	v59 =	vld [tilespmem:s21+$0x6010]  }
0x664: {  	v54 =	vld [tilespmem:s21+$0x6070]  }
0x665: {  	v55 =	vld [tilespmem:s21+$0x6400]  }
0x666: {  	[tilespmem:$0x1E790] =	vst v57;
	v57 =	vld [tilespmem:s21+$0x7420]  }
0x667: {  	v56 =	vld [tilespmem:s21+$0x6410]  }
0x668: {  	[tilespmem:$0x1E7A0] =	vst v60;
	v60 =	vld [tilespmem:s21+$0x6020]  }
0x669: {  	[tilespmem:$0x1E7C0] =	vst v61;
	v61 =	vld [tilespmem:s21+$0x6030]  }
0x66a: {  	[tilespmem:$0x1E780] =	vst v53;
	v53 =	vld [tilespmem:s21+$0x6060]  }
0x66b: {  	[tilespmem:$0x1E7B0] =	vst v57;
	v57 =	vld [tilespmem:s21+$0x7430]  }
0x66c: {  	[tilespmem:$0x1E7E0] =	vst v62;
	v62 =	vld [tilespmem:s21+$0x6040]  }
0x66d: {  	[tilespmem:$0x1E800] =	vst v63;
	v63 =	vld [tilespmem:s21+$0x6050]  }
0x66e: {  	v47 =	vadd.f32 v58, v47;
	v58 =	vld [tilespmem:s21+$0x7450]  }
0x66f: {  	v42 =	vadd.f32 v53, v42;
	v53 =	vld [tilespmem:$0x1E5C0]  }
0x670: {  	v45 =	vadd.f32 v59, v45;
	v59 =	vld [tilespmem:s21+$0x7460];
	[tilespmem:$0x1E7D0] =	vst v57  }
0x671: {  	v46 =	vadd.f32 v60, v46;
	v57 =	vld [tilespmem:s21+$0x7440];
	[tilespmem:$0xC000] =	vst v47  }
0x672: {  	v43 =	vadd.f32 v61, v43;
	[tilespmem:$0xC010] =	vst v45  }
0x673: {  	v39 =	vadd.f32 v54, v39;
	v44 =	vadd.f32 v62, v44;
	v54 =	vld [tilespmem:$0x1E5D0];
	[tilespmem:$0xC020] =	vst v46  }
0x674: {  	v41 =	vadd.f32 v63, v41;
	v33 =	vadd.f32 v53, v33;
	v53 =	vld [tilespmem:$0x1E780];
	[tilespmem:$0xC030] =	vst v43  }
0x675: {  	v61 =	vld [tilespmem:$0x1E620];
	[tilespmem:$0xC040] =	vst v44  }
0x676: {  	v40 =	vadd.f32 v55, v40;
	v55 =	vld [tilespmem:$0x1E5E0];
	[tilespmem:$0xC050] =	vst v41  }
0x677: {  	v37 =	vadd.f32 v56, v37;
	v56 =	vld [tilespmem:$0x1E5F0];
	[tilespmem:$0xC060] =	vst v42  }
0x678: {  	v60 =	vld [tilespmem:$0x1E610];
	[tilespmem:$0xC070] =	vst v39  }
0x679: {  	v62 =	vld [tilespmem:$0x1E630];
	[tilespmem:$0xC080] =	vst v40  }
0x67a: {  	v34 =	vadd.f32 v54, v34;
	v27 =	vadd.f32 v61, v27;
	v61 =	vld [tilespmem:$0x1E7E0];
	[tilespmem:$0xC090] =	vst v37  }
0x67b: {  	v31 =	vadd.f32 v55, v31;
	v63 =	vld [tilespmem:$0x1E640];
	[tilespmem:$0xC0D0] =	vst v33  }
0x67c: {  	v7 =	vadd.f32 v48, v7;
	v32 =	vadd.f32 v56, v32;
	v48 =	vld [tilespmem:$0x1E750];
	[tilespmem:$0xC0E0] =	vst v34  }
0x67d: {  	v9 =	vadd.f32 v51, v9;
	v30 =	vadd.f32 v60, v30;
	v51 =	vld [tilespmem:$0x1E760];
	[tilespmem:$0xC0F0] =	vst v31  }
0x67e: {  	v8 =	vadd.f32 v52, v8;
	v52 =	vld [tilespmem:$0x1E770];
	[tilespmem:$0xC100] =	vst v32  }
0x67f: {  	v28 =	vadd.f32 v62, v28;
	v54 =	vld [tilespmem:$0x1E790];
	[tilespmem:$0xC120] =	vst v30  }
0x680: {  	v55 =	vld [tilespmem:$0x1E7A0];
	v25 =	vadd.f32 v63, v25;
	[tilespmem:$0xC130] =	vst v27  }
0x681: {  	v63 =	vld [tilespmem:$0x1E800];
	v9 =	vadd.f32 v48, v9;
	[tilespmem:$0xC140] =	vst v28  }
0x682: {  	v6 =	vadd.f32 v49, v6;
	v8 =	vadd.f32 v51, v8;
	v56 =	vld [tilespmem:$0x1E7B0];
	[tilespmem:$0xC150] =	vst v25  }
0x683: {  	v1 =	vadd.f32 v61, v1;
	v7 =	vadd.f32 v52, v7;
	v45 =	vld [tilespmem:$0x1E590];
	[tilespmem:$0xC260] =	vst v9  }
0x684: {  	v6 =	vadd.f32 v54, v6;
	v46 =	vld [tilespmem:$0x1E5A0];
	[tilespmem:$0xC270] =	vst v8  }
0x685: {  	v5 =	vadd.f32 v50, v5;
	v1 =	vadd.f32 v59, v1;
	v47 =	vld [tilespmem:$0x1E5B0];
	[tilespmem:$0xC280] =	vst v7  }
0x686: {  	v0 =	vadd.f32 v63, v0;
	v32 =	vld [tilespmem:$0x1E650];
	[tilespmem:$0xC290] =	vst v6  }
0x687: {  	v33 =	vld [tilespmem:$0x1E660];
	[tilespmem:$0xC2E0] =	vst v1;
	v5 =	vadd.f32 v56, v5  }
0x688: {  	v34 =	vld [tilespmem:$0x1E670];
	[tilespmem:$0xC2F0] =	vst v0  }
0x689: {  	v37 =	vld [tilespmem:$0x1E6A0];
	[tilespmem:$0xC2A0] =	vst v5;
	v38 =	vadd.f32 v45, v38  }
0x68a: {  	v39 =	vld [tilespmem:$0x1E6C0];
	[tilespmem:$0x1E7F0] =	vst v57;
	v35 =	vadd.f32 v46, v35  }
0x68b: {  	v40 =	vld [tilespmem:$0x1E6D0];
	v36 =	vadd.f32 v47, v36;
	[tilespmem:$0xC0A0] =	vst v38  }
0x68c: {  	v41 =	vld [tilespmem:$0x1E6E0];
	v26 =	vadd.f32 v32, v26;
	[tilespmem:$0xC0B0] =	vst v35  }
0x68d: {  	v42 =	vld [tilespmem:$0x1E6F0];
	v23 =	vadd.f32 v33, v23;
	[tilespmem:$0xC0C0] =	vst v36  }
0x68e: {  	v43 =	vld [tilespmem:$0x1E700];
	v24 =	vadd.f32 v34, v24;
	[tilespmem:$0xC160] =	vst v26  }
0x68f: {  	v44 =	vld [tilespmem:$0x1E710];
	v19 =	vadd.f32 v37, v19;
	[tilespmem:$0xC170] =	vst v23  }
0x690: {  	v60 =	vld [tilespmem:$0x1E7D0];
	v17 =	vadd.f32 v39, v17;
	[tilespmem:$0xC180] =	vst v24  }
0x691: {  	v57 =	vld [tilespmem:$0x1E600];
	v18 =	vadd.f32 v40, v18;
	[tilespmem:$0xC1B0] =	vst v19  }
0x692: {  	v15 =	vadd.f32 v41, v15;
	v45 =	vld [tilespmem:$0x1E720];
	[tilespmem:$0xC1D0] =	vst v17  }
0x693: {  	v16 =	vadd.f32 v42, v16;
	v46 =	vld [tilespmem:$0x1E730];
	[tilespmem:$0xC1E0] =	vst v18  }
0x694: {  	v4 =	vadd.f32 v53, v4;
	v13 =	vadd.f32 v43, v13;
	v47 =	vld [tilespmem:$0x1E740];
	[tilespmem:$0xC1F0] =	vst v15  }
0x695: {  	v14 =	vadd.f32 v44, v14;
	v62 =	vld [tilespmem:$0x1E7F0];
	[tilespmem:$0xC200] =	vst v16  }
0x696: {  	v4 =	vadd.f32 v60, v4;
	v35 =	vld [tilespmem:$0x1E680];
	[tilespmem:$0xC210] =	vst v13  }
0x697: {  	v36 =	vld [tilespmem:$0x1E690];
	[tilespmem:$0xC220] =	vst v14;
	v29 =	vadd.f32 v57, v29  }
0x698: {  	[tilespmem:$0xC2B0] =	vst v4;
	v12 =	vadd.f32 v45, v12;
	v57 =	vld [tilespmem:$0x1E7C0]  }
0x699: {  	v3 =	vadd.f32 v55, v3;
	v38 =	vld [tilespmem:$0x1E6B0];
	v10 =	vadd.f32 v46, v10;
	[tilespmem:$0xC110] =	vst v29  }
0x69a: {  	v11 =	vadd.f32 v47, v11;
	[tilespmem:$0xC230] =	vst v12  }
0x69b: {  	v3 =	vadd.f32 v62, v3;
	[tilespmem:$0xC240] =	vst v10  }
0x69c: {  	v21 =	vadd.f32 v35, v21;
	[tilespmem:$0xC250] =	vst v11  }
0x69d: {  	v22 =	vadd.f32 v36, v22;
	[tilespmem:$0xC2C0] =	vst v3;
	v2 =	vadd.f32 v57, v2  }
0x69e: {  	v20 =	vadd.f32 v38, v20;
	[tilespmem:$0xC190] =	vst v21  }
0x69f: {  	s20 =	sadd.s32 $0x1, s20;
	[tilespmem:$0xC1A0] =	vst v22;
	v2 =	vadd.f32 v58, v2  }
0x6a0: {  	p0 =	sne.s32 s20, s12;
	[tilespmem:$0xC1C0] =	vst v20  }
.Ltmp8:
0x6a1: {  	[tilespmem:$0xC2D0] =	vst v2;
	(pc) =	sbr.rel @p0 .LBB2_1-.Ltmp8, $4  }
0x6a2: {  	[hbm4b:s11+s16] =	stream.strided.scatter [tilespmem:s18], [sflag:$0x3], $0x300, s17, s16, $0x38;
	[tilespmem:$0xC300] =	vst v63  }
0x6a3: {  	_ =	swait.ge [sflag:s19], $0x300  }
0x6a4: {  	[sflag:s19] =	ssyncset.done $0x0  }
0x6a5: {  	[sflag:s19] =	ssyncadd.s32 $0xFFFFFD00  }
0x6a6: {  	_ =	sfence.sel $0x180000  }
0x6a7: {  	[bflag:$0x0] =	sbarrier.arrive $0xFFFF  }
0x6a8: {  	p0 =	sne.s32 s0, $0x0;
	_ =	strace $0x90000047  }
0x6a9: {  	s0 =	sadd.s32 @!p0 $0x100000, s1;
	[bflag:$0x2] =	sbarrier.arrive $0xFFFF  }
0x6aa: {  	[sflag:s0] =	ssyncadd.tile.s32 @!p0 $0x1;
	_ =	shalt  }
.Lfunc_end2:
_tile_overlayer_lowered:
.L_overlay_start_2:
0x6ab: {  	(tag) =	ssettag $0x2  }
0x6ac: {  	s0 =	rddreg [dreg:$0x0];
	s2 =	stileid.u32  }
0x6ad: {  	s1 =	rddreg [dreg:$0x1];
	p0 =	sne.s32 s2, $0x0  }
0x6ae: {  	s3 =	rddreg [dreg:$0x2];
	[bflag:$0x3] =	sbarrier.arrive $0xFFFF;
	s2 =	simm.s32 @!p0 $0x1C03  }
0x6af: {  	[timem:s3], [sflag:s2] =	dma.local @!p0 [hbm:s0], s1  }
0x6b0: {  	s0 =	simm.s32 @!p0 $0x3  }
0x6b1: {  	_ =	swait.ge @!p0 [sflag:s0], s1  }
0x6b2: {  	s1 =	ssub.s32 @!p0 $0x0, s1;
	[sflag:s0] =	ssyncset.done @!p0 $0x0  }
0x6b3: {  	[sflag:s0] =	ssyncadd.s32 @!p0 s1  }
0x6b4: {  	[bflag:$0x3] =	sbarrier.arrive $0xFFFF  }
0x6b5: {  	_ =	shalt  }

</sc_bundles>
